<compile_context>
chip_gen: v7x
topology: tpu7x:2x2x1
jax: 0.10.2.dev20260603
libtpu: 0.0.44.dev20260713+nightly
codegen_flags: <defaults>
</compile_context>

<pallas_src>
import functools

import jax
import jax.numpy as jnp
from jax import lax
from jax.experimental import pallas as pl
from jax.experimental.pallas import tpu as pltpu
from jax.experimental.pallas import tpu_sc as plsc

VOCAB = 50257
EMBED = 256
B, S = 1024, 200
NTOK = B * S
NC, NS, L = 2, 16, 16
NW = NC * NS
TPW = NTOK // NW
CHUNK = 80
NCH = TPW // CHUNK
NJ = EMBED // L


def _allsum16(v):
    lanes = lax.iota(jnp.int32, L)
    for sh in (8, 4, 2, 1):
        perm = jnp.bitwise_xor(lanes, sh)
        v = v + v.at[perm].get(mode="promise_in_bounds")
    return v


def _rsqrt16(x):
    i = lax.bitcast_convert_type(x, jnp.int32)
    y = lax.bitcast_convert_type(jnp.int32(0x5F3759DF) - (i >> 1), jnp.float32)
    for _ in range(3):
        y = y * (1.5 - 0.5 * x * y * y)
    return y


def _body(ids_hbm, table_hbm, pospm_hbm, gamma_hbm, beta_hbm, out_hbm,
          idx_v, pos_v, g_v, b_v, mb_v, ib_v, tok0, tok1,
          gsem0, gsem1, ssem0, ssem1):
    wid = lax.axis_index("s") * NC + lax.axis_index("c")
    base = wid * TPW

    pltpu.sync_copy(ids_hbm.at[wid], idx_v)
    pltpu.sync_copy(pospm_hbm, pos_v)
    pltpu.sync_copy(gamma_hbm, g_v)
    pltpu.sync_copy(beta_hbm, b_v)

    def gcopy(g, buf, sem):
        return pltpu.make_async_copy(table_hbm.at[idx_v.at[g]], buf, sem)

    def scopy(g, buf, sem):
        return pltpu.make_async_copy(
            buf, out_hbm.at[pl.ds(base + g * CHUNK, CHUNK)], sem)

    def stat_pass(buf, g):
        @plsc.parallel_loop(0, CHUNK, unroll=2)
        def stat_row(r):
            rl = r % L
            idv = idx_v[g, pl.ds((r // L) * L, L)]
            mi = idv.at[jnp.full((L,), rl, jnp.int32)].get(
                mode="promise_in_bounds")
            m = jnp.where(mi != 0, jnp.float32(1.0), jnp.float32(0.0))
            p = (g * CHUNK + r) % S
            a = [jnp.zeros((L,), jnp.float32) for _ in range(4)]
            q = [jnp.zeros((L,), jnp.float32) for _ in range(4)]
            for j in range(NJ):
                t = buf[r, pl.ds(j * L, L)] * m + pos_v[p, pl.ds(j * L, L)]
                buf[r, pl.ds(j * L, L)] = t
                a[j % 4] = a[j % 4] + t
                q[j % 4] = q[j % 4] + t * t
            acc = (a[0] + a[1]) + (a[2] + a[3])
            acc2 = (q[0] + q[1]) + (q[2] + q[3])
            meanv = _allsum16(acc) * (1.0 / EMBED)
            varv = _allsum16(acc2) * (1.0 / EMBED) - meanv * meanv
            mb_v[r] = meanv
            ib_v[r] = _rsqrt16(varv + 1e-5)

    def norm_pass(buf, g):
        gs = [g_v[pl.ds(j * L, L)] for j in range(NJ)]
        bs = [b_v[pl.ds(j * L, L)] for j in range(NJ)]

        @plsc.parallel_loop(0, CHUNK, unroll=2)
        def norm_row(r):
            meanv = mb_v[r]
            inv = ib_v[r]
            for j in range(NJ):
                t = buf[r, pl.ds(j * L, L)]
                buf[r, pl.ds(j * L, L)] = (t - meanv) * inv * gs[j] + bs[j]

    gcopy(0, tok0, gsem0).start()

    def pair(i, c):
        g0 = 2 * i
        g1 = g0 + 1

        gcopy(g0, tok0, gsem0).wait()
        stat_pass(tok0, g0)

        @pl.when(i > 0)
        def _():
            scopy(g0 - 1, tok1, ssem1).wait()
        gcopy(g1, tok1, gsem1).start()
        norm_pass(tok0, g0)
        scopy(g0, tok0, ssem0).start()

        gcopy(g1, tok1, gsem1).wait()
        stat_pass(tok1, g1)

        scopy(g0, tok0, ssem0).wait()

        @pl.when(i < NCH // 2 - 1)
        def _():
            gcopy(g0 + 2, tok0, gsem0).start()
        norm_pass(tok1, g1)
        scopy(g1, tok1, ssem1).start()
        return c

    lax.fori_loop(0, NCH // 2, pair, 0)
    scopy(NCH - 1, tok1, ssem1).wait()


@functools.partial(jax.jit, static_argnames=())
def _launch(ids, table, pospm, gamma, beta):
    mesh = plsc.VectorSubcoreMesh(core_axis_name="c", subcore_axis_name="s")
    return pl.kernel(
        _body,
        out_type=jax.ShapeDtypeStruct((NTOK, EMBED), jnp.float32),
        mesh=mesh,
        scratch_types=[
            pltpu.VMEM((NCH, CHUNK), jnp.int32),
            pltpu.VMEM((S, EMBED), jnp.float32),
            pltpu.VMEM((EMBED,), jnp.float32),
            pltpu.VMEM((EMBED,), jnp.float32),
            pltpu.VMEM((CHUNK, L), jnp.float32),
            pltpu.VMEM((CHUNK, L), jnp.float32),
            pltpu.VMEM((CHUNK, EMBED), jnp.float32),
            pltpu.VMEM((CHUNK, EMBED), jnp.float32),
            pltpu.SemaphoreType.DMA,
            pltpu.SemaphoreType.DMA,
            pltpu.SemaphoreType.DMA,
            pltpu.SemaphoreType.DMA,
        ],
    )(ids, table, pospm, gamma, beta)


def kernel(input_ids, token_table, pos_table, modality, gamma, beta):
    ids = input_ids.astype(jnp.int32).reshape(NW, NCH, CHUNK)
    pospm = (pos_table[:S] + modality.reshape(1, EMBED)).astype(jnp.float32)
    out = _launch(ids, token_table, pospm, gamma, beta)
    embeddings = out.reshape(B, S, EMBED)
    attention_mask = jnp.ones_like(input_ids)
    return (embeddings, attention_mask)

# --- scband reference (transcript-rebuilt; emitter-appended) ---
"""Pipeline reference for scband-internal-voice-encoder-33105607917570 (READ-ONLY COPY).

The authoritative reference and input builder live on the scoring server;
editing this copy changes nothing except your own understanding.
"""

import jax, jax.numpy as jnp
import numpy as np

VOCAB = 50257
EMBED = 256
MAX_SEQ = 512
B, S = 1024, 200


def setup_inputs(seed: int = 0) -> dict:
    key = jax.random.key(seed)
    k1, k2, k3, k4 = jax.random.split(key, 4)
    input_ids = jax.random.randint(k1, (B, S), 0, VOCAB)
    token_table = jax.random.normal(k2, (VOCAB, EMBED), dtype=jnp.float32)
    pos_table = jax.random.normal(k3, (MAX_SEQ, EMBED), dtype=jnp.float32)
    modality = jax.random.normal(k4, (1, 1, EMBED), dtype=jnp.float32)
    gamma = jnp.ones((EMBED,), dtype=jnp.float32)
    beta = jnp.zeros((EMBED,), dtype=jnp.float32)
    return {
        'input_ids': input_ids,
        'token_table': token_table,
        'pos_table': pos_table,
        'modality': modality,
        'gamma': gamma,
        'beta': beta,
    }


def reference(input_ids, token_table, pos_table, modality, gamma, beta):
    b, s = input_ids.shape
    # padding_idx=0: row 0 of the token embedding table is zeros
    tt = token_table.at[0].set(0.0)
    token_embeds = jnp.take(tt, input_ids, axis=0)  # [B, S, E] gather
    position_ids = jnp.arange(s, dtype=jnp.int32)
    pos_embeds = jnp.take(pos_table, position_ids, axis=0)[None, :, :]  # [1, S, E]
    modal_embeds = modality  # broadcasts to [B, S, E]
    embeddings = token_embeds + pos_embeds + modal_embeds
    # LayerNorm over last dim, eps=1e-5
    mean = jnp.mean(embeddings, axis=-1, keepdims=True)
    var = jnp.var(embeddings, axis=-1, keepdims=True)
    embeddings = (embeddings - mean) / jnp.sqrt(var + 1e-5) * gamma + beta
    # dropout p=0.0 -> identity (eval-mode equivalent)
    attention_mask = jnp.ones_like(input_ids)
    return (embeddings, attention_mask)

if __name__ == "__main__":
    import jax
    _d = setup_inputs()
    print(jax.jit(kernel)(*tuple(_d.values())))

</pallas_src>

<mosaic_0001>
#map = affine_map<(d0, d1) -> (0, 0, 0)>
#map1 = affine_map<(d0, d1) -> (0, 0)>
#map2 = affine_map<(d0, d1) -> (0)>
module attributes {stable_mosaic.version = 14 : i64} {
  func.func @_body(%arg0: i32, %arg1: i32, %arg2: memref<32x80x80xi32, #tpu.memory_space<hbm>>, %arg3: memref<50257x256xf32, #tpu.memory_space<hbm>>, %arg4: memref<200x256xf32, #tpu.memory_space<hbm>>, %arg5: memref<256xf32, #tpu.memory_space<hbm>>, %arg6: memref<256xf32, #tpu.memory_space<hbm>>, %arg7: memref<204800x256xf32, #tpu.memory_space<hbm>>, %arg8: memref<80x80xi32, #tpu.memory_space<vmem>>, %arg9: memref<200x256xf32, #tpu.memory_space<vmem>>, %arg10: memref<256xf32, #tpu.memory_space<vmem>>, %arg11: memref<256xf32, #tpu.memory_space<vmem>>, %arg12: memref<80x16xf32, #tpu.memory_space<vmem>>, %arg13: memref<80x16xf32, #tpu.memory_space<vmem>>, %arg14: memref<80x256xf32, #tpu.memory_space<vmem>>, %arg15: memref<80x256xf32, #tpu.memory_space<vmem>>, %arg16: memref<!tpu.dma_semaphore, #tpu.memory_space<semaphore_mem>>, %arg17: memref<!tpu.dma_semaphore, #tpu.memory_space<semaphore_mem>>, %arg18: memref<!tpu.dma_semaphore, #tpu.memory_space<semaphore_mem>>, %arg19: memref<!tpu.dma_semaphore, #tpu.memory_space<semaphore_mem>>) attributes {dimension_semantics = [#tpu.dimension_semantics<core_parallel>, #tpu.dimension_semantics<subcore_parallel>], iteration_bounds = array<i64: 2, 16>, scalar_prefetch = 0 : i64, scratch_operands = 12 : i64, tpu.core_type = #tpu.core_type<sc_vector_subcore>, window_params = [{transform_indices = #map}, {transform_indices = #map1}, {transform_indices = #map1}, {transform_indices = #map2}, {transform_indices = #map2}, {transform_indices = #map1}]} {
    %mul3A = arith.constant 2 : i32
    %mul3A_0 = arith.muli %arg1, %mul3A : i32
    %add3A = arith.addi %mul3A_0, %arg0 : i32
    %mul3A_1 = arith.constant 6400 : i32
    %mul3A_2 = arith.muli %add3A, %mul3A_1 : i32
    "tpu.region"() ({
      %run_scoped3A = tpu.sem_alloc : memref<!tpu.dma_semaphore, #tpu.memory_space<semaphore_mem>>
      %dma_start3A_19 = arith.constant 0 : i32
      %dma_start3A_20 = arith.constant 0 : i32
      %dma_start3A_21 = tpu.memref_slice %arg2[%add3A, %dma_start3A_19, %dma_start3A_20] : memref<32x80x80xi32, #tpu.memory_space<hbm>> -> memref<1x80x80xi32, #tpu.memory_space<hbm>>
      %dma_start3A_22 = tpu.memref_squeeze %dma_start3A_21 : memref<1x80x80xi32, #tpu.memory_space<hbm>> -> memref<80x80xi32, #tpu.memory_space<hbm>>
      %dma_start3A_23 = arith.constant 0 : i32
      %dma_start3A_24 = arith.constant 0 : i32
      %dma_start3A_25 = tpu.memref_slice %arg2[%add3A, %dma_start3A_23, %dma_start3A_24] : memref<32x80x80xi32, #tpu.memory_space<hbm>> -> memref<1x80x80xi32, #tpu.memory_space<hbm>>
      %dma_start3A_26 = tpu.memref_squeeze %dma_start3A_25 : memref<1x80x80xi32, #tpu.memory_space<hbm>> -> memref<80x80xi32, #tpu.memory_space<hbm>>
      tpu.enqueue_dma source(%dma_start3A_26 : memref<80x80xi32, #tpu.memory_space<hbm>>) target(%arg8 : memref<80x80xi32, #tpu.memory_space<vmem>>) target_semaphore(%run_scoped3A : memref<!tpu.dma_semaphore, #tpu.memory_space<semaphore_mem>>)
      %dma_wait3A_27 = arith.constant 0 : i32
      %dma_wait3A_28 = arith.constant 0 : i32
      %dma_wait3A_29 = tpu.memref_slice %arg2[%add3A, %dma_wait3A_27, %dma_wait3A_28] : memref<32x80x80xi32, #tpu.memory_space<hbm>> -> memref<1x80x80xi32, #tpu.memory_space<hbm>>
      %dma_wait3A_30 = tpu.memref_squeeze %dma_wait3A_29 : memref<1x80x80xi32, #tpu.memory_space<hbm>> -> memref<80x80xi32, #tpu.memory_space<hbm>>
      %dma_wait3A_31 = arith.constant 0 : i32
      %dma_wait3A_32 = arith.constant 0 : i32
      %dma_wait3A_33 = tpu.memref_slice %arg2[%add3A, %dma_wait3A_31, %dma_wait3A_32] : memref<32x80x80xi32, #tpu.memory_space<hbm>> -> memref<1x80x80xi32, #tpu.memory_space<hbm>>
      %dma_wait3A_34 = tpu.memref_squeeze %dma_wait3A_33 : memref<1x80x80xi32, #tpu.memory_space<hbm>> -> memref<80x80xi32, #tpu.memory_space<hbm>>
      tpu.wait_dma2 semaphore(%run_scoped3A : memref<!tpu.dma_semaphore, #tpu.memory_space<semaphore_mem>>) src(%dma_wait3A_34 : memref<80x80xi32, #tpu.memory_space<hbm>>) dst(%arg8 : memref<80x80xi32, #tpu.memory_space<vmem>>)
      tpu.yield
    }) : () -> ()
    "tpu.region"() ({
      %run_scoped3A = tpu.sem_alloc : memref<!tpu.dma_semaphore, #tpu.memory_space<semaphore_mem>>
      tpu.enqueue_dma source(%arg4 : memref<200x256xf32, #tpu.memory_space<hbm>>) target(%arg9 : memref<200x256xf32, #tpu.memory_space<vmem>>) target_semaphore(%run_scoped3A : memref<!tpu.dma_semaphore, #tpu.memory_space<semaphore_mem>>)
      tpu.wait_dma2 semaphore(%run_scoped3A : memref<!tpu.dma_semaphore, #tpu.memory_space<semaphore_mem>>) src(%arg4 : memref<200x256xf32, #tpu.memory_space<hbm>>) dst(%arg9 : memref<200x256xf32, #tpu.memory_space<vmem>>)
      tpu.yield
    }) : () -> ()
    "tpu.region"() ({
      %run_scoped3A = tpu.sem_alloc : memref<!tpu.dma_semaphore, #tpu.memory_space<semaphore_mem>>
      tpu.enqueue_dma source(%arg5 : memref<256xf32, #tpu.memory_space<hbm>>) target(%arg10 : memref<256xf32, #tpu.memory_space<vmem>>) target_semaphore(%run_scoped3A : memref<!tpu.dma_semaphore, #tpu.memory_space<semaphore_mem>>)
      tpu.wait_dma2 semaphore(%run_scoped3A : memref<!tpu.dma_semaphore, #tpu.memory_space<semaphore_mem>>) src(%arg5 : memref<256xf32, #tpu.memory_space<hbm>>) dst(%arg10 : memref<256xf32, #tpu.memory_space<vmem>>)
      tpu.yield
    }) : () -> ()
    "tpu.region"() ({
      %run_scoped3A = tpu.sem_alloc : memref<!tpu.dma_semaphore, #tpu.memory_space<semaphore_mem>>
      tpu.enqueue_dma source(%arg6 : memref<256xf32, #tpu.memory_space<hbm>>) target(%arg11 : memref<256xf32, #tpu.memory_space<vmem>>) target_semaphore(%run_scoped3A : memref<!tpu.dma_semaphore, #tpu.memory_space<semaphore_mem>>)
      tpu.wait_dma2 semaphore(%run_scoped3A : memref<!tpu.dma_semaphore, #tpu.memory_space<semaphore_mem>>) src(%arg6 : memref<256xf32, #tpu.memory_space<hbm>>) dst(%arg11 : memref<256xf32, #tpu.memory_space<vmem>>)
      tpu.yield
    }) : () -> ()
    %dma_start3A = arith.constant 0 : i32
    %dma_start3A_3 = arith.constant 0 : i32
    %dma_start3A_4 = tpu.memref_slice %arg8[%dma_start3A, %dma_start3A_3] : memref<80x80xi32, #tpu.memory_space<vmem>> -> memref<1x80xi32, #tpu.memory_space<vmem>>
    %dma_start3A_5 = tpu.memref_squeeze %dma_start3A_4 : memref<1x80xi32, #tpu.memory_space<vmem>> -> memref<80xi32, #tpu.memory_space<vmem>>
    %dma_start3A_6 = arith.constant 0 : i32
    %dma_start3A_7 = arith.constant 0 : i32
    %dma_start3A_8 = tpu.memref_slice %arg3[%dma_start3A_6, %dma_start3A_7] : memref<50257x256xf32, #tpu.memory_space<hbm>> -> memref<50257x256xf32, #tpu.memory_space<hbm>>
    tpu.enqueue_indirect_dma source(%dma_start3A_8 : memref<50257x256xf32, #tpu.memory_space<hbm>>) target(%arg14 : memref<80x256xf32, #tpu.memory_space<vmem>>) offsets(%dma_start3A_5 : memref<80xi32, #tpu.memory_space<vmem>>) semaphore(%arg16 : memref<!tpu.dma_semaphore, #tpu.memory_space<semaphore_mem>>)
    %scan3A = arith.constant 0 : i32
    %scan3A_9 = arith.constant 0 : i32
    %scan3A_10 = arith.constant 40 : i32
    %scan3A_11 = arith.addi %scan3A_9, %scan3A_10 : i32
    %scan3A_12 = arith.constant 1 : i32
    scf.for %scan3A_19 = %scan3A_9 to %scan3A_11 step %scan3A_12  : i32 {
      %mul3A_20 = arith.constant 2 : i32
      %mul3A_21 = arith.muli %mul3A_20, %scan3A_19 : i32
      %add3A_22 = arith.constant 1 : i32
      %add3A_23 = arith.addi %mul3A_21, %add3A_22 : i32
      %dma_wait3A_24 = arith.constant 0 : i32
      %dma_wait3A_25 = tpu.memref_slice %arg8[%mul3A_21, %dma_wait3A_24] : memref<80x80xi32, #tpu.memory_space<vmem>> -> memref<1x80xi32, #tpu.memory_space<vmem>>
      %dma_wait3A_26 = tpu.memref_squeeze %dma_wait3A_25 : memref<1x80xi32, #tpu.memory_space<vmem>> -> memref<80xi32, #tpu.memory_space<vmem>>
      %dma_wait3A_27 = arith.constant 0 : i32
      %dma_wait3A_28 = arith.constant 0 : i32
      %dma_wait3A_29 = tpu.memref_slice %arg3[%dma_wait3A_27, %dma_wait3A_28] : memref<50257x256xf32, #tpu.memory_space<hbm>> -> memref<50257x256xf32, #tpu.memory_space<hbm>>
      tpu.wait_indirect_dma semaphore(%arg16 : memref<!tpu.dma_semaphore, #tpu.memory_space<semaphore_mem>>) src(%dma_wait3A_29 : memref<50257x256xf32, #tpu.memory_space<hbm>>) dst(%arg14 : memref<80x256xf32, #tpu.memory_space<vmem>>)
      %parallel_loop3A = arith.constant 0 : i32
      %parallel_loop3A_30 = arith.constant 80 : i32
      %parallel_loop3A_31 = arith.constant 1 : i32
      scf.for %parallel_loop3A_271 = %parallel_loop3A to %parallel_loop3A_30 step %parallel_loop3A_31  : i32 {
        %parallel_loop3A_272 = arith.constant 16 : i32
        %parallel_loop3A_273 = arith.constant 0 : i32
        %parallel_loop3A_274 = arith.cmpi eq, %parallel_loop3A_272, %parallel_loop3A_273 : i32
        %parallel_loop3A_275 = arith.constant 1 : i32
        %parallel_loop3A_276 = arith.select %parallel_loop3A_274, %parallel_loop3A_275, %parallel_loop3A_272 : i32
        %parallel_loop3A_277 = arith.remsi %parallel_loop3A_271, %parallel_loop3A_276 : i32
        %parallel_loop3A_278 = arith.constant 0 : i32
        %parallel_loop3A_279 = arith.cmpi ne, %parallel_loop3A_277, %parallel_loop3A_278 : i32
        %parallel_loop3A_280 = arith.constant 0 : i32
        %parallel_loop3A_281 = arith.cmpi slt, %parallel_loop3A_277, %parallel_loop3A_280 : i32
        %parallel_loop3A_282 = arith.constant 0 : i32
        %parallel_loop3A_283 = arith.cmpi slt, %parallel_loop3A_276, %parallel_loop3A_282 : i32
        %parallel_loop3A_284 = arith.xori %parallel_loop3A_281, %parallel_loop3A_283 : i1
        %parallel_loop3A_285 = arith.andi %parallel_loop3A_284, %parallel_loop3A_279 : i1
        %parallel_loop3A_286 = arith.addi %parallel_loop3A_277, %parallel_loop3A_276 : i32
        %parallel_loop3A_287 = arith.select %parallel_loop3A_285, %parallel_loop3A_286, %parallel_loop3A_277 : i32
        %parallel_loop3A_288 = arith.constant 16 : i32
        %parallel_loop3A_289 = arith.divsi %parallel_loop3A_271, %parallel_loop3A_288 : i32
        %parallel_loop3A_290 = arith.constant 0 : i32
        %parallel_loop3A_291 = arith.cmpi sgt, %parallel_loop3A_271, %parallel_loop3A_290 : i32
        %parallel_loop3A_292 = arith.extui %parallel_loop3A_291 : i1 to i32
        %parallel_loop3A_293 = arith.constant 0 : i32
        %parallel_loop3A_294 = arith.cmpi slt, %parallel_loop3A_271, %parallel_loop3A_293 : i32
        %parallel_loop3A_295 = arith.extui %parallel_loop3A_294 : i1 to i32
        %parallel_loop3A_296 = arith.subi %parallel_loop3A_292, %parallel_loop3A_295 : i32
        %parallel_loop3A_297 = arith.constant 0 : i32
        %parallel_loop3A_298 = arith.cmpi sgt, %parallel_loop3A_288, %parallel_loop3A_297 : i32
        %parallel_loop3A_299 = arith.extui %parallel_loop3A_298 : i1 to i32
        %parallel_loop3A_300 = arith.constant 0 : i32
        %parallel_loop3A_301 = arith.cmpi slt, %parallel_loop3A_288, %parallel_loop3A_300 : i32
        %parallel_loop3A_302 = arith.extui %parallel_loop3A_301 : i1 to i32
        %parallel_loop3A_303 = arith.subi %parallel_loop3A_299, %parallel_loop3A_302 : i32
        %parallel_loop3A_304 = arith.cmpi ne, %parallel_loop3A_296, %parallel_loop3A_303 : i32
        %parallel_loop3A_305 = arith.remsi %parallel_loop3A_271, %parallel_loop3A_288 : i32
        %parallel_loop3A_306 = arith.constant 0 : i32
        %parallel_loop3A_307 = arith.cmpi ne, %parallel_loop3A_305, %parallel_loop3A_306 : i32
        %parallel_loop3A_308 = arith.andi %parallel_loop3A_304, %parallel_loop3A_307 : i1
        %parallel_loop3A_309 = arith.constant 1 : i32
        %parallel_loop3A_310 = arith.subi %parallel_loop3A_289, %parallel_loop3A_309 : i32
        %parallel_loop3A_311 = arith.select %parallel_loop3A_308, %parallel_loop3A_310, %parallel_loop3A_289 : i32
        %parallel_loop3A_312 = arith.constant 16 : i32
        %parallel_loop3A_313 = arith.muli %parallel_loop3A_311, %parallel_loop3A_312 : i32
        %parallel_loop3A_314 = arith.index_cast %mul3A_21 : i32 to index
        %parallel_loop3A_315 = arith.index_cast %parallel_loop3A_313 : i32 to index
        %parallel_loop3A_316 = tpu.vector_load %arg8[%parallel_loop3A_314, %parallel_loop3A_315] {strides = array<i32>} : memref<80x80xi32, #tpu.memory_space<vmem>>, vector<1x16xi32>,
        %parallel_loop3A_317 = vector.shape_cast %parallel_loop3A_316 : vector<1x16xi32> to vector<16xi32>
        %parallel_loop3A_318 = vector.broadcast %parallel_loop3A_287 : i32 to vector<16xi32>
        %parallel_loop3A_319 = arith.constant 0 : i32
        %parallel_loop3A_320 = vector.broadcast %parallel_loop3A_319 : i32 to vector<16xi32>
        %parallel_loop3A_321 = arith.cmpi slt, %parallel_loop3A_318, %parallel_loop3A_320 : vector<16xi32>
        %parallel_loop3A_322 = arith.constant 16 : i32
        %parallel_loop3A_323 = vector.broadcast %parallel_loop3A_322 : i32 to vector<16xi32>
        %parallel_loop3A_324 = arith.addi %parallel_loop3A_318, %parallel_loop3A_323 : vector<16xi32>
        %parallel_loop3A_325 = arith.select %parallel_loop3A_321, %parallel_loop3A_324, %parallel_loop3A_318 : vector<16xi1>, vector<16xi32>
        %parallel_loop3A_326 = vector.shape_cast %parallel_loop3A_325 : vector<16xi32> to vector<16x1xi32>
        %parallel_loop3A_327 = vector.shape_cast %parallel_loop3A_326 : vector<16x1xi32> to vector<16xi32>
        %parallel_loop3A_328 = tpu.dynamic_gather %parallel_loop3A_317[%parallel_loop3A_327] in [0] : vector<16xi32>, vector<16xi32> -> vector<16xi32>
        %parallel_loop3A_329 = arith.constant 0 : i32
        %parallel_loop3A_330 = vector.broadcast %parallel_loop3A_329 : i32 to vector<16xi32>
        %parallel_loop3A_331 = arith.cmpi ne, %parallel_loop3A_328, %parallel_loop3A_330 : vector<16xi32>
        %parallel_loop3A_332 = arith.constant 1.000000e+00 : f32
        %parallel_loop3A_333 = arith.constant 0.000000e+00 : f32
        %parallel_loop3A_334 = vector.broadcast %parallel_loop3A_332 : f32 to vector<16xf32>
        %parallel_loop3A_335 = vector.broadcast %parallel_loop3A_333 : f32 to vector<16xf32>
        %parallel_loop3A_336 = arith.select %parallel_loop3A_331, %parallel_loop3A_334, %parallel_loop3A_335 : vector<16xi1>, vector<16xf32>
        %parallel_loop3A_337 = arith.constant 80 : i32
        %parallel_loop3A_338 = arith.muli %mul3A_21, %parallel_loop3A_337 : i32
        %parallel_loop3A_339 = arith.addi %parallel_loop3A_338, %parallel_loop3A_271 : i32
        %parallel_loop3A_340 = arith.constant 200 : i32
        %parallel_loop3A_341 = arith.constant 0 : i32
        %parallel_loop3A_342 = arith.cmpi eq, %parallel_loop3A_340, %parallel_loop3A_341 : i32
        %parallel_loop3A_343 = arith.constant 1 : i32
        %parallel_loop3A_344 = arith.select %parallel_loop3A_342, %parallel_loop3A_343, %parallel_loop3A_340 : i32
        %parallel_loop3A_345 = arith.remsi %parallel_loop3A_339, %parallel_loop3A_344 : i32
        %parallel_loop3A_346 = arith.constant 0 : i32
        %parallel_loop3A_347 = arith.cmpi ne, %parallel_loop3A_345, %parallel_loop3A_346 : i32
        %parallel_loop3A_348 = arith.constant 0 : i32
        %parallel_loop3A_349 = arith.cmpi slt, %parallel_loop3A_345, %parallel_loop3A_348 : i32
        %parallel_loop3A_350 = arith.constant 0 : i32
        %parallel_loop3A_351 = arith.cmpi slt, %parallel_loop3A_344, %parallel_loop3A_350 : i32
        %parallel_loop3A_352 = arith.xori %parallel_loop3A_349, %parallel_loop3A_351 : i1
        %parallel_loop3A_353 = arith.andi %parallel_loop3A_352, %parallel_loop3A_347 : i1
        %parallel_loop3A_354 = arith.addi %parallel_loop3A_345, %parallel_loop3A_344 : i32
        %parallel_loop3A_355 = arith.select %parallel_loop3A_353, %parallel_loop3A_354, %parallel_loop3A_345 : i32
        %parallel_loop3A_356 = arith.constant 0.000000e+00 : f32
        %parallel_loop3A_357 = vector.broadcast %parallel_loop3A_356 : f32 to vector<16xf32>
        %parallel_loop3A_358 = arith.constant 0.000000e+00 : f32
        %parallel_loop3A_359 = vector.broadcast %parallel_loop3A_358 : f32 to vector<16xf32>
        %parallel_loop3A_360 = arith.constant 0.000000e+00 : f32
        %parallel_loop3A_361 = vector.broadcast %parallel_loop3A_360 : f32 to vector<16xf32>
        %parallel_loop3A_362 = arith.constant 0.000000e+00 : f32
        %parallel_loop3A_363 = vector.broadcast %parallel_loop3A_362 : f32 to vector<16xf32>
        %parallel_loop3A_364 = arith.constant 0.000000e+00 : f32
        %parallel_loop3A_365 = vector.broadcast %parallel_loop3A_364 : f32 to vector<16xf32>
        %parallel_loop3A_366 = arith.constant 0.000000e+00 : f32
        %parallel_loop3A_367 = vector.broadcast %parallel_loop3A_366 : f32 to vector<16xf32>
        %parallel_loop3A_368 = arith.constant 0.000000e+00 : f32
        %parallel_loop3A_369 = vector.broadcast %parallel_loop3A_368 : f32 to vector<16xf32>
        %parallel_loop3A_370 = arith.constant 0.000000e+00 : f32
        %parallel_loop3A_371 = vector.broadcast %parallel_loop3A_370 : f32 to vector<16xf32>
        %parallel_loop3A_372 = arith.index_cast %parallel_loop3A_271 : i32 to index
        %parallel_loop3A_373 = arith.constant 0 : index
        %parallel_loop3A_374 = tpu.vector_load %arg14[%parallel_loop3A_372, %parallel_loop3A_373] {strides = array<i32>} : memref<80x256xf32, #tpu.memory_space<vmem>>, vector<1x16xf32>,
        %parallel_loop3A_375 = vector.shape_cast %parallel_loop3A_374 : vector<1x16xf32> to vector<16xf32>
        %parallel_loop3A_376 = arith.mulf %parallel_loop3A_375, %parallel_loop3A_336 : vector<16xf32>
        %parallel_loop3A_377 = arith.index_cast %parallel_loop3A_355 : i32 to index
        %parallel_loop3A_378 = arith.constant 0 : index
        %parallel_loop3A_379 = tpu.vector_load %arg9[%parallel_loop3A_377, %parallel_loop3A_378] {strides = array<i32>} : memref<200x256xf32, #tpu.memory_space<vmem>>, vector<1x16xf32>,
        %parallel_loop3A_380 = vector.shape_cast %parallel_loop3A_379 : vector<1x16xf32> to vector<16xf32>
        %parallel_loop3A_381 = arith.addf %parallel_loop3A_376, %parallel_loop3A_380 : vector<16xf32>
        %parallel_loop3A_382 = arith.index_cast %parallel_loop3A_271 : i32 to index
        %parallel_loop3A_383 = arith.constant 0 : index
        %parallel_loop3A_384 = tpu.vector_load %arg14[%parallel_loop3A_382, %parallel_loop3A_383] {strides = array<i32>} : memref<80x256xf32, #tpu.memory_space<vmem>>, vector<1x16xf32>,
        %parallel_loop3A_385 = vector.shape_cast %parallel_loop3A_384 : vector<1x16xf32> to vector<16xf32>
        %parallel_loop3A_386 = vector.shape_cast %parallel_loop3A_381 : vector<16xf32> to vector<1x16xf32>
        tpu.vector_store %arg14[%parallel_loop3A_382, %parallel_loop3A_383], %parallel_loop3A_386 {strides = array<i32>} : memref<80x256xf32, #tpu.memory_space<vmem>>, vector<1x16xf32>,
        %parallel_loop3A_387 = arith.addf %parallel_loop3A_357, %parallel_loop3A_381 : vector<16xf32>
        %parallel_loop3A_388 = arith.mulf %parallel_loop3A_381, %parallel_loop3A_381 : vector<16xf32>
        %parallel_loop3A_389 = arith.addf %parallel_loop3A_365, %parallel_loop3A_388 : vector<16xf32>
        %parallel_loop3A_390 = arith.index_cast %parallel_loop3A_271 : i32 to index
        %parallel_loop3A_391 = arith.constant 16 : index
        %parallel_loop3A_392 = tpu.vector_load %arg14[%parallel_loop3A_390, %parallel_loop3A_391] {strides = array<i32>} : memref<80x256xf32, #tpu.memory_space<vmem>>, vector<1x16xf32>,
        %parallel_loop3A_393 = vector.shape_cast %parallel_loop3A_392 : vector<1x16xf32> to vector<16xf32>
        %parallel_loop3A_394 = arith.mulf %parallel_loop3A_393, %parallel_loop3A_336 : vector<16xf32>
        %parallel_loop3A_395 = arith.index_cast %parallel_loop3A_355 : i32 to index
        %parallel_loop3A_396 = arith.constant 16 : index
        %parallel_loop3A_397 = tpu.vector_load %arg9[%parallel_loop3A_395, %parallel_loop3A_396] {strides = array<i32>} : memref<200x256xf32, #tpu.memory_space<vmem>>, vector<1x16xf32>,
        %parallel_loop3A_398 = vector.shape_cast %parallel_loop3A_397 : vector<1x16xf32> to vector<16xf32>
        %parallel_loop3A_399 = arith.addf %parallel_loop3A_394, %parallel_loop3A_398 : vector<16xf32>
        %parallel_loop3A_400 = arith.index_cast %parallel_loop3A_271 : i32 to index
        %parallel_loop3A_401 = arith.constant 16 : index
        %parallel_loop3A_402 = tpu.vector_load %arg14[%parallel_loop3A_400, %parallel_loop3A_401] {strides = array<i32>} : memref<80x256xf32, #tpu.memory_space<vmem>>, vector<1x16xf32>,
        %parallel_loop3A_403 = vector.shape_cast %parallel_loop3A_402 : vector<1x16xf32> to vector<16xf32>
        %parallel_loop3A_404 = vector.shape_cast %parallel_loop3A_399 : vector<16xf32> to vector<1x16xf32>
        tpu.vector_store %arg14[%parallel_loop3A_400, %parallel_loop3A_401], %parallel_loop3A_404 {strides = array<i32>} : memref<80x256xf32, #tpu.memory_space<vmem>>, vector<1x16xf32>,
        %parallel_loop3A_405 = arith.addf %parallel_loop3A_359, %parallel_loop3A_399 : vector<16xf32>
        %parallel_loop3A_406 = arith.mulf %parallel_loop3A_399, %parallel_loop3A_399 : vector<16xf32>
        %parallel_loop3A_407 = arith.addf %parallel_loop3A_367, %parallel_loop3A_406 : vector<16xf32>
        %parallel_loop3A_408 = arith.index_cast %parallel_loop3A_271 : i32 to index
        %parallel_loop3A_409 = arith.constant 32 : index
        %parallel_loop3A_410 = tpu.vector_load %arg14[%parallel_loop3A_408, %parallel_loop3A_409] {strides = array<i32>} : memref<80x256xf32, #tpu.memory_space<vmem>>, vector<1x16xf32>,
        %parallel_loop3A_411 = vector.shape_cast %parallel_loop3A_410 : vector<1x16xf32> to vector<16xf32>
        %parallel_loop3A_412 = arith.mulf %parallel_loop3A_411, %parallel_loop3A_336 : vector<16xf32>
        %parallel_loop3A_413 = arith.index_cast %parallel_loop3A_355 : i32 to index
        %parallel_loop3A_414 = arith.constant 32 : index
        %parallel_loop3A_415 = tpu.vector_load %arg9[%parallel_loop3A_413, %parallel_loop3A_414] {strides = array<i32>} : memref<200x256xf32, #tpu.memory_space<vmem>>, vector<1x16xf32>,
        %parallel_loop3A_416 = vector.shape_cast %parallel_loop3A_415 : vector<1x16xf32> to vector<16xf32>
        %parallel_loop3A_417 = arith.addf %parallel_loop3A_412, %parallel_loop3A_416 : vector<16xf32>
        %parallel_loop3A_418 = arith.index_cast %parallel_loop3A_271 : i32 to index
        %parallel_loop3A_419 = arith.constant 32 : index
        %parallel_loop3A_420 = tpu.vector_load %arg14[%parallel_loop3A_418, %parallel_loop3A_419] {strides = array<i32>} : memref<80x256xf32, #tpu.memory_space<vmem>>, vector<1x16xf32>,
        %parallel_loop3A_421 = vector.shape_cast %parallel_loop3A_420 : vector<1x16xf32> to vector<16xf32>
        %parallel_loop3A_422 = vector.shape_cast %parallel_loop3A_417 : vector<16xf32> to vector<1x16xf32>
        tpu.vector_store %arg14[%parallel_loop3A_418, %parallel_loop3A_419], %parallel_loop3A_422 {strides = array<i32>} : memref<80x256xf32, #tpu.memory_space<vmem>>, vector<1x16xf32>,
        %parallel_loop3A_423 = arith.addf %parallel_loop3A_361, %parallel_loop3A_417 : vector<16xf32>
        %parallel_loop3A_424 = arith.mulf %parallel_loop3A_417, %parallel_loop3A_417 : vector<16xf32>
        %parallel_loop3A_425 = arith.addf %parallel_loop3A_369, %parallel_loop3A_424 : vector<16xf32>
        %parallel_loop3A_426 = arith.index_cast %parallel_loop3A_271 : i32 to index
        %parallel_loop3A_427 = arith.constant 48 : index
        %parallel_loop3A_428 = tpu.vector_load %arg14[%parallel_loop3A_426, %parallel_loop3A_427] {strides = array<i32>} : memref<80x256xf32, #tpu.memory_space<vmem>>, vector<1x16xf32>,
        %parallel_loop3A_429 = vector.shape_cast %parallel_loop3A_428 : vector<1x16xf32> to vector<16xf32>
        %parallel_loop3A_430 = arith.mulf %parallel_loop3A_429, %parallel_loop3A_336 : vector<16xf32>
        %parallel_loop3A_431 = arith.index_cast %parallel_loop3A_355 : i32 to index
        %parallel_loop3A_432 = arith.constant 48 : index
        %parallel_loop3A_433 = tpu.vector_load %arg9[%parallel_loop3A_431, %parallel_loop3A_432] {strides = array<i32>} : memref<200x256xf32, #tpu.memory_space<vmem>>, vector<1x16xf32>,
        %parallel_loop3A_434 = vector.shape_cast %parallel_loop3A_433 : vector<1x16xf32> to vector<16xf32>
        %parallel_loop3A_435 = arith.addf %parallel_loop3A_430, %parallel_loop3A_434 : vector<16xf32>
        %parallel_loop3A_436 = arith.index_cast %parallel_loop3A_271 : i32 to index
        %parallel_loop3A_437 = arith.constant 48 : index
        %parallel_loop3A_438 = tpu.vector_load %arg14[%parallel_loop3A_436, %parallel_loop3A_437] {strides = array<i32>} : memref<80x256xf32, #tpu.memory_space<vmem>>, vector<1x16xf32>,
        %parallel_loop3A_439 = vector.shape_cast %parallel_loop3A_438 : vector<1x16xf32> to vector<16xf32>
        %parallel_loop3A_440 = vector.shape_cast %parallel_loop3A_435 : vector<16xf32> to vector<1x16xf32>
        tpu.vector_store %arg14[%parallel_loop3A_436, %parallel_loop3A_437], %parallel_loop3A_440 {strides = array<i32>} : memref<80x256xf32, #tpu.memory_space<vmem>>, vector<1x16xf32>,
        %parallel_loop3A_441 = arith.addf %parallel_loop3A_363, %parallel_loop3A_435 : vector<16xf32>
        %parallel_loop3A_442 = arith.mulf %parallel_loop3A_435, %parallel_loop3A_435 : vector<16xf32>
        %parallel_loop3A_443 = arith.addf %parallel_loop3A_371, %parallel_loop3A_442 : vector<16xf32>
        %parallel_loop3A_444 = arith.index_cast %parallel_loop3A_271 : i32 to index
        %parallel_loop3A_445 = arith.constant 64 : index
        %parallel_loop3A_446 = tpu.vector_load %arg14[%parallel_loop3A_444, %parallel_loop3A_445] {strides = array<i32>} : memref<80x256xf32, #tpu.memory_space<vmem>>, vector<1x16xf32>,
        %parallel_loop3A_447 = vector.shape_cast %parallel_loop3A_446 : vector<1x16xf32> to vector<16xf32>
        %parallel_loop3A_448 = arith.mulf %parallel_loop3A_447, %parallel_loop3A_336 : vector<16xf32>
        %parallel_loop3A_449 = arith.index_cast %parallel_loop3A_355 : i32 to index
        %parallel_loop3A_450 = arith.constant 64 : index
        %parallel_loop3A_451 = tpu.vector_load %arg9[%parallel_loop3A_449, %parallel_loop3A_450] {strides = array<i32>} : memref<200x256xf32, #tpu.memory_space<vmem>>, vector<1x16xf32>,
        %parallel_loop3A_452 = vector.shape_cast %parallel_loop3A_451 : vector<1x16xf32> to vector<16xf32>
        %parallel_loop3A_453 = arith.addf %parallel_loop3A_448, %parallel_loop3A_452 : vector<16xf32>
        %parallel_loop3A_454 = arith.index_cast %parallel_loop3A_271 : i32 to index
        %parallel_loop3A_455 = arith.constant 64 : index
        %parallel_loop3A_456 = tpu.vector_load %arg14[%parallel_loop3A_454, %parallel_loop3A_455] {strides = array<i32>} : memref<80x256xf32, #tpu.memory_space<vmem>>, vector<1x16xf32>,
        %parallel_loop3A_457 = vector.shape_cast %parallel_loop3A_456 : vector<1x16xf32> to vector<16xf32>
        %parallel_loop3A_458 = vector.shape_cast %parallel_loop3A_453 : vector<16xf32> to vector<1x16xf32>
        tpu.vector_store %arg14[%parallel_loop3A_454, %parallel_loop3A_455], %parallel_loop3A_458 {strides = array<i32>} : memref<80x256xf32, #tpu.memory_space<vmem>>, vector<1x16xf32>,
        %parallel_loop3A_459 = arith.addf %parallel_loop3A_387, %parallel_loop3A_453 : vector<16xf32>
        %parallel_loop3A_460 = arith.mulf %parallel_loop3A_453, %parallel_loop3A_453 : vector<16xf32>
        %parallel_loop3A_461 = arith.addf %parallel_loop3A_389, %parallel_loop3A_460 : vector<16xf32>
        %parallel_loop3A_462 = arith.index_cast %parallel_loop3A_271 : i32 to index
        %parallel_loop3A_463 = arith.constant 80 : index
        %parallel_loop3A_464 = tpu.vector_load %arg14[%parallel_loop3A_462, %parallel_loop3A_463] {strides = array<i32>} : memref<80x256xf32, #tpu.memory_space<vmem>>, vector<1x16xf32>,
        %parallel_loop3A_465 = vector.shape_cast %parallel_loop3A_464 : vector<1x16xf32> to vector<16xf32>
        %parallel_loop3A_466 = arith.mulf %parallel_loop3A_465, %parallel_loop3A_336 : vector<16xf32>
        %parallel_loop3A_467 = arith.index_cast %parallel_loop3A_355 : i32 to index
        %parallel_loop3A_468 = arith.constant 80 : index
        %parallel_loop3A_469 = tpu.vector_load %arg9[%parallel_loop3A_467, %parallel_loop3A_468] {strides = array<i32>} : memref<200x256xf32, #tpu.memory_space<vmem>>, vector<1x16xf32>,
        %parallel_loop3A_470 = vector.shape_cast %parallel_loop3A_469 : vector<1x16xf32> to vector<16xf32>
        %parallel_loop3A_471 = arith.addf %parallel_loop3A_466, %parallel_loop3A_470 : vector<16xf32>
        %parallel_loop3A_472 = arith.index_cast %parallel_loop3A_271 : i32 to index
        %parallel_loop3A_473 = arith.constant 80 : index
        %parallel_loop3A_474 = tpu.vector_load %arg14[%parallel_loop3A_472, %parallel_loop3A_473] {strides = array<i32>} : memref<80x256xf32, #tpu.memory_space<vmem>>, vector<1x16xf32>,
        %parallel_loop3A_475 = vector.shape_cast %parallel_loop3A_474 : vector<1x16xf32> to vector<16xf32>
        %parallel_loop3A_476 = vector.shape_cast %parallel_loop3A_471 : vector<16xf32> to vector<1x16xf32>
        tpu.vector_store %arg14[%parallel_loop3A_472, %parallel_loop3A_473], %parallel_loop3A_476 {strides = array<i32>} : memref<80x256xf32, #tpu.memory_space<vmem>>, vector<1x16xf32>,
        %parallel_loop3A_477 = arith.addf %parallel_loop3A_405, %parallel_loop3A_471 : vector<16xf32>
        %parallel_loop3A_478 = arith.mulf %parallel_loop3A_471, %parallel_loop3A_471 : vector<16xf32>
        %parallel_loop3A_479 = arith.addf %parallel_loop3A_407, %parallel_loop3A_478 : vector<16xf32>
        %parallel_loop3A_480 = arith.index_cast %parallel_loop3A_271 : i32 to index
        %parallel_loop3A_481 = arith.constant 96 : index
        %parallel_loop3A_482 = tpu.vector_load %arg14[%parallel_loop3A_480, %parallel_loop3A_481] {strides = array<i32>} : memref<80x256xf32, #tpu.memory_space<vmem>>, vector<1x16xf32>,
        %parallel_loop3A_483 = vector.shape_cast %parallel_loop3A_482 : vector<1x16xf32> to vector<16xf32>
        %parallel_loop3A_484 = arith.mulf %parallel_loop3A_483, %parallel_loop3A_336 : vector<16xf32>
        %parallel_loop3A_485 = arith.index_cast %parallel_loop3A_355 : i32 to index
        %parallel_loop3A_486 = arith.constant 96 : index
        %parallel_loop3A_487 = tpu.vector_load %arg9[%parallel_loop3A_485, %parallel_loop3A_486] {strides = array<i32>} : memref<200x256xf32, #tpu.memory_space<vmem>>, vector<1x16xf32>,
        %parallel_loop3A_488 = vector.shape_cast %parallel_loop3A_487 : vector<1x16xf32> to vector<16xf32>
        %parallel_loop3A_489 = arith.addf %parallel_loop3A_484, %parallel_loop3A_488 : vector<16xf32>
        %parallel_loop3A_490 = arith.index_cast %parallel_loop3A_271 : i32 to index
        %parallel_loop3A_491 = arith.constant 96 : index
        %parallel_loop3A_492 = tpu.vector_load %arg14[%parallel_loop3A_490, %parallel_loop3A_491] {strides = array<i32>} : memref<80x256xf32, #tpu.memory_space<vmem>>, vector<1x16xf32>,
        %parallel_loop3A_493 = vector.shape_cast %parallel_loop3A_492 : vector<1x16xf32> to vector<16xf32>
        %parallel_loop3A_494 = vector.shape_cast %parallel_loop3A_489 : vector<16xf32> to vector<1x16xf32>
        tpu.vector_store %arg14[%parallel_loop3A_490, %parallel_loop3A_491], %parallel_loop3A_494 {strides = array<i32>} : memref<80x256xf32, #tpu.memory_space<vmem>>, vector<1x16xf32>,
        %parallel_loop3A_495 = arith.addf %parallel_loop3A_423, %parallel_loop3A_489 : vector<16xf32>
        %parallel_loop3A_496 = arith.mulf %parallel_loop3A_489, %parallel_loop3A_489 : vector<16xf32>
        %parallel_loop3A_497 = arith.addf %parallel_loop3A_425, %parallel_loop3A_496 : vector<16xf32>
        %parallel_loop3A_498 = arith.index_cast %parallel_loop3A_271 : i32 to index
        %parallel_loop3A_499 = arith.constant 112 : index
        %parallel_loop3A_500 = tpu.vector_load %arg14[%parallel_loop3A_498, %parallel_loop3A_499] {strides = array<i32>} : memref<80x256xf32, #tpu.memory_space<vmem>>, vector<1x16xf32>,
        %parallel_loop3A_501 = vector.shape_cast %parallel_loop3A_500 : vector<1x16xf32> to vector<16xf32>
        %parallel_loop3A_502 = arith.mulf %parallel_loop3A_501, %parallel_loop3A_336 : vector<16xf32>
        %parallel_loop3A_503 = arith.index_cast %parallel_loop3A_355 : i32 to index
        %parallel_loop3A_504 = arith.constant 112 : index
        %parallel_loop3A_505 = tpu.vector_load %arg9[%parallel_loop3A_503, %parallel_loop3A_504] {strides = array<i32>} : memref<200x256xf32, #tpu.memory_space<vmem>>, vector<1x16xf32>,
        %parallel_loop3A_506 = vector.shape_cast %parallel_loop3A_505 : vector<1x16xf32> to vector<16xf32>
        %parallel_loop3A_507 = arith.addf %parallel_loop3A_502, %parallel_loop3A_506 : vector<16xf32>
        %parallel_loop3A_508 = arith.index_cast %parallel_loop3A_271 : i32 to index
        %parallel_loop3A_509 = arith.constant 112 : index
        %parallel_loop3A_510 = tpu.vector_load %arg14[%parallel_loop3A_508, %parallel_loop3A_509] {strides = array<i32>} : memref<80x256xf32, #tpu.memory_space<vmem>>, vector<1x16xf32>,
        %parallel_loop3A_511 = vector.shape_cast %parallel_loop3A_510 : vector<1x16xf32> to vector<16xf32>
        %parallel_loop3A_512 = vector.shape_cast %parallel_loop3A_507 : vector<16xf32> to vector<1x16xf32>
        tpu.vector_store %arg14[%parallel_loop3A_508, %parallel_loop3A_509], %parallel_loop3A_512 {strides = array<i32>} : memref<80x256xf32, #tpu.memory_space<vmem>>, vector<1x16xf32>,
        %parallel_loop3A_513 = arith.addf %parallel_loop3A_441, %parallel_loop3A_507 : vector<16xf32>
        %parallel_loop3A_514 = arith.mulf %parallel_loop3A_507, %parallel_loop3A_507 : vector<16xf32>
        %parallel_loop3A_515 = arith.addf %parallel_loop3A_443, %parallel_loop3A_514 : vector<16xf32>
        %parallel_loop3A_516 = arith.index_cast %parallel_loop3A_271 : i32 to index
        %parallel_loop3A_517 = arith.constant 128 : index
        %parallel_loop3A_518 = tpu.vector_load %arg14[%parallel_loop3A_516, %parallel_loop3A_517] {strides = array<i32>} : memref<80x256xf32, #tpu.memory_space<vmem>>, vector<1x16xf32>,
        %parallel_loop3A_519 = vector.shape_cast %parallel_loop3A_518 : vector<1x16xf32> to vector<16xf32>
        %parallel_loop3A_520 = arith.mulf %parallel_loop3A_519, %parallel_loop3A_336 : vector<16xf32>
        %parallel_loop3A_521 = arith.index_cast %parallel_loop3A_355 : i32 to index
        %parallel_loop3A_522 = arith.constant 128 : index
        %parallel_loop3A_523 = tpu.vector_load %arg9[%parallel_loop3A_521, %parallel_loop3A_522] {strides = array<i32>} : memref<200x256xf32, #tpu.memory_space<vmem>>, vector<1x16xf32>,
        %parallel_loop3A_524 = vector.shape_cast %parallel_loop3A_523 : vector<1x16xf32> to vector<16xf32>
        %parallel_loop3A_525 = arith.addf %parallel_loop3A_520, %parallel_loop3A_524 : vector<16xf32>
        %parallel_loop3A_526 = arith.index_cast %parallel_loop3A_271 : i32 to index
        %parallel_loop3A_527 = arith.constant 128 : index
        %parallel_loop3A_528 = tpu.vector_load %arg14[%parallel_loop3A_526, %parallel_loop3A_527] {strides = array<i32>} : memref<80x256xf32, #tpu.memory_space<vmem>>, vector<1x16xf32>,
        %parallel_loop3A_529 = vector.shape_cast %parallel_loop3A_528 : vector<1x16xf32> to vector<16xf32>
        %parallel_loop3A_530 = vector.shape_cast %parallel_loop3A_525 : vector<16xf32> to vector<1x16xf32>
        tpu.vector_store %arg14[%parallel_loop3A_526, %parallel_loop3A_527], %parallel_loop3A_530 {strides = array<i32>} : memref<80x256xf32, #tpu.memory_space<vmem>>, vector<1x16xf32>,
        %parallel_loop3A_531 = arith.addf %parallel_loop3A_459, %parallel_loop3A_525 : vector<16xf32>
        %parallel_loop3A_532 = arith.mulf %parallel_loop3A_525, %parallel_loop3A_525 : vector<16xf32>
        %parallel_loop3A_533 = arith.addf %parallel_loop3A_461, %parallel_loop3A_532 : vector<16xf32>
        %parallel_loop3A_534 = arith.index_cast %parallel_loop3A_271 : i32 to index
        %parallel_loop3A_535 = arith.constant 144 : index
        %parallel_loop3A_536 = tpu.vector_load %arg14[%parallel_loop3A_534, %parallel_loop3A_535] {strides = array<i32>} : memref<80x256xf32, #tpu.memory_space<vmem>>, vector<1x16xf32>,
        %parallel_loop3A_537 = vector.shape_cast %parallel_loop3A_536 : vector<1x16xf32> to vector<16xf32>
        %parallel_loop3A_538 = arith.mulf %parallel_loop3A_537, %parallel_loop3A_336 : vector<16xf32>
        %parallel_loop3A_539 = arith.index_cast %parallel_loop3A_355 : i32 to index
        %parallel_loop3A_540 = arith.constant 144 : index
        %parallel_loop3A_541 = tpu.vector_load %arg9[%parallel_loop3A_539, %parallel_loop3A_540] {strides = array<i32>} : memref<200x256xf32, #tpu.memory_space<vmem>>, vector<1x16xf32>,
        %parallel_loop3A_542 = vector.shape_cast %parallel_loop3A_541 : vector<1x16xf32> to vector<16xf32>
        %parallel_loop3A_543 = arith.addf %parallel_loop3A_538, %parallel_loop3A_542 : vector<16xf32>
        %parallel_loop3A_544 = arith.index_cast %parallel_loop3A_271 : i32 to index
        %parallel_loop3A_545 = arith.constant 144 : index
        %parallel_loop3A_546 = tpu.vector_load %arg14[%parallel_loop3A_544, %parallel_loop3A_545] {strides = array<i32>} : memref<80x256xf32, #tpu.memory_space<vmem>>, vector<1x16xf32>,
        %parallel_loop3A_547 = vector.shape_cast %parallel_loop3A_546 : vector<1x16xf32> to vector<16xf32>
        %parallel_loop3A_548 = vector.shape_cast %parallel_loop3A_543 : vector<16xf32> to vector<1x16xf32>
        tpu.vector_store %arg14[%parallel_loop3A_544, %parallel_loop3A_545], %parallel_loop3A_548 {strides = array<i32>} : memref<80x256xf32, #tpu.memory_space<vmem>>, vector<1x16xf32>,
        %parallel_loop3A_549 = arith.addf %parallel_loop3A_477, %parallel_loop3A_543 : vector<16xf32>
        %parallel_loop3A_550 = arith.mulf %parallel_loop3A_543, %parallel_loop3A_543 : vector<16xf32>
        %parallel_loop3A_551 = arith.addf %parallel_loop3A_479, %parallel_loop3A_550 : vector<16xf32>
        %parallel_loop3A_552 = arith.index_cast %parallel_loop3A_271 : i32 to index
        %parallel_loop3A_553 = arith.constant 160 : index
        %parallel_loop3A_554 = tpu.vector_load %arg14[%parallel_loop3A_552, %parallel_loop3A_553] {strides = array<i32>} : memref<80x256xf32, #tpu.memory_space<vmem>>, vector<1x16xf32>,
        %parallel_loop3A_555 = vector.shape_cast %parallel_loop3A_554 : vector<1x16xf32> to vector<16xf32>
        %parallel_loop3A_556 = arith.mulf %parallel_loop3A_555, %parallel_loop3A_336 : vector<16xf32>
        %parallel_loop3A_557 = arith.index_cast %parallel_loop3A_355 : i32 to index
        %parallel_loop3A_558 = arith.constant 160 : index
        %parallel_loop3A_559 = tpu.vector_load %arg9[%parallel_loop3A_557, %parallel_loop3A_558] {strides = array<i32>} : memref<200x256xf32, #tpu.memory_space<vmem>>, vector<1x16xf32>,
        %parallel_loop3A_560 = vector.shape_cast %parallel_loop3A_559 : vector<1x16xf32> to vector<16xf32>
        %parallel_loop3A_561 = arith.addf %parallel_loop3A_556, %parallel_loop3A_560 : vector<16xf32>
        %parallel_loop3A_562 = arith.index_cast %parallel_loop3A_271 : i32 to index
        %parallel_loop3A_563 = arith.constant 160 : index
        %parallel_loop3A_564 = tpu.vector_load %arg14[%parallel_loop3A_562, %parallel_loop3A_563] {strides = array<i32>} : memref<80x256xf32, #tpu.memory_space<vmem>>, vector<1x16xf32>,
        %parallel_loop3A_565 = vector.shape_cast %parallel_loop3A_564 : vector<1x16xf32> to vector<16xf32>
        %parallel_loop3A_566 = vector.shape_cast %parallel_loop3A_561 : vector<16xf32> to vector<1x16xf32>
        tpu.vector_store %arg14[%parallel_loop3A_562, %parallel_loop3A_563], %parallel_loop3A_566 {strides = array<i32>} : memref<80x256xf32, #tpu.memory_space<vmem>>, vector<1x16xf32>,
        %parallel_loop3A_567 = arith.addf %parallel_loop3A_495, %parallel_loop3A_561 : vector<16xf32>
        %parallel_loop3A_568 = arith.mulf %parallel_loop3A_561, %parallel_loop3A_561 : vector<16xf32>
        %parallel_loop3A_569 = arith.addf %parallel_loop3A_497, %parallel_loop3A_568 : vector<16xf32>
        %parallel_loop3A_570 = arith.index_cast %parallel_loop3A_271 : i32 to index
        %parallel_loop3A_571 = arith.constant 176 : index
        %parallel_loop3A_572 = tpu.vector_load %arg14[%parallel_loop3A_570, %parallel_loop3A_571] {strides = array<i32>} : memref<80x256xf32, #tpu.memory_space<vmem>>, vector<1x16xf32>,
        %parallel_loop3A_573 = vector.shape_cast %parallel_loop3A_572 : vector<1x16xf32> to vector<16xf32>
        %parallel_loop3A_574 = arith.mulf %parallel_loop3A_573, %parallel_loop3A_336 : vector<16xf32>
        %parallel_loop3A_575 = arith.index_cast %parallel_loop3A_355 : i32 to index
        %parallel_loop3A_576 = arith.constant 176 : index
        %parallel_loop3A_577 = tpu.vector_load %arg9[%parallel_loop3A_575, %parallel_loop3A_576] {strides = array<i32>} : memref<200x256xf32, #tpu.memory_space<vmem>>, vector<1x16xf32>,
        %parallel_loop3A_578 = vector.shape_cast %parallel_loop3A_577 : vector<1x16xf32> to vector<16xf32>
        %parallel_loop3A_579 = arith.addf %parallel_loop3A_574, %parallel_loop3A_578 : vector<16xf32>
        %parallel_loop3A_580 = arith.index_cast %parallel_loop3A_271 : i32 to index
        %parallel_loop3A_581 = arith.constant 176 : index
        %parallel_loop3A_582 = tpu.vector_load %arg14[%parallel_loop3A_580, %parallel_loop3A_581] {strides = array<i32>} : memref<80x256xf32, #tpu.memory_space<vmem>>, vector<1x16xf32>,
        %parallel_loop3A_583 = vector.shape_cast %parallel_loop3A_582 : vector<1x16xf32> to vector<16xf32>
        %parallel_loop3A_584 = vector.shape_cast %parallel_loop3A_579 : vector<16xf32> to vector<1x16xf32>
        tpu.vector_store %arg14[%parallel_loop3A_580, %parallel_loop3A_581], %parallel_loop3A_584 {strides = array<i32>} : memref<80x256xf32, #tpu.memory_space<vmem>>, vector<1x16xf32>,
        %parallel_loop3A_585 = arith.addf %parallel_loop3A_513, %parallel_loop3A_579 : vector<16xf32>
        %parallel_loop3A_586 = arith.mulf %parallel_loop3A_579, %parallel_loop3A_579 : vector<16xf32>
        %parallel_loop3A_587 = arith.addf %parallel_loop3A_515, %parallel_loop3A_586 : vector<16xf32>
        %parallel_loop3A_588 = arith.index_cast %parallel_loop3A_271 : i32 to index
        %parallel_loop3A_589 = arith.constant 192 : index
        %parallel_loop3A_590 = tpu.vector_load %arg14[%parallel_loop3A_588, %parallel_loop3A_589] {strides = array<i32>} : memref<80x256xf32, #tpu.memory_space<vmem>>, vector<1x16xf32>,
        %parallel_loop3A_591 = vector.shape_cast %parallel_loop3A_590 : vector<1x16xf32> to vector<16xf32>
        %parallel_loop3A_592 = arith.mulf %parallel_loop3A_591, %parallel_loop3A_336 : vector<16xf32>
        %parallel_loop3A_593 = arith.index_cast %parallel_loop3A_355 : i32 to index
        %parallel_loop3A_594 = arith.constant 192 : index
        %parallel_loop3A_595 = tpu.vector_load %arg9[%parallel_loop3A_593, %parallel_loop3A_594] {strides = array<i32>} : memref<200x256xf32, #tpu.memory_space<vmem>>, vector<1x16xf32>,
        %parallel_loop3A_596 = vector.shape_cast %parallel_loop3A_595 : vector<1x16xf32> to vector<16xf32>
        %parallel_loop3A_597 = arith.addf %parallel_loop3A_592, %parallel_loop3A_596 : vector<16xf32>
        %parallel_loop3A_598 = arith.index_cast %parallel_loop3A_271 : i32 to index
        %parallel_loop3A_599 = arith.constant 192 : index
        %parallel_loop3A_600 = tpu.vector_load %arg14[%parallel_loop3A_598, %parallel_loop3A_599] {strides = array<i32>} : memref<80x256xf32, #tpu.memory_space<vmem>>, vector<1x16xf32>,
        %parallel_loop3A_601 = vector.shape_cast %parallel_loop3A_600 : vector<1x16xf32> to vector<16xf32>
        %parallel_loop3A_602 = vector.shape_cast %parallel_loop3A_597 : vector<16xf32> to vector<1x16xf32>
        tpu.vector_store %arg14[%parallel_loop3A_598, %parallel_loop3A_599], %parallel_loop3A_602 {strides = array<i32>} : memref<80x256xf32, #tpu.memory_space<vmem>>, vector<1x16xf32>,
        %parallel_loop3A_603 = arith.addf %parallel_loop3A_531, %parallel_loop3A_597 : vector<16xf32>
        %parallel_loop3A_604 = arith.mulf %parallel_loop3A_597, %parallel_loop3A_597 : vector<16xf32>
        %parallel_loop3A_605 = arith.addf %parallel_loop3A_533, %parallel_loop3A_604 : vector<16xf32>
        %parallel_loop3A_606 = arith.index_cast %parallel_loop3A_271 : i32 to index
        %parallel_loop3A_607 = arith.constant 208 : index
        %parallel_loop3A_608 = tpu.vector_load %arg14[%parallel_loop3A_606, %parallel_loop3A_607] {strides = array<i32>} : memref<80x256xf32, #tpu.memory_space<vmem>>, vector<1x16xf32>,
        %parallel_loop3A_609 = vector.shape_cast %parallel_loop3A_608 : vector<1x16xf32> to vector<16xf32>
        %parallel_loop3A_610 = arith.mulf %parallel_loop3A_609, %parallel_loop3A_336 : vector<16xf32>
        %parallel_loop3A_611 = arith.index_cast %parallel_loop3A_355 : i32 to index
        %parallel_loop3A_612 = arith.constant 208 : index
        %parallel_loop3A_613 = tpu.vector_load %arg9[%parallel_loop3A_611, %parallel_loop3A_612] {strides = array<i32>} : memref<200x256xf32, #tpu.memory_space<vmem>>, vector<1x16xf32>,
        %parallel_loop3A_614 = vector.shape_cast %parallel_loop3A_613 : vector<1x16xf32> to vector<16xf32>
        %parallel_loop3A_615 = arith.addf %parallel_loop3A_610, %parallel_loop3A_614 : vector<16xf32>
        %parallel_loop3A_616 = arith.index_cast %parallel_loop3A_271 : i32 to index
        %parallel_loop3A_617 = arith.constant 208 : index
        %parallel_loop3A_618 = tpu.vector_load %arg14[%parallel_loop3A_616, %parallel_loop3A_617] {strides = array<i32>} : memref<80x256xf32, #tpu.memory_space<vmem>>, vector<1x16xf32>,
        %parallel_loop3A_619 = vector.shape_cast %parallel_loop3A_618 : vector<1x16xf32> to vector<16xf32>
        %parallel_loop3A_620 = vector.shape_cast %parallel_loop3A_615 : vector<16xf32> to vector<1x16xf32>
        tpu.vector_store %arg14[%parallel_loop3A_616, %parallel_loop3A_617], %parallel_loop3A_620 {strides = array<i32>} : memref<80x256xf32, #tpu.memory_space<vmem>>, vector<1x16xf32>,
        %parallel_loop3A_621 = arith.addf %parallel_loop3A_549, %parallel_loop3A_615 : vector<16xf32>
        %parallel_loop3A_622 = arith.mulf %parallel_loop3A_615, %parallel_loop3A_615 : vector<16xf32>
        %parallel_loop3A_623 = arith.addf %parallel_loop3A_551, %parallel_loop3A_622 : vector<16xf32>
        %parallel_loop3A_624 = arith.index_cast %parallel_loop3A_271 : i32 to index
        %parallel_loop3A_625 = arith.constant 224 : index
        %parallel_loop3A_626 = tpu.vector_load %arg14[%parallel_loop3A_624, %parallel_loop3A_625] {strides = array<i32>} : memref<80x256xf32, #tpu.memory_space<vmem>>, vector<1x16xf32>,
        %parallel_loop3A_627 = vector.shape_cast %parallel_loop3A_626 : vector<1x16xf32> to vector<16xf32>
        %parallel_loop3A_628 = arith.mulf %parallel_loop3A_627, %parallel_loop3A_336 : vector<16xf32>
        %parallel_loop3A_629 = arith.index_cast %parallel_loop3A_355 : i32 to index
        %parallel_loop3A_630 = arith.constant 224 : index
        %parallel_loop3A_631 = tpu.vector_load %arg9[%parallel_loop3A_629, %parallel_loop3A_630] {strides = array<i32>} : memref<200x256xf32, #tpu.memory_space<vmem>>, vector<1x16xf32>,
        %parallel_loop3A_632 = vector.shape_cast %parallel_loop3A_631 : vector<1x16xf32> to vector<16xf32>
        %parallel_loop3A_633 = arith.addf %parallel_loop3A_628, %parallel_loop3A_632 : vector<16xf32>
        %parallel_loop3A_634 = arith.index_cast %parallel_loop3A_271 : i32 to index
        %parallel_loop3A_635 = arith.constant 224 : index
        %parallel_loop3A_636 = tpu.vector_load %arg14[%parallel_loop3A_634, %parallel_loop3A_635] {strides = array<i32>} : memref<80x256xf32, #tpu.memory_space<vmem>>, vector<1x16xf32>,
        %parallel_loop3A_637 = vector.shape_cast %parallel_loop3A_636 : vector<1x16xf32> to vector<16xf32>
        %parallel_loop3A_638 = vector.shape_cast %parallel_loop3A_633 : vector<16xf32> to vector<1x16xf32>
        tpu.vector_store %arg14[%parallel_loop3A_634, %parallel_loop3A_635], %parallel_loop3A_638 {strides = array<i32>} : memref<80x256xf32, #tpu.memory_space<vmem>>, vector<1x16xf32>,
        %parallel_loop3A_639 = arith.addf %parallel_loop3A_567, %parallel_loop3A_633 : vector<16xf32>
        %parallel_loop3A_640 = arith.mulf %parallel_loop3A_633, %parallel_loop3A_633 : vector<16xf32>
        %parallel_loop3A_641 = arith.addf %parallel_loop3A_569, %parallel_loop3A_640 : vector<16xf32>
        %parallel_loop3A_642 = arith.index_cast %parallel_loop3A_271 : i32 to index
        %parallel_loop3A_643 = arith.constant 240 : index
        %parallel_loop3A_644 = tpu.vector_load %arg14[%parallel_loop3A_642, %parallel_loop3A_643] {strides = array<i32>} : memref<80x256xf32, #tpu.memory_space<vmem>>, vector<1x16xf32>,
        %parallel_loop3A_645 = vector.shape_cast %parallel_loop3A_644 : vector<1x16xf32> to vector<16xf32>
        %parallel_loop3A_646 = arith.mulf %parallel_loop3A_645, %parallel_loop3A_336 : vector<16xf32>
        %parallel_loop3A_647 = arith.index_cast %parallel_loop3A_355 : i32 to index
        %parallel_loop3A_648 = arith.constant 240 : index
        %parallel_loop3A_649 = tpu.vector_load %arg9[%parallel_loop3A_647, %parallel_loop3A_648] {strides = array<i32>} : memref<200x256xf32, #tpu.memory_space<vmem>>, vector<1x16xf32>,
        %parallel_loop3A_650 = vector.shape_cast %parallel_loop3A_649 : vector<1x16xf32> to vector<16xf32>
        %parallel_loop3A_651 = arith.addf %parallel_loop3A_646, %parallel_loop3A_650 : vector<16xf32>
        %parallel_loop3A_652 = arith.index_cast %parallel_loop3A_271 : i32 to index
        %parallel_loop3A_653 = arith.constant 240 : index
        %parallel_loop3A_654 = tpu.vector_load %arg14[%parallel_loop3A_652, %parallel_loop3A_653] {strides = array<i32>} : memref<80x256xf32, #tpu.memory_space<vmem>>, vector<1x16xf32>,
        %parallel_loop3A_655 = vector.shape_cast %parallel_loop3A_654 : vector<1x16xf32> to vector<16xf32>
        %parallel_loop3A_656 = vector.shape_cast %parallel_loop3A_651 : vector<16xf32> to vector<1x16xf32>
        tpu.vector_store %arg14[%parallel_loop3A_652, %parallel_loop3A_653], %parallel_loop3A_656 {strides = array<i32>} : memref<80x256xf32, #tpu.memory_space<vmem>>, vector<1x16xf32>,
        %parallel_loop3A_657 = arith.addf %parallel_loop3A_585, %parallel_loop3A_651 : vector<16xf32>
        %parallel_loop3A_658 = arith.mulf %parallel_loop3A_651, %parallel_loop3A_651 : vector<16xf32>
        %parallel_loop3A_659 = arith.addf %parallel_loop3A_587, %parallel_loop3A_658 : vector<16xf32>
        %parallel_loop3A_660 = arith.addf %parallel_loop3A_603, %parallel_loop3A_621 : vector<16xf32>
        %parallel_loop3A_661 = arith.addf %parallel_loop3A_639, %parallel_loop3A_657 : vector<16xf32>
        %parallel_loop3A_662 = arith.addf %parallel_loop3A_660, %parallel_loop3A_661 : vector<16xf32>
        %parallel_loop3A_663 = arith.addf %parallel_loop3A_605, %parallel_loop3A_623 : vector<16xf32>
        %parallel_loop3A_664 = arith.addf %parallel_loop3A_641, %parallel_loop3A_659 : vector<16xf32>
        %parallel_loop3A_665 = arith.addf %parallel_loop3A_663, %parallel_loop3A_664 : vector<16xf32>
        %parallel_loop3A_666 = tpu.iota {dimensions = array<i32: 0>} : vector<16xi32>
        %parallel_loop3A_667 = arith.constant 8 : i32
        %parallel_loop3A_668 = vector.broadcast %parallel_loop3A_667 : i32 to vector<16xi32>
        %parallel_loop3A_669 = arith.xori %parallel_loop3A_666, %parallel_loop3A_668 : vector<16xi32>
        %parallel_loop3A_670 = arith.constant 0 : i32
        %parallel_loop3A_671 = vector.broadcast %parallel_loop3A_670 : i32 to vector<16xi32>
        %parallel_loop3A_672 = arith.cmpi slt, %parallel_loop3A_669, %parallel_loop3A_671 : vector<16xi32>
        %parallel_loop3A_673 = arith.constant 16 : i32
        %parallel_loop3A_674 = vector.broadcast %parallel_loop3A_673 : i32 to vector<16xi32>
        %parallel_loop3A_675 = arith.addi %parallel_loop3A_669, %parallel_loop3A_674 : vector<16xi32>
        %parallel_loop3A_676 = arith.select %parallel_loop3A_672, %parallel_loop3A_675, %parallel_loop3A_669 : vector<16xi1>, vector<16xi32>
        %parallel_loop3A_677 = vector.shape_cast %parallel_loop3A_676 : vector<16xi32> to vector<16x1xi32>
        %parallel_loop3A_678 = vector.shape_cast %parallel_loop3A_677 : vector<16x1xi32> to vector<16xi32>
        %parallel_loop3A_679 = tpu.dynamic_gather %parallel_loop3A_662[%parallel_loop3A_678] in [0] : vector<16xf32>, vector<16xi32> -> vector<16xf32>
        %parallel_loop3A_680 = arith.addf %parallel_loop3A_662, %parallel_loop3A_679 : vector<16xf32>
        %parallel_loop3A_681 = arith.constant 4 : i32
        %parallel_loop3A_682 = vector.broadcast %parallel_loop3A_681 : i32 to vector<16xi32>
        %parallel_loop3A_683 = arith.xori %parallel_loop3A_666, %parallel_loop3A_682 : vector<16xi32>
        %parallel_loop3A_684 = arith.constant 0 : i32
        %parallel_loop3A_685 = vector.broadcast %parallel_loop3A_684 : i32 to vector<16xi32>
        %parallel_loop3A_686 = arith.cmpi slt, %parallel_loop3A_683, %parallel_loop3A_685 : vector<16xi32>
        %parallel_loop3A_687 = arith.constant 16 : i32
        %parallel_loop3A_688 = vector.broadcast %parallel_loop3A_687 : i32 to vector<16xi32>
        %parallel_loop3A_689 = arith.addi %parallel_loop3A_683, %parallel_loop3A_688 : vector<16xi32>
        %parallel_loop3A_690 = arith.select %parallel_loop3A_686, %parallel_loop3A_689, %parallel_loop3A_683 : vector<16xi1>, vector<16xi32>
        %parallel_loop3A_691 = vector.shape_cast %parallel_loop3A_690 : vector<16xi32> to vector<16x1xi32>
        %parallel_loop3A_692 = vector.shape_cast %parallel_loop3A_691 : vector<16x1xi32> to vector<16xi32>
        %parallel_loop3A_693 = tpu.dynamic_gather %parallel_loop3A_680[%parallel_loop3A_692] in [0] : vector<16xf32>, vector<16xi32> -> vector<16xf32>
        %parallel_loop3A_694 = arith.addf %parallel_loop3A_680, %parallel_loop3A_693 : vector<16xf32>
        %parallel_loop3A_695 = arith.constant 2 : i32
        %parallel_loop3A_696 = vector.broadcast %parallel_loop3A_695 : i32 to vector<16xi32>
        %parallel_loop3A_697 = arith.xori %parallel_loop3A_666, %parallel_loop3A_696 : vector<16xi32>
        %parallel_loop3A_698 = arith.constant 0 : i32
        %parallel_loop3A_699 = vector.broadcast %parallel_loop3A_698 : i32 to vector<16xi32>
        %parallel_loop3A_700 = arith.cmpi slt, %parallel_loop3A_697, %parallel_loop3A_699 : vector<16xi32>
        %parallel_loop3A_701 = arith.constant 16 : i32
        %parallel_loop3A_702 = vector.broadcast %parallel_loop3A_701 : i32 to vector<16xi32>
        %parallel_loop3A_703 = arith.addi %parallel_loop3A_697, %parallel_loop3A_702 : vector<16xi32>
        %parallel_loop3A_704 = arith.select %parallel_loop3A_700, %parallel_loop3A_703, %parallel_loop3A_697 : vector<16xi1>, vector<16xi32>
        %parallel_loop3A_705 = vector.shape_cast %parallel_loop3A_704 : vector<16xi32> to vector<16x1xi32>
        %parallel_loop3A_706 = vector.shape_cast %parallel_loop3A_705 : vector<16x1xi32> to vector<16xi32>
        %parallel_loop3A_707 = tpu.dynamic_gather %parallel_loop3A_694[%parallel_loop3A_706] in [0] : vector<16xf32>, vector<16xi32> -> vector<16xf32>
        %parallel_loop3A_708 = arith.addf %parallel_loop3A_694, %parallel_loop3A_707 : vector<16xf32>
        %parallel_loop3A_709 = arith.constant 1 : i32
        %parallel_loop3A_710 = vector.broadcast %parallel_loop3A_709 : i32 to vector<16xi32>
        %parallel_loop3A_711 = arith.xori %parallel_loop3A_666, %parallel_loop3A_710 : vector<16xi32>
        %parallel_loop3A_712 = arith.constant 0 : i32
        %parallel_loop3A_713 = vector.broadcast %parallel_loop3A_712 : i32 to vector<16xi32>
        %parallel_loop3A_714 = arith.cmpi slt, %parallel_loop3A_711, %parallel_loop3A_713 : vector<16xi32>
        %parallel_loop3A_715 = arith.constant 16 : i32
        %parallel_loop3A_716 = vector.broadcast %parallel_loop3A_715 : i32 to vector<16xi32>
        %parallel_loop3A_717 = arith.addi %parallel_loop3A_711, %parallel_loop3A_716 : vector<16xi32>
        %parallel_loop3A_718 = arith.select %parallel_loop3A_714, %parallel_loop3A_717, %parallel_loop3A_711 : vector<16xi1>, vector<16xi32>
        %parallel_loop3A_719 = vector.shape_cast %parallel_loop3A_718 : vector<16xi32> to vector<16x1xi32>
        %parallel_loop3A_720 = vector.shape_cast %parallel_loop3A_719 : vector<16x1xi32> to vector<16xi32>
        %parallel_loop3A_721 = tpu.dynamic_gather %parallel_loop3A_708[%parallel_loop3A_720] in [0] : vector<16xf32>, vector<16xi32> -> vector<16xf32>
        %parallel_loop3A_722 = arith.addf %parallel_loop3A_708, %parallel_loop3A_721 : vector<16xf32>
        %parallel_loop3A_723 = arith.constant 3.906250e-03 : f32
        %parallel_loop3A_724 = vector.broadcast %parallel_loop3A_723 : f32 to vector<16xf32>
        %parallel_loop3A_725 = arith.mulf %parallel_loop3A_722, %parallel_loop3A_724 : vector<16xf32>
        %parallel_loop3A_726 = tpu.iota {dimensions = array<i32: 0>} : vector<16xi32>
        %parallel_loop3A_727 = arith.constant 8 : i32
        %parallel_loop3A_728 = vector.broadcast %parallel_loop3A_727 : i32 to vector<16xi32>
        %parallel_loop3A_729 = arith.xori %parallel_loop3A_726, %parallel_loop3A_728 : vector<16xi32>
        %parallel_loop3A_730 = arith.constant 0 : i32
        %parallel_loop3A_731 = vector.broadcast %parallel_loop3A_730 : i32 to vector<16xi32>
        %parallel_loop3A_732 = arith.cmpi slt, %parallel_loop3A_729, %parallel_loop3A_731 : vector<16xi32>
        %parallel_loop3A_733 = arith.constant 16 : i32
        %parallel_loop3A_734 = vector.broadcast %parallel_loop3A_733 : i32 to vector<16xi32>
        %parallel_loop3A_735 = arith.addi %parallel_loop3A_729, %parallel_loop3A_734 : vector<16xi32>
        %parallel_loop3A_736 = arith.select %parallel_loop3A_732, %parallel_loop3A_735, %parallel_loop3A_729 : vector<16xi1>, vector<16xi32>
        %parallel_loop3A_737 = vector.shape_cast %parallel_loop3A_736 : vector<16xi32> to vector<16x1xi32>
        %parallel_loop3A_738 = vector.shape_cast %parallel_loop3A_737 : vector<16x1xi32> to vector<16xi32>
        %parallel_loop3A_739 = tpu.dynamic_gather %parallel_loop3A_665[%parallel_loop3A_738] in [0] : vector<16xf32>, vector<16xi32> -> vector<16xf32>
        %parallel_loop3A_740 = arith.addf %parallel_loop3A_665, %parallel_loop3A_739 : vector<16xf32>
        %parallel_loop3A_741 = arith.constant 4 : i32
        %parallel_loop3A_742 = vector.broadcast %parallel_loop3A_741 : i32 to vector<16xi32>
        %parallel_loop3A_743 = arith.xori %parallel_loop3A_726, %parallel_loop3A_742 : vector<16xi32>
        %parallel_loop3A_744 = arith.constant 0 : i32
        %parallel_loop3A_745 = vector.broadcast %parallel_loop3A_744 : i32 to vector<16xi32>
        %parallel_loop3A_746 = arith.cmpi slt, %parallel_loop3A_743, %parallel_loop3A_745 : vector<16xi32>
        %parallel_loop3A_747 = arith.constant 16 : i32
        %parallel_loop3A_748 = vector.broadcast %parallel_loop3A_747 : i32 to vector<16xi32>
        %parallel_loop3A_749 = arith.addi %parallel_loop3A_743, %parallel_loop3A_748 : vector<16xi32>
        %parallel_loop3A_750 = arith.select %parallel_loop3A_746, %parallel_loop3A_749, %parallel_loop3A_743 : vector<16xi1>, vector<16xi32>
        %parallel_loop3A_751 = vector.shape_cast %parallel_loop3A_750 : vector<16xi32> to vector<16x1xi32>
        %parallel_loop3A_752 = vector.shape_cast %parallel_loop3A_751 : vector<16x1xi32> to vector<16xi32>
        %parallel_loop3A_753 = tpu.dynamic_gather %parallel_loop3A_740[%parallel_loop3A_752] in [0] : vector<16xf32>, vector<16xi32> -> vector<16xf32>
        %parallel_loop3A_754 = arith.addf %parallel_loop3A_740, %parallel_loop3A_753 : vector<16xf32>
        %parallel_loop3A_755 = arith.constant 2 : i32
        %parallel_loop3A_756 = vector.broadcast %parallel_loop3A_755 : i32 to vector<16xi32>
        %parallel_loop3A_757 = arith.xori %parallel_loop3A_726, %parallel_loop3A_756 : vector<16xi32>
        %parallel_loop3A_758 = arith.constant 0 : i32
        %parallel_loop3A_759 = vector.broadcast %parallel_loop3A_758 : i32 to vector<16xi32>
        %parallel_loop3A_760 = arith.cmpi slt, %parallel_loop3A_757, %parallel_loop3A_759 : vector<16xi32>
        %parallel_loop3A_761 = arith.constant 16 : i32
        %parallel_loop3A_762 = vector.broadcast %parallel_loop3A_761 : i32 to vector<16xi32>
        %parallel_loop3A_763 = arith.addi %parallel_loop3A_757, %parallel_loop3A_762 : vector<16xi32>
        %parallel_loop3A_764 = arith.select %parallel_loop3A_760, %parallel_loop3A_763, %parallel_loop3A_757 : vector<16xi1>, vector<16xi32>
        %parallel_loop3A_765 = vector.shape_cast %parallel_loop3A_764 : vector<16xi32> to vector<16x1xi32>
        %parallel_loop3A_766 = vector.shape_cast %parallel_loop3A_765 : vector<16x1xi32> to vector<16xi32>
        %parallel_loop3A_767 = tpu.dynamic_gather %parallel_loop3A_754[%parallel_loop3A_766] in [0] : vector<16xf32>, vector<16xi32> -> vector<16xf32>
        %parallel_loop3A_768 = arith.addf %parallel_loop3A_754, %parallel_loop3A_767 : vector<16xf32>
        %parallel_loop3A_769 = arith.constant 1 : i32
        %parallel_loop3A_770 = vector.broadcast %parallel_loop3A_769 : i32 to vector<16xi32>
        %parallel_loop3A_771 = arith.xori %parallel_loop3A_726, %parallel_loop3A_770 : vector<16xi32>
        %parallel_loop3A_772 = arith.constant 0 : i32
        %parallel_loop3A_773 = vector.broadcast %parallel_loop3A_772 : i32 to vector<16xi32>
        %parallel_loop3A_774 = arith.cmpi slt, %parallel_loop3A_771, %parallel_loop3A_773 : vector<16xi32>
        %parallel_loop3A_775 = arith.constant 16 : i32
        %parallel_loop3A_776 = vector.broadcast %parallel_loop3A_775 : i32 to vector<16xi32>
        %parallel_loop3A_777 = arith.addi %parallel_loop3A_771, %parallel_loop3A_776 : vector<16xi32>
        %parallel_loop3A_778 = arith.select %parallel_loop3A_774, %parallel_loop3A_777, %parallel_loop3A_771 : vector<16xi1>, vector<16xi32>
        %parallel_loop3A_779 = vector.shape_cast %parallel_loop3A_778 : vector<16xi32> to vector<16x1xi32>
        %parallel_loop3A_780 = vector.shape_cast %parallel_loop3A_779 : vector<16x1xi32> to vector<16xi32>
        %parallel_loop3A_781 = tpu.dynamic_gather %parallel_loop3A_768[%parallel_loop3A_780] in [0] : vector<16xf32>, vector<16xi32> -> vector<16xf32>
        %parallel_loop3A_782 = arith.addf %parallel_loop3A_768, %parallel_loop3A_781 : vector<16xf32>
        %parallel_loop3A_783 = arith.constant 3.906250e-03 : f32
        %parallel_loop3A_784 = vector.broadcast %parallel_loop3A_783 : f32 to vector<16xf32>
        %parallel_loop3A_785 = arith.mulf %parallel_loop3A_782, %parallel_loop3A_784 : vector<16xf32>
        %parallel_loop3A_786 = arith.mulf %parallel_loop3A_725, %parallel_loop3A_725 : vector<16xf32>
        %parallel_loop3A_787 = arith.subf %parallel_loop3A_785, %parallel_loop3A_786 : vector<16xf32>
        %parallel_loop3A_788 = arith.index_cast %parallel_loop3A_271 : i32 to index
        %parallel_loop3A_789 = arith.constant 0 : index
        %parallel_loop3A_790 = tpu.vector_load %arg12[%parallel_loop3A_788, %parallel_loop3A_789] {strides = array<i32>} : memref<80x16xf32, #tpu.memory_space<vmem>>, vector<1x16xf32>,
        %parallel_loop3A_791 = vector.shape_cast %parallel_loop3A_790 : vector<1x16xf32> to vector<16xf32>
        %parallel_loop3A_792 = vector.shape_cast %parallel_loop3A_725 : vector<16xf32> to vector<1x16xf32>
        tpu.vector_store %arg12[%parallel_loop3A_788, %parallel_loop3A_789], %parallel_loop3A_792 {strides = array<i32>} : memref<80x16xf32, #tpu.memory_space<vmem>>, vector<1x16xf32>,
        %parallel_loop3A_793 = arith.constant 9.99999974E-6 : f32
        %parallel_loop3A_794 = vector.broadcast %parallel_loop3A_793 : f32 to vector<16xf32>
        %parallel_loop3A_795 = arith.addf %parallel_loop3A_787, %parallel_loop3A_794 : vector<16xf32>
        %parallel_loop3A_796 = tpu.bitcast %parallel_loop3A_795 : vector<16xf32> -> vector<16xi32>
        %parallel_loop3A_797 = arith.constant 1 : i32
        %parallel_loop3A_798 = vector.broadcast %parallel_loop3A_797 : i32 to vector<16xi32>
        %parallel_loop3A_799 = arith.shrsi %parallel_loop3A_796, %parallel_loop3A_798 : vector<16xi32>
        %parallel_loop3A_800 = arith.constant 1597463007 : i32
        %parallel_loop3A_801 = vector.broadcast %parallel_loop3A_800 : i32 to vector<16xi32>
        %parallel_loop3A_802 = arith.subi %parallel_loop3A_801, %parallel_loop3A_799 : vector<16xi32>
        %parallel_loop3A_803 = tpu.bitcast %parallel_loop3A_802 : vector<16xi32> -> vector<16xf32>
        %parallel_loop3A_804 = arith.constant 5.000000e-01 : f32
        %parallel_loop3A_805 = vector.broadcast %parallel_loop3A_804 : f32 to vector<16xf32>
        %parallel_loop3A_806 = arith.mulf %parallel_loop3A_805, %parallel_loop3A_795 : vector<16xf32>
        %parallel_loop3A_807 = arith.mulf %parallel_loop3A_806, %parallel_loop3A_803 : vector<16xf32>
        %parallel_loop3A_808 = arith.mulf %parallel_loop3A_807, %parallel_loop3A_803 : vector<16xf32>
        %parallel_loop3A_809 = arith.constant 1.500000e+00 : f32
        %parallel_loop3A_810 = vector.broadcast %parallel_loop3A_809 : f32 to vector<16xf32>
        %parallel_loop3A_811 = arith.subf %parallel_loop3A_810, %parallel_loop3A_808 : vector<16xf32>
        %parallel_loop3A_812 = arith.mulf %parallel_loop3A_803, %parallel_loop3A_811 : vector<16xf32>
        %parallel_loop3A_813 = arith.constant 5.000000e-01 : f32
        %parallel_loop3A_814 = vector.broadcast %parallel_loop3A_813 : f32 to vector<16xf32>
        %parallel_loop3A_815 = arith.mulf %parallel_loop3A_814, %parallel_loop3A_795 : vector<16xf32>
        %parallel_loop3A_816 = arith.mulf %parallel_loop3A_815, %parallel_loop3A_812 : vector<16xf32>
        %parallel_loop3A_817 = arith.mulf %parallel_loop3A_816, %parallel_loop3A_812 : vector<16xf32>
        %parallel_loop3A_818 = arith.constant 1.500000e+00 : f32
        %parallel_loop3A_819 = vector.broadcast %parallel_loop3A_818 : f32 to vector<16xf32>
        %parallel_loop3A_820 = arith.subf %parallel_loop3A_819, %parallel_loop3A_817 : vector<16xf32>
        %parallel_loop3A_821 = arith.mulf %parallel_loop3A_812, %parallel_loop3A_820 : vector<16xf32>
        %parallel_loop3A_822 = arith.constant 5.000000e-01 : f32
        %parallel_loop3A_823 = vector.broadcast %parallel_loop3A_822 : f32 to vector<16xf32>
        %parallel_loop3A_824 = arith.mulf %parallel_loop3A_823, %parallel_loop3A_795 : vector<16xf32>
        %parallel_loop3A_825 = arith.mulf %parallel_loop3A_824, %parallel_loop3A_821 : vector<16xf32>
        %parallel_loop3A_826 = arith.mulf %parallel_loop3A_825, %parallel_loop3A_821 : vector<16xf32>
        %parallel_loop3A_827 = arith.constant 1.500000e+00 : f32
        %parallel_loop3A_828 = vector.broadcast %parallel_loop3A_827 : f32 to vector<16xf32>
        %parallel_loop3A_829 = arith.subf %parallel_loop3A_828, %parallel_loop3A_826 : vector<16xf32>
        %parallel_loop3A_830 = arith.mulf %parallel_loop3A_821, %parallel_loop3A_829 : vector<16xf32>
        %parallel_loop3A_831 = arith.index_cast %parallel_loop3A_271 : i32 to index
        %parallel_loop3A_832 = arith.constant 0 : index
        %parallel_loop3A_833 = tpu.vector_load %arg13[%parallel_loop3A_831, %parallel_loop3A_832] {strides = array<i32>} : memref<80x16xf32, #tpu.memory_space<vmem>>, vector<1x16xf32>,
        %parallel_loop3A_834 = vector.shape_cast %parallel_loop3A_833 : vector<1x16xf32> to vector<16xf32>
        %parallel_loop3A_835 = vector.shape_cast %parallel_loop3A_830 : vector<16xf32> to vector<1x16xf32>
        tpu.vector_store %arg13[%parallel_loop3A_831, %parallel_loop3A_832], %parallel_loop3A_835 {strides = array<i32>} : memref<80x16xf32, #tpu.memory_space<vmem>>, vector<1x16xf32>,
      } {sc.loop_unroll_factor = 2 : i64, sc.parallel_access}
      %gt3A = arith.constant 0 : i32
      %gt3A_32 = arith.cmpi sgt, %scan3A_19, %gt3A : i32
      %convert_element_type3A = arith.extui %gt3A_32 : i1 to i32
      %cond3A = arith.constant 0 : i32
      %cond3A_33 = arith.cmpi ne, %convert_element_type3A, %cond3A : i32
      scf.if %cond3A_33 {
        %sub3A = arith.constant 1 : i32
        %sub3A_271 = arith.subi %mul3A_21, %sub3A : i32
        %mul3A_272 = arith.constant 80 : i32
        %mul3A_273 = arith.muli %sub3A_271, %mul3A_272 : i32
        %add3A_274 = arith.addi %mul3A_2, %mul3A_273 : i32
        %dma_wait3A_275 = arith.constant 0 : i32
        %dma_wait3A_276 = tpu.memref_slice %arg7[%add3A_274, %dma_wait3A_275] : memref<204800x256xf32, #tpu.memory_space<hbm>> -> memref<80x256xf32, #tpu.memory_space<hbm>>
        %dma_wait3A_277 = arith.constant 0 : i32
        %dma_wait3A_278 = tpu.memref_slice %arg7[%add3A_274, %dma_wait3A_277] : memref<204800x256xf32, #tpu.memory_space<hbm>> -> memref<80x256xf32, #tpu.memory_space<hbm>>
        tpu.wait_dma2 semaphore(%arg19 : memref<!tpu.dma_semaphore, #tpu.memory_space<semaphore_mem>>) src(%arg15 : memref<80x256xf32, #tpu.memory_space<vmem>>) dst(%dma_wait3A_278 : memref<80x256xf32, #tpu.memory_space<hbm>>)
      } else {
      }
      %dma_start3A_34 = arith.constant 0 : i32
      %dma_start3A_35 = tpu.memref_slice %arg8[%add3A_23, %dma_start3A_34] : memref<80x80xi32, #tpu.memory_space<vmem>> -> memref<1x80xi32, #tpu.memory_space<vmem>>
      %dma_start3A_36 = tpu.memref_squeeze %dma_start3A_35 : memref<1x80xi32, #tpu.memory_space<vmem>> -> memref<80xi32, #tpu.memory_space<vmem>>
      %dma_start3A_37 = arith.constant 0 : i32
      %dma_start3A_38 = arith.constant 0 : i32
      %dma_start3A_39 = tpu.memref_slice %arg3[%dma_start3A_37, %dma_start3A_38] : memref<50257x256xf32, #tpu.memory_space<hbm>> -> memref<50257x256xf32, #tpu.memory_space<hbm>>
      tpu.enqueue_indirect_dma source(%dma_start3A_39 : memref<50257x256xf32, #tpu.memory_space<hbm>>) target(%arg15 : memref<80x256xf32, #tpu.memory_space<vmem>>) offsets(%dma_start3A_36 : memref<80xi32, #tpu.memory_space<vmem>>) semaphore(%arg17 : memref<!tpu.dma_semaphore, #tpu.memory_space<semaphore_mem>>)
      %get3A = arith.constant 0 : index
      %get3A_40 = tpu.vector_load %arg10[%get3A] {strides = array<i32>} : memref<256xf32, #tpu.memory_space<vmem>>, vector<16xf32>,
      %get3A_41 = vector.shape_cast %get3A_40 : vector<16xf32> to vector<16xf32>
      %get3A_42 = arith.constant 16 : index
      %get3A_43 = tpu.vector_load %arg10[%get3A_42] {strides = array<i32>} : memref<256xf32, #tpu.memory_space<vmem>>, vector<16xf32>,
      %get3A_44 = vector.shape_cast %get3A_43 : vector<16xf32> to vector<16xf32>
      %get3A_45 = arith.constant 32 : index
      %get3A_46 = tpu.vector_load %arg10[%get3A_45] {strides = array<i32>} : memref<256xf32, #tpu.memory_space<vmem>>, vector<16xf32>,
      %get3A_47 = vector.shape_cast %get3A_46 : vector<16xf32> to vector<16xf32>
      %get3A_48 = arith.constant 48 : index
      %get3A_49 = tpu.vector_load %arg10[%get3A_48] {strides = array<i32>} : memref<256xf32, #tpu.memory_space<vmem>>, vector<16xf32>,
      %get3A_50 = vector.shape_cast %get3A_49 : vector<16xf32> to vector<16xf32>
      %get3A_51 = arith.constant 64 : index
      %get3A_52 = tpu.vector_load %arg10[%get3A_51] {strides = array<i32>} : memref<256xf32, #tpu.memory_space<vmem>>, vector<16xf32>,
      %get3A_53 = vector.shape_cast %get3A_52 : vector<16xf32> to vector<16xf32>
      %get3A_54 = arith.constant 80 : index
      %get3A_55 = tpu.vector_load %arg10[%get3A_54] {strides = array<i32>} : memref<256xf32, #tpu.memory_space<vmem>>, vector<16xf32>,
      %get3A_56 = vector.shape_cast %get3A_55 : vector<16xf32> to vector<16xf32>
      %get3A_57 = arith.constant 96 : index
      %get3A_58 = tpu.vector_load %arg10[%get3A_57] {strides = array<i32>} : memref<256xf32, #tpu.memory_space<vmem>>, vector<16xf32>,
      %get3A_59 = vector.shape_cast %get3A_58 : vector<16xf32> to vector<16xf32>
      %get3A_60 = arith.constant 112 : index
      %get3A_61 = tpu.vector_load %arg10[%get3A_60] {strides = array<i32>} : memref<256xf32, #tpu.memory_space<vmem>>, vector<16xf32>,
      %get3A_62 = vector.shape_cast %get3A_61 : vector<16xf32> to vector<16xf32>
      %get3A_63 = arith.constant 128 : index
      %get3A_64 = tpu.vector_load %arg10[%get3A_63] {strides = array<i32>} : memref<256xf32, #tpu.memory_space<vmem>>, vector<16xf32>,
      %get3A_65 = vector.shape_cast %get3A_64 : vector<16xf32> to vector<16xf32>
      %get3A_66 = arith.constant 144 : index
      %get3A_67 = tpu.vector_load %arg10[%get3A_66] {strides = array<i32>} : memref<256xf32, #tpu.memory_space<vmem>>, vector<16xf32>,
      %get3A_68 = vector.shape_cast %get3A_67 : vector<16xf32> to vector<16xf32>
      %get3A_69 = arith.constant 160 : index
      %get3A_70 = tpu.vector_load %arg10[%get3A_69] {strides = array<i32>} : memref<256xf32, #tpu.memory_space<vmem>>, vector<16xf32>,
      %get3A_71 = vector.shape_cast %get3A_70 : vector<16xf32> to vector<16xf32>
      %get3A_72 = arith.constant 176 : index
      %get3A_73 = tpu.vector_load %arg10[%get3A_72] {strides = array<i32>} : memref<256xf32, #tpu.memory_space<vmem>>, vector<16xf32>,
      %get3A_74 = vector.shape_cast %get3A_73 : vector<16xf32> to vector<16xf32>
      %get3A_75 = arith.constant 192 : index
      %get3A_76 = tpu.vector_load %arg10[%get3A_75] {strides = array<i32>} : memref<256xf32, #tpu.memory_space<vmem>>, vector<16xf32>,
      %get3A_77 = vector.shape_cast %get3A_76 : vector<16xf32> to vector<16xf32>
      %get3A_78 = arith.constant 208 : index
      %get3A_79 = tpu.vector_load %arg10[%get3A_78] {strides = array<i32>} : memref<256xf32, #tpu.memory_space<vmem>>, vector<16xf32>,
      %get3A_80 = vector.shape_cast %get3A_79 : vector<16xf32> to vector<16xf32>
      %get3A_81 = arith.constant 224 : index
      %get3A_82 = tpu.vector_load %arg10[%get3A_81] {strides = array<i32>} : memref<256xf32, #tpu.memory_space<vmem>>, vector<16xf32>,
      %get3A_83 = vector.shape_cast %get3A_82 : vector<16xf32> to vector<16xf32>
      %get3A_84 = arith.constant 240 : index
      %get3A_85 = tpu.vector_load %arg10[%get3A_84] {strides = array<i32>} : memref<256xf32, #tpu.memory_space<vmem>>, vector<16xf32>,
      %get3A_86 = vector.shape_cast %get3A_85 : vector<16xf32> to vector<16xf32>
      %get3A_87 = arith.constant 0 : index
      %get3A_88 = tpu.vector_load %arg11[%get3A_87] {strides = array<i32>} : memref<256xf32, #tpu.memory_space<vmem>>, vector<16xf32>,
      %get3A_89 = vector.shape_cast %get3A_88 : vector<16xf32> to vector<16xf32>
      %get3A_90 = arith.constant 16 : index
      %get3A_91 = tpu.vector_load %arg11[%get3A_90] {strides = array<i32>} : memref<256xf32, #tpu.memory_space<vmem>>, vector<16xf32>,
      %get3A_92 = vector.shape_cast %get3A_91 : vector<16xf32> to vector<16xf32>
      %get3A_93 = arith.constant 32 : index
      %get3A_94 = tpu.vector_load %arg11[%get3A_93] {strides = array<i32>} : memref<256xf32, #tpu.memory_space<vmem>>, vector<16xf32>,
      %get3A_95 = vector.shape_cast %get3A_94 : vector<16xf32> to vector<16xf32>
      %get3A_96 = arith.constant 48 : index
      %get3A_97 = tpu.vector_load %arg11[%get3A_96] {strides = array<i32>} : memref<256xf32, #tpu.memory_space<vmem>>, vector<16xf32>,
      %get3A_98 = vector.shape_cast %get3A_97 : vector<16xf32> to vector<16xf32>
      %get3A_99 = arith.constant 64 : index
      %get3A_100 = tpu.vector_load %arg11[%get3A_99] {strides = array<i32>} : memref<256xf32, #tpu.memory_space<vmem>>, vector<16xf32>,
      %get3A_101 = vector.shape_cast %get3A_100 : vector<16xf32> to vector<16xf32>
      %get3A_102 = arith.constant 80 : index
      %get3A_103 = tpu.vector_load %arg11[%get3A_102] {strides = array<i32>} : memref<256xf32, #tpu.memory_space<vmem>>, vector<16xf32>,
      %get3A_104 = vector.shape_cast %get3A_103 : vector<16xf32> to vector<16xf32>
      %get3A_105 = arith.constant 96 : index
      %get3A_106 = tpu.vector_load %arg11[%get3A_105] {strides = array<i32>} : memref<256xf32, #tpu.memory_space<vmem>>, vector<16xf32>,
      %get3A_107 = vector.shape_cast %get3A_106 : vector<16xf32> to vector<16xf32>
      %get3A_108 = arith.constant 112 : index
      %get3A_109 = tpu.vector_load %arg11[%get3A_108] {strides = array<i32>} : memref<256xf32, #tpu.memory_space<vmem>>, vector<16xf32>,
      %get3A_110 = vector.shape_cast %get3A_109 : vector<16xf32> to vector<16xf32>
      %get3A_111 = arith.constant 128 : index
      %get3A_112 = tpu.vector_load %arg11[%get3A_111] {strides = array<i32>} : memref<256xf32, #tpu.memory_space<vmem>>, vector<16xf32>,
      %get3A_113 = vector.shape_cast %get3A_112 : vector<16xf32> to vector<16xf32>
      %get3A_114 = arith.constant 144 : index
      %get3A_115 = tpu.vector_load %arg11[%get3A_114] {strides = array<i32>} : memref<256xf32, #tpu.memory_space<vmem>>, vector<16xf32>,
      %get3A_116 = vector.shape_cast %get3A_115 : vector<16xf32> to vector<16xf32>
      %get3A_117 = arith.constant 160 : index
      %get3A_118 = tpu.vector_load %arg11[%get3A_117] {strides = array<i32>} : memref<256xf32, #tpu.memory_space<vmem>>, vector<16xf32>,
      %get3A_119 = vector.shape_cast %get3A_118 : vector<16xf32> to vector<16xf32>
      %get3A_120 = arith.constant 176 : index
      %get3A_121 = tpu.vector_load %arg11[%get3A_120] {strides = array<i32>} : memref<256xf32, #tpu.memory_space<vmem>>, vector<16xf32>,
      %get3A_122 = vector.shape_cast %get3A_121 : vector<16xf32> to vector<16xf32>
      %get3A_123 = arith.constant 192 : index
      %get3A_124 = tpu.vector_load %arg11[%get3A_123] {strides = array<i32>} : memref<256xf32, #tpu.memory_space<vmem>>, vector<16xf32>,
      %get3A_125 = vector.shape_cast %get3A_124 : vector<16xf32> to vector<16xf32>
      %get3A_126 = arith.constant 208 : index
      %get3A_127 = tpu.vector_load %arg11[%get3A_126] {strides = array<i32>} : memref<256xf32, #tpu.memory_space<vmem>>, vector<16xf32>,
      %get3A_128 = vector.shape_cast %get3A_127 : vector<16xf32> to vector<16xf32>
      %get3A_129 = arith.constant 224 : index
      %get3A_130 = tpu.vector_load %arg11[%get3A_129] {strides = array<i32>} : memref<256xf32, #tpu.memory_space<vmem>>, vector<16xf32>,
      %get3A_131 = vector.shape_cast %get3A_130 : vector<16xf32> to vector<16xf32>
      %get3A_132 = arith.constant 240 : index
      %get3A_133 = tpu.vector_load %arg11[%get3A_132] {strides = array<i32>} : memref<256xf32, #tpu.memory_space<vmem>>, vector<16xf32>,
      %get3A_134 = vector.shape_cast %get3A_133 : vector<16xf32> to vector<16xf32>
      %parallel_loop3A_135 = arith.constant 0 : i32
      %parallel_loop3A_136 = arith.constant 80 : i32
      %parallel_loop3A_137 = arith.constant 1 : i32
      scf.for %parallel_loop3A_271 = %parallel_loop3A_135 to %parallel_loop3A_136 step %parallel_loop3A_137  : i32 {
        %parallel_loop3A_272 = arith.index_cast %parallel_loop3A_271 : i32 to index
        %parallel_loop3A_273 = arith.constant 0 : index
        %parallel_loop3A_274 = tpu.vector_load %arg12[%parallel_loop3A_272, %parallel_loop3A_273] {strides = array<i32>} : memref<80x16xf32, #tpu.memory_space<vmem>>, vector<1x16xf32>,
        %parallel_loop3A_275 = vector.shape_cast %parallel_loop3A_274 : vector<1x16xf32> to vector<16xf32>
        %parallel_loop3A_276 = arith.index_cast %parallel_loop3A_271 : i32 to index
        %parallel_loop3A_277 = arith.constant 0 : index
        %parallel_loop3A_278 = tpu.vector_load %arg13[%parallel_loop3A_276, %parallel_loop3A_277] {strides = array<i32>} : memref<80x16xf32, #tpu.memory_space<vmem>>, vector<1x16xf32>,
        %parallel_loop3A_279 = vector.shape_cast %parallel_loop3A_278 : vector<1x16xf32> to vector<16xf32>
        %parallel_loop3A_280 = arith.index_cast %parallel_loop3A_271 : i32 to index
        %parallel_loop3A_281 = arith.constant 0 : index
        %parallel_loop3A_282 = tpu.vector_load %arg14[%parallel_loop3A_280, %parallel_loop3A_281] {strides = array<i32>} : memref<80x256xf32, #tpu.memory_space<vmem>>, vector<1x16xf32>,
        %parallel_loop3A_283 = vector.shape_cast %parallel_loop3A_282 : vector<1x16xf32> to vector<16xf32>
        %parallel_loop3A_284 = arith.subf %parallel_loop3A_283, %parallel_loop3A_275 : vector<16xf32>
        %parallel_loop3A_285 = arith.mulf %parallel_loop3A_284, %parallel_loop3A_279 : vector<16xf32>
        %parallel_loop3A_286 = arith.mulf %parallel_loop3A_285, %get3A_41 : vector<16xf32>
        %parallel_loop3A_287 = arith.addf %parallel_loop3A_286, %get3A_89 : vector<16xf32>
        %parallel_loop3A_288 = arith.index_cast %parallel_loop3A_271 : i32 to index
        %parallel_loop3A_289 = arith.constant 0 : index
        %parallel_loop3A_290 = tpu.vector_load %arg14[%parallel_loop3A_288, %parallel_loop3A_289] {strides = array<i32>} : memref<80x256xf32, #tpu.memory_space<vmem>>, vector<1x16xf32>,
        %parallel_loop3A_291 = vector.shape_cast %parallel_loop3A_290 : vector<1x16xf32> to vector<16xf32>
        %parallel_loop3A_292 = vector.shape_cast %parallel_loop3A_287 : vector<16xf32> to vector<1x16xf32>
        tpu.vector_store %arg14[%parallel_loop3A_288, %parallel_loop3A_289], %parallel_loop3A_292 {strides = array<i32>} : memref<80x256xf32, #tpu.memory_space<vmem>>, vector<1x16xf32>,
        %parallel_loop3A_293 = arith.index_cast %parallel_loop3A_271 : i32 to index
        %parallel_loop3A_294 = arith.constant 16 : index
        %parallel_loop3A_295 = tpu.vector_load %arg14[%parallel_loop3A_293, %parallel_loop3A_294] {strides = array<i32>} : memref<80x256xf32, #tpu.memory_space<vmem>>, vector<1x16xf32>,
        %parallel_loop3A_296 = vector.shape_cast %parallel_loop3A_295 : vector<1x16xf32> to vector<16xf32>
        %parallel_loop3A_297 = arith.subf %parallel_loop3A_296, %parallel_loop3A_275 : vector<16xf32>
        %parallel_loop3A_298 = arith.mulf %parallel_loop3A_297, %parallel_loop3A_279 : vector<16xf32>
        %parallel_loop3A_299 = arith.mulf %parallel_loop3A_298, %get3A_44 : vector<16xf32>
        %parallel_loop3A_300 = arith.addf %parallel_loop3A_299, %get3A_92 : vector<16xf32>
        %parallel_loop3A_301 = arith.index_cast %parallel_loop3A_271 : i32 to index
        %parallel_loop3A_302 = arith.constant 16 : index
        %parallel_loop3A_303 = tpu.vector_load %arg14[%parallel_loop3A_301, %parallel_loop3A_302] {strides = array<i32>} : memref<80x256xf32, #tpu.memory_space<vmem>>, vector<1x16xf32>,
        %parallel_loop3A_304 = vector.shape_cast %parallel_loop3A_303 : vector<1x16xf32> to vector<16xf32>
        %parallel_loop3A_305 = vector.shape_cast %parallel_loop3A_300 : vector<16xf32> to vector<1x16xf32>
        tpu.vector_store %arg14[%parallel_loop3A_301, %parallel_loop3A_302], %parallel_loop3A_305 {strides = array<i32>} : memref<80x256xf32, #tpu.memory_space<vmem>>, vector<1x16xf32>,
        %parallel_loop3A_306 = arith.index_cast %parallel_loop3A_271 : i32 to index
        %parallel_loop3A_307 = arith.constant 32 : index
        %parallel_loop3A_308 = tpu.vector_load %arg14[%parallel_loop3A_306, %parallel_loop3A_307] {strides = array<i32>} : memref<80x256xf32, #tpu.memory_space<vmem>>, vector<1x16xf32>,
        %parallel_loop3A_309 = vector.shape_cast %parallel_loop3A_308 : vector<1x16xf32> to vector<16xf32>
        %parallel_loop3A_310 = arith.subf %parallel_loop3A_309, %parallel_loop3A_275 : vector<16xf32>
        %parallel_loop3A_311 = arith.mulf %parallel_loop3A_310, %parallel_loop3A_279 : vector<16xf32>
        %parallel_loop3A_312 = arith.mulf %parallel_loop3A_311, %get3A_47 : vector<16xf32>
        %parallel_loop3A_313 = arith.addf %parallel_loop3A_312, %get3A_95 : vector<16xf32>
        %parallel_loop3A_314 = arith.index_cast %parallel_loop3A_271 : i32 to index
        %parallel_loop3A_315 = arith.constant 32 : index
        %parallel_loop3A_316 = tpu.vector_load %arg14[%parallel_loop3A_314, %parallel_loop3A_315] {strides = array<i32>} : memref<80x256xf32, #tpu.memory_space<vmem>>, vector<1x16xf32>,
        %parallel_loop3A_317 = vector.shape_cast %parallel_loop3A_316 : vector<1x16xf32> to vector<16xf32>
        %parallel_loop3A_318 = vector.shape_cast %parallel_loop3A_313 : vector<16xf32> to vector<1x16xf32>
        tpu.vector_store %arg14[%parallel_loop3A_314, %parallel_loop3A_315], %parallel_loop3A_318 {strides = array<i32>} : memref<80x256xf32, #tpu.memory_space<vmem>>, vector<1x16xf32>,
        %parallel_loop3A_319 = arith.index_cast %parallel_loop3A_271 : i32 to index
        %parallel_loop3A_320 = arith.constant 48 : index
        %parallel_loop3A_321 = tpu.vector_load %arg14[%parallel_loop3A_319, %parallel_loop3A_320] {strides = array<i32>} : memref<80x256xf32, #tpu.memory_space<vmem>>, vector<1x16xf32>,
        %parallel_loop3A_322 = vector.shape_cast %parallel_loop3A_321 : vector<1x16xf32> to vector<16xf32>
        %parallel_loop3A_323 = arith.subf %parallel_loop3A_322, %parallel_loop3A_275 : vector<16xf32>
        %parallel_loop3A_324 = arith.mulf %parallel_loop3A_323, %parallel_loop3A_279 : vector<16xf32>
        %parallel_loop3A_325 = arith.mulf %parallel_loop3A_324, %get3A_50 : vector<16xf32>
        %parallel_loop3A_326 = arith.addf %parallel_loop3A_325, %get3A_98 : vector<16xf32>
        %parallel_loop3A_327 = arith.index_cast %parallel_loop3A_271 : i32 to index
        %parallel_loop3A_328 = arith.constant 48 : index
        %parallel_loop3A_329 = tpu.vector_load %arg14[%parallel_loop3A_327, %parallel_loop3A_328] {strides = array<i32>} : memref<80x256xf32, #tpu.memory_space<vmem>>, vector<1x16xf32>,
        %parallel_loop3A_330 = vector.shape_cast %parallel_loop3A_329 : vector<1x16xf32> to vector<16xf32>
        %parallel_loop3A_331 = vector.shape_cast %parallel_loop3A_326 : vector<16xf32> to vector<1x16xf32>
        tpu.vector_store %arg14[%parallel_loop3A_327, %parallel_loop3A_328], %parallel_loop3A_331 {strides = array<i32>} : memref<80x256xf32, #tpu.memory_space<vmem>>, vector<1x16xf32>,
        %parallel_loop3A_332 = arith.index_cast %parallel_loop3A_271 : i32 to index
        %parallel_loop3A_333 = arith.constant 64 : index
        %parallel_loop3A_334 = tpu.vector_load %arg14[%parallel_loop3A_332, %parallel_loop3A_333] {strides = array<i32>} : memref<80x256xf32, #tpu.memory_space<vmem>>, vector<1x16xf32>,
        %parallel_loop3A_335 = vector.shape_cast %parallel_loop3A_334 : vector<1x16xf32> to vector<16xf32>
        %parallel_loop3A_336 = arith.subf %parallel_loop3A_335, %parallel_loop3A_275 : vector<16xf32>
        %parallel_loop3A_337 = arith.mulf %parallel_loop3A_336, %parallel_loop3A_279 : vector<16xf32>
        %parallel_loop3A_338 = arith.mulf %parallel_loop3A_337, %get3A_53 : vector<16xf32>
        %parallel_loop3A_339 = arith.addf %parallel_loop3A_338, %get3A_101 : vector<16xf32>
        %parallel_loop3A_340 = arith.index_cast %parallel_loop3A_271 : i32 to index
        %parallel_loop3A_341 = arith.constant 64 : index
        %parallel_loop3A_342 = tpu.vector_load %arg14[%parallel_loop3A_340, %parallel_loop3A_341] {strides = array<i32>} : memref<80x256xf32, #tpu.memory_space<vmem>>, vector<1x16xf32>,
        %parallel_loop3A_343 = vector.shape_cast %parallel_loop3A_342 : vector<1x16xf32> to vector<16xf32>
        %parallel_loop3A_344 = vector.shape_cast %parallel_loop3A_339 : vector<16xf32> to vector<1x16xf32>
        tpu.vector_store %arg14[%parallel_loop3A_340, %parallel_loop3A_341], %parallel_loop3A_344 {strides = array<i32>} : memref<80x256xf32, #tpu.memory_space<vmem>>, vector<1x16xf32>,
        %parallel_loop3A_345 = arith.index_cast %parallel_loop3A_271 : i32 to index
        %parallel_loop3A_346 = arith.constant 80 : index
        %parallel_loop3A_347 = tpu.vector_load %arg14[%parallel_loop3A_345, %parallel_loop3A_346] {strides = array<i32>} : memref<80x256xf32, #tpu.memory_space<vmem>>, vector<1x16xf32>,
        %parallel_loop3A_348 = vector.shape_cast %parallel_loop3A_347 : vector<1x16xf32> to vector<16xf32>
        %parallel_loop3A_349 = arith.subf %parallel_loop3A_348, %parallel_loop3A_275 : vector<16xf32>
        %parallel_loop3A_350 = arith.mulf %parallel_loop3A_349, %parallel_loop3A_279 : vector<16xf32>
        %parallel_loop3A_351 = arith.mulf %parallel_loop3A_350, %get3A_56 : vector<16xf32>
        %parallel_loop3A_352 = arith.addf %parallel_loop3A_351, %get3A_104 : vector<16xf32>
        %parallel_loop3A_353 = arith.index_cast %parallel_loop3A_271 : i32 to index
        %parallel_loop3A_354 = arith.constant 80 : index
        %parallel_loop3A_355 = tpu.vector_load %arg14[%parallel_loop3A_353, %parallel_loop3A_354] {strides = array<i32>} : memref<80x256xf32, #tpu.memory_space<vmem>>, vector<1x16xf32>,
        %parallel_loop3A_356 = vector.shape_cast %parallel_loop3A_355 : vector<1x16xf32> to vector<16xf32>
        %parallel_loop3A_357 = vector.shape_cast %parallel_loop3A_352 : vector<16xf32> to vector<1x16xf32>
        tpu.vector_store %arg14[%parallel_loop3A_353, %parallel_loop3A_354], %parallel_loop3A_357 {strides = array<i32>} : memref<80x256xf32, #tpu.memory_space<vmem>>, vector<1x16xf32>,
        %parallel_loop3A_358 = arith.index_cast %parallel_loop3A_271 : i32 to index
        %parallel_loop3A_359 = arith.constant 96 : index
        %parallel_loop3A_360 = tpu.vector_load %arg14[%parallel_loop3A_358, %parallel_loop3A_359] {strides = array<i32>} : memref<80x256xf32, #tpu.memory_space<vmem>>, vector<1x16xf32>,
        %parallel_loop3A_361 = vector.shape_cast %parallel_loop3A_360 : vector<1x16xf32> to vector<16xf32>
        %parallel_loop3A_362 = arith.subf %parallel_loop3A_361, %parallel_loop3A_275 : vector<16xf32>
        %parallel_loop3A_363 = arith.mulf %parallel_loop3A_362, %parallel_loop3A_279 : vector<16xf32>
        %parallel_loop3A_364 = arith.mulf %parallel_loop3A_363, %get3A_59 : vector<16xf32>
        %parallel_loop3A_365 = arith.addf %parallel_loop3A_364, %get3A_107 : vector<16xf32>
        %parallel_loop3A_366 = arith.index_cast %parallel_loop3A_271 : i32 to index
        %parallel_loop3A_367 = arith.constant 96 : index
        %parallel_loop3A_368 = tpu.vector_load %arg14[%parallel_loop3A_366, %parallel_loop3A_367] {strides = array<i32>} : memref<80x256xf32, #tpu.memory_space<vmem>>, vector<1x16xf32>,
        %parallel_loop3A_369 = vector.shape_cast %parallel_loop3A_368 : vector<1x16xf32> to vector<16xf32>
        %parallel_loop3A_370 = vector.shape_cast %parallel_loop3A_365 : vector<16xf32> to vector<1x16xf32>
        tpu.vector_store %arg14[%parallel_loop3A_366, %parallel_loop3A_367], %parallel_loop3A_370 {strides = array<i32>} : memref<80x256xf32, #tpu.memory_space<vmem>>, vector<1x16xf32>,
        %parallel_loop3A_371 = arith.index_cast %parallel_loop3A_271 : i32 to index
        %parallel_loop3A_372 = arith.constant 112 : index
        %parallel_loop3A_373 = tpu.vector_load %arg14[%parallel_loop3A_371, %parallel_loop3A_372] {strides = array<i32>} : memref<80x256xf32, #tpu.memory_space<vmem>>, vector<1x16xf32>,
        %parallel_loop3A_374 = vector.shape_cast %parallel_loop3A_373 : vector<1x16xf32> to vector<16xf32>
        %parallel_loop3A_375 = arith.subf %parallel_loop3A_374, %parallel_loop3A_275 : vector<16xf32>
        %parallel_loop3A_376 = arith.mulf %parallel_loop3A_375, %parallel_loop3A_279 : vector<16xf32>
        %parallel_loop3A_377 = arith.mulf %parallel_loop3A_376, %get3A_62 : vector<16xf32>
        %parallel_loop3A_378 = arith.addf %parallel_loop3A_377, %get3A_110 : vector<16xf32>
        %parallel_loop3A_379 = arith.index_cast %parallel_loop3A_271 : i32 to index
        %parallel_loop3A_380 = arith.constant 112 : index
        %parallel_loop3A_381 = tpu.vector_load %arg14[%parallel_loop3A_379, %parallel_loop3A_380] {strides = array<i32>} : memref<80x256xf32, #tpu.memory_space<vmem>>, vector<1x16xf32>,
        %parallel_loop3A_382 = vector.shape_cast %parallel_loop3A_381 : vector<1x16xf32> to vector<16xf32>
        %parallel_loop3A_383 = vector.shape_cast %parallel_loop3A_378 : vector<16xf32> to vector<1x16xf32>
        tpu.vector_store %arg14[%parallel_loop3A_379, %parallel_loop3A_380], %parallel_loop3A_383 {strides = array<i32>} : memref<80x256xf32, #tpu.memory_space<vmem>>, vector<1x16xf32>,
        %parallel_loop3A_384 = arith.index_cast %parallel_loop3A_271 : i32 to index
        %parallel_loop3A_385 = arith.constant 128 : index
        %parallel_loop3A_386 = tpu.vector_load %arg14[%parallel_loop3A_384, %parallel_loop3A_385] {strides = array<i32>} : memref<80x256xf32, #tpu.memory_space<vmem>>, vector<1x16xf32>,
        %parallel_loop3A_387 = vector.shape_cast %parallel_loop3A_386 : vector<1x16xf32> to vector<16xf32>
        %parallel_loop3A_388 = arith.subf %parallel_loop3A_387, %parallel_loop3A_275 : vector<16xf32>
        %parallel_loop3A_389 = arith.mulf %parallel_loop3A_388, %parallel_loop3A_279 : vector<16xf32>
        %parallel_loop3A_390 = arith.mulf %parallel_loop3A_389, %get3A_65 : vector<16xf32>
        %parallel_loop3A_391 = arith.addf %parallel_loop3A_390, %get3A_113 : vector<16xf32>
        %parallel_loop3A_392 = arith.index_cast %parallel_loop3A_271 : i32 to index
        %parallel_loop3A_393 = arith.constant 128 : index
        %parallel_loop3A_394 = tpu.vector_load %arg14[%parallel_loop3A_392, %parallel_loop3A_393] {strides = array<i32>} : memref<80x256xf32, #tpu.memory_space<vmem>>, vector<1x16xf32>,
        %parallel_loop3A_395 = vector.shape_cast %parallel_loop3A_394 : vector<1x16xf32> to vector<16xf32>
        %parallel_loop3A_396 = vector.shape_cast %parallel_loop3A_391 : vector<16xf32> to vector<1x16xf32>
        tpu.vector_store %arg14[%parallel_loop3A_392, %parallel_loop3A_393], %parallel_loop3A_396 {strides = array<i32>} : memref<80x256xf32, #tpu.memory_space<vmem>>, vector<1x16xf32>,
        %parallel_loop3A_397 = arith.index_cast %parallel_loop3A_271 : i32 to index
        %parallel_loop3A_398 = arith.constant 144 : index
        %parallel_loop3A_399 = tpu.vector_load %arg14[%parallel_loop3A_397, %parallel_loop3A_398] {strides = array<i32>} : memref<80x256xf32, #tpu.memory_space<vmem>>, vector<1x16xf32>,
        %parallel_loop3A_400 = vector.shape_cast %parallel_loop3A_399 : vector<1x16xf32> to vector<16xf32>
        %parallel_loop3A_401 = arith.subf %parallel_loop3A_400, %parallel_loop3A_275 : vector<16xf32>
        %parallel_loop3A_402 = arith.mulf %parallel_loop3A_401, %parallel_loop3A_279 : vector<16xf32>
        %parallel_loop3A_403 = arith.mulf %parallel_loop3A_402, %get3A_68 : vector<16xf32>
        %parallel_loop3A_404 = arith.addf %parallel_loop3A_403, %get3A_116 : vector<16xf32>
        %parallel_loop3A_405 = arith.index_cast %parallel_loop3A_271 : i32 to index
        %parallel_loop3A_406 = arith.constant 144 : index
        %parallel_loop3A_407 = tpu.vector_load %arg14[%parallel_loop3A_405, %parallel_loop3A_406] {strides = array<i32>} : memref<80x256xf32, #tpu.memory_space<vmem>>, vector<1x16xf32>,
        %parallel_loop3A_408 = vector.shape_cast %parallel_loop3A_407 : vector<1x16xf32> to vector<16xf32>
        %parallel_loop3A_409 = vector.shape_cast %parallel_loop3A_404 : vector<16xf32> to vector<1x16xf32>
        tpu.vector_store %arg14[%parallel_loop3A_405, %parallel_loop3A_406], %parallel_loop3A_409 {strides = array<i32>} : memref<80x256xf32, #tpu.memory_space<vmem>>, vector<1x16xf32>,
        %parallel_loop3A_410 = arith.index_cast %parallel_loop3A_271 : i32 to index
        %parallel_loop3A_411 = arith.constant 160 : index
        %parallel_loop3A_412 = tpu.vector_load %arg14[%parallel_loop3A_410, %parallel_loop3A_411] {strides = array<i32>} : memref<80x256xf32, #tpu.memory_space<vmem>>, vector<1x16xf32>,
        %parallel_loop3A_413 = vector.shape_cast %parallel_loop3A_412 : vector<1x16xf32> to vector<16xf32>
        %parallel_loop3A_414 = arith.subf %parallel_loop3A_413, %parallel_loop3A_275 : vector<16xf32>
        %parallel_loop3A_415 = arith.mulf %parallel_loop3A_414, %parallel_loop3A_279 : vector<16xf32>
        %parallel_loop3A_416 = arith.mulf %parallel_loop3A_415, %get3A_71 : vector<16xf32>
        %parallel_loop3A_417 = arith.addf %parallel_loop3A_416, %get3A_119 : vector<16xf32>
        %parallel_loop3A_418 = arith.index_cast %parallel_loop3A_271 : i32 to index
        %parallel_loop3A_419 = arith.constant 160 : index
        %parallel_loop3A_420 = tpu.vector_load %arg14[%parallel_loop3A_418, %parallel_loop3A_419] {strides = array<i32>} : memref<80x256xf32, #tpu.memory_space<vmem>>, vector<1x16xf32>,
        %parallel_loop3A_421 = vector.shape_cast %parallel_loop3A_420 : vector<1x16xf32> to vector<16xf32>
        %parallel_loop3A_422 = vector.shape_cast %parallel_loop3A_417 : vector<16xf32> to vector<1x16xf32>
        tpu.vector_store %arg14[%parallel_loop3A_418, %parallel_loop3A_419], %parallel_loop3A_422 {strides = array<i32>} : memref<80x256xf32, #tpu.memory_space<vmem>>, vector<1x16xf32>,
        %parallel_loop3A_423 = arith.index_cast %parallel_loop3A_271 : i32 to index
        %parallel_loop3A_424 = arith.constant 176 : index
        %parallel_loop3A_425 = tpu.vector_load %arg14[%parallel_loop3A_423, %parallel_loop3A_424] {strides = array<i32>} : memref<80x256xf32, #tpu.memory_space<vmem>>, vector<1x16xf32>,
        %parallel_loop3A_426 = vector.shape_cast %parallel_loop3A_425 : vector<1x16xf32> to vector<16xf32>
        %parallel_loop3A_427 = arith.subf %parallel_loop3A_426, %parallel_loop3A_275 : vector<16xf32>
        %parallel_loop3A_428 = arith.mulf %parallel_loop3A_427, %parallel_loop3A_279 : vector<16xf32>
        %parallel_loop3A_429 = arith.mulf %parallel_loop3A_428, %get3A_74 : vector<16xf32>
        %parallel_loop3A_430 = arith.addf %parallel_loop3A_429, %get3A_122 : vector<16xf32>
        %parallel_loop3A_431 = arith.index_cast %parallel_loop3A_271 : i32 to index
        %parallel_loop3A_432 = arith.constant 176 : index
        %parallel_loop3A_433 = tpu.vector_load %arg14[%parallel_loop3A_431, %parallel_loop3A_432] {strides = array<i32>} : memref<80x256xf32, #tpu.memory_space<vmem>>, vector<1x16xf32>,
        %parallel_loop3A_434 = vector.shape_cast %parallel_loop3A_433 : vector<1x16xf32> to vector<16xf32>
        %parallel_loop3A_435 = vector.shape_cast %parallel_loop3A_430 : vector<16xf32> to vector<1x16xf32>
        tpu.vector_store %arg14[%parallel_loop3A_431, %parallel_loop3A_432], %parallel_loop3A_435 {strides = array<i32>} : memref<80x256xf32, #tpu.memory_space<vmem>>, vector<1x16xf32>,
        %parallel_loop3A_436 = arith.index_cast %parallel_loop3A_271 : i32 to index
        %parallel_loop3A_437 = arith.constant 192 : index
        %parallel_loop3A_438 = tpu.vector_load %arg14[%parallel_loop3A_436, %parallel_loop3A_437] {strides = array<i32>} : memref<80x256xf32, #tpu.memory_space<vmem>>, vector<1x16xf32>,
        %parallel_loop3A_439 = vector.shape_cast %parallel_loop3A_438 : vector<1x16xf32> to vector<16xf32>
        %parallel_loop3A_440 = arith.subf %parallel_loop3A_439, %parallel_loop3A_275 : vector<16xf32>
        %parallel_loop3A_441 = arith.mulf %parallel_loop3A_440, %parallel_loop3A_279 : vector<16xf32>
        %parallel_loop3A_442 = arith.mulf %parallel_loop3A_441, %get3A_77 : vector<16xf32>
        %parallel_loop3A_443 = arith.addf %parallel_loop3A_442, %get3A_125 : vector<16xf32>
        %parallel_loop3A_444 = arith.index_cast %parallel_loop3A_271 : i32 to index
        %parallel_loop3A_445 = arith.constant 192 : index
        %parallel_loop3A_446 = tpu.vector_load %arg14[%parallel_loop3A_444, %parallel_loop3A_445] {strides = array<i32>} : memref<80x256xf32, #tpu.memory_space<vmem>>, vector<1x16xf32>,
        %parallel_loop3A_447 = vector.shape_cast %parallel_loop3A_446 : vector<1x16xf32> to vector<16xf32>
        %parallel_loop3A_448 = vector.shape_cast %parallel_loop3A_443 : vector<16xf32> to vector<1x16xf32>
        tpu.vector_store %arg14[%parallel_loop3A_444, %parallel_loop3A_445], %parallel_loop3A_448 {strides = array<i32>} : memref<80x256xf32, #tpu.memory_space<vmem>>, vector<1x16xf32>,
        %parallel_loop3A_449 = arith.index_cast %parallel_loop3A_271 : i32 to index
        %parallel_loop3A_450 = arith.constant 208 : index
        %parallel_loop3A_451 = tpu.vector_load %arg14[%parallel_loop3A_449, %parallel_loop3A_450] {strides = array<i32>} : memref<80x256xf32, #tpu.memory_space<vmem>>, vector<1x16xf32>,
        %parallel_loop3A_452 = vector.shape_cast %parallel_loop3A_451 : vector<1x16xf32> to vector<16xf32>
        %parallel_loop3A_453 = arith.subf %parallel_loop3A_452, %parallel_loop3A_275 : vector<16xf32>
        %parallel_loop3A_454 = arith.mulf %parallel_loop3A_453, %parallel_loop3A_279 : vector<16xf32>
        %parallel_loop3A_455 = arith.mulf %parallel_loop3A_454, %get3A_80 : vector<16xf32>
        %parallel_loop3A_456 = arith.addf %parallel_loop3A_455, %get3A_128 : vector<16xf32>
        %parallel_loop3A_457 = arith.index_cast %parallel_loop3A_271 : i32 to index
        %parallel_loop3A_458 = arith.constant 208 : index
        %parallel_loop3A_459 = tpu.vector_load %arg14[%parallel_loop3A_457, %parallel_loop3A_458] {strides = array<i32>} : memref<80x256xf32, #tpu.memory_space<vmem>>, vector<1x16xf32>,
        %parallel_loop3A_460 = vector.shape_cast %parallel_loop3A_459 : vector<1x16xf32> to vector<16xf32>
        %parallel_loop3A_461 = vector.shape_cast %parallel_loop3A_456 : vector<16xf32> to vector<1x16xf32>
        tpu.vector_store %arg14[%parallel_loop3A_457, %parallel_loop3A_458], %parallel_loop3A_461 {strides = array<i32>} : memref<80x256xf32, #tpu.memory_space<vmem>>, vector<1x16xf32>,
        %parallel_loop3A_462 = arith.index_cast %parallel_loop3A_271 : i32 to index
        %parallel_loop3A_463 = arith.constant 224 : index
        %parallel_loop3A_464 = tpu.vector_load %arg14[%parallel_loop3A_462, %parallel_loop3A_463] {strides = array<i32>} : memref<80x256xf32, #tpu.memory_space<vmem>>, vector<1x16xf32>,
        %parallel_loop3A_465 = vector.shape_cast %parallel_loop3A_464 : vector<1x16xf32> to vector<16xf32>
        %parallel_loop3A_466 = arith.subf %parallel_loop3A_465, %parallel_loop3A_275 : vector<16xf32>
        %parallel_loop3A_467 = arith.mulf %parallel_loop3A_466, %parallel_loop3A_279 : vector<16xf32>
        %parallel_loop3A_468 = arith.mulf %parallel_loop3A_467, %get3A_83 : vector<16xf32>
        %parallel_loop3A_469 = arith.addf %parallel_loop3A_468, %get3A_131 : vector<16xf32>
        %parallel_loop3A_470 = arith.index_cast %parallel_loop3A_271 : i32 to index
        %parallel_loop3A_471 = arith.constant 224 : index
        %parallel_loop3A_472 = tpu.vector_load %arg14[%parallel_loop3A_470, %parallel_loop3A_471] {strides = array<i32>} : memref<80x256xf32, #tpu.memory_space<vmem>>, vector<1x16xf32>,
        %parallel_loop3A_473 = vector.shape_cast %parallel_loop3A_472 : vector<1x16xf32> to vector<16xf32>
        %parallel_loop3A_474 = vector.shape_cast %parallel_loop3A_469 : vector<16xf32> to vector<1x16xf32>
        tpu.vector_store %arg14[%parallel_loop3A_470, %parallel_loop3A_471], %parallel_loop3A_474 {strides = array<i32>} : memref<80x256xf32, #tpu.memory_space<vmem>>, vector<1x16xf32>,
        %parallel_loop3A_475 = arith.index_cast %parallel_loop3A_271 : i32 to index
        %parallel_loop3A_476 = arith.constant 240 : index
        %parallel_loop3A_477 = tpu.vector_load %arg14[%parallel_loop3A_475, %parallel_loop3A_476] {strides = array<i32>} : memref<80x256xf32, #tpu.memory_space<vmem>>, vector<1x16xf32>,
        %parallel_loop3A_478 = vector.shape_cast %parallel_loop3A_477 : vector<1x16xf32> to vector<16xf32>
        %parallel_loop3A_479 = arith.subf %parallel_loop3A_478, %parallel_loop3A_275 : vector<16xf32>
        %parallel_loop3A_480 = arith.mulf %parallel_loop3A_479, %parallel_loop3A_279 : vector<16xf32>
        %parallel_loop3A_481 = arith.mulf %parallel_loop3A_480, %get3A_86 : vector<16xf32>
        %parallel_loop3A_482 = arith.addf %parallel_loop3A_481, %get3A_134 : vector<16xf32>
        %parallel_loop3A_483 = arith.index_cast %parallel_loop3A_271 : i32 to index
        %parallel_loop3A_484 = arith.constant 240 : index
        %parallel_loop3A_485 = tpu.vector_load %arg14[%parallel_loop3A_483, %parallel_loop3A_484] {strides = array<i32>} : memref<80x256xf32, #tpu.memory_space<vmem>>, vector<1x16xf32>,
        %parallel_loop3A_486 = vector.shape_cast %parallel_loop3A_485 : vector<1x16xf32> to vector<16xf32>
        %parallel_loop3A_487 = vector.shape_cast %parallel_loop3A_482 : vector<16xf32> to vector<1x16xf32>
        tpu.vector_store %arg14[%parallel_loop3A_483, %parallel_loop3A_484], %parallel_loop3A_487 {strides = array<i32>} : memref<80x256xf32, #tpu.memory_space<vmem>>, vector<1x16xf32>,
      } {sc.loop_unroll_factor = 2 : i64, sc.parallel_access}
      %mul3A_138 = arith.constant 80 : i32
      %mul3A_139 = arith.muli %mul3A_21, %mul3A_138 : i32
      %add3A_140 = arith.addi %mul3A_2, %mul3A_139 : i32
      %dma_start3A_141 = arith.constant 0 : i32
      %dma_start3A_142 = tpu.memref_slice %arg7[%add3A_140, %dma_start3A_141] : memref<204800x256xf32, #tpu.memory_space<hbm>> -> memref<80x256xf32, #tpu.memory_space<hbm>>
      %dma_start3A_143 = arith.constant 0 : i32
      %dma_start3A_144 = tpu.memref_slice %arg7[%add3A_140, %dma_start3A_143] : memref<204800x256xf32, #tpu.memory_space<hbm>> -> memref<80x256xf32, #tpu.memory_space<hbm>>
      tpu.enqueue_dma source(%arg14 : memref<80x256xf32, #tpu.memory_space<vmem>>) target(%dma_start3A_144 : memref<80x256xf32, #tpu.memory_space<hbm>>) target_semaphore(%arg18 : memref<!tpu.dma_semaphore, #tpu.memory_space<semaphore_mem>>)
      %dma_wait3A_145 = arith.constant 0 : i32
      %dma_wait3A_146 = tpu.memref_slice %arg8[%add3A_23, %dma_wait3A_145] : memref<80x80xi32, #tpu.memory_space<vmem>> -> memref<1x80xi32, #tpu.memory_space<vmem>>
      %dma_wait3A_147 = tpu.memref_squeeze %dma_wait3A_146 : memref<1x80xi32, #tpu.memory_space<vmem>> -> memref<80xi32, #tpu.memory_space<vmem>>
      %dma_wait3A_148 = arith.constant 0 : i32
      %dma_wait3A_149 = arith.constant 0 : i32
      %dma_wait3A_150 = tpu.memref_slice %arg3[%dma_wait3A_148, %dma_wait3A_149] : memref<50257x256xf32, #tpu.memory_space<hbm>> -> memref<50257x256xf32, #tpu.memory_space<hbm>>
      tpu.wait_indirect_dma semaphore(%arg17 : memref<!tpu.dma_semaphore, #tpu.memory_space<semaphore_mem>>) src(%dma_wait3A_150 : memref<50257x256xf32, #tpu.memory_space<hbm>>) dst(%arg15 : memref<80x256xf32, #tpu.memory_space<vmem>>)
      %parallel_loop3A_151 = arith.constant 0 : i32
      %parallel_loop3A_152 = arith.constant 80 : i32
      %parallel_loop3A_153 = arith.constant 1 : i32
      scf.for %parallel_loop3A_271 = %parallel_loop3A_151 to %parallel_loop3A_152 step %parallel_loop3A_153  : i32 {
        %parallel_loop3A_272 = arith.constant 16 : i32
        %parallel_loop3A_273 = arith.constant 0 : i32
        %parallel_loop3A_274 = arith.cmpi eq, %parallel_loop3A_272, %parallel_loop3A_273 : i32
        %parallel_loop3A_275 = arith.constant 1 : i32
        %parallel_loop3A_276 = arith.select %parallel_loop3A_274, %parallel_loop3A_275, %parallel_loop3A_272 : i32
        %parallel_loop3A_277 = arith.remsi %parallel_loop3A_271, %parallel_loop3A_276 : i32
        %parallel_loop3A_278 = arith.constant 0 : i32
        %parallel_loop3A_279 = arith.cmpi ne, %parallel_loop3A_277, %parallel_loop3A_278 : i32
        %parallel_loop3A_280 = arith.constant 0 : i32
        %parallel_loop3A_281 = arith.cmpi slt, %parallel_loop3A_277, %parallel_loop3A_280 : i32
        %parallel_loop3A_282 = arith.constant 0 : i32
        %parallel_loop3A_283 = arith.cmpi slt, %parallel_loop3A_276, %parallel_loop3A_282 : i32
        %parallel_loop3A_284 = arith.xori %parallel_loop3A_281, %parallel_loop3A_283 : i1
        %parallel_loop3A_285 = arith.andi %parallel_loop3A_284, %parallel_loop3A_279 : i1
        %parallel_loop3A_286 = arith.addi %parallel_loop3A_277, %parallel_loop3A_276 : i32
        %parallel_loop3A_287 = arith.select %parallel_loop3A_285, %parallel_loop3A_286, %parallel_loop3A_277 : i32
        %parallel_loop3A_288 = arith.constant 16 : i32
        %parallel_loop3A_289 = arith.divsi %parallel_loop3A_271, %parallel_loop3A_288 : i32
        %parallel_loop3A_290 = arith.constant 0 : i32
        %parallel_loop3A_291 = arith.cmpi sgt, %parallel_loop3A_271, %parallel_loop3A_290 : i32
        %parallel_loop3A_292 = arith.extui %parallel_loop3A_291 : i1 to i32
        %parallel_loop3A_293 = arith.constant 0 : i32
        %parallel_loop3A_294 = arith.cmpi slt, %parallel_loop3A_271, %parallel_loop3A_293 : i32
        %parallel_loop3A_295 = arith.extui %parallel_loop3A_294 : i1 to i32
        %parallel_loop3A_296 = arith.subi %parallel_loop3A_292, %parallel_loop3A_295 : i32
        %parallel_loop3A_297 = arith.constant 0 : i32
        %parallel_loop3A_298 = arith.cmpi sgt, %parallel_loop3A_288, %parallel_loop3A_297 : i32
        %parallel_loop3A_299 = arith.extui %parallel_loop3A_298 : i1 to i32
        %parallel_loop3A_300 = arith.constant 0 : i32
        %parallel_loop3A_301 = arith.cmpi slt, %parallel_loop3A_288, %parallel_loop3A_300 : i32
        %parallel_loop3A_302 = arith.extui %parallel_loop3A_301 : i1 to i32
        %parallel_loop3A_303 = arith.subi %parallel_loop3A_299, %parallel_loop3A_302 : i32
        %parallel_loop3A_304 = arith.cmpi ne, %parallel_loop3A_296, %parallel_loop3A_303 : i32
        %parallel_loop3A_305 = arith.remsi %parallel_loop3A_271, %parallel_loop3A_288 : i32
        %parallel_loop3A_306 = arith.constant 0 : i32
        %parallel_loop3A_307 = arith.cmpi ne, %parallel_loop3A_305, %parallel_loop3A_306 : i32
        %parallel_loop3A_308 = arith.andi %parallel_loop3A_304, %parallel_loop3A_307 : i1
        %parallel_loop3A_309 = arith.constant 1 : i32
        %parallel_loop3A_310 = arith.subi %parallel_loop3A_289, %parallel_loop3A_309 : i32
        %parallel_loop3A_311 = arith.select %parallel_loop3A_308, %parallel_loop3A_310, %parallel_loop3A_289 : i32
        %parallel_loop3A_312 = arith.constant 16 : i32
        %parallel_loop3A_313 = arith.muli %parallel_loop3A_311, %parallel_loop3A_312 : i32
        %parallel_loop3A_314 = arith.index_cast %add3A_23 : i32 to index
        %parallel_loop3A_315 = arith.index_cast %parallel_loop3A_313 : i32 to index
        %parallel_loop3A_316 = tpu.vector_load %arg8[%parallel_loop3A_314, %parallel_loop3A_315] {strides = array<i32>} : memref<80x80xi32, #tpu.memory_space<vmem>>, vector<1x16xi32>,
        %parallel_loop3A_317 = vector.shape_cast %parallel_loop3A_316 : vector<1x16xi32> to vector<16xi32>
        %parallel_loop3A_318 = vector.broadcast %parallel_loop3A_287 : i32 to vector<16xi32>
        %parallel_loop3A_319 = arith.constant 0 : i32
        %parallel_loop3A_320 = vector.broadcast %parallel_loop3A_319 : i32 to vector<16xi32>
        %parallel_loop3A_321 = arith.cmpi slt, %parallel_loop3A_318, %parallel_loop3A_320 : vector<16xi32>
        %parallel_loop3A_322 = arith.constant 16 : i32
        %parallel_loop3A_323 = vector.broadcast %parallel_loop3A_322 : i32 to vector<16xi32>
        %parallel_loop3A_324 = arith.addi %parallel_loop3A_318, %parallel_loop3A_323 : vector<16xi32>
        %parallel_loop3A_325 = arith.select %parallel_loop3A_321, %parallel_loop3A_324, %parallel_loop3A_318 : vector<16xi1>, vector<16xi32>
        %parallel_loop3A_326 = vector.shape_cast %parallel_loop3A_325 : vector<16xi32> to vector<16x1xi32>
        %parallel_loop3A_327 = vector.shape_cast %parallel_loop3A_326 : vector<16x1xi32> to vector<16xi32>
        %parallel_loop3A_328 = tpu.dynamic_gather %parallel_loop3A_317[%parallel_loop3A_327] in [0] : vector<16xi32>, vector<16xi32> -> vector<16xi32>
        %parallel_loop3A_329 = arith.constant 0 : i32
        %parallel_loop3A_330 = vector.broadcast %parallel_loop3A_329 : i32 to vector<16xi32>
        %parallel_loop3A_331 = arith.cmpi ne, %parallel_loop3A_328, %parallel_loop3A_330 : vector<16xi32>
        %parallel_loop3A_332 = arith.constant 1.000000e+00 : f32
        %parallel_loop3A_333 = arith.constant 0.000000e+00 : f32
        %parallel_loop3A_334 = vector.broadcast %parallel_loop3A_332 : f32 to vector<16xf32>
        %parallel_loop3A_335 = vector.broadcast %parallel_loop3A_333 : f32 to vector<16xf32>
        %parallel_loop3A_336 = arith.select %parallel_loop3A_331, %parallel_loop3A_334, %parallel_loop3A_335 : vector<16xi1>, vector<16xf32>
        %parallel_loop3A_337 = arith.constant 80 : i32
        %parallel_loop3A_338 = arith.muli %add3A_23, %parallel_loop3A_337 : i32
        %parallel_loop3A_339 = arith.addi %parallel_loop3A_338, %parallel_loop3A_271 : i32
        %parallel_loop3A_340 = arith.constant 200 : i32
        %parallel_loop3A_341 = arith.constant 0 : i32
        %parallel_loop3A_342 = arith.cmpi eq, %parallel_loop3A_340, %parallel_loop3A_341 : i32
        %parallel_loop3A_343 = arith.constant 1 : i32
        %parallel_loop3A_344 = arith.select %parallel_loop3A_342, %parallel_loop3A_343, %parallel_loop3A_340 : i32
        %parallel_loop3A_345 = arith.remsi %parallel_loop3A_339, %parallel_loop3A_344 : i32
        %parallel_loop3A_346 = arith.constant 0 : i32
        %parallel_loop3A_347 = arith.cmpi ne, %parallel_loop3A_345, %parallel_loop3A_346 : i32
        %parallel_loop3A_348 = arith.constant 0 : i32
        %parallel_loop3A_349 = arith.cmpi slt, %parallel_loop3A_345, %parallel_loop3A_348 : i32
        %parallel_loop3A_350 = arith.constant 0 : i32
        %parallel_loop3A_351 = arith.cmpi slt, %parallel_loop3A_344, %parallel_loop3A_350 : i32
        %parallel_loop3A_352 = arith.xori %parallel_loop3A_349, %parallel_loop3A_351 : i1
        %parallel_loop3A_353 = arith.andi %parallel_loop3A_352, %parallel_loop3A_347 : i1
        %parallel_loop3A_354 = arith.addi %parallel_loop3A_345, %parallel_loop3A_344 : i32
        %parallel_loop3A_355 = arith.select %parallel_loop3A_353, %parallel_loop3A_354, %parallel_loop3A_345 : i32
        %parallel_loop3A_356 = arith.constant 0.000000e+00 : f32
        %parallel_loop3A_357 = vector.broadcast %parallel_loop3A_356 : f32 to vector<16xf32>
        %parallel_loop3A_358 = arith.constant 0.000000e+00 : f32
        %parallel_loop3A_359 = vector.broadcast %parallel_loop3A_358 : f32 to vector<16xf32>
        %parallel_loop3A_360 = arith.constant 0.000000e+00 : f32
        %parallel_loop3A_361 = vector.broadcast %parallel_loop3A_360 : f32 to vector<16xf32>
        %parallel_loop3A_362 = arith.constant 0.000000e+00 : f32
        %parallel_loop3A_363 = vector.broadcast %parallel_loop3A_362 : f32 to vector<16xf32>
        %parallel_loop3A_364 = arith.constant 0.000000e+00 : f32
        %parallel_loop3A_365 = vector.broadcast %parallel_loop3A_364 : f32 to vector<16xf32>
        %parallel_loop3A_366 = arith.constant 0.000000e+00 : f32
        %parallel_loop3A_367 = vector.broadcast %parallel_loop3A_366 : f32 to vector<16xf32>
        %parallel_loop3A_368 = arith.constant 0.000000e+00 : f32
        %parallel_loop3A_369 = vector.broadcast %parallel_loop3A_368 : f32 to vector<16xf32>
        %parallel_loop3A_370 = arith.constant 0.000000e+00 : f32
        %parallel_loop3A_371 = vector.broadcast %parallel_loop3A_370 : f32 to vector<16xf32>
        %parallel_loop3A_372 = arith.index_cast %parallel_loop3A_271 : i32 to index
        %parallel_loop3A_373 = arith.constant 0 : index
        %parallel_loop3A_374 = tpu.vector_load %arg15[%parallel_loop3A_372, %parallel_loop3A_373] {strides = array<i32>} : memref<80x256xf32, #tpu.memory_space<vmem>>, vector<1x16xf32>,
        %parallel_loop3A_375 = vector.shape_cast %parallel_loop3A_374 : vector<1x16xf32> to vector<16xf32>
        %parallel_loop3A_376 = arith.mulf %parallel_loop3A_375, %parallel_loop3A_336 : vector<16xf32>
        %parallel_loop3A_377 = arith.index_cast %parallel_loop3A_355 : i32 to index
        %parallel_loop3A_378 = arith.constant 0 : index
        %parallel_loop3A_379 = tpu.vector_load %arg9[%parallel_loop3A_377, %parallel_loop3A_378] {strides = array<i32>} : memref<200x256xf32, #tpu.memory_space<vmem>>, vector<1x16xf32>,
        %parallel_loop3A_380 = vector.shape_cast %parallel_loop3A_379 : vector<1x16xf32> to vector<16xf32>
        %parallel_loop3A_381 = arith.addf %parallel_loop3A_376, %parallel_loop3A_380 : vector<16xf32>
        %parallel_loop3A_382 = arith.index_cast %parallel_loop3A_271 : i32 to index
        %parallel_loop3A_383 = arith.constant 0 : index
        %parallel_loop3A_384 = tpu.vector_load %arg15[%parallel_loop3A_382, %parallel_loop3A_383] {strides = array<i32>} : memref<80x256xf32, #tpu.memory_space<vmem>>, vector<1x16xf32>,
        %parallel_loop3A_385 = vector.shape_cast %parallel_loop3A_384 : vector<1x16xf32> to vector<16xf32>
        %parallel_loop3A_386 = vector.shape_cast %parallel_loop3A_381 : vector<16xf32> to vector<1x16xf32>
        tpu.vector_store %arg15[%parallel_loop3A_382, %parallel_loop3A_383], %parallel_loop3A_386 {strides = array<i32>} : memref<80x256xf32, #tpu.memory_space<vmem>>, vector<1x16xf32>,
        %parallel_loop3A_387 = arith.addf %parallel_loop3A_357, %parallel_loop3A_381 : vector<16xf32>
        %parallel_loop3A_388 = arith.mulf %parallel_loop3A_381, %parallel_loop3A_381 : vector<16xf32>
        %parallel_loop3A_389 = arith.addf %parallel_loop3A_365, %parallel_loop3A_388 : vector<16xf32>
        %parallel_loop3A_390 = arith.index_cast %parallel_loop3A_271 : i32 to index
        %parallel_loop3A_391 = arith.constant 16 : index
        %parallel_loop3A_392 = tpu.vector_load %arg15[%parallel_loop3A_390, %parallel_loop3A_391] {strides = array<i32>} : memref<80x256xf32, #tpu.memory_space<vmem>>, vector<1x16xf32>,
        %parallel_loop3A_393 = vector.shape_cast %parallel_loop3A_392 : vector<1x16xf32> to vector<16xf32>
        %parallel_loop3A_394 = arith.mulf %parallel_loop3A_393, %parallel_loop3A_336 : vector<16xf32>
        %parallel_loop3A_395 = arith.index_cast %parallel_loop3A_355 : i32 to index
        %parallel_loop3A_396 = arith.constant 16 : index
        %parallel_loop3A_397 = tpu.vector_load %arg9[%parallel_loop3A_395, %parallel_loop3A_396] {strides = array<i32>} : memref<200x256xf32, #tpu.memory_space<vmem>>, vector<1x16xf32>,
        %parallel_loop3A_398 = vector.shape_cast %parallel_loop3A_397 : vector<1x16xf32> to vector<16xf32>
        %parallel_loop3A_399 = arith.addf %parallel_loop3A_394, %parallel_loop3A_398 : vector<16xf32>
        %parallel_loop3A_400 = arith.index_cast %parallel_loop3A_271 : i32 to index
        %parallel_loop3A_401 = arith.constant 16 : index
        %parallel_loop3A_402 = tpu.vector_load %arg15[%parallel_loop3A_400, %parallel_loop3A_401] {strides = array<i32>} : memref<80x256xf32, #tpu.memory_space<vmem>>, vector<1x16xf32>,
        %parallel_loop3A_403 = vector.shape_cast %parallel_loop3A_402 : vector<1x16xf32> to vector<16xf32>
        %parallel_loop3A_404 = vector.shape_cast %parallel_loop3A_399 : vector<16xf32> to vector<1x16xf32>
        tpu.vector_store %arg15[%parallel_loop3A_400, %parallel_loop3A_401], %parallel_loop3A_404 {strides = array<i32>} : memref<80x256xf32, #tpu.memory_space<vmem>>, vector<1x16xf32>,
        %parallel_loop3A_405 = arith.addf %parallel_loop3A_359, %parallel_loop3A_399 : vector<16xf32>
        %parallel_loop3A_406 = arith.mulf %parallel_loop3A_399, %parallel_loop3A_399 : vector<16xf32>
        %parallel_loop3A_407 = arith.addf %parallel_loop3A_367, %parallel_loop3A_406 : vector<16xf32>
        %parallel_loop3A_408 = arith.index_cast %parallel_loop3A_271 : i32 to index
        %parallel_loop3A_409 = arith.constant 32 : index
        %parallel_loop3A_410 = tpu.vector_load %arg15[%parallel_loop3A_408, %parallel_loop3A_409] {strides = array<i32>} : memref<80x256xf32, #tpu.memory_space<vmem>>, vector<1x16xf32>,
        %parallel_loop3A_411 = vector.shape_cast %parallel_loop3A_410 : vector<1x16xf32> to vector<16xf32>
        %parallel_loop3A_412 = arith.mulf %parallel_loop3A_411, %parallel_loop3A_336 : vector<16xf32>
        %parallel_loop3A_413 = arith.index_cast %parallel_loop3A_355 : i32 to index
        %parallel_loop3A_414 = arith.constant 32 : index
        %parallel_loop3A_415 = tpu.vector_load %arg9[%parallel_loop3A_413, %parallel_loop3A_414] {strides = array<i32>} : memref<200x256xf32, #tpu.memory_space<vmem>>, vector<1x16xf32>,
        %parallel_loop3A_416 = vector.shape_cast %parallel_loop3A_415 : vector<1x16xf32> to vector<16xf32>
        %parallel_loop3A_417 = arith.addf %parallel_loop3A_412, %parallel_loop3A_416 : vector<16xf32>
        %parallel_loop3A_418 = arith.index_cast %parallel_loop3A_271 : i32 to index
        %parallel_loop3A_419 = arith.constant 32 : index
        %parallel_loop3A_420 = tpu.vector_load %arg15[%parallel_loop3A_418, %parallel_loop3A_419] {strides = array<i32>} : memref<80x256xf32, #tpu.memory_space<vmem>>, vector<1x16xf32>,
        %parallel_loop3A_421 = vector.shape_cast %parallel_loop3A_420 : vector<1x16xf32> to vector<16xf32>
        %parallel_loop3A_422 = vector.shape_cast %parallel_loop3A_417 : vector<16xf32> to vector<1x16xf32>
        tpu.vector_store %arg15[%parallel_loop3A_418, %parallel_loop3A_419], %parallel_loop3A_422 {strides = array<i32>} : memref<80x256xf32, #tpu.memory_space<vmem>>, vector<1x16xf32>,
        %parallel_loop3A_423 = arith.addf %parallel_loop3A_361, %parallel_loop3A_417 : vector<16xf32>
        %parallel_loop3A_424 = arith.mulf %parallel_loop3A_417, %parallel_loop3A_417 : vector<16xf32>
        %parallel_loop3A_425 = arith.addf %parallel_loop3A_369, %parallel_loop3A_424 : vector<16xf32>
        %parallel_loop3A_426 = arith.index_cast %parallel_loop3A_271 : i32 to index
        %parallel_loop3A_427 = arith.constant 48 : index
        %parallel_loop3A_428 = tpu.vector_load %arg15[%parallel_loop3A_426, %parallel_loop3A_427] {strides = array<i32>} : memref<80x256xf32, #tpu.memory_space<vmem>>, vector<1x16xf32>,
        %parallel_loop3A_429 = vector.shape_cast %parallel_loop3A_428 : vector<1x16xf32> to vector<16xf32>
        %parallel_loop3A_430 = arith.mulf %parallel_loop3A_429, %parallel_loop3A_336 : vector<16xf32>
        %parallel_loop3A_431 = arith.index_cast %parallel_loop3A_355 : i32 to index
        %parallel_loop3A_432 = arith.constant 48 : index
        %parallel_loop3A_433 = tpu.vector_load %arg9[%parallel_loop3A_431, %parallel_loop3A_432] {strides = array<i32>} : memref<200x256xf32, #tpu.memory_space<vmem>>, vector<1x16xf32>,
        %parallel_loop3A_434 = vector.shape_cast %parallel_loop3A_433 : vector<1x16xf32> to vector<16xf32>
        %parallel_loop3A_435 = arith.addf %parallel_loop3A_430, %parallel_loop3A_434 : vector<16xf32>
        %parallel_loop3A_436 = arith.index_cast %parallel_loop3A_271 : i32 to index
        %parallel_loop3A_437 = arith.constant 48 : index
        %parallel_loop3A_438 = tpu.vector_load %arg15[%parallel_loop3A_436, %parallel_loop3A_437] {strides = array<i32>} : memref<80x256xf32, #tpu.memory_space<vmem>>, vector<1x16xf32>,
        %parallel_loop3A_439 = vector.shape_cast %parallel_loop3A_438 : vector<1x16xf32> to vector<16xf32>
        %parallel_loop3A_440 = vector.shape_cast %parallel_loop3A_435 : vector<16xf32> to vector<1x16xf32>
        tpu.vector_store %arg15[%parallel_loop3A_436, %parallel_loop3A_437], %parallel_loop3A_440 {strides = array<i32>} : memref<80x256xf32, #tpu.memory_space<vmem>>, vector<1x16xf32>,
        %parallel_loop3A_441 = arith.addf %parallel_loop3A_363, %parallel_loop3A_435 : vector<16xf32>
        %parallel_loop3A_442 = arith.mulf %parallel_loop3A_435, %parallel_loop3A_435 : vector<16xf32>
        %parallel_loop3A_443 = arith.addf %parallel_loop3A_371, %parallel_loop3A_442 : vector<16xf32>
        %parallel_loop3A_444 = arith.index_cast %parallel_loop3A_271 : i32 to index
        %parallel_loop3A_445 = arith.constant 64 : index
        %parallel_loop3A_446 = tpu.vector_load %arg15[%parallel_loop3A_444, %parallel_loop3A_445] {strides = array<i32>} : memref<80x256xf32, #tpu.memory_space<vmem>>, vector<1x16xf32>,
        %parallel_loop3A_447 = vector.shape_cast %parallel_loop3A_446 : vector<1x16xf32> to vector<16xf32>
        %parallel_loop3A_448 = arith.mulf %parallel_loop3A_447, %parallel_loop3A_336 : vector<16xf32>
        %parallel_loop3A_449 = arith.index_cast %parallel_loop3A_355 : i32 to index
        %parallel_loop3A_450 = arith.constant 64 : index
        %parallel_loop3A_451 = tpu.vector_load %arg9[%parallel_loop3A_449, %parallel_loop3A_450] {strides = array<i32>} : memref<200x256xf32, #tpu.memory_space<vmem>>, vector<1x16xf32>,
        %parallel_loop3A_452 = vector.shape_cast %parallel_loop3A_451 : vector<1x16xf32> to vector<16xf32>
        %parallel_loop3A_453 = arith.addf %parallel_loop3A_448, %parallel_loop3A_452 : vector<16xf32>
        %parallel_loop3A_454 = arith.index_cast %parallel_loop3A_271 : i32 to index
        %parallel_loop3A_455 = arith.constant 64 : index
        %parallel_loop3A_456 = tpu.vector_load %arg15[%parallel_loop3A_454, %parallel_loop3A_455] {strides = array<i32>} : memref<80x256xf32, #tpu.memory_space<vmem>>, vector<1x16xf32>,
        %parallel_loop3A_457 = vector.shape_cast %parallel_loop3A_456 : vector<1x16xf32> to vector<16xf32>
        %parallel_loop3A_458 = vector.shape_cast %parallel_loop3A_453 : vector<16xf32> to vector<1x16xf32>
        tpu.vector_store %arg15[%parallel_loop3A_454, %parallel_loop3A_455], %parallel_loop3A_458 {strides = array<i32>} : memref<80x256xf32, #tpu.memory_space<vmem>>, vector<1x16xf32>,
        %parallel_loop3A_459 = arith.addf %parallel_loop3A_387, %parallel_loop3A_453 : vector<16xf32>
        %parallel_loop3A_460 = arith.mulf %parallel_loop3A_453, %parallel_loop3A_453 : vector<16xf32>
        %parallel_loop3A_461 = arith.addf %parallel_loop3A_389, %parallel_loop3A_460 : vector<16xf32>
        %parallel_loop3A_462 = arith.index_cast %parallel_loop3A_271 : i32 to index
        %parallel_loop3A_463 = arith.constant 80 : index
        %parallel_loop3A_464 = tpu.vector_load %arg15[%parallel_loop3A_462, %parallel_loop3A_463] {strides = array<i32>} : memref<80x256xf32, #tpu.memory_space<vmem>>, vector<1x16xf32>,
        %parallel_loop3A_465 = vector.shape_cast %parallel_loop3A_464 : vector<1x16xf32> to vector<16xf32>
        %parallel_loop3A_466 = arith.mulf %parallel_loop3A_465, %parallel_loop3A_336 : vector<16xf32>
        %parallel_loop3A_467 = arith.index_cast %parallel_loop3A_355 : i32 to index
        %parallel_loop3A_468 = arith.constant 80 : index
        %parallel_loop3A_469 = tpu.vector_load %arg9[%parallel_loop3A_467, %parallel_loop3A_468] {strides = array<i32>} : memref<200x256xf32, #tpu.memory_space<vmem>>, vector<1x16xf32>,
        %parallel_loop3A_470 = vector.shape_cast %parallel_loop3A_469 : vector<1x16xf32> to vector<16xf32>
        %parallel_loop3A_471 = arith.addf %parallel_loop3A_466, %parallel_loop3A_470 : vector<16xf32>
        %parallel_loop3A_472 = arith.index_cast %parallel_loop3A_271 : i32 to index
        %parallel_loop3A_473 = arith.constant 80 : index
        %parallel_loop3A_474 = tpu.vector_load %arg15[%parallel_loop3A_472, %parallel_loop3A_473] {strides = array<i32>} : memref<80x256xf32, #tpu.memory_space<vmem>>, vector<1x16xf32>,
        %parallel_loop3A_475 = vector.shape_cast %parallel_loop3A_474 : vector<1x16xf32> to vector<16xf32>
        %parallel_loop3A_476 = vector.shape_cast %parallel_loop3A_471 : vector<16xf32> to vector<1x16xf32>
        tpu.vector_store %arg15[%parallel_loop3A_472, %parallel_loop3A_473], %parallel_loop3A_476 {strides = array<i32>} : memref<80x256xf32, #tpu.memory_space<vmem>>, vector<1x16xf32>,
        %parallel_loop3A_477 = arith.addf %parallel_loop3A_405, %parallel_loop3A_471 : vector<16xf32>
        %parallel_loop3A_478 = arith.mulf %parallel_loop3A_471, %parallel_loop3A_471 : vector<16xf32>
        %parallel_loop3A_479 = arith.addf %parallel_loop3A_407, %parallel_loop3A_478 : vector<16xf32>
        %parallel_loop3A_480 = arith.index_cast %parallel_loop3A_271 : i32 to index
        %parallel_loop3A_481 = arith.constant 96 : index
        %parallel_loop3A_482 = tpu.vector_load %arg15[%parallel_loop3A_480, %parallel_loop3A_481] {strides = array<i32>} : memref<80x256xf32, #tpu.memory_space<vmem>>, vector<1x16xf32>,
        %parallel_loop3A_483 = vector.shape_cast %parallel_loop3A_482 : vector<1x16xf32> to vector<16xf32>
        %parallel_loop3A_484 = arith.mulf %parallel_loop3A_483, %parallel_loop3A_336 : vector<16xf32>
        %parallel_loop3A_485 = arith.index_cast %parallel_loop3A_355 : i32 to index
        %parallel_loop3A_486 = arith.constant 96 : index
        %parallel_loop3A_487 = tpu.vector_load %arg9[%parallel_loop3A_485, %parallel_loop3A_486] {strides = array<i32>} : memref<200x256xf32, #tpu.memory_space<vmem>>, vector<1x16xf32>,
        %parallel_loop3A_488 = vector.shape_cast %parallel_loop3A_487 : vector<1x16xf32> to vector<16xf32>
        %parallel_loop3A_489 = arith.addf %parallel_loop3A_484, %parallel_loop3A_488 : vector<16xf32>
        %parallel_loop3A_490 = arith.index_cast %parallel_loop3A_271 : i32 to index
        %parallel_loop3A_491 = arith.constant 96 : index
        %parallel_loop3A_492 = tpu.vector_load %arg15[%parallel_loop3A_490, %parallel_loop3A_491] {strides = array<i32>} : memref<80x256xf32, #tpu.memory_space<vmem>>, vector<1x16xf32>,
        %parallel_loop3A_493 = vector.shape_cast %parallel_loop3A_492 : vector<1x16xf32> to vector<16xf32>
        %parallel_loop3A_494 = vector.shape_cast %parallel_loop3A_489 : vector<16xf32> to vector<1x16xf32>
        tpu.vector_store %arg15[%parallel_loop3A_490, %parallel_loop3A_491], %parallel_loop3A_494 {strides = array<i32>} : memref<80x256xf32, #tpu.memory_space<vmem>>, vector<1x16xf32>,
        %parallel_loop3A_495 = arith.addf %parallel_loop3A_423, %parallel_loop3A_489 : vector<16xf32>
        %parallel_loop3A_496 = arith.mulf %parallel_loop3A_489, %parallel_loop3A_489 : vector<16xf32>
        %parallel_loop3A_497 = arith.addf %parallel_loop3A_425, %parallel_loop3A_496 : vector<16xf32>
        %parallel_loop3A_498 = arith.index_cast %parallel_loop3A_271 : i32 to index
        %parallel_loop3A_499 = arith.constant 112 : index
        %parallel_loop3A_500 = tpu.vector_load %arg15[%parallel_loop3A_498, %parallel_loop3A_499] {strides = array<i32>} : memref<80x256xf32, #tpu.memory_space<vmem>>, vector<1x16xf32>,
        %parallel_loop3A_501 = vector.shape_cast %parallel_loop3A_500 : vector<1x16xf32> to vector<16xf32>
        %parallel_loop3A_502 = arith.mulf %parallel_loop3A_501, %parallel_loop3A_336 : vector<16xf32>
        %parallel_loop3A_503 = arith.index_cast %parallel_loop3A_355 : i32 to index
        %parallel_loop3A_504 = arith.constant 112 : index
        %parallel_loop3A_505 = tpu.vector_load %arg9[%parallel_loop3A_503, %parallel_loop3A_504] {strides = array<i32>} : memref<200x256xf32, #tpu.memory_space<vmem>>, vector<1x16xf32>,
        %parallel_loop3A_506 = vector.shape_cast %parallel_loop3A_505 : vector<1x16xf32> to vector<16xf32>
        %parallel_loop3A_507 = arith.addf %parallel_loop3A_502, %parallel_loop3A_506 : vector<16xf32>
        %parallel_loop3A_508 = arith.index_cast %parallel_loop3A_271 : i32 to index
        %parallel_loop3A_509 = arith.constant 112 : index
        %parallel_loop3A_510 = tpu.vector_load %arg15[%parallel_loop3A_508, %parallel_loop3A_509] {strides = array<i32>} : memref<80x256xf32, #tpu.memory_space<vmem>>, vector<1x16xf32>,
        %parallel_loop3A_511 = vector.shape_cast %parallel_loop3A_510 : vector<1x16xf32> to vector<16xf32>
        %parallel_loop3A_512 = vector.shape_cast %parallel_loop3A_507 : vector<16xf32> to vector<1x16xf32>
        tpu.vector_store %arg15[%parallel_loop3A_508, %parallel_loop3A_509], %parallel_loop3A_512 {strides = array<i32>} : memref<80x256xf32, #tpu.memory_space<vmem>>, vector<1x16xf32>,
        %parallel_loop3A_513 = arith.addf %parallel_loop3A_441, %parallel_loop3A_507 : vector<16xf32>
        %parallel_loop3A_514 = arith.mulf %parallel_loop3A_507, %parallel_loop3A_507 : vector<16xf32>
        %parallel_loop3A_515 = arith.addf %parallel_loop3A_443, %parallel_loop3A_514 : vector<16xf32>
        %parallel_loop3A_516 = arith.index_cast %parallel_loop3A_271 : i32 to index
        %parallel_loop3A_517 = arith.constant 128 : index
        %parallel_loop3A_518 = tpu.vector_load %arg15[%parallel_loop3A_516, %parallel_loop3A_517] {strides = array<i32>} : memref<80x256xf32, #tpu.memory_space<vmem>>, vector<1x16xf32>,
        %parallel_loop3A_519 = vector.shape_cast %parallel_loop3A_518 : vector<1x16xf32> to vector<16xf32>
        %parallel_loop3A_520 = arith.mulf %parallel_loop3A_519, %parallel_loop3A_336 : vector<16xf32>
        %parallel_loop3A_521 = arith.index_cast %parallel_loop3A_355 : i32 to index
        %parallel_loop3A_522 = arith.constant 128 : index
        %parallel_loop3A_523 = tpu.vector_load %arg9[%parallel_loop3A_521, %parallel_loop3A_522] {strides = array<i32>} : memref<200x256xf32, #tpu.memory_space<vmem>>, vector<1x16xf32>,
        %parallel_loop3A_524 = vector.shape_cast %parallel_loop3A_523 : vector<1x16xf32> to vector<16xf32>
        %parallel_loop3A_525 = arith.addf %parallel_loop3A_520, %parallel_loop3A_524 : vector<16xf32>
        %parallel_loop3A_526 = arith.index_cast %parallel_loop3A_271 : i32 to index
        %parallel_loop3A_527 = arith.constant 128 : index
        %parallel_loop3A_528 = tpu.vector_load %arg15[%parallel_loop3A_526, %parallel_loop3A_527] {strides = array<i32>} : memref<80x256xf32, #tpu.memory_space<vmem>>, vector<1x16xf32>,
        %parallel_loop3A_529 = vector.shape_cast %parallel_loop3A_528 : vector<1x16xf32> to vector<16xf32>
        %parallel_loop3A_530 = vector.shape_cast %parallel_loop3A_525 : vector<16xf32> to vector<1x16xf32>
        tpu.vector_store %arg15[%parallel_loop3A_526, %parallel_loop3A_527], %parallel_loop3A_530 {strides = array<i32>} : memref<80x256xf32, #tpu.memory_space<vmem>>, vector<1x16xf32>,
        %parallel_loop3A_531 = arith.addf %parallel_loop3A_459, %parallel_loop3A_525 : vector<16xf32>
        %parallel_loop3A_532 = arith.mulf %parallel_loop3A_525, %parallel_loop3A_525 : vector<16xf32>
        %parallel_loop3A_533 = arith.addf %parallel_loop3A_461, %parallel_loop3A_532 : vector<16xf32>
        %parallel_loop3A_534 = arith.index_cast %parallel_loop3A_271 : i32 to index
        %parallel_loop3A_535 = arith.constant 144 : index
        %parallel_loop3A_536 = tpu.vector_load %arg15[%parallel_loop3A_534, %parallel_loop3A_535] {strides = array<i32>} : memref<80x256xf32, #tpu.memory_space<vmem>>, vector<1x16xf32>,
        %parallel_loop3A_537 = vector.shape_cast %parallel_loop3A_536 : vector<1x16xf32> to vector<16xf32>
        %parallel_loop3A_538 = arith.mulf %parallel_loop3A_537, %parallel_loop3A_336 : vector<16xf32>
        %parallel_loop3A_539 = arith.index_cast %parallel_loop3A_355 : i32 to index
        %parallel_loop3A_540 = arith.constant 144 : index
        %parallel_loop3A_541 = tpu.vector_load %arg9[%parallel_loop3A_539, %parallel_loop3A_540] {strides = array<i32>} : memref<200x256xf32, #tpu.memory_space<vmem>>, vector<1x16xf32>,
        %parallel_loop3A_542 = vector.shape_cast %parallel_loop3A_541 : vector<1x16xf32> to vector<16xf32>
        %parallel_loop3A_543 = arith.addf %parallel_loop3A_538, %parallel_loop3A_542 : vector<16xf32>
        %parallel_loop3A_544 = arith.index_cast %parallel_loop3A_271 : i32 to index
        %parallel_loop3A_545 = arith.constant 144 : index
        %parallel_loop3A_546 = tpu.vector_load %arg15[%parallel_loop3A_544, %parallel_loop3A_545] {strides = array<i32>} : memref<80x256xf32, #tpu.memory_space<vmem>>, vector<1x16xf32>,
        %parallel_loop3A_547 = vector.shape_cast %parallel_loop3A_546 : vector<1x16xf32> to vector<16xf32>
        %parallel_loop3A_548 = vector.shape_cast %parallel_loop3A_543 : vector<16xf32> to vector<1x16xf32>
        tpu.vector_store %arg15[%parallel_loop3A_544, %parallel_loop3A_545], %parallel_loop3A_548 {strides = array<i32>} : memref<80x256xf32, #tpu.memory_space<vmem>>, vector<1x16xf32>,
        %parallel_loop3A_549 = arith.addf %parallel_loop3A_477, %parallel_loop3A_543 : vector<16xf32>
        %parallel_loop3A_550 = arith.mulf %parallel_loop3A_543, %parallel_loop3A_543 : vector<16xf32>
        %parallel_loop3A_551 = arith.addf %parallel_loop3A_479, %parallel_loop3A_550 : vector<16xf32>
        %parallel_loop3A_552 = arith.index_cast %parallel_loop3A_271 : i32 to index
        %parallel_loop3A_553 = arith.constant 160 : index
        %parallel_loop3A_554 = tpu.vector_load %arg15[%parallel_loop3A_552, %parallel_loop3A_553] {strides = array<i32>} : memref<80x256xf32, #tpu.memory_space<vmem>>, vector<1x16xf32>,
        %parallel_loop3A_555 = vector.shape_cast %parallel_loop3A_554 : vector<1x16xf32> to vector<16xf32>
        %parallel_loop3A_556 = arith.mulf %parallel_loop3A_555, %parallel_loop3A_336 : vector<16xf32>
        %parallel_loop3A_557 = arith.index_cast %parallel_loop3A_355 : i32 to index
        %parallel_loop3A_558 = arith.constant 160 : index
        %parallel_loop3A_559 = tpu.vector_load %arg9[%parallel_loop3A_557, %parallel_loop3A_558] {strides = array<i32>} : memref<200x256xf32, #tpu.memory_space<vmem>>, vector<1x16xf32>,
        %parallel_loop3A_560 = vector.shape_cast %parallel_loop3A_559 : vector<1x16xf32> to vector<16xf32>
        %parallel_loop3A_561 = arith.addf %parallel_loop3A_556, %parallel_loop3A_560 : vector<16xf32>
        %parallel_loop3A_562 = arith.index_cast %parallel_loop3A_271 : i32 to index
        %parallel_loop3A_563 = arith.constant 160 : index
        %parallel_loop3A_564 = tpu.vector_load %arg15[%parallel_loop3A_562, %parallel_loop3A_563] {strides = array<i32>} : memref<80x256xf32, #tpu.memory_space<vmem>>, vector<1x16xf32>,
        %parallel_loop3A_565 = vector.shape_cast %parallel_loop3A_564 : vector<1x16xf32> to vector<16xf32>
        %parallel_loop3A_566 = vector.shape_cast %parallel_loop3A_561 : vector<16xf32> to vector<1x16xf32>
        tpu.vector_store %arg15[%parallel_loop3A_562, %parallel_loop3A_563], %parallel_loop3A_566 {strides = array<i32>} : memref<80x256xf32, #tpu.memory_space<vmem>>, vector<1x16xf32>,
        %parallel_loop3A_567 = arith.addf %parallel_loop3A_495, %parallel_loop3A_561 : vector<16xf32>
        %parallel_loop3A_568 = arith.mulf %parallel_loop3A_561, %parallel_loop3A_561 : vector<16xf32>
        %parallel_loop3A_569 = arith.addf %parallel_loop3A_497, %parallel_loop3A_568 : vector<16xf32>
        %parallel_loop3A_570 = arith.index_cast %parallel_loop3A_271 : i32 to index
        %parallel_loop3A_571 = arith.constant 176 : index
        %parallel_loop3A_572 = tpu.vector_load %arg15[%parallel_loop3A_570, %parallel_loop3A_571] {strides = array<i32>} : memref<80x256xf32, #tpu.memory_space<vmem>>, vector<1x16xf32>,
        %parallel_loop3A_573 = vector.shape_cast %parallel_loop3A_572 : vector<1x16xf32> to vector<16xf32>
        %parallel_loop3A_574 = arith.mulf %parallel_loop3A_573, %parallel_loop3A_336 : vector<16xf32>
        %parallel_loop3A_575 = arith.index_cast %parallel_loop3A_355 : i32 to index
        %parallel_loop3A_576 = arith.constant 176 : index
        %parallel_loop3A_577 = tpu.vector_load %arg9[%parallel_loop3A_575, %parallel_loop3A_576] {strides = array<i32>} : memref<200x256xf32, #tpu.memory_space<vmem>>, vector<1x16xf32>,
        %parallel_loop3A_578 = vector.shape_cast %parallel_loop3A_577 : vector<1x16xf32> to vector<16xf32>
        %parallel_loop3A_579 = arith.addf %parallel_loop3A_574, %parallel_loop3A_578 : vector<16xf32>
        %parallel_loop3A_580 = arith.index_cast %parallel_loop3A_271 : i32 to index
        %parallel_loop3A_581 = arith.constant 176 : index
        %parallel_loop3A_582 = tpu.vector_load %arg15[%parallel_loop3A_580, %parallel_loop3A_581] {strides = array<i32>} : memref<80x256xf32, #tpu.memory_space<vmem>>, vector<1x16xf32>,
        %parallel_loop3A_583 = vector.shape_cast %parallel_loop3A_582 : vector<1x16xf32> to vector<16xf32>
        %parallel_loop3A_584 = vector.shape_cast %parallel_loop3A_579 : vector<16xf32> to vector<1x16xf32>
        tpu.vector_store %arg15[%parallel_loop3A_580, %parallel_loop3A_581], %parallel_loop3A_584 {strides = array<i32>} : memref<80x256xf32, #tpu.memory_space<vmem>>, vector<1x16xf32>,
        %parallel_loop3A_585 = arith.addf %parallel_loop3A_513, %parallel_loop3A_579 : vector<16xf32>
        %parallel_loop3A_586 = arith.mulf %parallel_loop3A_579, %parallel_loop3A_579 : vector<16xf32>
        %parallel_loop3A_587 = arith.addf %parallel_loop3A_515, %parallel_loop3A_586 : vector<16xf32>
        %parallel_loop3A_588 = arith.index_cast %parallel_loop3A_271 : i32 to index
        %parallel_loop3A_589 = arith.constant 192 : index
        %parallel_loop3A_590 = tpu.vector_load %arg15[%parallel_loop3A_588, %parallel_loop3A_589] {strides = array<i32>} : memref<80x256xf32, #tpu.memory_space<vmem>>, vector<1x16xf32>,
        %parallel_loop3A_591 = vector.shape_cast %parallel_loop3A_590 : vector<1x16xf32> to vector<16xf32>
        %parallel_loop3A_592 = arith.mulf %parallel_loop3A_591, %parallel_loop3A_336 : vector<16xf32>
        %parallel_loop3A_593 = arith.index_cast %parallel_loop3A_355 : i32 to index
        %parallel_loop3A_594 = arith.constant 192 : index
        %parallel_loop3A_595 = tpu.vector_load %arg9[%parallel_loop3A_593, %parallel_loop3A_594] {strides = array<i32>} : memref<200x256xf32, #tpu.memory_space<vmem>>, vector<1x16xf32>,
        %parallel_loop3A_596 = vector.shape_cast %parallel_loop3A_595 : vector<1x16xf32> to vector<16xf32>
        %parallel_loop3A_597 = arith.addf %parallel_loop3A_592, %parallel_loop3A_596 : vector<16xf32>
        %parallel_loop3A_598 = arith.index_cast %parallel_loop3A_271 : i32 to index
        %parallel_loop3A_599 = arith.constant 192 : index
        %parallel_loop3A_600 = tpu.vector_load %arg15[%parallel_loop3A_598, %parallel_loop3A_599] {strides = array<i32>} : memref<80x256xf32, #tpu.memory_space<vmem>>, vector<1x16xf32>,
        %parallel_loop3A_601 = vector.shape_cast %parallel_loop3A_600 : vector<1x16xf32> to vector<16xf32>
        %parallel_loop3A_602 = vector.shape_cast %parallel_loop3A_597 : vector<16xf32> to vector<1x16xf32>
        tpu.vector_store %arg15[%parallel_loop3A_598, %parallel_loop3A_599], %parallel_loop3A_602 {strides = array<i32>} : memref<80x256xf32, #tpu.memory_space<vmem>>, vector<1x16xf32>,
        %parallel_loop3A_603 = arith.addf %parallel_loop3A_531, %parallel_loop3A_597 : vector<16xf32>
        %parallel_loop3A_604 = arith.mulf %parallel_loop3A_597, %parallel_loop3A_597 : vector<16xf32>
        %parallel_loop3A_605 = arith.addf %parallel_loop3A_533, %parallel_loop3A_604 : vector<16xf32>
        %parallel_loop3A_606 = arith.index_cast %parallel_loop3A_271 : i32 to index
        %parallel_loop3A_607 = arith.constant 208 : index
        %parallel_loop3A_608 = tpu.vector_load %arg15[%parallel_loop3A_606, %parallel_loop3A_607] {strides = array<i32>} : memref<80x256xf32, #tpu.memory_space<vmem>>, vector<1x16xf32>,
        %parallel_loop3A_609 = vector.shape_cast %parallel_loop3A_608 : vector<1x16xf32> to vector<16xf32>
        %parallel_loop3A_610 = arith.mulf %parallel_loop3A_609, %parallel_loop3A_336 : vector<16xf32>
        %parallel_loop3A_611 = arith.index_cast %parallel_loop3A_355 : i32 to index
        %parallel_loop3A_612 = arith.constant 208 : index
        %parallel_loop3A_613 = tpu.vector_load %arg9[%parallel_loop3A_611, %parallel_loop3A_612] {strides = array<i32>} : memref<200x256xf32, #tpu.memory_space<vmem>>, vector<1x16xf32>,
        %parallel_loop3A_614 = vector.shape_cast %parallel_loop3A_613 : vector<1x16xf32> to vector<16xf32>
        %parallel_loop3A_615 = arith.addf %parallel_loop3A_610, %parallel_loop3A_614 : vector<16xf32>
        %parallel_loop3A_616 = arith.index_cast %parallel_loop3A_271 : i32 to index
        %parallel_loop3A_617 = arith.constant 208 : index
        %parallel_loop3A_618 = tpu.vector_load %arg15[%parallel_loop3A_616, %parallel_loop3A_617] {strides = array<i32>} : memref<80x256xf32, #tpu.memory_space<vmem>>, vector<1x16xf32>,
        %parallel_loop3A_619 = vector.shape_cast %parallel_loop3A_618 : vector<1x16xf32> to vector<16xf32>
        %parallel_loop3A_620 = vector.shape_cast %parallel_loop3A_615 : vector<16xf32> to vector<1x16xf32>
        tpu.vector_store %arg15[%parallel_loop3A_616, %parallel_loop3A_617], %parallel_loop3A_620 {strides = array<i32>} : memref<80x256xf32, #tpu.memory_space<vmem>>, vector<1x16xf32>,
        %parallel_loop3A_621 = arith.addf %parallel_loop3A_549, %parallel_loop3A_615 : vector<16xf32>
        %parallel_loop3A_622 = arith.mulf %parallel_loop3A_615, %parallel_loop3A_615 : vector<16xf32>
        %parallel_loop3A_623 = arith.addf %parallel_loop3A_551, %parallel_loop3A_622 : vector<16xf32>
        %parallel_loop3A_624 = arith.index_cast %parallel_loop3A_271 : i32 to index
        %parallel_loop3A_625 = arith.constant 224 : index
        %parallel_loop3A_626 = tpu.vector_load %arg15[%parallel_loop3A_624, %parallel_loop3A_625] {strides = array<i32>} : memref<80x256xf32, #tpu.memory_space<vmem>>, vector<1x16xf32>,
        %parallel_loop3A_627 = vector.shape_cast %parallel_loop3A_626 : vector<1x16xf32> to vector<16xf32>
        %parallel_loop3A_628 = arith.mulf %parallel_loop3A_627, %parallel_loop3A_336 : vector<16xf32>
        %parallel_loop3A_629 = arith.index_cast %parallel_loop3A_355 : i32 to index
        %parallel_loop3A_630 = arith.constant 224 : index
        %parallel_loop3A_631 = tpu.vector_load %arg9[%parallel_loop3A_629, %parallel_loop3A_630] {strides = array<i32>} : memref<200x256xf32, #tpu.memory_space<vmem>>, vector<1x16xf32>,
        %parallel_loop3A_632 = vector.shape_cast %parallel_loop3A_631 : vector<1x16xf32> to vector<16xf32>
        %parallel_loop3A_633 = arith.addf %parallel_loop3A_628, %parallel_loop3A_632 : vector<16xf32>
        %parallel_loop3A_634 = arith.index_cast %parallel_loop3A_271 : i32 to index
        %parallel_loop3A_635 = arith.constant 224 : index
        %parallel_loop3A_636 = tpu.vector_load %arg15[%parallel_loop3A_634, %parallel_loop3A_635] {strides = array<i32>} : memref<80x256xf32, #tpu.memory_space<vmem>>, vector<1x16xf32>,
        %parallel_loop3A_637 = vector.shape_cast %parallel_loop3A_636 : vector<1x16xf32> to vector<16xf32>
        %parallel_loop3A_638 = vector.shape_cast %parallel_loop3A_633 : vector<16xf32> to vector<1x16xf32>
        tpu.vector_store %arg15[%parallel_loop3A_634, %parallel_loop3A_635], %parallel_loop3A_638 {strides = array<i32>} : memref<80x256xf32, #tpu.memory_space<vmem>>, vector<1x16xf32>,
        %parallel_loop3A_639 = arith.addf %parallel_loop3A_567, %parallel_loop3A_633 : vector<16xf32>
        %parallel_loop3A_640 = arith.mulf %parallel_loop3A_633, %parallel_loop3A_633 : vector<16xf32>
        %parallel_loop3A_641 = arith.addf %parallel_loop3A_569, %parallel_loop3A_640 : vector<16xf32>
        %parallel_loop3A_642 = arith.index_cast %parallel_loop3A_271 : i32 to index
        %parallel_loop3A_643 = arith.constant 240 : index
        %parallel_loop3A_644 = tpu.vector_load %arg15[%parallel_loop3A_642, %parallel_loop3A_643] {strides = array<i32>} : memref<80x256xf32, #tpu.memory_space<vmem>>, vector<1x16xf32>,
        %parallel_loop3A_645 = vector.shape_cast %parallel_loop3A_644 : vector<1x16xf32> to vector<16xf32>
        %parallel_loop3A_646 = arith.mulf %parallel_loop3A_645, %parallel_loop3A_336 : vector<16xf32>
        %parallel_loop3A_647 = arith.index_cast %parallel_loop3A_355 : i32 to index
        %parallel_loop3A_648 = arith.constant 240 : index
        %parallel_loop3A_649 = tpu.vector_load %arg9[%parallel_loop3A_647, %parallel_loop3A_648] {strides = array<i32>} : memref<200x256xf32, #tpu.memory_space<vmem>>, vector<1x16xf32>,
        %parallel_loop3A_650 = vector.shape_cast %parallel_loop3A_649 : vector<1x16xf32> to vector<16xf32>
        %parallel_loop3A_651 = arith.addf %parallel_loop3A_646, %parallel_loop3A_650 : vector<16xf32>
        %parallel_loop3A_652 = arith.index_cast %parallel_loop3A_271 : i32 to index
        %parallel_loop3A_653 = arith.constant 240 : index
        %parallel_loop3A_654 = tpu.vector_load %arg15[%parallel_loop3A_652, %parallel_loop3A_653] {strides = array<i32>} : memref<80x256xf32, #tpu.memory_space<vmem>>, vector<1x16xf32>,
        %parallel_loop3A_655 = vector.shape_cast %parallel_loop3A_654 : vector<1x16xf32> to vector<16xf32>
        %parallel_loop3A_656 = vector.shape_cast %parallel_loop3A_651 : vector<16xf32> to vector<1x16xf32>
        tpu.vector_store %arg15[%parallel_loop3A_652, %parallel_loop3A_653], %parallel_loop3A_656 {strides = array<i32>} : memref<80x256xf32, #tpu.memory_space<vmem>>, vector<1x16xf32>,
        %parallel_loop3A_657 = arith.addf %parallel_loop3A_585, %parallel_loop3A_651 : vector<16xf32>
        %parallel_loop3A_658 = arith.mulf %parallel_loop3A_651, %parallel_loop3A_651 : vector<16xf32>
        %parallel_loop3A_659 = arith.addf %parallel_loop3A_587, %parallel_loop3A_658 : vector<16xf32>
        %parallel_loop3A_660 = arith.addf %parallel_loop3A_603, %parallel_loop3A_621 : vector<16xf32>
        %parallel_loop3A_661 = arith.addf %parallel_loop3A_639, %parallel_loop3A_657 : vector<16xf32>
        %parallel_loop3A_662 = arith.addf %parallel_loop3A_660, %parallel_loop3A_661 : vector<16xf32>
        %parallel_loop3A_663 = arith.addf %parallel_loop3A_605, %parallel_loop3A_623 : vector<16xf32>
        %parallel_loop3A_664 = arith.addf %parallel_loop3A_641, %parallel_loop3A_659 : vector<16xf32>
        %parallel_loop3A_665 = arith.addf %parallel_loop3A_663, %parallel_loop3A_664 : vector<16xf32>
        %parallel_loop3A_666 = tpu.iota {dimensions = array<i32: 0>} : vector<16xi32>
        %parallel_loop3A_667 = arith.constant 8 : i32
        %parallel_loop3A_668 = vector.broadcast %parallel_loop3A_667 : i32 to vector<16xi32>
        %parallel_loop3A_669 = arith.xori %parallel_loop3A_666, %parallel_loop3A_668 : vector<16xi32>
        %parallel_loop3A_670 = arith.constant 0 : i32
        %parallel_loop3A_671 = vector.broadcast %parallel_loop3A_670 : i32 to vector<16xi32>
        %parallel_loop3A_672 = arith.cmpi slt, %parallel_loop3A_669, %parallel_loop3A_671 : vector<16xi32>
        %parallel_loop3A_673 = arith.constant 16 : i32
        %parallel_loop3A_674 = vector.broadcast %parallel_loop3A_673 : i32 to vector<16xi32>
        %parallel_loop3A_675 = arith.addi %parallel_loop3A_669, %parallel_loop3A_674 : vector<16xi32>
        %parallel_loop3A_676 = arith.select %parallel_loop3A_672, %parallel_loop3A_675, %parallel_loop3A_669 : vector<16xi1>, vector<16xi32>
        %parallel_loop3A_677 = vector.shape_cast %parallel_loop3A_676 : vector<16xi32> to vector<16x1xi32>
        %parallel_loop3A_678 = vector.shape_cast %parallel_loop3A_677 : vector<16x1xi32> to vector<16xi32>
        %parallel_loop3A_679 = tpu.dynamic_gather %parallel_loop3A_662[%parallel_loop3A_678] in [0] : vector<16xf32>, vector<16xi32> -> vector<16xf32>
        %parallel_loop3A_680 = arith.addf %parallel_loop3A_662, %parallel_loop3A_679 : vector<16xf32>
        %parallel_loop3A_681 = arith.constant 4 : i32
        %parallel_loop3A_682 = vector.broadcast %parallel_loop3A_681 : i32 to vector<16xi32>
        %parallel_loop3A_683 = arith.xori %parallel_loop3A_666, %parallel_loop3A_682 : vector<16xi32>
        %parallel_loop3A_684 = arith.constant 0 : i32
        %parallel_loop3A_685 = vector.broadcast %parallel_loop3A_684 : i32 to vector<16xi32>
        %parallel_loop3A_686 = arith.cmpi slt, %parallel_loop3A_683, %parallel_loop3A_685 : vector<16xi32>
        %parallel_loop3A_687 = arith.constant 16 : i32
        %parallel_loop3A_688 = vector.broadcast %parallel_loop3A_687 : i32 to vector<16xi32>
        %parallel_loop3A_689 = arith.addi %parallel_loop3A_683, %parallel_loop3A_688 : vector<16xi32>
        %parallel_loop3A_690 = arith.select %parallel_loop3A_686, %parallel_loop3A_689, %parallel_loop3A_683 : vector<16xi1>, vector<16xi32>
        %parallel_loop3A_691 = vector.shape_cast %parallel_loop3A_690 : vector<16xi32> to vector<16x1xi32>
        %parallel_loop3A_692 = vector.shape_cast %parallel_loop3A_691 : vector<16x1xi32> to vector<16xi32>
        %parallel_loop3A_693 = tpu.dynamic_gather %parallel_loop3A_680[%parallel_loop3A_692] in [0] : vector<16xf32>, vector<16xi32> -> vector<16xf32>
        %parallel_loop3A_694 = arith.addf %parallel_loop3A_680, %parallel_loop3A_693 : vector<16xf32>
        %parallel_loop3A_695 = arith.constant 2 : i32
        %parallel_loop3A_696 = vector.broadcast %parallel_loop3A_695 : i32 to vector<16xi32>
        %parallel_loop3A_697 = arith.xori %parallel_loop3A_666, %parallel_loop3A_696 : vector<16xi32>
        %parallel_loop3A_698 = arith.constant 0 : i32
        %parallel_loop3A_699 = vector.broadcast %parallel_loop3A_698 : i32 to vector<16xi32>
        %parallel_loop3A_700 = arith.cmpi slt, %parallel_loop3A_697, %parallel_loop3A_699 : vector<16xi32>
        %parallel_loop3A_701 = arith.constant 16 : i32
        %parallel_loop3A_702 = vector.broadcast %parallel_loop3A_701 : i32 to vector<16xi32>
        %parallel_loop3A_703 = arith.addi %parallel_loop3A_697, %parallel_loop3A_702 : vector<16xi32>
        %parallel_loop3A_704 = arith.select %parallel_loop3A_700, %parallel_loop3A_703, %parallel_loop3A_697 : vector<16xi1>, vector<16xi32>
        %parallel_loop3A_705 = vector.shape_cast %parallel_loop3A_704 : vector<16xi32> to vector<16x1xi32>
        %parallel_loop3A_706 = vector.shape_cast %parallel_loop3A_705 : vector<16x1xi32> to vector<16xi32>
        %parallel_loop3A_707 = tpu.dynamic_gather %parallel_loop3A_694[%parallel_loop3A_706] in [0] : vector<16xf32>, vector<16xi32> -> vector<16xf32>
        %parallel_loop3A_708 = arith.addf %parallel_loop3A_694, %parallel_loop3A_707 : vector<16xf32>
        %parallel_loop3A_709 = arith.constant 1 : i32
        %parallel_loop3A_710 = vector.broadcast %parallel_loop3A_709 : i32 to vector<16xi32>
        %parallel_loop3A_711 = arith.xori %parallel_loop3A_666, %parallel_loop3A_710 : vector<16xi32>
        %parallel_loop3A_712 = arith.constant 0 : i32
        %parallel_loop3A_713 = vector.broadcast %parallel_loop3A_712 : i32 to vector<16xi32>
        %parallel_loop3A_714 = arith.cmpi slt, %parallel_loop3A_711, %parallel_loop3A_713 : vector<16xi32>
        %parallel_loop3A_715 = arith.constant 16 : i32
        %parallel_loop3A_716 = vector.broadcast %parallel_loop3A_715 : i32 to vector<16xi32>
        %parallel_loop3A_717 = arith.addi %parallel_loop3A_711, %parallel_loop3A_716 : vector<16xi32>
        %parallel_loop3A_718 = arith.select %parallel_loop3A_714, %parallel_loop3A_717, %parallel_loop3A_711 : vector<16xi1>, vector<16xi32>
        %parallel_loop3A_719 = vector.shape_cast %parallel_loop3A_718 : vector<16xi32> to vector<16x1xi32>
        %parallel_loop3A_720 = vector.shape_cast %parallel_loop3A_719 : vector<16x1xi32> to vector<16xi32>
        %parallel_loop3A_721 = tpu.dynamic_gather %parallel_loop3A_708[%parallel_loop3A_720] in [0] : vector<16xf32>, vector<16xi32> -> vector<16xf32>
        %parallel_loop3A_722 = arith.addf %parallel_loop3A_708, %parallel_loop3A_721 : vector<16xf32>
        %parallel_loop3A_723 = arith.constant 3.906250e-03 : f32
        %parallel_loop3A_724 = vector.broadcast %parallel_loop3A_723 : f32 to vector<16xf32>
        %parallel_loop3A_725 = arith.mulf %parallel_loop3A_722, %parallel_loop3A_724 : vector<16xf32>
        %parallel_loop3A_726 = tpu.iota {dimensions = array<i32: 0>} : vector<16xi32>
        %parallel_loop3A_727 = arith.constant 8 : i32
        %parallel_loop3A_728 = vector.broadcast %parallel_loop3A_727 : i32 to vector<16xi32>
        %parallel_loop3A_729 = arith.xori %parallel_loop3A_726, %parallel_loop3A_728 : vector<16xi32>
        %parallel_loop3A_730 = arith.constant 0 : i32
        %parallel_loop3A_731 = vector.broadcast %parallel_loop3A_730 : i32 to vector<16xi32>
        %parallel_loop3A_732 = arith.cmpi slt, %parallel_loop3A_729, %parallel_loop3A_731 : vector<16xi32>
        %parallel_loop3A_733 = arith.constant 16 : i32
        %parallel_loop3A_734 = vector.broadcast %parallel_loop3A_733 : i32 to vector<16xi32>
        %parallel_loop3A_735 = arith.addi %parallel_loop3A_729, %parallel_loop3A_734 : vector<16xi32>
        %parallel_loop3A_736 = arith.select %parallel_loop3A_732, %parallel_loop3A_735, %parallel_loop3A_729 : vector<16xi1>, vector<16xi32>
        %parallel_loop3A_737 = vector.shape_cast %parallel_loop3A_736 : vector<16xi32> to vector<16x1xi32>
        %parallel_loop3A_738 = vector.shape_cast %parallel_loop3A_737 : vector<16x1xi32> to vector<16xi32>
        %parallel_loop3A_739 = tpu.dynamic_gather %parallel_loop3A_665[%parallel_loop3A_738] in [0] : vector<16xf32>, vector<16xi32> -> vector<16xf32>
        %parallel_loop3A_740 = arith.addf %parallel_loop3A_665, %parallel_loop3A_739 : vector<16xf32>
        %parallel_loop3A_741 = arith.constant 4 : i32
        %parallel_loop3A_742 = vector.broadcast %parallel_loop3A_741 : i32 to vector<16xi32>
        %parallel_loop3A_743 = arith.xori %parallel_loop3A_726, %parallel_loop3A_742 : vector<16xi32>
        %parallel_loop3A_744 = arith.constant 0 : i32
        %parallel_loop3A_745 = vector.broadcast %parallel_loop3A_744 : i32 to vector<16xi32>
        %parallel_loop3A_746 = arith.cmpi slt, %parallel_loop3A_743, %parallel_loop3A_745 : vector<16xi32>
        %parallel_loop3A_747 = arith.constant 16 : i32
        %parallel_loop3A_748 = vector.broadcast %parallel_loop3A_747 : i32 to vector<16xi32>
        %parallel_loop3A_749 = arith.addi %parallel_loop3A_743, %parallel_loop3A_748 : vector<16xi32>
        %parallel_loop3A_750 = arith.select %parallel_loop3A_746, %parallel_loop3A_749, %parallel_loop3A_743 : vector<16xi1>, vector<16xi32>
        %parallel_loop3A_751 = vector.shape_cast %parallel_loop3A_750 : vector<16xi32> to vector<16x1xi32>
        %parallel_loop3A_752 = vector.shape_cast %parallel_loop3A_751 : vector<16x1xi32> to vector<16xi32>
        %parallel_loop3A_753 = tpu.dynamic_gather %parallel_loop3A_740[%parallel_loop3A_752] in [0] : vector<16xf32>, vector<16xi32> -> vector<16xf32>
        %parallel_loop3A_754 = arith.addf %parallel_loop3A_740, %parallel_loop3A_753 : vector<16xf32>
        %parallel_loop3A_755 = arith.constant 2 : i32
        %parallel_loop3A_756 = vector.broadcast %parallel_loop3A_755 : i32 to vector<16xi32>
        %parallel_loop3A_757 = arith.xori %parallel_loop3A_726, %parallel_loop3A_756 : vector<16xi32>
        %parallel_loop3A_758 = arith.constant 0 : i32
        %parallel_loop3A_759 = vector.broadcast %parallel_loop3A_758 : i32 to vector<16xi32>
        %parallel_loop3A_760 = arith.cmpi slt, %parallel_loop3A_757, %parallel_loop3A_759 : vector<16xi32>
        %parallel_loop3A_761 = arith.constant 16 : i32
        %parallel_loop3A_762 = vector.broadcast %parallel_loop3A_761 : i32 to vector<16xi32>
        %parallel_loop3A_763 = arith.addi %parallel_loop3A_757, %parallel_loop3A_762 : vector<16xi32>
        %parallel_loop3A_764 = arith.select %parallel_loop3A_760, %parallel_loop3A_763, %parallel_loop3A_757 : vector<16xi1>, vector<16xi32>
        %parallel_loop3A_765 = vector.shape_cast %parallel_loop3A_764 : vector<16xi32> to vector<16x1xi32>
        %parallel_loop3A_766 = vector.shape_cast %parallel_loop3A_765 : vector<16x1xi32> to vector<16xi32>
        %parallel_loop3A_767 = tpu.dynamic_gather %parallel_loop3A_754[%parallel_loop3A_766] in [0] : vector<16xf32>, vector<16xi32> -> vector<16xf32>
        %parallel_loop3A_768 = arith.addf %parallel_loop3A_754, %parallel_loop3A_767 : vector<16xf32>
        %parallel_loop3A_769 = arith.constant 1 : i32
        %parallel_loop3A_770 = vector.broadcast %parallel_loop3A_769 : i32 to vector<16xi32>
        %parallel_loop3A_771 = arith.xori %parallel_loop3A_726, %parallel_loop3A_770 : vector<16xi32>
        %parallel_loop3A_772 = arith.constant 0 : i32
        %parallel_loop3A_773 = vector.broadcast %parallel_loop3A_772 : i32 to vector<16xi32>
        %parallel_loop3A_774 = arith.cmpi slt, %parallel_loop3A_771, %parallel_loop3A_773 : vector<16xi32>
        %parallel_loop3A_775 = arith.constant 16 : i32
        %parallel_loop3A_776 = vector.broadcast %parallel_loop3A_775 : i32 to vector<16xi32>
        %parallel_loop3A_777 = arith.addi %parallel_loop3A_771, %parallel_loop3A_776 : vector<16xi32>
        %parallel_loop3A_778 = arith.select %parallel_loop3A_774, %parallel_loop3A_777, %parallel_loop3A_771 : vector<16xi1>, vector<16xi32>
        %parallel_loop3A_779 = vector.shape_cast %parallel_loop3A_778 : vector<16xi32> to vector<16x1xi32>
        %parallel_loop3A_780 = vector.shape_cast %parallel_loop3A_779 : vector<16x1xi32> to vector<16xi32>
        %parallel_loop3A_781 = tpu.dynamic_gather %parallel_loop3A_768[%parallel_loop3A_780] in [0] : vector<16xf32>, vector<16xi32> -> vector<16xf32>
        %parallel_loop3A_782 = arith.addf %parallel_loop3A_768, %parallel_loop3A_781 : vector<16xf32>
        %parallel_loop3A_783 = arith.constant 3.906250e-03 : f32
        %parallel_loop3A_784 = vector.broadcast %parallel_loop3A_783 : f32 to vector<16xf32>
        %parallel_loop3A_785 = arith.mulf %parallel_loop3A_782, %parallel_loop3A_784 : vector<16xf32>
        %parallel_loop3A_786 = arith.mulf %parallel_loop3A_725, %parallel_loop3A_725 : vector<16xf32>
        %parallel_loop3A_787 = arith.subf %parallel_loop3A_785, %parallel_loop3A_786 : vector<16xf32>
        %parallel_loop3A_788 = arith.index_cast %parallel_loop3A_271 : i32 to index
        %parallel_loop3A_789 = arith.constant 0 : index
        %parallel_loop3A_790 = tpu.vector_load %arg12[%parallel_loop3A_788, %parallel_loop3A_789] {strides = array<i32>} : memref<80x16xf32, #tpu.memory_space<vmem>>, vector<1x16xf32>,
        %parallel_loop3A_791 = vector.shape_cast %parallel_loop3A_790 : vector<1x16xf32> to vector<16xf32>
        %parallel_loop3A_792 = vector.shape_cast %parallel_loop3A_725 : vector<16xf32> to vector<1x16xf32>
        tpu.vector_store %arg12[%parallel_loop3A_788, %parallel_loop3A_789], %parallel_loop3A_792 {strides = array<i32>} : memref<80x16xf32, #tpu.memory_space<vmem>>, vector<1x16xf32>,
        %parallel_loop3A_793 = arith.constant 9.99999974E-6 : f32
        %parallel_loop3A_794 = vector.broadcast %parallel_loop3A_793 : f32 to vector<16xf32>
        %parallel_loop3A_795 = arith.addf %parallel_loop3A_787, %parallel_loop3A_794 : vector<16xf32>
        %parallel_loop3A_796 = tpu.bitcast %parallel_loop3A_795 : vector<16xf32> -> vector<16xi32>
        %parallel_loop3A_797 = arith.constant 1 : i32
        %parallel_loop3A_798 = vector.broadcast %parallel_loop3A_797 : i32 to vector<16xi32>
        %parallel_loop3A_799 = arith.shrsi %parallel_loop3A_796, %parallel_loop3A_798 : vector<16xi32>
        %parallel_loop3A_800 = arith.constant 1597463007 : i32
        %parallel_loop3A_801 = vector.broadcast %parallel_loop3A_800 : i32 to vector<16xi32>
        %parallel_loop3A_802 = arith.subi %parallel_loop3A_801, %parallel_loop3A_799 : vector<16xi32>
        %parallel_loop3A_803 = tpu.bitcast %parallel_loop3A_802 : vector<16xi32> -> vector<16xf32>
        %parallel_loop3A_804 = arith.constant 5.000000e-01 : f32
        %parallel_loop3A_805 = vector.broadcast %parallel_loop3A_804 : f32 to vector<16xf32>
        %parallel_loop3A_806 = arith.mulf %parallel_loop3A_805, %parallel_loop3A_795 : vector<16xf32>
        %parallel_loop3A_807 = arith.mulf %parallel_loop3A_806, %parallel_loop3A_803 : vector<16xf32>
        %parallel_loop3A_808 = arith.mulf %parallel_loop3A_807, %parallel_loop3A_803 : vector<16xf32>
        %parallel_loop3A_809 = arith.constant 1.500000e+00 : f32
        %parallel_loop3A_810 = vector.broadcast %parallel_loop3A_809 : f32 to vector<16xf32>
        %parallel_loop3A_811 = arith.subf %parallel_loop3A_810, %parallel_loop3A_808 : vector<16xf32>
        %parallel_loop3A_812 = arith.mulf %parallel_loop3A_803, %parallel_loop3A_811 : vector<16xf32>
        %parallel_loop3A_813 = arith.constant 5.000000e-01 : f32
        %parallel_loop3A_814 = vector.broadcast %parallel_loop3A_813 : f32 to vector<16xf32>
        %parallel_loop3A_815 = arith.mulf %parallel_loop3A_814, %parallel_loop3A_795 : vector<16xf32>
        %parallel_loop3A_816 = arith.mulf %parallel_loop3A_815, %parallel_loop3A_812 : vector<16xf32>
        %parallel_loop3A_817 = arith.mulf %parallel_loop3A_816, %parallel_loop3A_812 : vector<16xf32>
        %parallel_loop3A_818 = arith.constant 1.500000e+00 : f32
        %parallel_loop3A_819 = vector.broadcast %parallel_loop3A_818 : f32 to vector<16xf32>
        %parallel_loop3A_820 = arith.subf %parallel_loop3A_819, %parallel_loop3A_817 : vector<16xf32>
        %parallel_loop3A_821 = arith.mulf %parallel_loop3A_812, %parallel_loop3A_820 : vector<16xf32>
        %parallel_loop3A_822 = arith.constant 5.000000e-01 : f32
        %parallel_loop3A_823 = vector.broadcast %parallel_loop3A_822 : f32 to vector<16xf32>
        %parallel_loop3A_824 = arith.mulf %parallel_loop3A_823, %parallel_loop3A_795 : vector<16xf32>
        %parallel_loop3A_825 = arith.mulf %parallel_loop3A_824, %parallel_loop3A_821 : vector<16xf32>
        %parallel_loop3A_826 = arith.mulf %parallel_loop3A_825, %parallel_loop3A_821 : vector<16xf32>
        %parallel_loop3A_827 = arith.constant 1.500000e+00 : f32
        %parallel_loop3A_828 = vector.broadcast %parallel_loop3A_827 : f32 to vector<16xf32>
        %parallel_loop3A_829 = arith.subf %parallel_loop3A_828, %parallel_loop3A_826 : vector<16xf32>
        %parallel_loop3A_830 = arith.mulf %parallel_loop3A_821, %parallel_loop3A_829 : vector<16xf32>
        %parallel_loop3A_831 = arith.index_cast %parallel_loop3A_271 : i32 to index
        %parallel_loop3A_832 = arith.constant 0 : index
        %parallel_loop3A_833 = tpu.vector_load %arg13[%parallel_loop3A_831, %parallel_loop3A_832] {strides = array<i32>} : memref<80x16xf32, #tpu.memory_space<vmem>>, vector<1x16xf32>,
        %parallel_loop3A_834 = vector.shape_cast %parallel_loop3A_833 : vector<1x16xf32> to vector<16xf32>
        %parallel_loop3A_835 = vector.shape_cast %parallel_loop3A_830 : vector<16xf32> to vector<1x16xf32>
        tpu.vector_store %arg13[%parallel_loop3A_831, %parallel_loop3A_832], %parallel_loop3A_835 {strides = array<i32>} : memref<80x16xf32, #tpu.memory_space<vmem>>, vector<1x16xf32>,
      } {sc.loop_unroll_factor = 2 : i64, sc.parallel_access}
      %mul3A_154 = arith.constant 80 : i32
      %mul3A_155 = arith.muli %mul3A_21, %mul3A_154 : i32
      %add3A_156 = arith.addi %mul3A_2, %mul3A_155 : i32
      %dma_wait3A_157 = arith.constant 0 : i32
      %dma_wait3A_158 = tpu.memref_slice %arg7[%add3A_156, %dma_wait3A_157] : memref<204800x256xf32, #tpu.memory_space<hbm>> -> memref<80x256xf32, #tpu.memory_space<hbm>>
      %dma_wait3A_159 = arith.constant 0 : i32
      %dma_wait3A_160 = tpu.memref_slice %arg7[%add3A_156, %dma_wait3A_159] : memref<204800x256xf32, #tpu.memory_space<hbm>> -> memref<80x256xf32, #tpu.memory_space<hbm>>
      tpu.wait_dma2 semaphore(%arg18 : memref<!tpu.dma_semaphore, #tpu.memory_space<semaphore_mem>>) src(%arg14 : memref<80x256xf32, #tpu.memory_space<vmem>>) dst(%dma_wait3A_160 : memref<80x256xf32, #tpu.memory_space<hbm>>)
      %lt3A = arith.constant 39 : i32
      %lt3A_161 = arith.cmpi slt, %scan3A_19, %lt3A : i32
      %convert_element_type3A_162 = arith.extui %lt3A_161 : i1 to i32
      %cond3A_163 = arith.constant 0 : i32
      %cond3A_164 = arith.cmpi ne, %convert_element_type3A_162, %cond3A_163 : i32
      scf.if %cond3A_164 {
        %add3A_271 = arith.constant 2 : i32
        %add3A_272 = arith.addi %mul3A_21, %add3A_271 : i32
        %dma_start3A_273 = arith.constant 0 : i32
        %dma_start3A_274 = tpu.memref_slice %arg8[%add3A_272, %dma_start3A_273] : memref<80x80xi32, #tpu.memory_space<vmem>> -> memref<1x80xi32, #tpu.memory_space<vmem>>
        %dma_start3A_275 = tpu.memref_squeeze %dma_start3A_274 : memref<1x80xi32, #tpu.memory_space<vmem>> -> memref<80xi32, #tpu.memory_space<vmem>>
        %dma_start3A_276 = arith.constant 0 : i32
        %dma_start3A_277 = arith.constant 0 : i32
        %dma_start3A_278 = tpu.memref_slice %arg3[%dma_start3A_276, %dma_start3A_277] : memref<50257x256xf32, #tpu.memory_space<hbm>> -> memref<50257x256xf32, #tpu.memory_space<hbm>>
        tpu.enqueue_indirect_dma source(%dma_start3A_278 : memref<50257x256xf32, #tpu.memory_space<hbm>>) target(%arg14 : memref<80x256xf32, #tpu.memory_space<vmem>>) offsets(%dma_start3A_275 : memref<80xi32, #tpu.memory_space<vmem>>) semaphore(%arg16 : memref<!tpu.dma_semaphore, #tpu.memory_space<semaphore_mem>>)
      } else {
      }
      %get3A_165 = arith.constant 0 : index
      %get3A_166 = tpu.vector_load %arg10[%get3A_165] {strides = array<i32>} : memref<256xf32, #tpu.memory_space<vmem>>, vector<16xf32>,
      %get3A_167 = vector.shape_cast %get3A_166 : vector<16xf32> to vector<16xf32>
      %get3A_168 = arith.constant 16 : index
      %get3A_169 = tpu.vector_load %arg10[%get3A_168] {strides = array<i32>} : memref<256xf32, #tpu.memory_space<vmem>>, vector<16xf32>,
      %get3A_170 = vector.shape_cast %get3A_169 : vector<16xf32> to vector<16xf32>
      %get3A_171 = arith.constant 32 : index
      %get3A_172 = tpu.vector_load %arg10[%get3A_171] {strides = array<i32>} : memref<256xf32, #tpu.memory_space<vmem>>, vector<16xf32>,
      %get3A_173 = vector.shape_cast %get3A_172 : vector<16xf32> to vector<16xf32>
      %get3A_174 = arith.constant 48 : index
      %get3A_175 = tpu.vector_load %arg10[%get3A_174] {strides = array<i32>} : memref<256xf32, #tpu.memory_space<vmem>>, vector<16xf32>,
      %get3A_176 = vector.shape_cast %get3A_175 : vector<16xf32> to vector<16xf32>
      %get3A_177 = arith.constant 64 : index
      %get3A_178 = tpu.vector_load %arg10[%get3A_177] {strides = array<i32>} : memref<256xf32, #tpu.memory_space<vmem>>, vector<16xf32>,
      %get3A_179 = vector.shape_cast %get3A_178 : vector<16xf32> to vector<16xf32>
      %get3A_180 = arith.constant 80 : index
      %get3A_181 = tpu.vector_load %arg10[%get3A_180] {strides = array<i32>} : memref<256xf32, #tpu.memory_space<vmem>>, vector<16xf32>,
      %get3A_182 = vector.shape_cast %get3A_181 : vector<16xf32> to vector<16xf32>
      %get3A_183 = arith.constant 96 : index
      %get3A_184 = tpu.vector_load %arg10[%get3A_183] {strides = array<i32>} : memref<256xf32, #tpu.memory_space<vmem>>, vector<16xf32>,
      %get3A_185 = vector.shape_cast %get3A_184 : vector<16xf32> to vector<16xf32>
      %get3A_186 = arith.constant 112 : index
      %get3A_187 = tpu.vector_load %arg10[%get3A_186] {strides = array<i32>} : memref<256xf32, #tpu.memory_space<vmem>>, vector<16xf32>,
      %get3A_188 = vector.shape_cast %get3A_187 : vector<16xf32> to vector<16xf32>
      %get3A_189 = arith.constant 128 : index
      %get3A_190 = tpu.vector_load %arg10[%get3A_189] {strides = array<i32>} : memref<256xf32, #tpu.memory_space<vmem>>, vector<16xf32>,
      %get3A_191 = vector.shape_cast %get3A_190 : vector<16xf32> to vector<16xf32>
      %get3A_192 = arith.constant 144 : index
      %get3A_193 = tpu.vector_load %arg10[%get3A_192] {strides = array<i32>} : memref<256xf32, #tpu.memory_space<vmem>>, vector<16xf32>,
      %get3A_194 = vector.shape_cast %get3A_193 : vector<16xf32> to vector<16xf32>
      %get3A_195 = arith.constant 160 : index
      %get3A_196 = tpu.vector_load %arg10[%get3A_195] {strides = array<i32>} : memref<256xf32, #tpu.memory_space<vmem>>, vector<16xf32>,
      %get3A_197 = vector.shape_cast %get3A_196 : vector<16xf32> to vector<16xf32>
      %get3A_198 = arith.constant 176 : index
      %get3A_199 = tpu.vector_load %arg10[%get3A_198] {strides = array<i32>} : memref<256xf32, #tpu.memory_space<vmem>>, vector<16xf32>,
      %get3A_200 = vector.shape_cast %get3A_199 : vector<16xf32> to vector<16xf32>
      %get3A_201 = arith.constant 192 : index
      %get3A_202 = tpu.vector_load %arg10[%get3A_201] {strides = array<i32>} : memref<256xf32, #tpu.memory_space<vmem>>, vector<16xf32>,
      %get3A_203 = vector.shape_cast %get3A_202 : vector<16xf32> to vector<16xf32>
      %get3A_204 = arith.constant 208 : index
      %get3A_205 = tpu.vector_load %arg10[%get3A_204] {strides = array<i32>} : memref<256xf32, #tpu.memory_space<vmem>>, vector<16xf32>,
      %get3A_206 = vector.shape_cast %get3A_205 : vector<16xf32> to vector<16xf32>
      %get3A_207 = arith.constant 224 : index
      %get3A_208 = tpu.vector_load %arg10[%get3A_207] {strides = array<i32>} : memref<256xf32, #tpu.memory_space<vmem>>, vector<16xf32>,
      %get3A_209 = vector.shape_cast %get3A_208 : vector<16xf32> to vector<16xf32>
      %get3A_210 = arith.constant 240 : index
      %get3A_211 = tpu.vector_load %arg10[%get3A_210] {strides = array<i32>} : memref<256xf32, #tpu.memory_space<vmem>>, vector<16xf32>,
      %get3A_212 = vector.shape_cast %get3A_211 : vector<16xf32> to vector<16xf32>
      %get3A_213 = arith.constant 0 : index
      %get3A_214 = tpu.vector_load %arg11[%get3A_213] {strides = array<i32>} : memref<256xf32, #tpu.memory_space<vmem>>, vector<16xf32>,
      %get3A_215 = vector.shape_cast %get3A_214 : vector<16xf32> to vector<16xf32>
      %get3A_216 = arith.constant 16 : index
      %get3A_217 = tpu.vector_load %arg11[%get3A_216] {strides = array<i32>} : memref<256xf32, #tpu.memory_space<vmem>>, vector<16xf32>,
      %get3A_218 = vector.shape_cast %get3A_217 : vector<16xf32> to vector<16xf32>
      %get3A_219 = arith.constant 32 : index
      %get3A_220 = tpu.vector_load %arg11[%get3A_219] {strides = array<i32>} : memref<256xf32, #tpu.memory_space<vmem>>, vector<16xf32>,
      %get3A_221 = vector.shape_cast %get3A_220 : vector<16xf32> to vector<16xf32>
      %get3A_222 = arith.constant 48 : index
      %get3A_223 = tpu.vector_load %arg11[%get3A_222] {strides = array<i32>} : memref<256xf32, #tpu.memory_space<vmem>>, vector<16xf32>,
      %get3A_224 = vector.shape_cast %get3A_223 : vector<16xf32> to vector<16xf32>
      %get3A_225 = arith.constant 64 : index
      %get3A_226 = tpu.vector_load %arg11[%get3A_225] {strides = array<i32>} : memref<256xf32, #tpu.memory_space<vmem>>, vector<16xf32>,
      %get3A_227 = vector.shape_cast %get3A_226 : vector<16xf32> to vector<16xf32>
      %get3A_228 = arith.constant 80 : index
      %get3A_229 = tpu.vector_load %arg11[%get3A_228] {strides = array<i32>} : memref<256xf32, #tpu.memory_space<vmem>>, vector<16xf32>,
      %get3A_230 = vector.shape_cast %get3A_229 : vector<16xf32> to vector<16xf32>
      %get3A_231 = arith.constant 96 : index
      %get3A_232 = tpu.vector_load %arg11[%get3A_231] {strides = array<i32>} : memref<256xf32, #tpu.memory_space<vmem>>, vector<16xf32>,
      %get3A_233 = vector.shape_cast %get3A_232 : vector<16xf32> to vector<16xf32>
      %get3A_234 = arith.constant 112 : index
      %get3A_235 = tpu.vector_load %arg11[%get3A_234] {strides = array<i32>} : memref<256xf32, #tpu.memory_space<vmem>>, vector<16xf32>,
      %get3A_236 = vector.shape_cast %get3A_235 : vector<16xf32> to vector<16xf32>
      %get3A_237 = arith.constant 128 : index
      %get3A_238 = tpu.vector_load %arg11[%get3A_237] {strides = array<i32>} : memref<256xf32, #tpu.memory_space<vmem>>, vector<16xf32>,
      %get3A_239 = vector.shape_cast %get3A_238 : vector<16xf32> to vector<16xf32>
      %get3A_240 = arith.constant 144 : index
      %get3A_241 = tpu.vector_load %arg11[%get3A_240] {strides = array<i32>} : memref<256xf32, #tpu.memory_space<vmem>>, vector<16xf32>,
      %get3A_242 = vector.shape_cast %get3A_241 : vector<16xf32> to vector<16xf32>
      %get3A_243 = arith.constant 160 : index
      %get3A_244 = tpu.vector_load %arg11[%get3A_243] {strides = array<i32>} : memref<256xf32, #tpu.memory_space<vmem>>, vector<16xf32>,
      %get3A_245 = vector.shape_cast %get3A_244 : vector<16xf32> to vector<16xf32>
      %get3A_246 = arith.constant 176 : index
      %get3A_247 = tpu.vector_load %arg11[%get3A_246] {strides = array<i32>} : memref<256xf32, #tpu.memory_space<vmem>>, vector<16xf32>,
      %get3A_248 = vector.shape_cast %get3A_247 : vector<16xf32> to vector<16xf32>
      %get3A_249 = arith.constant 192 : index
      %get3A_250 = tpu.vector_load %arg11[%get3A_249] {strides = array<i32>} : memref<256xf32, #tpu.memory_space<vmem>>, vector<16xf32>,
      %get3A_251 = vector.shape_cast %get3A_250 : vector<16xf32> to vector<16xf32>
      %get3A_252 = arith.constant 208 : index
      %get3A_253 = tpu.vector_load %arg11[%get3A_252] {strides = array<i32>} : memref<256xf32, #tpu.memory_space<vmem>>, vector<16xf32>,
      %get3A_254 = vector.shape_cast %get3A_253 : vector<16xf32> to vector<16xf32>
      %get3A_255 = arith.constant 224 : index
      %get3A_256 = tpu.vector_load %arg11[%get3A_255] {strides = array<i32>} : memref<256xf32, #tpu.memory_space<vmem>>, vector<16xf32>,
      %get3A_257 = vector.shape_cast %get3A_256 : vector<16xf32> to vector<16xf32>
      %get3A_258 = arith.constant 240 : index
      %get3A_259 = tpu.vector_load %arg11[%get3A_258] {strides = array<i32>} : memref<256xf32, #tpu.memory_space<vmem>>, vector<16xf32>,
      %get3A_260 = vector.shape_cast %get3A_259 : vector<16xf32> to vector<16xf32>
      %parallel_loop3A_261 = arith.constant 0 : i32
      %parallel_loop3A_262 = arith.constant 80 : i32
      %parallel_loop3A_263 = arith.constant 1 : i32
      scf.for %parallel_loop3A_271 = %parallel_loop3A_261 to %parallel_loop3A_262 step %parallel_loop3A_263  : i32 {
        %parallel_loop3A_272 = arith.index_cast %parallel_loop3A_271 : i32 to index
        %parallel_loop3A_273 = arith.constant 0 : index
        %parallel_loop3A_274 = tpu.vector_load %arg12[%parallel_loop3A_272, %parallel_loop3A_273] {strides = array<i32>} : memref<80x16xf32, #tpu.memory_space<vmem>>, vector<1x16xf32>,
        %parallel_loop3A_275 = vector.shape_cast %parallel_loop3A_274 : vector<1x16xf32> to vector<16xf32>
        %parallel_loop3A_276 = arith.index_cast %parallel_loop3A_271 : i32 to index
        %parallel_loop3A_277 = arith.constant 0 : index
        %parallel_loop3A_278 = tpu.vector_load %arg13[%parallel_loop3A_276, %parallel_loop3A_277] {strides = array<i32>} : memref<80x16xf32, #tpu.memory_space<vmem>>, vector<1x16xf32>,
        %parallel_loop3A_279 = vector.shape_cast %parallel_loop3A_278 : vector<1x16xf32> to vector<16xf32>
        %parallel_loop3A_280 = arith.index_cast %parallel_loop3A_271 : i32 to index
        %parallel_loop3A_281 = arith.constant 0 : index
        %parallel_loop3A_282 = tpu.vector_load %arg15[%parallel_loop3A_280, %parallel_loop3A_281] {strides = array<i32>} : memref<80x256xf32, #tpu.memory_space<vmem>>, vector<1x16xf32>,
        %parallel_loop3A_283 = vector.shape_cast %parallel_loop3A_282 : vector<1x16xf32> to vector<16xf32>
        %parallel_loop3A_284 = arith.subf %parallel_loop3A_283, %parallel_loop3A_275 : vector<16xf32>
        %parallel_loop3A_285 = arith.mulf %parallel_loop3A_284, %parallel_loop3A_279 : vector<16xf32>
        %parallel_loop3A_286 = arith.mulf %parallel_loop3A_285, %get3A_167 : vector<16xf32>
        %parallel_loop3A_287 = arith.addf %parallel_loop3A_286, %get3A_215 : vector<16xf32>
        %parallel_loop3A_288 = arith.index_cast %parallel_loop3A_271 : i32 to index
        %parallel_loop3A_289 = arith.constant 0 : index
        %parallel_loop3A_290 = tpu.vector_load %arg15[%parallel_loop3A_288, %parallel_loop3A_289] {strides = array<i32>} : memref<80x256xf32, #tpu.memory_space<vmem>>, vector<1x16xf32>,
        %parallel_loop3A_291 = vector.shape_cast %parallel_loop3A_290 : vector<1x16xf32> to vector<16xf32>
        %parallel_loop3A_292 = vector.shape_cast %parallel_loop3A_287 : vector<16xf32> to vector<1x16xf32>
        tpu.vector_store %arg15[%parallel_loop3A_288, %parallel_loop3A_289], %parallel_loop3A_292 {strides = array<i32>} : memref<80x256xf32, #tpu.memory_space<vmem>>, vector<1x16xf32>,
        %parallel_loop3A_293 = arith.index_cast %parallel_loop3A_271 : i32 to index
        %parallel_loop3A_294 = arith.constant 16 : index
        %parallel_loop3A_295 = tpu.vector_load %arg15[%parallel_loop3A_293, %parallel_loop3A_294] {strides = array<i32>} : memref<80x256xf32, #tpu.memory_space<vmem>>, vector<1x16xf32>,
        %parallel_loop3A_296 = vector.shape_cast %parallel_loop3A_295 : vector<1x16xf32> to vector<16xf32>
        %parallel_loop3A_297 = arith.subf %parallel_loop3A_296, %parallel_loop3A_275 : vector<16xf32>
        %parallel_loop3A_298 = arith.mulf %parallel_loop3A_297, %parallel_loop3A_279 : vector<16xf32>
        %parallel_loop3A_299 = arith.mulf %parallel_loop3A_298, %get3A_170 : vector<16xf32>
        %parallel_loop3A_300 = arith.addf %parallel_loop3A_299, %get3A_218 : vector<16xf32>
        %parallel_loop3A_301 = arith.index_cast %parallel_loop3A_271 : i32 to index
        %parallel_loop3A_302 = arith.constant 16 : index
        %parallel_loop3A_303 = tpu.vector_load %arg15[%parallel_loop3A_301, %parallel_loop3A_302] {strides = array<i32>} : memref<80x256xf32, #tpu.memory_space<vmem>>, vector<1x16xf32>,
        %parallel_loop3A_304 = vector.shape_cast %parallel_loop3A_303 : vector<1x16xf32> to vector<16xf32>
        %parallel_loop3A_305 = vector.shape_cast %parallel_loop3A_300 : vector<16xf32> to vector<1x16xf32>
        tpu.vector_store %arg15[%parallel_loop3A_301, %parallel_loop3A_302], %parallel_loop3A_305 {strides = array<i32>} : memref<80x256xf32, #tpu.memory_space<vmem>>, vector<1x16xf32>,
        %parallel_loop3A_306 = arith.index_cast %parallel_loop3A_271 : i32 to index
        %parallel_loop3A_307 = arith.constant 32 : index
        %parallel_loop3A_308 = tpu.vector_load %arg15[%parallel_loop3A_306, %parallel_loop3A_307] {strides = array<i32>} : memref<80x256xf32, #tpu.memory_space<vmem>>, vector<1x16xf32>,
        %parallel_loop3A_309 = vector.shape_cast %parallel_loop3A_308 : vector<1x16xf32> to vector<16xf32>
        %parallel_loop3A_310 = arith.subf %parallel_loop3A_309, %parallel_loop3A_275 : vector<16xf32>
        %parallel_loop3A_311 = arith.mulf %parallel_loop3A_310, %parallel_loop3A_279 : vector<16xf32>
        %parallel_loop3A_312 = arith.mulf %parallel_loop3A_311, %get3A_173 : vector<16xf32>
        %parallel_loop3A_313 = arith.addf %parallel_loop3A_312, %get3A_221 : vector<16xf32>
        %parallel_loop3A_314 = arith.index_cast %parallel_loop3A_271 : i32 to index
        %parallel_loop3A_315 = arith.constant 32 : index
        %parallel_loop3A_316 = tpu.vector_load %arg15[%parallel_loop3A_314, %parallel_loop3A_315] {strides = array<i32>} : memref<80x256xf32, #tpu.memory_space<vmem>>, vector<1x16xf32>,
        %parallel_loop3A_317 = vector.shape_cast %parallel_loop3A_316 : vector<1x16xf32> to vector<16xf32>
        %parallel_loop3A_318 = vector.shape_cast %parallel_loop3A_313 : vector<16xf32> to vector<1x16xf32>
        tpu.vector_store %arg15[%parallel_loop3A_314, %parallel_loop3A_315], %parallel_loop3A_318 {strides = array<i32>} : memref<80x256xf32, #tpu.memory_space<vmem>>, vector<1x16xf32>,
        %parallel_loop3A_319 = arith.index_cast %parallel_loop3A_271 : i32 to index
        %parallel_loop3A_320 = arith.constant 48 : index
        %parallel_loop3A_321 = tpu.vector_load %arg15[%parallel_loop3A_319, %parallel_loop3A_320] {strides = array<i32>} : memref<80x256xf32, #tpu.memory_space<vmem>>, vector<1x16xf32>,
        %parallel_loop3A_322 = vector.shape_cast %parallel_loop3A_321 : vector<1x16xf32> to vector<16xf32>
        %parallel_loop3A_323 = arith.subf %parallel_loop3A_322, %parallel_loop3A_275 : vector<16xf32>
        %parallel_loop3A_324 = arith.mulf %parallel_loop3A_323, %parallel_loop3A_279 : vector<16xf32>
        %parallel_loop3A_325 = arith.mulf %parallel_loop3A_324, %get3A_176 : vector<16xf32>
        %parallel_loop3A_326 = arith.addf %parallel_loop3A_325, %get3A_224 : vector<16xf32>
        %parallel_loop3A_327 = arith.index_cast %parallel_loop3A_271 : i32 to index
        %parallel_loop3A_328 = arith.constant 48 : index
        %parallel_loop3A_329 = tpu.vector_load %arg15[%parallel_loop3A_327, %parallel_loop3A_328] {strides = array<i32>} : memref<80x256xf32, #tpu.memory_space<vmem>>, vector<1x16xf32>,
        %parallel_loop3A_330 = vector.shape_cast %parallel_loop3A_329 : vector<1x16xf32> to vector<16xf32>
        %parallel_loop3A_331 = vector.shape_cast %parallel_loop3A_326 : vector<16xf32> to vector<1x16xf32>
        tpu.vector_store %arg15[%parallel_loop3A_327, %parallel_loop3A_328], %parallel_loop3A_331 {strides = array<i32>} : memref<80x256xf32, #tpu.memory_space<vmem>>, vector<1x16xf32>,
        %parallel_loop3A_332 = arith.index_cast %parallel_loop3A_271 : i32 to index
        %parallel_loop3A_333 = arith.constant 64 : index
        %parallel_loop3A_334 = tpu.vector_load %arg15[%parallel_loop3A_332, %parallel_loop3A_333] {strides = array<i32>} : memref<80x256xf32, #tpu.memory_space<vmem>>, vector<1x16xf32>,
        %parallel_loop3A_335 = vector.shape_cast %parallel_loop3A_334 : vector<1x16xf32> to vector<16xf32>
        %parallel_loop3A_336 = arith.subf %parallel_loop3A_335, %parallel_loop3A_275 : vector<16xf32>
        %parallel_loop3A_337 = arith.mulf %parallel_loop3A_336, %parallel_loop3A_279 : vector<16xf32>
        %parallel_loop3A_338 = arith.mulf %parallel_loop3A_337, %get3A_179 : vector<16xf32>
        %parallel_loop3A_339 = arith.addf %parallel_loop3A_338, %get3A_227 : vector<16xf32>
        %parallel_loop3A_340 = arith.index_cast %parallel_loop3A_271 : i32 to index
        %parallel_loop3A_341 = arith.constant 64 : index
        %parallel_loop3A_342 = tpu.vector_load %arg15[%parallel_loop3A_340, %parallel_loop3A_341] {strides = array<i32>} : memref<80x256xf32, #tpu.memory_space<vmem>>, vector<1x16xf32>,
        %parallel_loop3A_343 = vector.shape_cast %parallel_loop3A_342 : vector<1x16xf32> to vector<16xf32>
        %parallel_loop3A_344 = vector.shape_cast %parallel_loop3A_339 : vector<16xf32> to vector<1x16xf32>
        tpu.vector_store %arg15[%parallel_loop3A_340, %parallel_loop3A_341], %parallel_loop3A_344 {strides = array<i32>} : memref<80x256xf32, #tpu.memory_space<vmem>>, vector<1x16xf32>,
        %parallel_loop3A_345 = arith.index_cast %parallel_loop3A_271 : i32 to index
        %parallel_loop3A_346 = arith.constant 80 : index
        %parallel_loop3A_347 = tpu.vector_load %arg15[%parallel_loop3A_345, %parallel_loop3A_346] {strides = array<i32>} : memref<80x256xf32, #tpu.memory_space<vmem>>, vector<1x16xf32>,
        %parallel_loop3A_348 = vector.shape_cast %parallel_loop3A_347 : vector<1x16xf32> to vector<16xf32>
        %parallel_loop3A_349 = arith.subf %parallel_loop3A_348, %parallel_loop3A_275 : vector<16xf32>
        %parallel_loop3A_350 = arith.mulf %parallel_loop3A_349, %parallel_loop3A_279 : vector<16xf32>
        %parallel_loop3A_351 = arith.mulf %parallel_loop3A_350, %get3A_182 : vector<16xf32>
        %parallel_loop3A_352 = arith.addf %parallel_loop3A_351, %get3A_230 : vector<16xf32>
        %parallel_loop3A_353 = arith.index_cast %parallel_loop3A_271 : i32 to index
        %parallel_loop3A_354 = arith.constant 80 : index
        %parallel_loop3A_355 = tpu.vector_load %arg15[%parallel_loop3A_353, %parallel_loop3A_354] {strides = array<i32>} : memref<80x256xf32, #tpu.memory_space<vmem>>, vector<1x16xf32>,
        %parallel_loop3A_356 = vector.shape_cast %parallel_loop3A_355 : vector<1x16xf32> to vector<16xf32>
        %parallel_loop3A_357 = vector.shape_cast %parallel_loop3A_352 : vector<16xf32> to vector<1x16xf32>
        tpu.vector_store %arg15[%parallel_loop3A_353, %parallel_loop3A_354], %parallel_loop3A_357 {strides = array<i32>} : memref<80x256xf32, #tpu.memory_space<vmem>>, vector<1x16xf32>,
        %parallel_loop3A_358 = arith.index_cast %parallel_loop3A_271 : i32 to index
        %parallel_loop3A_359 = arith.constant 96 : index
        %parallel_loop3A_360 = tpu.vector_load %arg15[%parallel_loop3A_358, %parallel_loop3A_359] {strides = array<i32>} : memref<80x256xf32, #tpu.memory_space<vmem>>, vector<1x16xf32>,
        %parallel_loop3A_361 = vector.shape_cast %parallel_loop3A_360 : vector<1x16xf32> to vector<16xf32>
        %parallel_loop3A_362 = arith.subf %parallel_loop3A_361, %parallel_loop3A_275 : vector<16xf32>
        %parallel_loop3A_363 = arith.mulf %parallel_loop3A_362, %parallel_loop3A_279 : vector<16xf32>
        %parallel_loop3A_364 = arith.mulf %parallel_loop3A_363, %get3A_185 : vector<16xf32>
        %parallel_loop3A_365 = arith.addf %parallel_loop3A_364, %get3A_233 : vector<16xf32>
        %parallel_loop3A_366 = arith.index_cast %parallel_loop3A_271 : i32 to index
        %parallel_loop3A_367 = arith.constant 96 : index
        %parallel_loop3A_368 = tpu.vector_load %arg15[%parallel_loop3A_366, %parallel_loop3A_367] {strides = array<i32>} : memref<80x256xf32, #tpu.memory_space<vmem>>, vector<1x16xf32>,
        %parallel_loop3A_369 = vector.shape_cast %parallel_loop3A_368 : vector<1x16xf32> to vector<16xf32>
        %parallel_loop3A_370 = vector.shape_cast %parallel_loop3A_365 : vector<16xf32> to vector<1x16xf32>
        tpu.vector_store %arg15[%parallel_loop3A_366, %parallel_loop3A_367], %parallel_loop3A_370 {strides = array<i32>} : memref<80x256xf32, #tpu.memory_space<vmem>>, vector<1x16xf32>,
        %parallel_loop3A_371 = arith.index_cast %parallel_loop3A_271 : i32 to index
        %parallel_loop3A_372 = arith.constant 112 : index
        %parallel_loop3A_373 = tpu.vector_load %arg15[%parallel_loop3A_371, %parallel_loop3A_372] {strides = array<i32>} : memref<80x256xf32, #tpu.memory_space<vmem>>, vector<1x16xf32>,
        %parallel_loop3A_374 = vector.shape_cast %parallel_loop3A_373 : vector<1x16xf32> to vector<16xf32>
        %parallel_loop3A_375 = arith.subf %parallel_loop3A_374, %parallel_loop3A_275 : vector<16xf32>
        %parallel_loop3A_376 = arith.mulf %parallel_loop3A_375, %parallel_loop3A_279 : vector<16xf32>
        %parallel_loop3A_377 = arith.mulf %parallel_loop3A_376, %get3A_188 : vector<16xf32>
        %parallel_loop3A_378 = arith.addf %parallel_loop3A_377, %get3A_236 : vector<16xf32>
        %parallel_loop3A_379 = arith.index_cast %parallel_loop3A_271 : i32 to index
        %parallel_loop3A_380 = arith.constant 112 : index
        %parallel_loop3A_381 = tpu.vector_load %arg15[%parallel_loop3A_379, %parallel_loop3A_380] {strides = array<i32>} : memref<80x256xf32, #tpu.memory_space<vmem>>, vector<1x16xf32>,
        %parallel_loop3A_382 = vector.shape_cast %parallel_loop3A_381 : vector<1x16xf32> to vector<16xf32>
        %parallel_loop3A_383 = vector.shape_cast %parallel_loop3A_378 : vector<16xf32> to vector<1x16xf32>
        tpu.vector_store %arg15[%parallel_loop3A_379, %parallel_loop3A_380], %parallel_loop3A_383 {strides = array<i32>} : memref<80x256xf32, #tpu.memory_space<vmem>>, vector<1x16xf32>,
        %parallel_loop3A_384 = arith.index_cast %parallel_loop3A_271 : i32 to index
        %parallel_loop3A_385 = arith.constant 128 : index
        %parallel_loop3A_386 = tpu.vector_load %arg15[%parallel_loop3A_384, %parallel_loop3A_385] {strides = array<i32>} : memref<80x256xf32, #tpu.memory_space<vmem>>, vector<1x16xf32>,
        %parallel_loop3A_387 = vector.shape_cast %parallel_loop3A_386 : vector<1x16xf32> to vector<16xf32>
        %parallel_loop3A_388 = arith.subf %parallel_loop3A_387, %parallel_loop3A_275 : vector<16xf32>
        %parallel_loop3A_389 = arith.mulf %parallel_loop3A_388, %parallel_loop3A_279 : vector<16xf32>
        %parallel_loop3A_390 = arith.mulf %parallel_loop3A_389, %get3A_191 : vector<16xf32>
        %parallel_loop3A_391 = arith.addf %parallel_loop3A_390, %get3A_239 : vector<16xf32>
        %parallel_loop3A_392 = arith.index_cast %parallel_loop3A_271 : i32 to index
        %parallel_loop3A_393 = arith.constant 128 : index
        %parallel_loop3A_394 = tpu.vector_load %arg15[%parallel_loop3A_392, %parallel_loop3A_393] {strides = array<i32>} : memref<80x256xf32, #tpu.memory_space<vmem>>, vector<1x16xf32>,
        %parallel_loop3A_395 = vector.shape_cast %parallel_loop3A_394 : vector<1x16xf32> to vector<16xf32>
        %parallel_loop3A_396 = vector.shape_cast %parallel_loop3A_391 : vector<16xf32> to vector<1x16xf32>
        tpu.vector_store %arg15[%parallel_loop3A_392, %parallel_loop3A_393], %parallel_loop3A_396 {strides = array<i32>} : memref<80x256xf32, #tpu.memory_space<vmem>>, vector<1x16xf32>,
        %parallel_loop3A_397 = arith.index_cast %parallel_loop3A_271 : i32 to index
        %parallel_loop3A_398 = arith.constant 144 : index
        %parallel_loop3A_399 = tpu.vector_load %arg15[%parallel_loop3A_397, %parallel_loop3A_398] {strides = array<i32>} : memref<80x256xf32, #tpu.memory_space<vmem>>, vector<1x16xf32>,
        %parallel_loop3A_400 = vector.shape_cast %parallel_loop3A_399 : vector<1x16xf32> to vector<16xf32>
        %parallel_loop3A_401 = arith.subf %parallel_loop3A_400, %parallel_loop3A_275 : vector<16xf32>
        %parallel_loop3A_402 = arith.mulf %parallel_loop3A_401, %parallel_loop3A_279 : vector<16xf32>
        %parallel_loop3A_403 = arith.mulf %parallel_loop3A_402, %get3A_194 : vector<16xf32>
        %parallel_loop3A_404 = arith.addf %parallel_loop3A_403, %get3A_242 : vector<16xf32>
        %parallel_loop3A_405 = arith.index_cast %parallel_loop3A_271 : i32 to index
        %parallel_loop3A_406 = arith.constant 144 : index
        %parallel_loop3A_407 = tpu.vector_load %arg15[%parallel_loop3A_405, %parallel_loop3A_406] {strides = array<i32>} : memref<80x256xf32, #tpu.memory_space<vmem>>, vector<1x16xf32>,
        %parallel_loop3A_408 = vector.shape_cast %parallel_loop3A_407 : vector<1x16xf32> to vector<16xf32>
        %parallel_loop3A_409 = vector.shape_cast %parallel_loop3A_404 : vector<16xf32> to vector<1x16xf32>
        tpu.vector_store %arg15[%parallel_loop3A_405, %parallel_loop3A_406], %parallel_loop3A_409 {strides = array<i32>} : memref<80x256xf32, #tpu.memory_space<vmem>>, vector<1x16xf32>,
        %parallel_loop3A_410 = arith.index_cast %parallel_loop3A_271 : i32 to index
        %parallel_loop3A_411 = arith.constant 160 : index
        %parallel_loop3A_412 = tpu.vector_load %arg15[%parallel_loop3A_410, %parallel_loop3A_411] {strides = array<i32>} : memref<80x256xf32, #tpu.memory_space<vmem>>, vector<1x16xf32>,
        %parallel_loop3A_413 = vector.shape_cast %parallel_loop3A_412 : vector<1x16xf32> to vector<16xf32>
        %parallel_loop3A_414 = arith.subf %parallel_loop3A_413, %parallel_loop3A_275 : vector<16xf32>
        %parallel_loop3A_415 = arith.mulf %parallel_loop3A_414, %parallel_loop3A_279 : vector<16xf32>
        %parallel_loop3A_416 = arith.mulf %parallel_loop3A_415, %get3A_197 : vector<16xf32>
        %parallel_loop3A_417 = arith.addf %parallel_loop3A_416, %get3A_245 : vector<16xf32>
        %parallel_loop3A_418 = arith.index_cast %parallel_loop3A_271 : i32 to index
        %parallel_loop3A_419 = arith.constant 160 : index
        %parallel_loop3A_420 = tpu.vector_load %arg15[%parallel_loop3A_418, %parallel_loop3A_419] {strides = array<i32>} : memref<80x256xf32, #tpu.memory_space<vmem>>, vector<1x16xf32>,
        %parallel_loop3A_421 = vector.shape_cast %parallel_loop3A_420 : vector<1x16xf32> to vector<16xf32>
        %parallel_loop3A_422 = vector.shape_cast %parallel_loop3A_417 : vector<16xf32> to vector<1x16xf32>
        tpu.vector_store %arg15[%parallel_loop3A_418, %parallel_loop3A_419], %parallel_loop3A_422 {strides = array<i32>} : memref<80x256xf32, #tpu.memory_space<vmem>>, vector<1x16xf32>,
        %parallel_loop3A_423 = arith.index_cast %parallel_loop3A_271 : i32 to index
        %parallel_loop3A_424 = arith.constant 176 : index
        %parallel_loop3A_425 = tpu.vector_load %arg15[%parallel_loop3A_423, %parallel_loop3A_424] {strides = array<i32>} : memref<80x256xf32, #tpu.memory_space<vmem>>, vector<1x16xf32>,
        %parallel_loop3A_426 = vector.shape_cast %parallel_loop3A_425 : vector<1x16xf32> to vector<16xf32>
        %parallel_loop3A_427 = arith.subf %parallel_loop3A_426, %parallel_loop3A_275 : vector<16xf32>
        %parallel_loop3A_428 = arith.mulf %parallel_loop3A_427, %parallel_loop3A_279 : vector<16xf32>
        %parallel_loop3A_429 = arith.mulf %parallel_loop3A_428, %get3A_200 : vector<16xf32>
        %parallel_loop3A_430 = arith.addf %parallel_loop3A_429, %get3A_248 : vector<16xf32>
        %parallel_loop3A_431 = arith.index_cast %parallel_loop3A_271 : i32 to index
        %parallel_loop3A_432 = arith.constant 176 : index
        %parallel_loop3A_433 = tpu.vector_load %arg15[%parallel_loop3A_431, %parallel_loop3A_432] {strides = array<i32>} : memref<80x256xf32, #tpu.memory_space<vmem>>, vector<1x16xf32>,
        %parallel_loop3A_434 = vector.shape_cast %parallel_loop3A_433 : vector<1x16xf32> to vector<16xf32>
        %parallel_loop3A_435 = vector.shape_cast %parallel_loop3A_430 : vector<16xf32> to vector<1x16xf32>
        tpu.vector_store %arg15[%parallel_loop3A_431, %parallel_loop3A_432], %parallel_loop3A_435 {strides = array<i32>} : memref<80x256xf32, #tpu.memory_space<vmem>>, vector<1x16xf32>,
        %parallel_loop3A_436 = arith.index_cast %parallel_loop3A_271 : i32 to index
        %parallel_loop3A_437 = arith.constant 192 : index
        %parallel_loop3A_438 = tpu.vector_load %arg15[%parallel_loop3A_436, %parallel_loop3A_437] {strides = array<i32>} : memref<80x256xf32, #tpu.memory_space<vmem>>, vector<1x16xf32>,
        %parallel_loop3A_439 = vector.shape_cast %parallel_loop3A_438 : vector<1x16xf32> to vector<16xf32>
        %parallel_loop3A_440 = arith.subf %parallel_loop3A_439, %parallel_loop3A_275 : vector<16xf32>
        %parallel_loop3A_441 = arith.mulf %parallel_loop3A_440, %parallel_loop3A_279 : vector<16xf32>
        %parallel_loop3A_442 = arith.mulf %parallel_loop3A_441, %get3A_203 : vector<16xf32>
        %parallel_loop3A_443 = arith.addf %parallel_loop3A_442, %get3A_251 : vector<16xf32>
        %parallel_loop3A_444 = arith.index_cast %parallel_loop3A_271 : i32 to index
        %parallel_loop3A_445 = arith.constant 192 : index
        %parallel_loop3A_446 = tpu.vector_load %arg15[%parallel_loop3A_444, %parallel_loop3A_445] {strides = array<i32>} : memref<80x256xf32, #tpu.memory_space<vmem>>, vector<1x16xf32>,
        %parallel_loop3A_447 = vector.shape_cast %parallel_loop3A_446 : vector<1x16xf32> to vector<16xf32>
        %parallel_loop3A_448 = vector.shape_cast %parallel_loop3A_443 : vector<16xf32> to vector<1x16xf32>
        tpu.vector_store %arg15[%parallel_loop3A_444, %parallel_loop3A_445], %parallel_loop3A_448 {strides = array<i32>} : memref<80x256xf32, #tpu.memory_space<vmem>>, vector<1x16xf32>,
        %parallel_loop3A_449 = arith.index_cast %parallel_loop3A_271 : i32 to index
        %parallel_loop3A_450 = arith.constant 208 : index
        %parallel_loop3A_451 = tpu.vector_load %arg15[%parallel_loop3A_449, %parallel_loop3A_450] {strides = array<i32>} : memref<80x256xf32, #tpu.memory_space<vmem>>, vector<1x16xf32>,
        %parallel_loop3A_452 = vector.shape_cast %parallel_loop3A_451 : vector<1x16xf32> to vector<16xf32>
        %parallel_loop3A_453 = arith.subf %parallel_loop3A_452, %parallel_loop3A_275 : vector<16xf32>
        %parallel_loop3A_454 = arith.mulf %parallel_loop3A_453, %parallel_loop3A_279 : vector<16xf32>
        %parallel_loop3A_455 = arith.mulf %parallel_loop3A_454, %get3A_206 : vector<16xf32>
        %parallel_loop3A_456 = arith.addf %parallel_loop3A_455, %get3A_254 : vector<16xf32>
        %parallel_loop3A_457 = arith.index_cast %parallel_loop3A_271 : i32 to index
        %parallel_loop3A_458 = arith.constant 208 : index
        %parallel_loop3A_459 = tpu.vector_load %arg15[%parallel_loop3A_457, %parallel_loop3A_458] {strides = array<i32>} : memref<80x256xf32, #tpu.memory_space<vmem>>, vector<1x16xf32>,
        %parallel_loop3A_460 = vector.shape_cast %parallel_loop3A_459 : vector<1x16xf32> to vector<16xf32>
        %parallel_loop3A_461 = vector.shape_cast %parallel_loop3A_456 : vector<16xf32> to vector<1x16xf32>
        tpu.vector_store %arg15[%parallel_loop3A_457, %parallel_loop3A_458], %parallel_loop3A_461 {strides = array<i32>} : memref<80x256xf32, #tpu.memory_space<vmem>>, vector<1x16xf32>,
        %parallel_loop3A_462 = arith.index_cast %parallel_loop3A_271 : i32 to index
        %parallel_loop3A_463 = arith.constant 224 : index
        %parallel_loop3A_464 = tpu.vector_load %arg15[%parallel_loop3A_462, %parallel_loop3A_463] {strides = array<i32>} : memref<80x256xf32, #tpu.memory_space<vmem>>, vector<1x16xf32>,
        %parallel_loop3A_465 = vector.shape_cast %parallel_loop3A_464 : vector<1x16xf32> to vector<16xf32>
        %parallel_loop3A_466 = arith.subf %parallel_loop3A_465, %parallel_loop3A_275 : vector<16xf32>
        %parallel_loop3A_467 = arith.mulf %parallel_loop3A_466, %parallel_loop3A_279 : vector<16xf32>
        %parallel_loop3A_468 = arith.mulf %parallel_loop3A_467, %get3A_209 : vector<16xf32>
        %parallel_loop3A_469 = arith.addf %parallel_loop3A_468, %get3A_257 : vector<16xf32>
        %parallel_loop3A_470 = arith.index_cast %parallel_loop3A_271 : i32 to index
        %parallel_loop3A_471 = arith.constant 224 : index
        %parallel_loop3A_472 = tpu.vector_load %arg15[%parallel_loop3A_470, %parallel_loop3A_471] {strides = array<i32>} : memref<80x256xf32, #tpu.memory_space<vmem>>, vector<1x16xf32>,
        %parallel_loop3A_473 = vector.shape_cast %parallel_loop3A_472 : vector<1x16xf32> to vector<16xf32>
        %parallel_loop3A_474 = vector.shape_cast %parallel_loop3A_469 : vector<16xf32> to vector<1x16xf32>
        tpu.vector_store %arg15[%parallel_loop3A_470, %parallel_loop3A_471], %parallel_loop3A_474 {strides = array<i32>} : memref<80x256xf32, #tpu.memory_space<vmem>>, vector<1x16xf32>,
        %parallel_loop3A_475 = arith.index_cast %parallel_loop3A_271 : i32 to index
        %parallel_loop3A_476 = arith.constant 240 : index
        %parallel_loop3A_477 = tpu.vector_load %arg15[%parallel_loop3A_475, %parallel_loop3A_476] {strides = array<i32>} : memref<80x256xf32, #tpu.memory_space<vmem>>, vector<1x16xf32>,
        %parallel_loop3A_478 = vector.shape_cast %parallel_loop3A_477 : vector<1x16xf32> to vector<16xf32>
        %parallel_loop3A_479 = arith.subf %parallel_loop3A_478, %parallel_loop3A_275 : vector<16xf32>
        %parallel_loop3A_480 = arith.mulf %parallel_loop3A_479, %parallel_loop3A_279 : vector<16xf32>
        %parallel_loop3A_481 = arith.mulf %parallel_loop3A_480, %get3A_212 : vector<16xf32>
        %parallel_loop3A_482 = arith.addf %parallel_loop3A_481, %get3A_260 : vector<16xf32>
        %parallel_loop3A_483 = arith.index_cast %parallel_loop3A_271 : i32 to index
        %parallel_loop3A_484 = arith.constant 240 : index
        %parallel_loop3A_485 = tpu.vector_load %arg15[%parallel_loop3A_483, %parallel_loop3A_484] {strides = array<i32>} : memref<80x256xf32, #tpu.memory_space<vmem>>, vector<1x16xf32>,
        %parallel_loop3A_486 = vector.shape_cast %parallel_loop3A_485 : vector<1x16xf32> to vector<16xf32>
        %parallel_loop3A_487 = vector.shape_cast %parallel_loop3A_482 : vector<16xf32> to vector<1x16xf32>
        tpu.vector_store %arg15[%parallel_loop3A_483, %parallel_loop3A_484], %parallel_loop3A_487 {strides = array<i32>} : memref<80x256xf32, #tpu.memory_space<vmem>>, vector<1x16xf32>,
      } {sc.loop_unroll_factor = 2 : i64, sc.parallel_access}
      %mul3A_264 = arith.constant 80 : i32
      %mul3A_265 = arith.muli %add3A_23, %mul3A_264 : i32
      %add3A_266 = arith.addi %mul3A_2, %mul3A_265 : i32
      %dma_start3A_267 = arith.constant 0 : i32
      %dma_start3A_268 = tpu.memref_slice %arg7[%add3A_266, %dma_start3A_267] : memref<204800x256xf32, #tpu.memory_space<hbm>> -> memref<80x256xf32, #tpu.memory_space<hbm>>
      %dma_start3A_269 = arith.constant 0 : i32
      %dma_start3A_270 = tpu.memref_slice %arg7[%add3A_266, %dma_start3A_269] : memref<204800x256xf32, #tpu.memory_space<hbm>> -> memref<80x256xf32, #tpu.memory_space<hbm>>
      tpu.enqueue_dma source(%arg15 : memref<80x256xf32, #tpu.memory_space<vmem>>) target(%dma_start3A_270 : memref<80x256xf32, #tpu.memory_space<hbm>>) target_semaphore(%arg19 : memref<!tpu.dma_semaphore, #tpu.memory_space<semaphore_mem>>)
    }
    %scan3A_13 = arith.constant 40 : i32
    %add3A_14 = arith.constant 6320 : i32
    %add3A_15 = arith.addi %mul3A_2, %add3A_14 : i32
    %dma_wait3A = arith.constant 0 : i32
    %dma_wait3A_16 = tpu.memref_slice %arg7[%add3A_15, %dma_wait3A] : memref<204800x256xf32, #tpu.memory_space<hbm>> -> memref<80x256xf32, #tpu.memory_space<hbm>>
    %dma_wait3A_17 = arith.constant 0 : i32
    %dma_wait3A_18 = tpu.memref_slice %arg7[%add3A_15, %dma_wait3A_17] : memref<204800x256xf32, #tpu.memory_space<hbm>> -> memref<80x256xf32, #tpu.memory_space<hbm>>
    tpu.wait_dma2 semaphore(%arg19 : memref<!tpu.dma_semaphore, #tpu.memory_space<semaphore_mem>>) src(%arg15 : memref<80x256xf32, #tpu.memory_space<vmem>>) dst(%dma_wait3A_18 : memref<80x256xf32, #tpu.memory_space<hbm>>)
    return
  }
}

</mosaic_0001>

<sc_bundles>
// kernel: _launch.3.cloned.1.call-start
scs
__scs_entry_jumppad:
0x0: {  	(pc) =	sbr.rel $0x88, $3  }
0x1: {  	(tag) =	ssettag $0x0;
	lr =	simm.s32 $0x1  }
0x2: {  	[smem:$0x3F9C] =	sst lr;
	_ =	strace $0xD0000000  }
0x3: {  	_ = 	snop  }
0x4: {  	_ = 	snop  }
0x5: {  	_ = 	snop  }
0x6: {  	_ = 	snop  }
0x7: {  	_ = 	snop  }
__scs_overlays_trampoline_lowered:
0x8: {  	[smem:$0x3FAB] =	sst s0  }
0x9: {  	[smem:$0x3FAC] =	sst s1  }
0xa: {  	[smem:$0x3FAD] =	sst s2  }
0xb: {  	[smem:$0x3FAE] =	sst s3  }
0xc: {  	[smem:$0x3FAF] =	sst s4  }
0xd: {  	[smem:$0x3FB0] =	sst s5  }
0xe: {  	[smem:$0x3FB1] =	sst s6  }
0xf: {  	[smem:$0x3FB2] =	sst s7  }
0x10: {  	[smem:$0x3FB3] =	sst s8  }
0x11: {  	[smem:$0x3FB4] =	sst s9;
	s0 =	simm.s32 @!p0 $0x0  }
0x12: {  	s1 =	sld [smem:$0x3F9A];
	s0 =	simm.s32 @p0 $0x1  }
0x13: {  	[smem:$0x3FB5] =	sst s0;
	s0 =	simm.s32 @!p1 $0x0  }
0x14: {  	s2 =	sld [smem:$0x3F99];
	s0 =	simm.s32 @p1 $0x1  }
0x15: {  	[smem:$0x3FB6] =	sst s0;
	s0 =	simm.s32 @!p2 $0x0  }
0x16: {  	s3 =	sld [smem:$0x3FDB];
	s0 =	simm.s32 @p2 $0x1  }
0x17: {  	s4 =	simm.s32 $0x1BF5;
	[smem:$0x3FB8] =	sst s0  }
0x18: {  	s0 =	sld [smem:$0x3F9B];
	_ =	swait.ge [sflag:s4], $0x0  }
0x19: {  	s7 =	sld [smem:$0x3F9C]  }
0x1a: {  	s8 =	sadd.s32 $0xFFFFE003, lr  }
0x1b: {  	s9 =	sadd.s32 $0xFFFFFEF7, lr;
	s5 =	simm.s32 $0xFFFFFFFF;
	p2 =	slt.u32 s8, $0xFFFFF086  }
0x1c: {  	p1 =	slt.u32 s9, $0xF7A;
	s5 =	simm.s32 @!p2 $0x0  }
0x1d: {  	s5 =	simm.s32 @p1 $0x1;
	p0 =	seq.s32 s7, s2  }
0x1e: {  	s7 =	smul.u32 @!p0 $0xF7A, s2;
	p2 =	seq.s32 @!p0 s5, $0x0  }
0x1f: {  	s9 =	smul.u32 $0xF7A, s1;
	s8 =	simm.s32 @!p0 $0x1BF5;
	p2 =	por !p2, p0  }
0x20: {  	[sflag:s8] =	ssyncset.s32 @!p0 $0xFFFFF086;
	s6 =	sadd.s32 @!p0 s3, s7;
	s7 =	simm.s32 @!p0 $0x108  }
0x21: {  	s3 =	sadd.s32 s3, s9;
	s6 =	sadd.s32 @!p0 $0x88, s6;
	s7 =	simm.s32 @p2 $0x1082  }
0x22: {  	[simem:s7], [sflag:s8] =	dma.local @!p0 [hbm:s6], $0xF7A  }
0x23: {  	s9 =	sor.u32 $0xD0000000, s2;
	s6 =	simm.s32 $0x108;
	_ =	swait.ge @!p0 [sflag:s8], $0x0  }
0x24: {  	s3 =	sadd.s32 $0x88, s3;
	s6 =	simm.s32 @!p1 $0x1082;
	[sflag:s4] =	ssyncset.s32 $0xFFFFF086  }
0x25: {  	[simem:s6], [sflag:s4] =	dma.local [hbm:s3], $0xF7A  }
0x26: {  	[smem:$0x3F9C] =	sst s1;
	(tag) =	ssettag s2;
	_ =	strace s9  }
0x27: {  	s1 =	sld [smem:$0x3FAC]  }
0x28: {  	s2 =	sld [smem:$0x3FAD]  }
0x29: {  	s4 =	sld [smem:$0x3FAF]  }
0x2a: {  	p0 =	seq.s32 s5, $0x0;
	s5 =	sld [smem:$0x3FB0]  }
0x2b: {  	s6 =	sld [smem:$0x3FB1]  }
0x2c: {  	s7 =	sld [smem:$0x3FB2]  }
0x2d: {  	s3 =	simm.s32 $0x108;
	s8 =	sld [smem:$0x3FB3]  }
0x2e: {  	s3 =	simm.s32 @!p0 $0x1082;
	s9 =	sld [smem:$0x3FB4]  }
0x2f: {  	lr =	sadd.s32 s0, s3;
	s0 =	sld [smem:$0x3FAB]  }
0x30: {  	s3 =	sld [smem:$0x3FAE]  }
0x31: {  	[smem:$0x3FB7] =	sst s10  }
0x32: {  	s10 =	sld [smem:$0x3FB5];
	_ =	sdelay $0x3  }
0x33: {  	p0 =	seq.s32 s10, $0x1;
	s10 =	sld [smem:$0x3FB7];
	_ =	sdelay $0x3  }
0x34: {  	[smem:$0x3FB7] =	sst s10  }
0x35: {  	s10 =	sld [smem:$0x3FB6];
	_ =	sdelay $0x3  }
0x36: {  	p1 =	seq.s32 s10, $0x1;
	s10 =	sld [smem:$0x3FB7];
	_ =	sdelay $0x3  }
0x37: {  	[smem:$0x3FB7] =	sst s10  }
0x38: {  	s10 =	sld [smem:$0x3FB8]  }
0x39: {  	_ = 	snop;
	(pc) =	sbr.ind lr, $3  }
0x3a: {  	_ = 	snop  }
0x3b: {  	_ = 	snop  }
0x3c: {  	p2 =	seq.s32 s10, $0x1;
	s10 =	sld [smem:$0x3FB7]  }
0x3d: {  	_ =	shalt  }
0x3e: {  	_ =	shalt  }
0x3f: {  	_ =	shalt  }
0x40: {  	_ =	shalt  }
0x41: {  	_ =	shalt  }
0x42: {  	_ =	shalt  }
0x43: {  	_ =	shalt  }
0x44: {  	_ =	shalt  }
0x45: {  	_ =	shalt  }
0x46: {  	_ =	shalt  }
0x47: {  	_ =	shalt  }
0x48: {  	_ =	shalt  }
0x49: {  	_ =	shalt  }
0x4a: {  	_ =	shalt  }
0x4b: {  	_ =	shalt  }
0x4c: {  	_ =	shalt  }
0x4d: {  	_ =	shalt  }
0x4e: {  	_ =	shalt  }
0x4f: {  	_ =	shalt  }
0x50: {  	_ =	shalt  }
0x51: {  	_ =	shalt  }
0x52: {  	_ =	shalt  }
0x53: {  	_ =	shalt  }
0x54: {  	_ =	shalt  }
0x55: {  	_ =	shalt  }
0x56: {  	_ =	shalt  }
0x57: {  	_ =	shalt  }
0x58: {  	_ =	shalt  }
0x59: {  	_ =	shalt  }
0x5a: {  	_ =	shalt  }
0x5b: {  	_ =	shalt  }
0x5c: {  	_ =	shalt  }
0x5d: {  	_ =	shalt  }
0x5e: {  	_ =	shalt  }
0x5f: {  	_ =	shalt  }
0x60: {  	_ =	shalt  }
0x61: {  	_ =	shalt  }
0x62: {  	_ =	shalt  }
0x63: {  	_ =	shalt  }
0x64: {  	_ =	shalt  }
0x65: {  	_ =	shalt  }
0x66: {  	_ =	shalt  }
0x67: {  	_ =	shalt  }
0x68: {  	_ =	shalt  }
0x69: {  	_ =	shalt  }
0x6a: {  	_ =	shalt  }
0x6b: {  	_ =	shalt  }
0x6c: {  	_ =	shalt  }
0x6d: {  	_ =	shalt  }
0x6e: {  	_ =	shalt  }
0x6f: {  	_ =	shalt  }
0x70: {  	_ =	shalt  }
0x71: {  	_ =	shalt  }
0x72: {  	_ =	shalt  }
0x73: {  	_ =	shalt  }
0x74: {  	_ =	shalt  }
0x75: {  	_ =	shalt  }
0x76: {  	_ =	shalt  }
0x77: {  	_ =	shalt  }
0x78: {  	_ =	shalt  }
0x79: {  	_ =	shalt  }
0x7a: {  	_ =	shalt  }
0x7b: {  	_ =	shalt  }
0x7c: {  	_ =	shalt  }
0x7d: {  	_ =	shalt  }
0x7e: {  	_ =	shalt  }
0x7f: {  	_ =	shalt  }
0x80: {  	_ =	shalt  }
0x81: {  	_ =	shalt  }
0x82: {  	_ =	shalt  }
0x83: {  	_ =	shalt  }
0x84: {  	_ =	shalt  }
0x85: {  	_ =	shalt  }
0x86: {  	_ =	shalt  }
0x87: {  	_ =	shalt  }
.Lfunc_end0:
.L_simem_size_0:
called_computation_lowered:
.L_overlay_start_0:
0x88: {  	s2 =	sld [smem:$0x3FD9]  }
0x89: {  	s3 =	sld [smem:$0x3FFE];
	_ =	sdelay $0x1  }
0x8a: {  	s1 =	srdreg.scid  }
0x8b: {  	s0 =	sand.u32 $0x1, s1  }
0x8c: {  	s18 =	sshll.u32 s0, $0xA;
	s2 =	sadd.s32 s3, s2  }
0x8d: {  	s2 =	sadd.s32 s2, s18  }
0x8e: {  	[smem:$0x3FC3] =	sst s2  }
0x8f: {  	_ = 	snop  }
0x90: {  	s2 =	sld [smem:$0x3FC9]  }
0x91: {  	s19 =	sld [smem:$0x3FC8]  }
0x92: {  	s4 =	sld [smem:$0x3FC7]  }
0x93: {  	s5 =	sld [smem:$0x3FC6]  }
0x94: {  	s6 =	sld [smem:$0x3FC5]  }
0x95: {  	s7 =	sld [smem:$0x3FD0];
	(tm) =	ssettm $0x1  }
0x96: {  	s8 =	sld [smem:$0x3FFB];
	_ =	sdelay $0x3  }
0x97: {  	_ =	strace s8  }
0x98: {  	s8 =	sld [smem:$0x3FFC];
	_ =	sdelay $0x3  }
0x99: {  	_ =	strace s8  }
0x9a: {  	s8 =	sld [smem:$0x3FFD];
	_ =	sdelay $0x3  }
0x9b: {  	_ =	strace s8  }
0x9c: {  	_ =	strace $0x8FFFFFFF  }
0x9d: {  	s20 =	sld [smem:$0x3FDB];
	_ =	sdelay $0x1  }
0x9e: {  	s9 =	simm.s32 $_scs_section_size  }
0x9f: {  	s10 =	simm.s32 $_size__tile_overlayer_lowered;
	s11 =	simm.s32 $_tile_overlayer_lowered  }
0xa0: {  	s23 =	simm.s32 $0x1BFF;
	s22 =	sshll.u32 s11, $0x1;
	s8 =	sadd.s32 s9, s20  }
0xa1: {  	s12 =	simm.s32 $0x0;
	s21 =	sshll.u32 s10, $0x1;
	s10 =	sadd.s32 s22, s8  }
0xa2: {  	[timem:s12], [sflag:s23] =	dma.local [hbm:s10], s21  }
0xa3: {  	_ =	swait.ge [sflag:s23], s21  }
0xa4: {  	s9 =	ssub.s32 $0x0, s21;
	[sflag:s23] =	ssyncset.done $0x0  }
0xa5: {  	[sflag:s23] =	ssyncadd.s32 s9;
	_ =	sdelay $0x1  }
0xa6: {  	s24 =	simm.s32 $0x1B8B  }
0xa7: {  	_ =	swait.ge [sflag:s24], $0x1  }
0xa8: {  	[sflag:s24] =	ssyncset.done $0x0  }
0xa9: {  	s25 =	simm.s32 $0x1B8E;
	[sflag:s24] =	ssyncadd.s32 $0xFFFFFFFF  }
0xaa: {  	s26 =	simm.s32 $execute0_lowered;
	[smem:$0x3FD2] =	sst s25  }
0xab: {  	s9 =	sshll.u32 s26, $0x1;
	_ =	strace $0x80000046;
	[dreg:$0x1] =	wrdreg $0xFFFFFFFF  }
0xac: {  	s28 =	simm.s32 $_size_execute0_lowered;
	s8 =	sadd.s32 s8, s9;
	[dreg:$0x0] =	wrdreg $0x0  }
0xad: {  	s9 =	sshll.u32 s28, $0x1;
	[dreg:$0x2] =	wrdreg s8  }
0xae: {  	[dreg:$0x3] =	wrdreg s9  }
0xaf: {  	[dreg:$0x4] =	wrdreg $0xC0  }
0xb0: {  	_ =	task [dreg:s12], $0x5FFFF  }
0xb1: {  	[dreg:$0x1] =	wrdreg $0xFFFFFFFF  }
0xb2: {  	[dreg:$0x0] =	wrdreg $0x60  }
0xb3: {  	[dreg:$0x2] =	wrdreg s2  }
0xb4: {  	[dreg:$0x3] =	wrdreg s19  }
0xb5: {  	[dreg:$0x4] =	wrdreg s4  }
0xb6: {  	[dreg:$0x5] =	wrdreg s5  }
0xb7: {  	[dreg:$0x6] =	wrdreg s6  }
0xb8: {  	[dreg:$0x7] =	wrdreg s7  }
0xb9: {  	[dreg:$0x8] =	wrdreg $0x9  }
0xba: {  	_ =	task.clear_ibuf [dreg:s12], $0x9FFFF;
	_ =	strace $0x90000046  }
0xbb: {  	s29 =	simm.s32 $0x9;
	_ =	strace $0x80000048  }
0xbc: {  	_ =	swait.ge [sflag:s29], $0x1  }
0xbd: {  	[sflag:s29] =	ssyncadd.s32 $0xFFFFFFFF  }
0xbe: {  	_ =	strace $0x90000048  }
0xbf: {  	_ =	sfence  }
0xc0: {  	s30 =	sld [smem:$0x0];
	_ =	sdelay $0x2  }
0xc1: {  	s31 =	sshll.u32 s1, $0xD;
	s1 =	sshrl.u32 s1, $0x2  }
0xc2: {  	s3 =	sand.u32 $0x4000, s31;
	s1 =	sadd.s32 s1, s30  }
0xc3: {  	s0 =	sor.u32 s3, s0;
	s1 =	sshll.u32 s1, $0x11  }
0xc4: {  	s0 =	sor.u32 s1, s0  }
0xc5: {  	s0 =	sadd.s32 $0x8F2B, s0  }
0xc6: {  	[sflag:s0] =	ssyncadd.remote.s32 $0x1  }
0xc7: {  	_ =	sfence.sel $0xFFFF  }
0xc8: {  	[dreg:$0x0] =	wrdreg $0xFFFFFFFF;
	(pc) =	sbr.abs _section_cstart, $3  }
0xc9: {  	[dreg:$0x1] =	wrdreg $0xFFFFFFFF  }
0xca: {  	_ =	task.clear_ibuf [dreg:s12], $0x2FFFF;
	_ =	strace $0x9FFFFFFF  }
0xcb: {  	(tm) =	ssettm $0x7FFFFFFF  }
tec
execute0_lowered:
.L_overlay_start_1:
0x0: {  	(tag) =	ssettag $0x1  }
0x1: {  	v0 =	vimm.s32 $0xBA98FEDC  }
0x2: {  	v1 =	vimm.s32 $0x32107654;
	v2 =	vlaneseq.u32;
	v3 =	vimm.s32 $0x76543210  }
0x3: {  	v4 =	vimm.s32 $0xDCFE98BA;
	v5 =	vimm.s32 $0xFEDCBA98;
	v6 =	vimm.s32 $0x54761032  }
0x4: {  	v7 =	vimm.s32 $0x67452301;
	v0 =	vunpack.c.l.s4.s8 v0;
	v1 =	vunpack.c.l.s4.s8 v1  }
0x5: {  	v4 =	vunpack.c.l.s4.s8 v4;
	v5 =	vunpack.c.l.s4.s8 v5;
	v59 =	vunpack.c.l.s4.s8 v6  }
0x6: {  	v6 =	vimm.s32 $0xEFCDAB89;
	v7 =	vunpack.c.l.s4.s8 v7;
	v8 =	vshrl.u32 v2, $0x3  }
0x7: {  	v3 =	vunpack.c.l.s4.s8 v3;
	v6 =	vunpack.c.l.s4.s8 v6;
	v0 =	vunpack.c.0.s8.s32 v0  }
0x8: {  	s0 =	rddreg [dreg:$0x0];
	v1 =	vunpack.c.0.s8.s32 v1;
	v4 =	vunpack.c.0.s8.s32 v4;
	v5 =	vunpack.c.0.s8.s32 v5  }
0x9: {  	s1 =	srdreg.scid;
	s2 =	stileid.u32;
	s3 =	simm.s32 $0x0;
	v3 =	vunpack.c.0.s8.s32 v3;
	v60 =	vunpack.c.0.s8.s32 v6;
	v6 =	vunpack.c.0.s8.s32 v7  }
0xa: {  	s1 =	sand.u32 $0x1, s1;
	s2 =	sshll.u32 s2, $0x1;
	[smem:$0x7FF] =	sst s3;
	v7 =	vand.u32 $0x7, v2;
	v2 =	vor.u32 $0x8, v2;
	v0 =	vcombine.low v1, v0  }
0xb: {  	s9 =	rddreg [dreg:$0x5];
	s2 =	sor.u32 s1, s2;
	_ =	strace $0x80000047;
	v1 =	vunpack.c.0.s8.s32 v59;
	[tilespmem:$0x1FF90] =	vst v7;
	v7 =	vmul.u32 $0x8, v8;
	v5 =	vand.u32 $0xF, v5  }
0xc: {  	s30 =	smul.u32 $0x500, s2;
	[tilespmem:$0x1FFB0] =	vst v2;
	v63 =	vcombine.low v5, v3  }
0xd: {  	s1 =	ssub.s32 $0x2, s1;
	s13 =	smul.u32 $0x1900, s2;
	v1 =	vcombine.low v1, v4;
	[tilespmem:$0x1FFA0] =	vst v7  }
0xe: {  	s4 =	sshrl.u32 s1, $0x1;
	v4 =	vcombine.low v6, v60;
	v55 =	vand.u32 $0xF, v0;
	[tilespmem:$0x1FFE0] =	vst v63  }
0xf: {  	s1 =	ssub.s32 s1, s4;
	s0 =	sadd.s32 s0, s30;
	[dreg:$0x8] =	wrdreg s13;
	[tilespmem:$0x1FFF0] =	vst v55;
	v61 =	vand.u32 $0xF, v1  }
0x10: {  	s31 =	smax.u32 s1, $0x1;
	[dreg:$0x9] =	wrdreg s0;
	v62 =	vand.u32 $0xF, v4;
	[tilespmem:$0x1FFC0] =	vst v61  }
0x11: {  	s15 =	simm.s32 $0x19200;
	vm0 =	vmmov $0xffff;
	s2 =	simm.s32 $0x0;
	v8 =	vimm.f32 $1.000000000e+00;
	[dreg:$0xa] =	wrdreg s31;
	[tilespmem:$0x1FFD0] =	vst v62  }
.LBB2_1:
0x12: {  	[dreg:$0xb] =	wrdreg s2  }
0x13: {  	s1 =	simm.s32 $0x0;
	s0 =	rddreg [dreg:$0x9];
	s3 =	simm.s32 $0x5  }
0x14: {  	[tilespmem:s1], [sflag:$0x5] =	stream.linear.gather [hbm4b:s0+s1], $0x2800, $0x38;
	[tilespmem:$0x1E200] =	vst v63  }
0x15: {  	_ =	swait.ge [sflag:s3], $0x2800  }
0x16: {  	[sflag:s3] =	ssyncset.done $0x0  }
0x17: {  	[sflag:s3] =	ssyncadd.s32 $0xFFFFD800  }
0x18: {  	s10 =	simm.s32 $0x2800;
	s8 =	rddreg [dreg:$0x2]  }
0x19: {  	[tilespmem:s10], [sflag:$0x5] =	stream.linear.gather [hbm4b:s8+s1], $0xC800, $0x38;
	[tilespmem:$0x1E200] =	vst v63  }
0x1a: {  	_ =	swait.ge [sflag:s3], $0xC800  }
0x1b: {  	[sflag:s3] =	ssyncset.done $0x0  }
0x1c: {  	[sflag:s3] =	ssyncadd.s32 $0xFFFF3800  }
0x1d: {  	s12 =	simm.s32 $0xF000;
	s11 =	rddreg [dreg:$0x3]  }
0x1e: {  	[tilespmem:s12], [sflag:$0x5] =	stream.linear.gather [hbm4b:s11+s1], $0x100, $0x38;
	[tilespmem:$0x1E200] =	vst v63  }
0x1f: {  	_ =	swait.ge [sflag:s3], $0x100  }
0x20: {  	[sflag:s3] =	ssyncset.done $0x0  }
0x21: {  	[sflag:s3] =	ssyncadd.s32 $0xFFFFFF00  }
0x22: {  	s16 =	simm.s32 $0xF100;
	s14 =	rddreg [dreg:$0x4]  }
0x23: {  	[tilespmem:s16], [sflag:$0x5] =	stream.linear.gather [hbm4b:s14+s1], $0x100, $0x38;
	[tilespmem:$0x1E200] =	vst v63  }
0x24: {  	_ =	swait.ge [sflag:s3], $0x100  }
0x25: {  	[sflag:s3] =	ssyncset.done $0x0  }
0x26: {  	[sflag:s3] =	ssyncadd.s32 $0xFFFFFF00  }
0x27: {  	v0 =	vld [tilespmem:$0x0];
	_ =	sdelay $0x2  }
0x28: {  	v2 =	vld [tilespmem:$0x1FF90]  }
0x29: {  	v3 =	vld [tilespmem:$0x1FFA0]  }
0x2a: {  	v4 =	vld [tilespmem:$0x1FFB0];
	v1 =	vshll.u32 v0, $0x1  }
0x2b: {  	v0 =	vand.u32 $0x7, v0;
	v1 =	vand.u32 $0xFFFFFFF0, v1  }
0x2c: {  	v0 =	vor.u32 v0, v1  }
0x2d: {  	v1 =	vperm.xlane v0, v2;
	_ =	sdelay $0x1  }
0x2e: {  	v0 =	vperm.xlane v0, v4;
	v1 =	vadd.s32 v3, v1;
	_ =	sdelay $0x1  }
0x2f: {  	v0 =	vadd.s32 v3, v0;
	_ =	sdelay $0x1  }
0x30: {  	s18 =	simm.s32 $0x14200;
	s17 =	rddreg [dreg:$0x1]  }
0x31: {  	[tilespmem:s18], [sflag:$0x1] =	stream.indirect_vreg.gather [hbm4b:s17+s1], $0x80, v1, vm0, $0xb8;
	[tilespmem:$0x1E200] =	vst v63  }
0x32: {  	s19 =	simm.s32 $0x14A00  }
0x33: {  	[tilespmem:s19], [sflag:$0x1] =	stream.indirect_vreg.gather [hbm4b:s17+s1], $0x80, v0, vm0, $0xb8;
	[tilespmem:$0x1E200] =	vst v63  }
0x34: {  	v0 =	vld [tilespmem:$0x10];
	_ =	sdelay $0x4  }
0x35: {  	v59 =	vshll.u32 v0, $0x1  }
0x36: {  	v0 =	vand.u32 $0x7, v0;
	v1 =	vand.u32 $0xFFFFFFF0, v59  }
0x37: {  	v0 =	vor.u32 v0, v1  }
0x38: {  	v1 =	vperm.xlane v0, v2;
	_ =	sdelay $0x1  }
0x39: {  	v0 =	vperm.xlane v0, v4;
	v1 =	vadd.s32 v3, v1;
	_ =	sdelay $0x1  }
0x3a: {  	v0 =	vadd.s32 v3, v0;
	_ =	sdelay $0x1  }
0x3b: {  	s20 =	simm.s32 $0x15200  }
0x3c: {  	[tilespmem:s20], [sflag:$0x1] =	stream.indirect_vreg.gather [hbm4b:s17+s1], $0x80, v1, vm0, $0xb8;
	[tilespmem:$0x1E200] =	vst v63  }
0x3d: {  	s21 =	simm.s32 $0x15A00  }
0x3e: {  	[tilespmem:s21], [sflag:$0x1] =	stream.indirect_vreg.gather [hbm4b:s17+s1], $0x80, v0, vm0, $0xb8;
	[tilespmem:$0x1E200] =	vst v63  }
0x3f: {  	v0 =	vld [tilespmem:$0x20];
	_ =	sdelay $0x4  }
0x40: {  	v60 =	vshll.u32 v0, $0x1  }
0x41: {  	v0 =	vand.u32 $0x7, v0;
	v1 =	vand.u32 $0xFFFFFFF0, v60  }
0x42: {  	v0 =	vor.u32 v0, v1  }
0x43: {  	v1 =	vperm.xlane v0, v2;
	_ =	sdelay $0x1  }
0x44: {  	v0 =	vperm.xlane v0, v4;
	v1 =	vadd.s32 v3, v1;
	_ =	sdelay $0x1  }
0x45: {  	v0 =	vadd.s32 v3, v0;
	_ =	sdelay $0x1  }
0x46: {  	s22 =	simm.s32 $0x16200  }
0x47: {  	[tilespmem:s22], [sflag:$0x1] =	stream.indirect_vreg.gather [hbm4b:s17+s1], $0x80, v1, vm0, $0xb8;
	[tilespmem:$0x1E200] =	vst v63  }
0x48: {  	s23 =	simm.s32 $0x16A00  }
0x49: {  	[tilespmem:s23], [sflag:$0x1] =	stream.indirect_vreg.gather [hbm4b:s17+s1], $0x80, v0, vm0, $0xb8;
	[tilespmem:$0x1E200] =	vst v63  }
0x4a: {  	v0 =	vld [tilespmem:$0x30];
	_ =	sdelay $0x4  }
0x4b: {  	v61 =	vshll.u32 v0, $0x1  }
0x4c: {  	v0 =	vand.u32 $0x7, v0;
	v1 =	vand.u32 $0xFFFFFFF0, v61  }
0x4d: {  	v0 =	vor.u32 v0, v1  }
0x4e: {  	v1 =	vperm.xlane v0, v2;
	_ =	sdelay $0x1  }
0x4f: {  	v0 =	vperm.xlane v0, v4;
	v1 =	vadd.s32 v3, v1;
	_ =	sdelay $0x1  }
0x50: {  	v0 =	vadd.s32 v3, v0;
	_ =	sdelay $0x1  }
0x51: {  	s24 =	simm.s32 $0x17200  }
0x52: {  	[tilespmem:s24], [sflag:$0x1] =	stream.indirect_vreg.gather [hbm4b:s17+s1], $0x80, v1, vm0, $0xb8;
	[tilespmem:$0x1E200] =	vst v63  }
0x53: {  	s25 =	simm.s32 $0x17A00  }
0x54: {  	[tilespmem:s25], [sflag:$0x1] =	stream.indirect_vreg.gather [hbm4b:s17+s1], $0x80, v0, vm0, $0xb8;
	[tilespmem:$0x1E200] =	vst v63  }
0x55: {  	v0 =	vld [tilespmem:$0x40];
	_ =	sdelay $0x4  }
0x56: {  	v62 =	vshll.u32 v0, $0x1  }
0x57: {  	v0 =	vand.u32 $0x7, v0;
	v1 =	vand.u32 $0xFFFFFFF0, v62  }
0x58: {  	v0 =	vor.u32 v0, v1  }
0x59: {  	v1 =	vperm.xlane v0, v2;
	_ =	sdelay $0x1  }
0x5a: {  	v0 =	vperm.xlane v0, v4;
	v1 =	vadd.s32 v3, v1;
	_ =	sdelay $0x1  }
0x5b: {  	v0 =	vadd.s32 v3, v0  }
0x5c: {  	s26 =	simm.s32 $0x18200  }
0x5d: {  	s28 =	simm.s32 $0x18A00;
	s29 =	simm.s32 $0x0;
	s7 =	simm.s32 $0x0  }
0x5e: {  	[tilespmem:s26], [sflag:$0x1] =	stream.indirect_vreg.gather [hbm4b:s17+s1], $0x80, v1, vm0, $0xb8;
	[tilespmem:$0x1E200] =	vst v63  }
0x5f: {  	s30 =	simm.s32 $0x0;
	s31 =	simm.s32 $0x0;
	s16 =	simm.s32 $0x50  }
0x60: {  	[tilespmem:s28], [sflag:$0x1] =	stream.indirect_vreg.gather [hbm4b:s17+s1], $0x80, v0, vm0, $0xb8;
	[tilespmem:$0x1E200] =	vst v63  }
.LBB2_2:
0x61: {  	s0 =	sshll.u32 s31, $0x8  }
0x62: {  	s0 =	sand.u32 $0x3FFFFF00, s0  }
0x63: {  	v60 =	vmov s0  }
0x64: {  	s1 =	simm.s32 $0x1;
	s26 =	smulhi.u32 $0x51EB851F, s7;
	[dreg:$0x10] =	wrdreg s0  }
0x65: {  	s28 =	simm.s32 $0x0;
	_ =	swait.ge [sflag:s1], $0x5000  }
0x66: {  	s2 =	simm.s32 $0x0;
	s0 =	sshrl.u32 s26, $0x6;
	[sflag:s1] =	ssyncset.done $0x0  }
0x67: {  	s3 =	sand.u32 $0x70, s28;
	s4 =	smul.u32 $0x6400, s0;
	[sflag:s1] =	ssyncadd.s32 $0xFFFFB000  }
0x68: {  	s2 =	sand.u32 $0x7800, s2;
	s0 =	smul.u32 $0xC800, s0;
	v0 =	vld.idx.msk [tilespmem:v60+s3+$0x0 ss:$0x1], $0xffff  }
0x69: {  	s8 =	simm.s32 $0x80;
	s5 =	simm.s32 $0x1;
	s6 =	sadd.s32 $0x14200, s2  }
0x6a: {  	s10 =	ssub.s32 s30, s4;
	s0 =	ssub.s32 s29, s0;
	s3 =	sand.u32 $0x380, s8  }
0x6b: {  	s4 =	sadd.s32 $0x80, s10;
	s11 =	sadd.s32 $0x100, s0;
	s2 =	sadd.s32 s3, s6  }
0x6c: {  	v1 =	vmov s5;
	s12 =	sand.u32 $0x380, s4;
	s3 =	sand.u32 $0xF800, s11;
	v2 =	vld [tilespmem:s2+$0x0]  }
0x6d: {  	s5 =	sor.u32 s12, s3;
	v1 =	vperm.xlane v0, v1  }
0x6e: {  	v3 =	vld [tilespmem:s5+$0x2800]  }
0x6f: {  	vm1 =	veq.s32 v1, $0x0  }
0x70: {  	v4 =	vsel vm1, $0x0, v8  }
0x71: {  	v1 =	vmul.f32 v4, v2;
	_ =	sdelay $0x1  }
0x72: {  	v10 =	vadd.f32 v1, v3  }
0x73: {  	v1 =	vld [tilespmem:s2+$0x10]  }
0x74: {  	[tilespmem:s2+$0x0] =	vst v10  }
0x75: {  	v2 =	vld [tilespmem:s5+$0x2810];
	_ =	sdelay $0x2  }
0x76: {  	v1 =	vmul.f32 v1, v4;
	_ =	sdelay $0x1  }
0x77: {  	v15 =	vadd.f32 v2, v1  }
0x78: {  	v1 =	vld [tilespmem:s2+$0x20]  }
0x79: {  	[tilespmem:s2+$0x10] =	vst v15  }
0x7a: {  	v2 =	vld [tilespmem:s5+$0x2820];
	_ =	sdelay $0x2  }
0x7b: {  	v1 =	vmul.f32 v1, v4;
	_ =	sdelay $0x1  }
0x7c: {  	v11 =	vadd.f32 v2, v1  }
0x7d: {  	v1 =	vld [tilespmem:s2+$0x30]  }
0x7e: {  	[tilespmem:s2+$0x20] =	vst v11  }
0x7f: {  	v2 =	vld [tilespmem:s5+$0x2830];
	_ =	sdelay $0x2  }
0x80: {  	v1 =	vmul.f32 v1, v4;
	_ =	sdelay $0x1  }
0x81: {  	v13 =	vadd.f32 v2, v1  }
0x82: {  	v1 =	vld [tilespmem:s2+$0x40]  }
0x83: {  	[tilespmem:s2+$0x30] =	vst v13  }
0x84: {  	v2 =	vld [tilespmem:s5+$0x2840];
	_ =	sdelay $0x2  }
0x85: {  	v1 =	vmul.f32 v1, v4;
	_ =	sdelay $0x1  }
0x86: {  	v16 =	vadd.f32 v2, v1  }
0x87: {  	s14 =	simm.s32 $0x0;
	v1 =	vld [tilespmem:s2+$0x50]  }
0x88: {  	s1 =	sand.u32 $0xE, s28;
	s3 =	sand.u32 $0x300, s14;
	[tilespmem:s2+$0x40] =	vst v16  }
0x89: {  	s17 =	sadd.s32 $0xFFFFFF80, s4;
	s18 =	sadd.s32 s3, s6;
	v3 =	vmov s1;
	v5 =	vld [tilespmem:s5+$0x2850]  }
0x8a: {  	s0 =	sand.u32 $0xF800, s0;
	s19 =	sand.u32 $0x300, s17;
	v0 =	vperm.xlane v0, v3;
	v2 =	vld [tilespmem:s18+$0x0]  }
0x8b: {  	s0 =	sor.u32 s19, s0  }
0x8c: {  	v3 =	vld [tilespmem:s0+$0x2800];
	vm1 =	veq.s32 v0, $0x0;
	v0 =	vmul.f32 v1, v4;
	_ =	sdelay $0x1  }
0x8d: {  	v14 =	vsel vm1, $0x0, v8;
	v19 =	vadd.f32 v5, v0  }
0x8e: {  	v1 =	vmul.f32 v14, v2;
	v0 =	vld [tilespmem:s2+$0x60]  }
0x8f: {  	[tilespmem:s2+$0x50] =	vst v19  }
0x90: {  	v7 =	vadd.f32 v1, v3;
	v1 =	vld [tilespmem:s5+$0x2860]  }
0x91: {  	v2 =	vld [tilespmem:s18+$0x10]  }
0x92: {  	[tilespmem:s18+$0x0] =	vst v7  }
0x93: {  	v3 =	vld [tilespmem:s0+$0x2810];
	v0 =	vmul.f32 v0, v4;
	_ =	sdelay $0x1  }
0x94: {  	v20 =	vadd.f32 v1, v0  }
0x95: {  	v2 =	vmul.f32 v2, v14;
	v0 =	vld [tilespmem:s2+$0x70]  }
0x96: {  	[tilespmem:s2+$0x60] =	vst v20  }
0x97: {  	v5 =	vadd.f32 v3, v2;
	v2 =	vld [tilespmem:s5+$0x2870]  }
0x98: {  	v1 =	vld [tilespmem:s18+$0x20]  }
0x99: {  	[tilespmem:s18+$0x10] =	vst v5  }
0x9a: {  	v3 =	vld [tilespmem:s0+$0x2820];
	v0 =	vmul.f32 v0, v4;
	_ =	sdelay $0x1  }
0x9b: {  	v21 =	vadd.f32 v2, v0  }
0x9c: {  	v1 =	vmul.f32 v1, v14;
	v0 =	vld [tilespmem:s2+$0x400]  }
0x9d: {  	[tilespmem:s2+$0x70] =	vst v21  }
0x9e: {  	v12 =	vadd.f32 v3, v1;
	v1 =	vld [tilespmem:s5+$0x2C00]  }
0x9f: {  	v2 =	vld [tilespmem:s18+$0x30]  }
0xa0: {  	[tilespmem:s18+$0x20] =	vst v12  }
0xa1: {  	v3 =	vld [tilespmem:s0+$0x2830];
	v0 =	vmul.f32 v0, v4;
	_ =	sdelay $0x1  }
0xa2: {  	v17 =	vadd.f32 v1, v0  }
0xa3: {  	v2 =	vmul.f32 v2, v14;
	v0 =	vld [tilespmem:s2+$0x410];
	[dreg:$0xe] =	wrdreg s7  }
0xa4: {  	s20 =	sadd.s32 $0x2, s7;
	[tilespmem:s2+$0x400] =	vst v17  }
0xa5: {  	s23 =	simm.s32 $0x2;
	s21 =	smulhi.u32 $0x51EB851F, s20;
	v3 =	vadd.f32 v3, v2;
	v1 =	vld [tilespmem:s5+$0x2C10]  }
0xa6: {  	s24 =	sand.u32 $0x70, s23;
	v2 =	vld [tilespmem:s18+$0x40]  }
0xa7: {  	s1 =	sshrl.u32 s21, $0x6;
	[tilespmem:s18+$0x30] =	vst v3;
	v9 =	vld.idx.msk [tilespmem:v60+s24+$0x0 ss:$0x1], $0xffff  }
0xa8: {  	s22 =	simm.s32 $0x200;
	s25 =	simm.s32 $0x3;
	s8 =	smul.u32 $0x6400, s1;
	v6 =	vld [tilespmem:s0+$0x2840];
	v0 =	vmul.f32 v0, v4  }
0xa9: {  	s10 =	simm.s32 $0x180;
	s4 =	sand.u32 $0x7800, s22;
	s1 =	smul.u32 $0xC800, s1  }
0xaa: {  	s10 =	sand.u32 $0x380, s10;
	s4 =	sadd.s32 $0x14200, s4;
	s19 =	sadd.s32 $0x200, s29;
	v24 =	vadd.f32 v1, v0  }
0xab: {  	s17 =	sadd.s32 s10, s4;
	s8 =	ssub.s32 s30, s8;
	s11 =	ssub.s32 s19, s1;
	v0 =	vmul.f32 v2, v14;
	v1 =	vld [tilespmem:s2+$0x420]  }
0xac: {  	s8 =	sadd.s32 $0x180, s8;
	s1 =	sadd.s32 $0x100, s11;
	v18 =	vld [tilespmem:s17+$0x0];
	v2 =	vmov s25;
	[tilespmem:s2+$0x410] =	vst v24  }
0xad: {  	s26 =	sand.u32 $0x380, s8;
	s1 =	sand.u32 $0xF800, s1;
	v23 =	vadd.f32 v6, v0;
	v0 =	vperm.xlane v9, v2;
	v2 =	vld [tilespmem:s5+$0x2C20]  }
0xae: {  	s12 =	sor.u32 s26, s1  }
0xaf: {  	s28 =	simm.s32 $0x100;
	s10 =	sadd.s32 $0xFFFFFF80, s8;
	v6 =	vld [tilespmem:s12+$0x2800]  }
0xb0: {  	s11 =	sand.u32 $0xF800, s11;
	s1 =	sand.u32 $0x300, s28;
	s6 =	sand.u32 $0x300, s10;
	v22 =	vld [tilespmem:s18+$0x50];
	vm1 =	veq.s32 v0, $0x0;
	v1 =	vmul.f32 v1, v4  }
0xb1: {  	s1 =	sadd.s32 s1, s4;
	s4 =	sor.u32 s6, s11;
	v27 =	vld [tilespmem:s2+$0x430];
	v26 =	vsel vm1, $0x0, v8  }
0xb2: {  	v32 =	vld [tilespmem:s4+$0x2800];
	v18 =	vmul.f32 v26, v18;
	v29 =	vadd.f32 v2, v1  }
0xb3: {  	v1 =	vld [tilespmem:s1+$0x0]  }
0xb4: {  	s7 =	sand.u32 $0xE, s23;
	v6 =	vadd.f32 v18, v6;
	v2 =	vld [tilespmem:s17+$0x10];
	[tilespmem:s2+$0x420] =	vst v29  }
0xb5: {  	[tilespmem:s18+$0x40] =	vst v23;
	v18 =	vmov s7;
	v28 =	vld [tilespmem:s5+$0x2C30]  }
0xb6: {  	v0 =	vld [tilespmem:s0+$0x2850];
	v9 =	vperm.xlane v9, v18;
	[tilespmem:s17+$0x0] =	vst v6  }
0xb7: {  	v30 =	vld [tilespmem:s12+$0x2810]  }
0xb8: {  	v27 =	vmul.f32 v27, v4;
	vm1 =	veq.s32 v9, $0x0  }
0xb9: {  	v25 =	vld [tilespmem:s18+$0x60];
	v22 =	vmul.f32 v22, v14;
	v36 =	vsel vm1, $0x0, v8  }
0xba: {  	v31 =	vld [tilespmem:s1+$0x30];
	v2 =	vmul.f32 v2, v26;
	v33 =	vadd.f32 v28, v27;
	v27 =	vmul.f32 v36, v1  }
0xbb: {  	v18 =	vld [tilespmem:s1+$0x440];
	v22 =	vadd.f32 v0, v22  }
0xbc: {  	v0 =	vld [tilespmem:s17+$0x20];
	v1 =	vadd.f32 v30, v2;
	v30 =	vadd.f32 v27, v32  }
0xbd: {  	v28 =	vld [tilespmem:s2+$0x440];
	[tilespmem:s2+$0x430] =	vst v33  }
0xbe: {  	v9 =	vld [tilespmem:s1+$0x10];
	[tilespmem:$0x1FF80] =	vst v30  }
0xbf: {  	v2 =	vld [tilespmem:s5+$0x2C40];
	[tilespmem:s17+$0x10] =	vst v1  }
0xc0: {  	[tilespmem:s18+$0x50] =	vst v22;
	v27 =	vld [tilespmem:s12+$0x2820]  }
0xc1: {  	[tilespmem:s1+$0x0] =	vst v30;
	v52 =	vld [tilespmem:s0+$0x2860]  }
0xc2: {  	v28 =	vmul.f32 v28, v4;
	v34 =	vld [tilespmem:s4+$0x2810]  }
0xc3: {  	v0 =	vmul.f32 v0, v26  }
0xc4: {  	v25 =	vmul.f32 v25, v14;
	v37 =	vld [tilespmem:s1+$0x20];
	v38 =	vadd.f32 v2, v28  }
0xc5: {  	v39 =	vld [tilespmem:s2+$0x450];
	v2 =	vmul.f32 v9, v36;
	v30 =	vadd.f32 v27, v0  }
0xc6: {  	v28 =	vadd.f32 v52, v25;
	v25 =	vld [tilespmem:s17+$0x30];
	[tilespmem:s2+$0x440] =	vst v38  }
0xc7: {  	v0 =	vadd.f32 v34, v2;
	v2 =	vld [tilespmem:s5+$0x2C50];
	[tilespmem:s17+$0x20] =	vst v30  }
0xc8: {  	v27 =	vld [tilespmem:s12+$0x2830]  }
0xc9: {  	[tilespmem:s1+$0x10] =	vst v0  }
0xca: {  	v54 =	vld [tilespmem:s4+$0x2820]  }
0xcb: {  	v39 =	vmul.f32 v39, v4;
	v25 =	vmul.f32 v25, v26  }
0xcc: {  	v35 =	vld [tilespmem:s18+$0x70]  }
0xcd: {  	v57 =	vld [tilespmem:s17+$0x40];
	v37 =	vmul.f32 v37, v36;
	[tilespmem:s18+$0x60] =	vst v28;
	v39 =	vadd.f32 v2, v39;
	v2 =	vadd.f32 v27, v25  }
0xce: {  	v56 =	vadd.f32 $0.0e+00, v10;
	v44 =	vmul.f32 v10, v10;
	v53 =	vld [tilespmem:s0+$0x2870]  }
0xcf: {  	v45 =	vadd.f32 $0.0e+00, v15;
	v15 =	vmul.f32 v15, v15;
	v43 =	vld [tilespmem:s2+$0x460];
	v10 =	vadd.f32 v54, v37;
	[tilespmem:s17+$0x30] =	vst v2  }
0xd0: {  	v46 =	vadd.f32 $0.0e+00, v11;
	v47 =	vadd.f32 $0.0e+00, v13;
	v13 =	vmul.f32 v13, v13;
	[tilespmem:s2+$0x450] =	vst v39;
	v48 =	vld [tilespmem:s12+$0x2840]  }
0xd1: {  	v41 =	vmul.f32 v19, v19;
	v19 =	vadd.f32 v19, v45;
	v35 =	vmul.f32 v35, v14;
	v58 =	vld [tilespmem:s5+$0x2C60];
	[tilespmem:s1+$0x20] =	vst v10  }
0xd2: {  	v40 =	vmul.f32 v16, v16;
	v16 =	vadd.f32 v16, v56;
	v59 =	vmul.f32 v24, v24;
	v62 =	vld [tilespmem:s4+$0x2830]  }
0xd3: {  	v19 =	vadd.f32 v24, v19;
	v61 =	vld [tilespmem:s18+$0x400];
	v24 =	vmul.f32 v57, v26;
	v25 =	vadd.f32 v53, v35  }
0xd4: {  	v40 =	vadd.f32 v40, v44;
	v15 =	vadd.f32 v41, v15;
	v41 =	vld [tilespmem:s1+$0x40];
	v43 =	vmul.f32 v43, v4  }
0xd5: {  	v16 =	vadd.f32 v17, v16;
	v31 =	vmul.f32 v31, v36;
	v52 =	vld [tilespmem:s17+$0x50];
	[tilespmem:s18+$0x70] =	vst v25;
	v24 =	vadd.f32 v48, v24  }
0xd6: {  	v17 =	vmul.f32 v17, v17;
	v27 =	vmul.f32 v21, v21;
	v51 =	vld [tilespmem:s0+$0x2C00];
	v34 =	vadd.f32 v58, v43  }
0xd7: {  	v42 =	vmul.f32 v20, v20;
	v20 =	vadd.f32 v20, v46;
	v49 =	vld [tilespmem:s2+$0x470];
	v9 =	vadd.f32 v62, v31;
	[tilespmem:s17+$0x40] =	vst v24  }
0xd8: {  	v50 =	vmul.f32 v11, v11;
	v17 =	vadd.f32 v17, v40;
	v13 =	vadd.f32 v27, v13;
	[tilespmem:s2+$0x460] =	vst v34;
	v27 =	vld [tilespmem:s12+$0x2850]  }
0xd9: {  	v15 =	vadd.f32 v59, v15;
	v20 =	vadd.f32 v29, v20;
	v56 =	vmul.f32 v61, v14;
	v54 =	vld [tilespmem:s5+$0x2C70];
	[tilespmem:$0x1FF00] =	vst v9  }
0xda: {  	v61 =	vmul.f32 v52, v26;
	v21 =	vadd.f32 v21, v47;
	v53 =	vmul.f32 v29, v29;
	[tilespmem:s1+$0x30] =	vst v9  }
0xdb: {  	v19 =	vadd.f32 v39, v19;
	v39 =	vmul.f32 v39, v39;
	v29 =	vadd.f32 v51, v56;
	v58 =	vld [tilespmem:s4+$0x2840]  }
0xdc: {  	v4 =	vmul.f32 v49, v4;
	v16 =	vadd.f32 v38, v16;
	v21 =	vadd.f32 v33, v21;
	v59 =	vld [tilespmem:s18+$0x410]  }
0xdd: {  	v57 =	vmul.f32 v33, v33;
	v15 =	vadd.f32 v39, v15;
	[tilespmem:s18+$0x400] =	vst v29;
	v49 =	vld [tilespmem:s17+$0x60];
	v27 =	vadd.f32 v27, v61  }
0xde: {  	v41 =	vmul.f32 v41, v36;
	v31 =	vadd.f32 v42, v50;
	v44 =	vadd.f32 v54, v4;
	v4 =	vld [tilespmem:s0+$0x2C10]  }
0xdf: {  	v16 =	vadd.f32 v19, v16;
	v13 =	vadd.f32 v57, v13;
	v62 =	vmul.f32 v38, v38;
	[tilespmem:s17+$0x50] =	vst v27  }
0xe0: {  	v48 =	vmul.f32 v34, v34;
	v31 =	vadd.f32 v53, v31;
	v43 =	vadd.f32 v58, v41;
	v52 =	vld [tilespmem:s12+$0x2860]  }
0xe1: {  	v17 =	vadd.f32 v62, v17;
	v50 =	vld [tilespmem:s1+$0x50];
	v19 =	vadd.f32 v44, v21;
	v21 =	vmul.f32 v59, v14  }
0xe2: {  	v20 =	vadd.f32 v34, v20;
	v53 =	vld [tilespmem:s18+$0x440];
	v31 =	vadd.f32 v48, v31;
	v51 =	vmul.f32 v44, v44;
	[tilespmem:s1+$0x40] =	vst v43  }
0xe3: {  	v40 =	vadd.f32 v4, v21;
	v4 =	vadd.f32 v15, v17;
	v17 =	vmul.f32 v49, v26;
	v54 =	vld [tilespmem:s4+$0x2850]  }
0xe4: {  	v13 =	vadd.f32 v51, v13;
	v19 =	vadd.f32 v19, v20;
	v15 =	vld [tilespmem:s18+$0x420]  }
0xe5: {  	v21 =	vld [tilespmem:s17+$0x70];
	[tilespmem:s18+$0x410] =	vst v40;
	v32 =	vadd.f32 v52, v17  }
0xe6: {  	v16 =	vadd.f32 v19, v16;
	v13 =	vadd.f32 v13, v31;
	v19 =	vmul.f32 v50, v36;
	v20 =	vld [tilespmem:s0+$0x2C20]  }
0xe7: {  	v56 =	vld [tilespmem:s1+$0x60];
	[tilespmem:s17+$0x60] =	vst v32  }
0xe8: {  	v4 =	vadd.f32 v13, v4;
	v13 =	vadd.f32 v54, v19;
	v19 =	vld [tilespmem:s12+$0x2870]  }
0xe9: {  	v37 =	vld [tilespmem:s18+$0x460];
	v15 =	vmul.f32 v15, v14  }
0xea: {  	v47 =	vld [tilespmem:s17+$0x400]  }
0xeb: {  	v31 =	vadd.f32 v20, v15;
	v20 =	vld [tilespmem:s18+$0x430];
	v15 =	vmul.f32 v21, v26  }
0xec: {  	v17 =	vperm.xlane v16, v63;
	[tilespmem:s1+$0x50] =	vst v13;
	v21 =	vld [tilespmem:s18+$0x470]  }
0xed: {  	v57 =	vld [tilespmem:s4+$0x2860];
	[tilespmem:s18+$0x420] =	vst v31;
	v34 =	vadd.f32 v19, v15;
	v15 =	vmul.f32 v43, v43  }
0xee: {  	v16 =	vadd.f32 v16, v17;
	v17 =	vperm.xlane v4, v63;
	v33 =	vld [tilespmem:s0+$0x2C30]  }
0xef: {  	v9 =	vld [tilespmem:$0x1FFC0];
	[tilespmem:$0x1FF10] =	vst v15  }
0xf0: {  	v4 =	vadd.f32 v17, v4;
	v17 =	vmul.f32 v18, v36;
	v18 =	vmul.f32 v56, v36;
	v52 =	vld [tilespmem:s1+$0x70];
	[tilespmem:s17+$0x70] =	vst v34  }
0xf1: {  	v48 =	vmul.f32 v53, v14;
	v53 =	vld [tilespmem:s12+$0x2C00];
	[tilespmem:$0x1FF20] =	vst v13;
	v13 =	vmul.f32 v13, v13  }
0xf2: {  	v58 =	vperm.xlane v16, v55;
	v59 =	vperm.xlane v4, v55;
	v18 =	vadd.f32 v57, v18  }
0xf3: {  	[tilespmem:$0x1FF30] =	vst v13  }
0xf4: {  	v16 =	vadd.f32 v16, v58;
	v4 =	vadd.f32 v59, v4;
	[tilespmem:s1+$0x60] =	vst v18  }
0xf5: {  	v13 =	vld [tilespmem:$0x1FFD0]  }
0xf6: {  	v19 =	vperm.xlane v16, v9;
	v61 =	vperm.xlane v4, v9;
	_ =	sdelay $0x1  }
0xf7: {  	v19 =	vadd.f32 v16, v19;
	v56 =	vadd.f32 v61, v4  }
0xf8: {  	v20 =	vmul.f32 v20, v14;
	v39 =	vmul.f32 v21, v14  }
0xf9: {  	v62 =	vperm.xlane v19, v13;
	v21 =	vperm.xlane v56, v13  }
0xfa: {  	v42 =	vadd.f32 v33, v20;
	v4 =	vmul.f32 v47, v26;
	v20 =	vld [tilespmem:s4+$0x2870]  }
0xfb: {  	v46 =	vmul.f32 v25, v25;
	v49 =	vmul.f32 v23, v23;
	v19 =	vadd.f32 v19, v62  }
0xfc: {  	v50 =	vmul.f32 v22, v22;
	v54 =	vld [tilespmem:s18+$0x450];
	[tilespmem:s18+$0x430] =	vst v42;
	v61 =	vmul.f32 v52, v36;
	v33 =	vadd.f32 v53, v4  }
0xfd: {  	v52 =	vld [tilespmem:s0+$0x2C40];
	v4 =	vmul.f32 $3.906250000e-03, v19;
	v19 =	vadd.f32 v21, v56;
	v21 =	vmovc v0;
	v0 =	vmul.f32 v18, v18  }
0xfe: {  	v58 =	vmul.f32 v7, v7;
	v59 =	vadd.f32 $0.0e+00, v5;
	v5 =	vmul.f32 v5, v5;
	v53 =	vld [tilespmem:s17+$0x410];
	[tilespmem:$0x1FF40] =	vst v18  }
0xff: {  	v45 =	vmul.f32 v24, v24;
	v41 =	vmul.f32 v29, v29;
	v18 =	vadd.f32 v20, v61;
	[tilespmem:$0x1FF50] =	vst v0  }
0x100: {  	v49 =	vadd.f32 v49, v58;
	v5 =	vadd.f32 v50, v5;
	v62 =	vmul.f32 $3.906250000e-03, v19;
	[tilespmem:s17+$0x400] =	vst v33  }
0x101: {  	v22 =	vadd.f32 v22, v59;
	v61 =	vmul.f32 v4, v4;
	v0 =	vmul.f32 v18, v18;
	v57 =	vld [tilespmem:s12+$0x2C10]  }
0x102: {  	s20 =	sadd.s32 $0x2, s20;
	v7 =	vadd.f32 $0.0e+00, v7;
	v15 =	vmovc v55;
	v55 =	vmul.f32 v37, v14;
	v16 =	vmovc v63;
	v63 =	vmul.f32 v3, v3  }
0x103: {  	s21 =	smulhi.u32 $0x51EB851F, s20;
	s7 =	simm.s32 $0x4;
	v14 =	vmul.f32 v54, v14;
	v48 =	vadd.f32 v52, v48;
	[tilespmem:$0x1FF60] =	vst v0;
	v54 =	vsub.f32 v62, v61  }
0x104: {  	s14 =	simm.s32 $0x400;
	s22 =	sand.u32 $0x70, s7;
	v41 =	vadd.f32 v41, v49;
	v56 =	vadd.f32 v23, v7;
	v7 =	vmul.f32 v53, v26;
	[tilespmem:$0x1FF70] =	vst v60  }
0x105: {  	s3 =	sand.u32 $0x7800, s14;
	s14 =	simm.s32 $0x280;
	s24 =	sshrl.u32 s21, $0x6;
	v46 =	vadd.f32 v46, v63;
	v52 =	vmul.f32 v42, v42;
	[tilespmem:s18+$0x440] =	vst v48;
	v53 =	vadd.f32 $9.999999740e-06, v54;
	v54 =	vld.idx.msk [tilespmem:v60+s22+$0x0 ss:$0x1], $0xffff  }
0x106: {  	s11 =	sadd.s32 $0x200, s19;
	s21 =	simm.s32 $0x200;
	s26 =	smul.u32 $0xC800, s24;
	v51 =	vmul.f32 v28, v28;
	v23 =	vadd.f32 $0.0e+00, v12;
	v58 =	vld [tilespmem:s0+$0x2C50];
	v7 =	vadd.f32 v57, v7  }
0x107: {  	s23 =	sadd.s32 $0x14200, s3;
	s21 =	sand.u32 $0x300, s21;
	s5 =	smul.u32 $0x6400, s24;
	v22 =	vadd.f32 v40, v22;
	v46 =	vadd.f32 v52, v46;
	v12 =	vmul.f32 v12, v12;
	v60 =	vld [tilespmem:s17+$0x420]  }
0x108: {  	s3 =	sadd.s32 s21, s23;
	s25 =	simm.s32 $0x5;
	s28 =	sand.u32 $0xE, s7;
	v38 =	vmul.f32 v27, v27;
	v28 =	vadd.f32 v28, v23;
	v61 =	vadd.f32 $0.0e+00, v3;
	[tilespmem:s17+$0x410] =	vst v7  }
0x109: {  	s10 =	ssub.s32 s11, s26;
	s5 =	ssub.s32 s30, s5;
	v23 =	vmov s28;
	v50 =	vadd.f32 v51, v12;
	v12 =	vmov s25;
	s22 =	sand.u32 $0x380, s14;
	v51 =	vld [tilespmem:s12+$0x2C20]  }
0x10a: {  	s21 =	sadd.s32 $0x280, s5;
	v61 =	vadd.f32 v25, v61;
	s5 =	sadd.s32 s22, s23;
	s23 =	sadd.s32 $0x100, s10;
	v62 =	vshra.s32 v53, $0x1;
	v12 =	vperm.xlane v54, v12  }
0x10b: {  	s6 =	sand.u32 $0x380, s21;
	v53 =	vmul.f32 $5.000000000e-01, v53;
	v59 =	vld [tilespmem:s5+$0x0];
	s8 =	sand.u32 $0xF800, s23;
	v23 =	vperm.xlane v54, v23;
	v58 =	vadd.f32 v58, v14  }
0x10c: {  	v25 =	vld [tilespmem:s3+$0x0];
	v57 =	vsub.s32 $0x5F3759DF, v62;
	s8 =	sor.u32 s6, s8;
	v60 =	vmul.f32 v60, v26;
	vm1 =	veq.s32 v12, $0x0  }
0x10d: {  	v54 =	vmul.f32 v57, v53;
	[tilespmem:s18+$0x450] =	vst v58;
	v14 =	vsel vm1, $0x0, v8;
	vm1 =	veq.s32 v23, $0x0;
	v23 =	vld [tilespmem:s8+$0x2800]  }
0x10e: {  	s24 =	sadd.s32 $0xFFFFFF80, s21;
	v63 =	vmul.f32 v6, v6;
	v0 =	vadd.f32 $0.0e+00, v6;
	v3 =	vadd.f32 v51, v60;
	v60 =	vld [tilespmem:s0+$0x2C60]  }
0x10f: {  	s26 =	sand.u32 $0x300, s24;
	s25 =	sand.u32 $0xF800, s10;
	v42 =	vadd.f32 v42, v61;
	v61 =	vld [tilespmem:s17+$0x440];
	v12 =	vmul.f32 v40, v40;
	v51 =	vmul.f32 v57, v54  }
0x110: {  	v62 =	vld [tilespmem:s17+$0x430];
	s6 =	sor.u32 s26, s25;
	v54 =	vmul.f32 v58, v58;
	v58 =	vadd.f32 v58, v22;
	v22 =	vmul.f32 v14, v59  }
0x111: {  	v35 =	vmul.f32 v32, v32;
	v6 =	vadd.f32 v45, v63;
	v40 =	vld [tilespmem:s6+$0x2800];
	v51 =	vsub.f32 $1.500000000e+00, v51  }
0x112: {  	v47 =	vmul.f32 v31, v31;
	v5 =	vadd.f32 v12, v5;
	v23 =	vadd.f32 v22, v23;
	v22 =	vld [tilespmem:s3+$0x30]  }
0x113: {  	v12 =	vsel vm1, $0x0, v8;
	[tilespmem:s17+$0x420] =	vst v3;
	v51 =	vmul.f32 v57, v51;
	v57 =	vld [tilespmem:s5+$0x10];
	v55 =	vadd.f32 v60, v55  }
0x114: {  	v31 =	vadd.f32 v31, v28;
	v54 =	vadd.f32 v54, v5;
	v5 =	vmul.f32 v12, v25;
	v59 =	vld [tilespmem:s12+$0x2C30];
	[tilespmem:s5+$0x0] =	vst v23  }
0x115: {  	v45 =	vmul.f32 v48, v48;
	v47 =	vadd.f32 v47, v50;
	v0 =	vadd.f32 v24, v0;
	v60 =	vld [tilespmem:s8+$0x2810];
	[tilespmem:s18+$0x460] =	vst v55  }
0x116: {  	v37 =	vmul.f32 v34, v34;
	v24 =	vadd.f32 v29, v56;
	v25 =	vadd.f32 v5, v40;
	v28 =	vld [tilespmem:s0+$0x2C70]  }
0x117: {  	v41 =	vadd.f32 v45, v41;
	v40 =	vld [tilespmem:s3+$0x10];
	v5 =	vmul.f32 v62, v26;
	v62 =	vmul.f32 v51, v53  }
0x118: {  	v24 =	vadd.f32 v48, v24;
	v0 =	vadd.f32 v33, v0;
	[tilespmem:s3+$0x0] =	vst v25;
	v57 =	vmul.f32 v57, v14  }
0x119: {  	v63 =	vmul.f32 v61, v26;
	v50 =	vld [tilespmem:s6+$0x2810];
	v5 =	vadd.f32 v59, v5;
	v56 =	vmul.f32 v62, v51  }
0x11a: {  	v58 =	vadd.f32 v58, v24;
	v62 =	vmul.f32 v22, v12;
	v22 =	vadd.f32 v60, v57  }
0x11b: {  	v56 =	vsub.f32 $1.500000000e+00, v56;
	[tilespmem:s17+$0x430] =	vst v5;
	v60 =	vld [tilespmem:s5+$0x20];
	v45 =	vadd.f32 v28, v39;
	v39 =	vmul.f32 v55, v55  }
0x11c: {  	v41 =	vadd.f32 v54, v41;
	v59 =	vadd.f32 $0.0e+00, v30;
	v40 =	vmul.f32 v40, v12;
	v48 =	vld [tilespmem:s12+$0x2C40];
	[tilespmem:s5+$0x10] =	vst v22  }
0x11d: {  	v30 =	vmul.f32 v30, v30;
	v51 =	vmul.f32 v56, v51;
	v39 =	vadd.f32 v39, v47;
	v47 =	vld [tilespmem:s8+$0x2820]  }
0x11e: {  	v31 =	vadd.f32 v55, v31;
	v28 =	vadd.f32 v50, v40;
	v55 =	vld [tilespmem:s17+$0x450];
	v24 =	vmul.f32 v45, v45  }
0x11f: {  	v30 =	vadd.f32 v35, v30;
	v40 =	vld [tilespmem:s3+$0x20];
	v50 =	vmul.f32 v51, v53;
	v42 =	vadd.f32 v45, v42  }
0x120: {  	v57 =	vadd.f32 $0.0e+00, v1;
	[tilespmem:s3+$0x10] =	vst v28;
	v60 =	vmul.f32 v60, v14;
	v24 =	vadd.f32 v24, v46  }
0x121: {  	v50 =	vmul.f32 v50, v51;
	v48 =	vadd.f32 v48, v63;
	v46 =	vld [tilespmem:s6+$0x2820];
	v31 =	vadd.f32 v42, v31  }
0x122: {  	v33 =	vmul.f32 v33, v33;
	v39 =	vadd.f32 v24, v39;
	v24 =	vadd.f32 v47, v60  }
0x123: {  	v42 =	vsub.f32 $1.500000000e+00, v50;
	v50 =	vld [tilespmem:s5+$0x30];
	[tilespmem:s17+$0x440] =	vst v48;
	v54 =	vmul.f32 v55, v26;
	v55 =	vadd.f32 v31, v58  }
0x124: {  	v1 =	vmul.f32 v1, v1;
	v56 =	vadd.f32 $0.0e+00, v2;
	v40 =	vmul.f32 v40, v12;
	v47 =	vld [tilespmem:s12+$0x2C50];
	[tilespmem:s5+$0x20] =	vst v24  }
0x125: {  	v39 =	vadd.f32 v39, v41;
	v61 =	vperm.xlane v55, v16;
	v41 =	vadd.f32 v32, v59;
	v32 =	vld [tilespmem:s8+$0x2830]  }
0x126: {  	v49 =	vmul.f32 v7, v7;
	v27 =	vadd.f32 v27, v57;
	v58 =	vld [tilespmem:s1+$0x400];
	v31 =	vadd.f32 v46, v40  }
0x127: {  	v52 =	vmul.f32 v3, v3;
	v38 =	vadd.f32 v38, v1;
	v40 =	vadd.f32 v55, v61  }
0x128: {  	v57 =	vld [tilespmem:s17+$0x460];
	v7 =	vadd.f32 v7, v27;
	v63 =	vperm.xlane v39, v16;
	v27 =	vmul.f32 v50, v14;
	[tilespmem:s3+$0x20] =	vst v31  }
0x129: {  	v1 =	vmul.f32 v42, v51;
	v42 =	vld [tilespmem:s6+$0x2830];
	v47 =	vadd.f32 v47, v54;
	v59 =	vperm.xlane v40, v15  }
0x12a: {  	v2 =	vmul.f32 v2, v2;
	v61 =	vld [tilespmem:s3+$0x40];
	v39 =	vadd.f32 v63, v39;
	v27 =	vadd.f32 v32, v27  }
0x12b: {  	v46 =	vmul.f32 v58, v36;
	v58 =	vadd.f32 v49, v38;
	[tilespmem:s17+$0x450] =	vst v47;
	v38 =	vadd.f32 v40, v59;
	v40 =	vld [tilespmem:s5+$0x40]  }
0x12c: {  	v6 =	vadd.f32 v33, v6;
	v30 =	vadd.f32 v52, v30;
	v63 =	vperm.xlane v39, v15;
	v54 =	vld [tilespmem:s12+$0x2C60];
	[tilespmem:s5+$0x30] =	vst v27  }
0x12d: {  	v2 =	vadd.f32 v37, v2;
	v7 =	vadd.f32 v47, v7;
	v47 =	vmul.f32 v47, v47;
	v59 =	vld [tilespmem:s8+$0x2840]  }
0x12e: {  	v29 =	vld [tilespmem:s3+$0x440];
	v53 =	vmul.f32 v5, v5;
	v39 =	vadd.f32 v63, v39;
	v32 =	vadd.f32 v42, v62  }
0x12f: {  	v52 =	vld [tilespmem:s1+$0x460];
	v57 =	vmul.f32 v57, v26;
	v35 =	vadd.f32 v47, v58;
	v58 =	vperm.xlane v38, v9  }
0x130: {  	v50 =	vadd.f32 v34, v56;
	v56 =	vld [tilespmem:s17+$0x470];
	v63 =	vperm.xlane v39, v9;
	[tilespmem:s3+$0x30] =	vst v32;
	v62 =	vmul.f32 v40, v14  }
0x131: {  	[tilespmem:s1+$0x70] =	vst v18;
	v49 =	vmul.f32 v61, v12;
	v38 =	vadd.f32 v38, v58;
	v61 =	vld [tilespmem:s6+$0x2840];
	v51 =	vadd.f32 v54, v57  }
0x132: {  	v60 =	vmul.f32 v48, v48;
	v37 =	vadd.f32 v63, v39;
	v63 =	vld [tilespmem:s4+$0x2C00];
	v34 =	vadd.f32 v59, v62  }
0x133: {  	v2 =	vadd.f32 v53, v2;
	v54 =	vperm.xlane v38, v13;
	v57 =	vld [tilespmem:s5+$0x50];
	[tilespmem:s17+$0x460] =	vst v51  }
0x134: {  	v29 =	vmul.f32 v29, v12;
	v0 =	vadd.f32 v48, v0;
	v6 =	vadd.f32 v60, v6;
	v55 =	vld [tilespmem:s12+$0x2C70];
	[tilespmem:s5+$0x40] =	vst v34  }
0x135: {  	v3 =	vadd.f32 v3, v41;
	v47 =	vmul.f32 v56, v26;
	v38 =	vadd.f32 v38, v54;
	v56 =	vld [tilespmem:s8+$0x2850]  }
0x136: {  	v60 =	vld [tilespmem:s5+$0x60];
	v7 =	vadd.f32 v7, v0;
	v58 =	vperm.xlane v37, v13;
	v26 =	vadd.f32 v61, v49  }
0x137: {  	v41 =	vmul.f32 v51, v51;
	v3 =	vadd.f32 v51, v3;
	v59 =	vld [tilespmem:s3+$0x50];
	v51 =	vmul.f32 $3.906250000e-03, v38  }
0x138: {  	v39 =	vld [tilespmem:s1+$0x410];
	v37 =	vadd.f32 v58, v37;
	v38 =	vadd.f32 v63, v46;
	v0 =	vmul.f32 v57, v14;
	[tilespmem:s3+$0x40] =	vst v26  }
0x139: {  	v5 =	vadd.f32 v5, v50;
	v50 =	vmul.f32 v52, v36;
	v62 =	vld [tilespmem:s6+$0x2850];
	v53 =	vadd.f32 v55, v47  }
0x13a: {  	v46 =	vld [tilespmem:s1+$0x470];
	v61 =	vmul.f32 v51, v51;
	v37 =	vmul.f32 $3.906250000e-03, v37;
	[tilespmem:s1+$0x400] =	vst v38;
	v33 =	vadd.f32 v56, v0  }
0x13b: {  	v6 =	vadd.f32 v35, v6;
	v57 =	vld [tilespmem:s4+$0x2C10];
	v5 =	vadd.f32 v53, v5;
	v58 =	vmul.f32 v53, v53  }
0x13c: {  	v30 =	vadd.f32 v41, v30;
	v63 =	vld [tilespmem:s3+$0x60];
	v37 =	vsub.f32 v37, v61;
	v59 =	vmul.f32 v59, v12;
	[tilespmem:s5+$0x50] =	vst v33  }
0x13d: {  	v60 =	vmul.f32 v60, v14;
	v2 =	vadd.f32 v58, v2;
	v3 =	vadd.f32 v5, v3;
	v61 =	vld [tilespmem:s8+$0x2860]  }
0x13e: {  	v40 =	vmul.f32 v34, v34;
	v5 =	vmul.f32 v39, v36;
	v41 =	vadd.f32 v62, v59  }
0x13f: {  	v42 =	vmul.f32 v38, v38;
	v55 =	vld [tilespmem:s3+$0x70];
	v3 =	vadd.f32 v3, v7;
	v2 =	vadd.f32 v2, v30  }
0x140: {  	v37 =	vadd.f32 $9.999999740e-06, v37;
	v47 =	vmul.f32 v46, v36;
	v49 =	vadd.f32 v57, v5;
	v5 =	vld [tilespmem:s1+$0x420];
	[tilespmem:s3+$0x50] =	vst v41  }
0x141: {  	v7 =	vmul.f32 v63, v12;
	v62 =	vld [tilespmem:s6+$0x2860];
	v6 =	vadd.f32 v2, v6;
	v63 =	vperm.xlane v3, v16  }
0x142: {  	v54 =	vmul.f32 $5.000000000e-01, v37;
	v58 =	vld [tilespmem:s5+$0x70];
	v30 =	vshra.s32 v37, $0x1;
	[tilespmem:s1+$0x410] =	vst v49;
	v39 =	vadd.f32 v61, v60  }
0x143: {  	v30 =	vsub.s32 $0x5F3759DF, v30;
	v56 =	vld [tilespmem:s4+$0x2C20];
	v57 =	vadd.f32 v3, v63;
	v3 =	vperm.xlane v6, v16  }
0x144: {  	v0 =	vmul.f32 v26, v26;
	v61 =	vmul.f32 v30, v54;
	[tilespmem:s5+$0x60] =	vst v39  }
0x145: {  	v35 =	vmul.f32 v33, v33;
	v59 =	vperm.xlane v57, v15;
	v6 =	vadd.f32 v3, v6;
	v60 =	vld [tilespmem:s8+$0x2870]  }
0x146: {  	v5 =	vmul.f32 v5, v36;
	v3 =	vadd.f32 v62, v7;
	v46 =	vmul.f32 v30, v61  }
0x147: {  	s28 =	simm.s32 $0xF280;
	[tilespmem:s2+$0x470] =	vst v44;
	v52 =	vadd.f32 v57, v59;
	v62 =	vperm.xlane v6, v15;
	v57 =	vmul.f32 v55, v12  }
0x148: {  	[tilespmem:s28+$0x0] =	vst v4;
	v5 =	vadd.f32 v56, v5;
	v56 =	vld [tilespmem:s1+$0x430];
	v55 =	vmul.f32 v58, v14;
	v46 =	vsub.f32 $1.500000000e+00, v46  }
0x149: {  	v2 =	vmul.f32 v41, v41;
	v7 =	vld [tilespmem:s1+$0x450];
	[tilespmem:s3+$0x60] =	vst v3;
	v58 =	vperm.xlane v52, v9  }
0x14a: {  	[tilespmem:s18+$0x470] =	vst v45;
	v59 =	vld [tilespmem:s6+$0x2870];
	v61 =	vadd.f32 v62, v6;
	v30 =	vmul.f32 v30, v46;
	v44 =	vadd.f32 v60, v55  }
0x14b: {  	v37 =	vmul.f32 v39, v39;
	[tilespmem:s1+$0x420] =	vst v5;
	v48 =	vmul.f32 v5, v5;
	v52 =	vadd.f32 v52, v58  }
0x14c: {  	v46 =	vld [tilespmem:s4+$0x2C30];
	v58 =	vperm.xlane v61, v9;
	v62 =	vmul.f32 v30, v54;
	[tilespmem:s5+$0x70] =	vst v44  }
0x14d: {  	v4 =	vmul.f32 v56, v36;
	v56 =	vperm.xlane v52, v13;
	v8 =	vld [tilespmem:$0x1FF80]  }
0x14e: {  	v6 =	vmul.f32 v3, v3;
	v60 =	vld [tilespmem:s5+$0x400];
	v61 =	vadd.f32 v58, v61;
	v63 =	vmul.f32 v62, v30  }
0x14f: {  	s12 =	simm.s32 $0x11A80;
	v55 =	vmul.f32 v7, v36;
	v7 =	vadd.f32 v59, v57;
	v56 =	vadd.f32 v52, v56  }
0x150: {  	v36 =	vmul.f32 v44, v44;
	v45 =	vld [tilespmem:s8+$0x2C00];
	v62 =	vperm.xlane v61, v13;
	[tilespmem:s12+$0x0] =	vst v1;
	v1 =	vsub.f32 $1.500000000e+00, v63  }
0x151: {  	v59 =	vmul.f32 v10, v10;
	v52 =	vadd.f32 v46, v4;
	[tilespmem:s28+$0xFFFFFF80] =	vst v51;
	v56 =	vmul.f32 $3.906250000e-03, v56  }
0x152: {  	[tilespmem:s17+$0x470] =	vst v53;
	v63 =	vadd.f32 v62, v61;
	v1 =	vmul.f32 v1, v30;
	v30 =	vadd.f32 $0.0e+00, v8  }
0x153: {  	v4 =	vmul.f32 v7, v7;
	[tilespmem:s3+$0x70] =	vst v7;
	v46 =	vmul.f32 v60, v14  }
0x154: {  	v11 =	vmovc v18;
	s18 =	simm.s32 $0xF380;
	v57 =	vadd.f32 $0.0e+00, v21;
	[tilespmem:s1+$0x430] =	vst v52;
	v60 =	vmul.f32 $3.906250000e-03, v63;
	v63 =	vmul.f32 v56, v56  }
0x155: {  	s21 =	simm.s32 $0x600;
	v53 =	vmul.f32 v52, v52;
	v62 =	vld [tilespmem:s5+$0x410];
	[tilespmem:s18+$0x0] =	vst v56;
	v58 =	vmul.f32 v8, v8;
	v45 =	vadd.f32 v45, v46  }
0x156: {  	s2 =	smul.u32 $0xA0, s31;
	s17 =	sadd.s32 $0x2, s20;
	s20 =	simm.s32 $0x11B80;
	v61 =	vld [tilespmem:s4+$0x2C40];
	v51 =	vmul.f32 v1, v54;
	v60 =	vsub.f32 v60, v63;
	v54 =	vadd.f32 v43, v30;
	v30 =	vmovc v25  }
.LBB2_3:
0x157: {  	v9 =	vld [tilespmem:$0x1FF10];
	_ =	sdelay $0x4  }
0x158: {  	v43 =	vmovc v31;
	v56 =	vadd.f32 $0.0e+00, v10;
	v15 =	vld [tilespmem:$0x1FF00];
	v10 =	vmovc v31;
	v31 =	vadd.f32 v9, v58;
	v9 =	vmov v32  }
0x159: {  	[tilespmem:$0x1FF00] =	vst v9;
	v9 =	vld [tilespmem:$0x1FF40];
	_ =	sdelay $0x4  }
0x15a: {  	v56 =	vadd.f32 v9, v56;
	v9 =	vld [tilespmem:$0x1FF30]  }
0x15b: {  	v16 =	vmov v0;
	v0 =	vld [tilespmem:$0x1FF70];
	_ =	sdelay $0x1  }
0x15c: {  	v13 =	vmul.f32 v21, v21;
	_ =	sdelay $0x1  }
0x15d: {  	[tilespmem:$0x1FEE0] =	vst v25;
	s0 =	smulhi.u32 $0x51EB851F, s17;
	v13 =	vadd.f32 v9, v13;
	v9 =	vld [tilespmem:$0x1FF50]  }
0x15e: {  	v46 =	vmov v28;
	[tilespmem:s5+$0x400] =	vst v45;
	v51 =	vmul.f32 v51, v1;
	v28 =	vadd.f32 v61, v17  }
0x15f: {  	s22 =	smov.u32 s7;
	s7 =	sadd.s32 $0x2, s7;
	v8 =	vld [tilespmem:s8+$0x2C10];
	[tilespmem:$0x1FF10] =	vst v16;
	s0 =	sshrl.u32 s0, $0x6;
	v63 =	vadd.f32 $0.0e+00, v15;
	v58 =	vadd.f32 $9.999999740e-06, v60;
	v60 =	vmul.f32 v15, v15;
	v15 =	vmovc v29  }
0x160: {  	s10 =	sand.u32 $0x7800, s21;
	v25 =	vld [tilespmem:s5+$0x420];
	s23 =	sand.u32 $0x70, s7;
	s26 =	smul.u32 $0x6400, s0;
	[tilespmem:$0x1FEF0] =	vst v15  }
0x161: {  	s11 =	sadd.s32 $0x200, s11;
	s14 =	sadd.s32 $0x100, s14;
	s24 =	sadd.s32 $0x14200, s10;
	v61 =	vsub.f32 $1.500000000e+00, v51;
	v16 =	vmovc v2;
	v2 =	vmov v3;
	v29 =	vmul.f32 v62, v14;
	v0 =	vld.idx.msk [tilespmem:v0+s23+$0x0 ss:$0x1], $0xffff;
	[tilespmem:s1+$0x440] =	vst v28  }
0x162: {  	s22 =	sadd.s32 $0x3, s22;
	s28 =	sadd.s32 $0xFFFFFF80, s14;
	s26 =	ssub.s32 s30, s26;
	[tilespmem:$0x1FF40] =	vst v2;
	v62 =	vshra.s32 v58, $0x1;
	v51 =	vmul.f32 $5.000000000e-01, v58;
	v58 =	vadd.f32 v9, v59;
	v59 =	vld [tilespmem:s4+$0x2C50];
	v9 =	vmovc v6  }
0x163: {  	v1 =	vmul.f32 v61, v1;
	s23 =	smul.u32 $0xC800, s0;
	s0 =	sand.u32 $0x300, s28;
	s28 =	sand.u32 $0x380, s14;
	[tilespmem:$0x1FF50] =	vst v9;
	v9 =	vld [tilespmem:$0x1FF20]  }
0x164: {  	v19 =	vadd.f32 $0.0e+00, v23;
	s26 =	sadd.s32 s26, s14;
	v2 =	vadd.f32 v8, v29;
	s10 =	sadd.s32 s0, s24;
	s0 =	sadd.s32 s28, s24;
	[tilespmem:$0x1FF30] =	vst v16  }
0x165: {  	v20 =	vadd.f32 $0.0e+00, v24;
	s25 =	sand.u32 $0xE, s7;
	v17 =	vmul.f32 v49, v49;
	v61 =	vsub.s32 $0x5F3759DF, v62;
	s28 =	sadd.s32 $0xFFFFFF80, s26;
	s24 =	ssub.s32 s11, s23;
	v16 =	vld [tilespmem:s0+$0x0];
	[tilespmem:s12+$0xFFFFFF80] =	vst v1  }
0x166: {  	v15 =	vmov s22;
	v3 =	vmul.f32 v61, v51;
	[tilespmem:s5+$0x410] =	vst v2;
	s23 =	sand.u32 $0x300, s28;
	s28 =	sadd.s32 $0x100, s24;
	v1 =	vmov s25;
	v29 =	vld [tilespmem:s10+$0x30]  }
0x167: {  	v63 =	vadd.f32 v11, v63;
	s26 =	sand.u32 $0x380, s26;
	s22 =	sand.u32 $0xF800, s28;
	v1 =	vperm.xlane v0, v1;
	v0 =	vperm.xlane v0, v15;
	v15 =	vld [tilespmem:s8+$0x2C20]  }
0x168: {  	v25 =	vmul.f32 v25, v14;
	s22 =	sor.u32 s26, s22;
	s25 =	sand.u32 $0xF800, s24;
	v55 =	vadd.f32 v59, v55;
	v57 =	vadd.f32 v9, v57;
	v9 =	vmovc v41;
	v41 =	vld [tilespmem:s10+$0x0]  }
0x169: {  	v3 =	vmul.f32 v61, v3;
	s23 =	sor.u32 s23, s25;
	vm1 =	veq.s32 v1, $0x0;
	v59 =	vld [tilespmem:s22+$0x2800];
	[tilespmem:$0x1FF20] =	vst v9;
	v9 =	vimm.f32 $1.000000000e+00  }
0x16a: {  	v49 =	vadd.f32 v49, v57;
	v1 =	vsel vm1, $0x0, v9;
	v57 =	vld [tilespmem:s23+$0x2800];
	vm1 =	veq.s32 v0, $0x0;
	[tilespmem:s1+$0x450] =	vst v55  }
0x16b: {  	v11 =	vmovc v7;
	v13 =	vadd.f32 v17, v13;
	v7 =	vmul.f32 v29, v1;
	v0 =	vsel vm1, $0x0, v9;
	v29 =	vld [tilespmem:s4+$0x2C60]  }
0x16c: {  	v8 =	vld [tilespmem:s5+$0x430];
	v17 =	vadd.f32 v55, v49;
	v49 =	vmul.f32 v55, v55;
	v16 =	vmul.f32 v0, v16  }
0x16d: {  	v9 =	vld [tilespmem:$0x1FF60];
	v55 =	vsub.f32 $1.500000000e+00, v3;
	v3 =	vadd.f32 v15, v25;
	v15 =	vmul.f32 v1, v41  }
0x16e: {  	v54 =	vadd.f32 v38, v54;
	v62 =	vmul.f32 v23, v23;
	v18 =	vld [tilespmem:s10+$0x10];
	v23 =	vadd.f32 v16, v59  }
0x16f: {  	v13 =	vadd.f32 v49, v13;
	v49 =	vld [tilespmem:s0+$0x10];
	v55 =	vmul.f32 v61, v55;
	[tilespmem:s5+$0x420] =	vst v3;
	v25 =	vadd.f32 v15, v57  }
0x170: {  	v34 =	vadd.f32 v34, v19;
	v32 =	vmul.f32 v28, v28;
	v15 =	vld [tilespmem:s8+$0x2C30];
	v50 =	vadd.f32 v29, v50;
	[tilespmem:s0+$0x0] =	vst v23  }
0x171: {  	v54 =	vadd.f32 v28, v54;
	v52 =	vadd.f32 v52, v63;
	v61 =	vld [tilespmem:s10+$0x440];
	v16 =	vmul.f32 v55, v51;
	[tilespmem:s10+$0x0] =	vst v25  }
0x172: {  	v60 =	vadd.f32 v9, v60;
	v9 =	vmov v4;
	v4 =	vadd.f32 v40, v62;
	v62 =	vld [tilespmem:s22+$0x2810];
	[tilespmem:s1+$0x460] =	vst v50  }
0x173: {  	v8 =	vmul.f32 v8, v14;
	v5 =	vadd.f32 v5, v56;
	v16 =	vmul.f32 v16, v55;
	v21 =	vld [tilespmem:s4+$0x2C70]  }
0x174: {  	v6 =	vmul.f32 v2, v2;
	v18 =	vmul.f32 v18, v1;
	v59 =	vadd.f32 $0.0e+00, v27;
	s4 =	smov.u32 s6;
	s6 =	smov.u32 s23  }
0x175: {  	[tilespmem:$0x1FF60] =	vst v9;
	v49 =	vmul.f32 v49, v0;
	v16 =	vsub.f32 $1.500000000e+00, v16;
	v9 =	vld [tilespmem:s6+$0x2810];
	v38 =	vadd.f32 v15, v8  }
0x176: {  	v17 =	vadd.f32 v17, v54;
	v57 =	vadd.f32 $0.0e+00, v22;
	v40 =	vld [tilespmem:s5+$0x440];
	v19 =	vmul.f32 v50, v50  }
0x177: {  	v8 =	vadd.f32 v42, v31;
	v15 =	vld [tilespmem:s0+$0x20];
	v16 =	vmul.f32 v16, v55;
	[tilespmem:s5+$0x430] =	vst v38;
	v49 =	vadd.f32 v62, v49  }
0x178: {  	v53 =	vadd.f32 v53, v60;
	v29 =	vmul.f32 v61, v1;
	v62 =	vld [tilespmem:s8+$0x2C40];
	v21 =	vadd.f32 v21, v47  }
0x179: {  	v61 =	vld [tilespmem:s10+$0x20];
	v31 =	vadd.f32 v48, v58;
	v8 =	vadd.f32 v32, v8;
	v63 =	vmul.f32 v16, v51;
	[tilespmem:s0+$0x10] =	vst v49  }
0x17a: {  	v28 =	vadd.f32 v9, v18;
	v18 =	vld [tilespmem:s22+$0x2820];
	[tilespmem:s1+$0x470] =	vst v21;
	v60 =	vadd.f32 v21, v52;
	v21 =	vmul.f32 v21, v21  }
0x17b: {  	v54 =	vld [tilespmem:$0x1FFE0];
	v5 =	vadd.f32 v50, v5;
	v40 =	vmul.f32 v40, v14;
	v19 =	vadd.f32 v19, v31;
	s1 =	smov.u32 s3;
	s3 =	smov.u32 s10  }
0x17c: {  	v58 =	vld [tilespmem:s5+$0x450];
	v8 =	vadd.f32 v13, v8;
	v9 =	vmul.f32 v63, v16;
	[tilespmem:s3+$0x10] =	vst v28;
	v21 =	vadd.f32 v21, v53  }
0x17d: {  	v15 =	vmul.f32 v15, v0;
	v31 =	vld [tilespmem:s6+$0x2820];
	v40 =	vadd.f32 v62, v40;
	v5 =	vadd.f32 v60, v5  }
0x17e: {  	v41 =	vmul.f32 v3, v3;
	v9 =	vsub.f32 $1.500000000e+00, v9;
	v13 =	vadd.f32 v21, v19  }
0x17f: {  	v42 =	vmul.f32 v61, v1;
	v62 =	vld [tilespmem:s0+$0x30];
	[tilespmem:s5+$0x440] =	vst v40;
	v15 =	vadd.f32 v18, v15;
	v5 =	vadd.f32 v5, v17  }
0x180: {  	v9 =	vmul.f32 v9, v16;
	v16 =	vmul.f32 v22, v22;
	v17 =	vadd.f32 v39, v20;
	v18 =	vld [tilespmem:s8+$0x2C50]  }
0x181: {  	v51 =	vmul.f32 v58, v14;
	v53 =	vld [tilespmem:$0x1FFF0];
	v8 =	vadd.f32 v13, v8;
	v13 =	vadd.f32 v33, v57  }
0x182: {  	v61 =	vld [tilespmem:s5+$0x460];
	[tilespmem:s0+$0x20] =	vst v15;
	v19 =	vperm.xlane v5, v54;
	v16 =	vadd.f32 v35, v16;
	v31 =	vadd.f32 v31, v42  }
0x183: {  	v33 =	vadd.f32 v44, v59;
	v3 =	vadd.f32 v3, v17;
	v21 =	vld [tilespmem:s22+$0x2830];
	v58 =	vperm.xlane v8, v54  }
0x184: {  	v48 =	vmul.f32 v38, v38;
	v63 =	vld [tilespmem:s1+$0x400];
	v2 =	vadd.f32 v2, v13;
	v5 =	vadd.f32 v5, v19;
	[tilespmem:s3+$0x20] =	vst v31  }
0x185: {  	v52 =	vmul.f32 v40, v40;
	v13 =	vld [tilespmem:s6+$0x2830];
	v18 =	vadd.f32 v18, v51;
	v8 =	vadd.f32 v58, v8  }
0x186: {  	v44 =	vld [tilespmem:$0x1FFC0];
	v20 =	vmul.f32 v62, v0;
	[tilespmem:s20+$0x0] =	vst v9;
	v6 =	vadd.f32 v6, v16;
	v16 =	vperm.xlane v5, v53  }
0x187: {  	v59 =	vld [tilespmem:s3+$0x40];
	v19 =	vmul.f32 v61, v14;
	[tilespmem:s5+$0x450] =	vst v18;
	v2 =	vadd.f32 v18, v2;
	v60 =	vperm.xlane v8, v53  }
0x188: {  	v20 =	vadd.f32 v21, v20;
	v5 =	vadd.f32 v5, v16;
	v16 =	vmul.f32 v27, v27;
	v61 =	vld [tilespmem:s8+$0x2C60]  }
0x189: {  	v18 =	vmul.f32 v18, v18;
	v21 =	vmul.f32 v24, v24;
	v24 =	vmovc v15;
	v15 =	vld [tilespmem:s0+$0x40];
	v8 =	vadd.f32 v60, v8  }
0x18a: {  	v9 =	vmul.f32 v63, v12;
	[tilespmem:s0+$0x30] =	vst v20;
	v16 =	vadd.f32 v36, v16;
	v60 =	vld [tilespmem:$0x1FFD0];
	v32 =	vadd.f32 v13, v7  }
0x18b: {  	v6 =	vadd.f32 v18, v6;
	v7 =	vadd.f32 v37, v21;
	v13 =	vperm.xlane v5, v44;
	v18 =	vld [tilespmem:s22+$0x2840]  }
0x18c: {  	v63 =	vld [tilespmem:s5+$0x470];
	v21 =	vadd.f32 v45, v34;
	v45 =	vmul.f32 v45, v45;
	v16 =	vadd.f32 v48, v16;
	[tilespmem:s3+$0x30] =	vst v32  }
0x18d: {  	v62 =	vperm.xlane v8, v44;
	v5 =	vadd.f32 v5, v13;
	v13 =	vld [tilespmem:s6+$0x2840];
	v19 =	vadd.f32 v61, v19  }
0x18e: {  	v7 =	vadd.f32 v41, v7;
	v15 =	vmul.f32 v15, v0;
	v4 =	vadd.f32 v45, v4;
	v47 =	vld [tilespmem:s4+$0x2C00]  }
0x18f: {  	v21 =	vadd.f32 v40, v21;
	v8 =	vadd.f32 v62, v8;
	v61 =	vld [tilespmem:s0+$0x50];
	v17 =	vperm.xlane v5, v60;
	[tilespmem:s5+$0x460] =	vst v19  }
0x190: {  	v27 =	vmovc v20;
	v20 =	vmul.f32 v59, v1;
	v4 =	vadd.f32 v52, v4;
	v34 =	vadd.f32 v18, v15;
	v15 =	vld [tilespmem:s8+$0x2C70]  }
0x191: {  	v2 =	vadd.f32 v2, v21;
	v5 =	vadd.f32 v5, v17;
	v17 =	vperm.xlane v8, v60  }
0x192: {  	v62 =	vmul.f32 v19, v19;
	v18 =	vld [tilespmem:s3+$0x50];
	v3 =	vadd.f32 v19, v3;
	s8 =	smov.u32 s22;
	[tilespmem:s0+$0x40] =	vst v34;
	v56 =	vadd.f32 v13, v20  }
0x193: {  	v19 =	vmul.f32 v63, v14;
	v14 =	vmovc v0;
	v0 =	vmul.f32 $3.906250000e-03, v5;
	v5 =	vadd.f32 v17, v8;
	v8 =	vld [tilespmem:s8+$0x2850]  }
0x194: {  	v59 =	vmul.f32 v43, v10;
	v13 =	vadd.f32 v38, v33;
	v38 =	vadd.f32 v47, v9;
	v9 =	vld [tilespmem:s1+$0x410];
	[tilespmem:s3+$0x40] =	vst v56  }
0x195: {  	v40 =	vmul.f32 v34, v34;
	v21 =	vmul.f32 v61, v14;
	v20 =	vld [tilespmem:s6+$0x2850];
	v15 =	vadd.f32 v15, v19;
	[tilespmem:s18+$0xFFFFFF80] =	vst v0  }
0x196: {  	v4 =	vadd.f32 v6, v4;
	v17 =	vmul.f32 v0, v0;
	v5 =	vmul.f32 $3.906250000e-03, v5;
	v19 =	vld [tilespmem:s3+$0x60];
	[tilespmem:s1+$0x400] =	vst v38  }
0x197: {  	v7 =	vadd.f32 v62, v7;
	v6 =	vld [tilespmem:s4+$0x2C10];
	[tilespmem:s5+$0x470] =	vst v15;
	v13 =	vadd.f32 v15, v13;
	v15 =	vmul.f32 v15, v15  }
0x198: {  	v18 =	vmul.f32 v18, v1;
	v5 =	vsub.f32 v5, v17;
	s5 =	smov.u32 s0;
	v33 =	vadd.f32 v8, v21;
	v8 =	vld [tilespmem:s1+$0x460]  }
0x199: {  	v42 =	vmul.f32 v38, v38;
	v17 =	vld [tilespmem:s5+$0x60];
	v15 =	vadd.f32 v15, v16;
	v3 =	vadd.f32 v13, v3  }
0x19a: {  	v9 =	vmul.f32 v9, v12;
	v5 =	vadd.f32 $9.999999740e-06, v5;
	[tilespmem:s5+$0x50] =	vst v33;
	v13 =	vld [tilespmem:s1+$0x470];
	v41 =	vadd.f32 v20, v18  }
0x19b: {  	v0 =	vmul.f32 v56, v56;
	v16 =	vld [tilespmem:s8+$0x2860];
	v3 =	vadd.f32 v3, v2;
	v2 =	vadd.f32 v15, v7  }
0x19c: {  	v22 =	vmovc v49;
	v35 =	vmul.f32 v33, v33;
	v20 =	vmul.f32 $5.000000000e-01, v5;
	v49 =	vadd.f32 v6, v9  }
0x19d: {  	v7 =	vmul.f32 v19, v1;
	[tilespmem:s3+$0x50] =	vst v41;
	v6 =	vld [tilespmem:s1+$0x420];
	v4 =	vadd.f32 v2, v4;
	v18 =	vperm.xlane v3, v54  }
0x19e: {  	v9 =	vshra.s32 v5, $0x1;
	v50 =	vmul.f32 v8, v12;
	v15 =	vld [tilespmem:s6+$0x2860];
	v17 =	vmul.f32 v17, v14;
	[tilespmem:s1+$0x410] =	vst v49  }
0x19f: {  	v9 =	vsub.s32 $0x5F3759DF, v9;
	v5 =	vld [tilespmem:s4+$0x2C20];
	v18 =	vadd.f32 v3, v18;
	v3 =	vperm.xlane v4, v54  }
0x1a0: {  	v19 =	vld [tilespmem:s3+$0x70];
	v47 =	vmul.f32 v13, v12;
	v13 =	vmul.f32 v9, v20;
	v39 =	vadd.f32 v16, v17  }
0x1a1: {  	v2 =	vmul.f32 v41, v41;
	v16 =	vld [tilespmem:s5+$0x70];
	v17 =	vperm.xlane v18, v53;
	v4 =	vadd.f32 v3, v4  }
0x1a2: {  	v13 =	vmul.f32 v9, v13;
	v6 =	vmul.f32 v6, v12;
	[tilespmem:s5+$0x60] =	vst v39  }
0x1a3: {  	v3 =	vadd.f32 v15, v7;
	v15 =	vld [tilespmem:s8+$0x2870];
	v8 =	vadd.f32 v18, v17;
	v17 =	vperm.xlane v4, v53  }
0x1a4: {  	v37 =	vmul.f32 v39, v39;
	v7 =	vld [tilespmem:s1+$0x450];
	v5 =	vadd.f32 v5, v6;
	v6 =	vsub.f32 $1.500000000e+00, v13  }
0x1a5: {  	v18 =	vmul.f32 v19, v1;
	v19 =	vld [tilespmem:s1+$0x430];
	[tilespmem:s3+$0x60] =	vst v3;
	v21 =	vperm.xlane v8, v44;
	v4 =	vadd.f32 v17, v4  }
0x1a6: {  	v16 =	vmul.f32 v16, v14;
	v13 =	vld [tilespmem:s6+$0x2870];
	[tilespmem:s1+$0x420] =	vst v5;
	v9 =	vmul.f32 v9, v6  }
0x1a7: {  	v48 =	vmul.f32 v5, v5;
	v17 =	vld [tilespmem:s4+$0x2C30];
	v8 =	vadd.f32 v8, v21;
	v21 =	vperm.xlane v4, v44  }
0x1a8: {  	v6 =	vmul.f32 v3, v3;
	v44 =	vadd.f32 v15, v16;
	v15 =	vld [tilespmem:s5+$0x400];
	v16 =	vmul.f32 v9, v20  }
0x1a9: {  	v55 =	vmul.f32 v7, v12;
	v63 =	vperm.xlane v8, v60;
	v21 =	vadd.f32 v21, v4;
	v4 =	vld [tilespmem:$0x1FEE0]  }
0x1aa: {  	v19 =	vmul.f32 v19, v12;
	v12 =	vmov v1;
	[tilespmem:s5+$0x70] =	vst v44;
	v1 =	vmul.f32 v16, v9  }
0x1ab: {  	v7 =	vadd.f32 v13, v18;
	v13 =	vld [tilespmem:s8+$0x2C00];
	v8 =	vadd.f32 v8, v63;
	v16 =	vperm.xlane v21, v60  }
0x1ac: {  	p0 =	slt.u32 s7, $0x4E;
	v36 =	vmul.f32 v44, v44;
	v52 =	vadd.f32 v17, v19;
	v1 =	vsub.f32 $1.500000000e+00, v1  }
.Ltmp0:
0x1ad: {  	[tilespmem:s3+$0x70] =	vst v7;
	v15 =	vmul.f32 v15, v14;
	v8 =	vmul.f32 $3.906250000e-03, v8;
	v16 =	vadd.f32 v16, v21;
	(pc) =	sbr.rel @p0 .LBB2_3-.Ltmp0, $4  }
0x1ae: {  	v57 =	vadd.f32 $0.0e+00, v46;
	s18 =	sadd.s32 $0x100, s18;
	v58 =	vmul.f32 v4, v30;
	[tilespmem:s1+$0x430] =	vst v52;
	v1 =	vmul.f32 v1, v9  }
0x1af: {  	v21 =	vmovc v46;
	v9 =	vadd.f32 $0.0e+00, v30;
	v61 =	vld [tilespmem:s4+$0x2C40];
	v16 =	vmul.f32 $3.906250000e-03, v16;
	v17 =	vmul.f32 v8, v8;
	[tilespmem:s18+$0x0] =	vst v8  }
0x1b0: {  	s17 =	sadd.s32 $0x2, s17;
	v4 =	vmul.f32 v7, v7;
	v53 =	vmul.f32 v52, v52;
	v30 =	vmovc v25;
	v45 =	vadd.f32 v13, v15;
	v62 =	vld [tilespmem:s5+$0x410]  }
0x1b1: {  	s21 =	sadd.s32 $0x200, s21;
	s12 =	smov.u32 s20;
	s20 =	sadd.s32 $0x100, s20;
	v51 =	vmul.f32 v1, v20;
	v54 =	vadd.f32 v26, v9;
	v26 =	vmovc v56;
	v60 =	vsub.f32 v16, v17;
	v17 =	vld [tilespmem:$0x1FEF0]  }
0x1b2: {  	[tilespmem:s5+$0x400] =	vst v45  }
0x1b3: {  	v8 =	vld [tilespmem:s8+$0x2C10];
	_ =	sdelay $0x2  }
0x1b4: {  	v9 =	vmul.f32 v62, v14;
	_ =	sdelay $0x1  }
0x1b5: {  	v8 =	vadd.f32 v8, v9  }
0x1b6: {  	v13 =	vld [tilespmem:s5+$0x420]  }
0x1b7: {  	[tilespmem:s5+$0x410] =	vst v8  }
0x1b8: {  	v15 =	vld [tilespmem:s8+$0x2C20];
	_ =	sdelay $0x2  }
0x1b9: {  	v16 =	vld [tilespmem:s3+$0x400];
	v18 =	vadd.f32 v61, v17;
	v13 =	vmul.f32 v13, v14  }
0x1ba: {  	v9 =	vld [tilespmem:s5+$0x430]  }
0x1bb: {  	[tilespmem:s1+$0x440] =	vst v18;
	v15 =	vadd.f32 v15, v13;
	v13 =	vld [tilespmem:s6+$0x2C00]  }
0x1bc: {  	v19 =	vld [tilespmem:s4+$0x2C50]  }
0x1bd: {  	[tilespmem:s5+$0x420] =	vst v15  }
0x1be: {  	v16 =	vmul.f32 v16, v12;
	v20 =	vld [tilespmem:s8+$0x2C30];
	_ =	sdelay $0x1  }
0x1bf: {  	v17 =	vadd.f32 v13, v16  }
0x1c0: {  	v9 =	vmul.f32 v9, v14;
	v16 =	vadd.f32 v19, v55  }
0x1c1: {  	[tilespmem:s3+$0x400] =	vst v17  }
0x1c2: {  	v19 =	vadd.f32 v20, v9;
	v20 =	vmul.f32 v21, v21;
	v21 =	vld [tilespmem:$0x1FF10];
	[tilespmem:s1+$0x450] =	vst v16  }
0x1c3: {  	v46 =	vld [tilespmem:$0x1FF40];
	_ =	sdelay $0x2  }
0x1c4: {  	v10 =	vadd.f32 $0.0e+00, v10;
	v13 =	vld [tilespmem:s3+$0x410]  }
0x1c5: {  	v9 =	vld [tilespmem:s6+$0x2C10]  }
0x1c6: {  	v46 =	vadd.f32 v46, v10;
	v10 =	vld [tilespmem:$0x1FF20];
	[tilespmem:s5+$0x430] =	vst v19  }
0x1c7: {  	v63 =	vld [tilespmem:$0x1FF30]  }
0x1c8: {  	v61 =	vld [tilespmem:$0x1FF50]  }
0x1c9: {  	v55 =	vld [tilespmem:s4+$0x2C60];
	v13 =	vmul.f32 v13, v12;
	_ =	sdelay $0x1  }
0x1ca: {  	v13 =	vadd.f32 v9, v13  }
0x1cb: {  	v43 =	vld [tilespmem:s5+$0x440];
	v21 =	vadd.f32 v21, v58  }
0x1cc: {  	v62 =	vld [tilespmem:$0x1FF00];
	[tilespmem:s3+$0x410] =	vst v13;
	v20 =	vadd.f32 v63, v20;
	v58 =	vadd.f32 v61, v59;
	v59 =	vmul.f32 v49, v49  }
0x1cd: {  	v50 =	vadd.f32 v55, v50;
	v55 =	vld [tilespmem:s6+$0x2C20]  }
0x1ce: {  	v20 =	vadd.f32 v59, v20;
	v59 =	vld [tilespmem:s3+$0x420]  }
0x1cf: {  	v10 =	vadd.f32 v10, v57;
	v57 =	vld [tilespmem:s8+$0x2C40]  }
0x1d0: {  	v9 =	vadd.f32 $9.999999740e-06, v60;
	v60 =	vld [tilespmem:$0x1FF60]  }
0x1d1: {  	v56 =	vadd.f32 $0.0e+00, v62  }
0x1d2: {  	v38 =	vadd.f32 v38, v54;
	v43 =	vmul.f32 v43, v14;
	[tilespmem:s1+$0x460] =	vst v50  }
0x1d3: {  	v56 =	vadd.f32 v11, v56;
	v11 =	vmul.f32 v62, v62;
	v62 =	vld [tilespmem:s4+$0x2C70];
	v59 =	vmul.f32 v59, v12  }
0x1d4: {  	v21 =	vadd.f32 v42, v21;
	v43 =	vadd.f32 v57, v43  }
0x1d5: {  	v25 =	vmul.f32 v25, v30;
	v11 =	vadd.f32 v60, v11;
	v60 =	vld [tilespmem:s5+$0x450];
	v55 =	vadd.f32 v55, v59  }
0x1d6: {  	v63 =	vadd.f32 v5, v46;
	v5 =	vmul.f32 v18, v18;
	v52 =	vadd.f32 v52, v56;
	v56 =	vld [tilespmem:s3+$0x430];
	[tilespmem:s5+$0x440] =	vst v43  }
0x1d7: {  	v0 =	vadd.f32 v0, v25;
	v49 =	vadd.f32 v49, v10;
	v46 =	vld [tilespmem:s8+$0x2C50];
	[tilespmem:s3+$0x420] =	vst v55  }
0x1d8: {  	v21 =	vadd.f32 v5, v21;
	v5 =	vadd.f32 v62, v47;
	v47 =	vld [tilespmem:s6+$0x2C30]  }
0x1d9: {  	v54 =	vmul.f32 v50, v50;
	v18 =	vadd.f32 v18, v38;
	v48 =	vadd.f32 v48, v58  }
0x1da: {  	v42 =	vadd.f32 v50, v63;
	v49 =	vadd.f32 v16, v49;
	v60 =	vmul.f32 v60, v14  }
0x1db: {  	v16 =	vmul.f32 v16, v16;
	v57 =	vadd.f32 $0.0e+00, v24;
	v56 =	vmul.f32 v56, v12  }
0x1dc: {  	v48 =	vadd.f32 v54, v48;
	v38 =	vadd.f32 v46, v60  }
0x1dd: {  	v16 =	vadd.f32 v16, v20;
	v20 =	vmul.f32 v23, v23;
	v46 =	vadd.f32 v47, v56  }
0x1de: {  	v23 =	vadd.f32 $0.0e+00, v23;
	v11 =	vadd.f32 v53, v11;
	[tilespmem:s5+$0x450] =	vst v38  }
0x1df: {  	v20 =	vadd.f32 v40, v20;
	v40 =	vld [tilespmem:s5+$0x460];
	v62 =	vadd.f32 v5, v52;
	v63 =	vmul.f32 v5, v5;
	[tilespmem:s3+$0x430] =	vst v46  }
0x1e0: {  	v18 =	vadd.f32 v49, v18;
	v53 =	vadd.f32 $0.0e+00, v27;
	v60 =	vld [tilespmem:$0x1FFE0]  }
0x1e1: {  	v11 =	vadd.f32 v63, v11;
	v42 =	vadd.f32 v62, v42  }
0x1e2: {  	v16 =	vadd.f32 v16, v21;
	v59 =	vadd.f32 $0.0e+00, v22;
	v21 =	vld [tilespmem:s8+$0x2C60]  }
0x1e3: {  	v11 =	vadd.f32 v11, v48;
	v18 =	vadd.f32 v42, v18  }
0x1e4: {  	v57 =	vadd.f32 v39, v57;
	v27 =	vmul.f32 v27, v27;
	v33 =	vadd.f32 v33, v59;
	v59 =	vld [tilespmem:s6+$0x2C40]  }
0x1e5: {  	v40 =	vmul.f32 v40, v14;
	v11 =	vadd.f32 v11, v16;
	v16 =	vperm.xlane v18, v60  }
0x1e6: {  	v24 =	vmul.f32 v24, v24;
	v23 =	vadd.f32 v34, v23;
	v27 =	vadd.f32 v36, v27  }
0x1e7: {  	v22 =	vmul.f32 v22, v22;
	v16 =	vadd.f32 v18, v16;
	v18 =	vadd.f32 v21, v40  }
0x1e8: {  	v23 =	vadd.f32 v45, v23;
	v62 =	vmul.f32 v8, v8;
	v63 =	vld [tilespmem:s5+$0x470];
	v8 =	vadd.f32 v8, v33  }
0x1e9: {  	v58 =	vld [tilespmem:s3+$0x450];
	v22 =	vadd.f32 v35, v22;
	v48 =	vmul.f32 v19, v19;
	v29 =	vadd.f32 v59, v29;
	[tilespmem:s5+$0x460] =	vst v18  }
0x1ea: {  	v42 =	vmul.f32 v38, v38;
	v38 =	vadd.f32 v38, v8;
	v8 =	vadd.f32 v37, v24;
	v24 =	vld [tilespmem:s8+$0x2C70]  }
0x1eb: {  	v23 =	vadd.f32 v43, v23;
	v21 =	vadd.f32 v44, v53;
	v44 =	vmul.f32 v15, v15;
	[tilespmem:s3+$0x440] =	vst v29  }
0x1ec: {  	v22 =	vadd.f32 v62, v22;
	v27 =	vadd.f32 v48, v27;
	v50 =	vld [tilespmem:s6+$0x2C50]  }
0x1ed: {  	v14 =	vmul.f32 v63, v14;
	v49 =	vadd.f32 v44, v8;
	v8 =	vmul.f32 v45, v45  }
0x1ee: {  	v52 =	vmul.f32 v43, v43;
	v22 =	vadd.f32 v42, v22;
	v15 =	vadd.f32 v15, v57  }
0x1ef: {  	v20 =	vadd.f32 v8, v20;
	v8 =	vadd.f32 v24, v14;
	v14 =	vmul.f32 v58, v12  }
0x1f0: {  	v19 =	vadd.f32 v19, v21;
	v15 =	vadd.f32 v18, v15  }
0x1f1: {  	v20 =	vadd.f32 v52, v20;
	v14 =	vadd.f32 v50, v14  }
0x1f2: {  	v61 =	vld [tilespmem:s3+$0x460];
	v18 =	vmul.f32 v18, v18;
	v24 =	vmul.f32 v28, v28;
	v19 =	vadd.f32 v8, v19  }
0x1f3: {  	v21 =	vadd.f32 v38, v23;
	v20 =	vadd.f32 v22, v20;
	v23 =	vmul.f32 v8, v8;
	[tilespmem:s3+$0x450] =	vst v14  }
0x1f4: {  	v2 =	vadd.f32 v2, v24;
	v24 =	vmul.f32 v13, v13;
	v15 =	vadd.f32 v19, v15;
	v22 =	vld [tilespmem:s6+$0x2C60]  }
0x1f5: {  	v10 =	vld [tilespmem:s3+$0x470];
	v18 =	vadd.f32 v18, v49;
	v19 =	vadd.f32 v23, v27  }
0x1f6: {  	v2 =	vadd.f32 v24, v2;
	v15 =	vadd.f32 v15, v21  }
0x1f7: {  	v27 =	vmul.f32 v61, v12;
	v21 =	vadd.f32 $0.0e+00, v30;
	v18 =	vadd.f32 v19, v18  }
0x1f8: {  	v19 =	vadd.f32 $0.0e+00, v28;
	v28 =	vadd.f32 $0.0e+00, v32  }
0x1f9: {  	v24 =	vmul.f32 v32, v32;
	v21 =	vadd.f32 v26, v21;
	v22 =	vadd.f32 v22, v27  }
0x1fa: {  	v10 =	vmul.f32 v10, v12;
	v26 =	vadd.f32 $0.0e+00, v31;
	v19 =	vadd.f32 v41, v19  }
0x1fb: {  	v4 =	vadd.f32 v4, v24;
	v7 =	vadd.f32 v7, v28;
	v27 =	vmul.f32 v31, v31;
	[tilespmem:s3+$0x460] =	vst v22  }
0x1fc: {  	v3 =	vadd.f32 v3, v26;
	v13 =	vadd.f32 v13, v19;
	v19 =	vmul.f32 v14, v14;
	v25 =	vld [tilespmem:s6+$0x2C70]  }
0x1fd: {  	v23 =	vmul.f32 v17, v17;
	v7 =	vadd.f32 v46, v7;
	v6 =	vadd.f32 v6, v27  }
0x1fe: {  	v12 =	vadd.f32 v14, v13;
	v2 =	vadd.f32 v19, v2;
	v13 =	vmul.f32 v55, v55  }
0x1ff: {  	v14 =	vadd.f32 v17, v21;
	v17 =	vmul.f32 v46, v46;
	v19 =	vadd.f32 v23, v0  }
0x200: {  	v3 =	vadd.f32 v55, v3;
	v21 =	vmul.f32 v29, v29;
	v6 =	vadd.f32 v13, v6  }
0x201: {  	v4 =	vadd.f32 v17, v4;
	v0 =	vadd.f32 v25, v10  }
0x202: {  	v13 =	vadd.f32 v21, v19;
	v14 =	vadd.f32 v29, v14  }
0x203: {  	v3 =	vadd.f32 v22, v3;
	v10 =	vmul.f32 v22, v22;
	v17 =	vmul.f32 v0, v0  }
0x204: {  	v2 =	vadd.f32 v2, v13;
	v7 =	vadd.f32 v0, v7  }
0x205: {  	v6 =	vadd.f32 v10, v6;
	v4 =	vadd.f32 v17, v4;
	v17 =	vld [tilespmem:$0x1FFF0]  }
0x206: {  	v10 =	vadd.f32 v12, v14;
	v3 =	vadd.f32 v7, v3  }
0x207: {  	v13 =	vperm.xlane v15, v60;
	v12 =	vadd.f32 v18, v20;
	v7 =	vperm.xlane v11, v60  }
0x208: {  	v4 =	vadd.f32 v4, v6;
	v3 =	vadd.f32 v3, v10  }
0x209: {  	v6 =	vadd.f32 v7, v11;
	v11 =	vadd.f32 v15, v13;
	v15 =	vld [tilespmem:$0x1FFC0]  }
0x20a: {  	v19 =	vshra.s32 v9, $0x1;
	v10 =	vperm.xlane v12, v60;
	v7 =	vperm.xlane v16, v17  }
0x20b: {  	v9 =	vmul.f32 $5.000000000e-01, v9;
	v2 =	vadd.f32 v4, v2;
	v4 =	vperm.xlane v3, v60  }
0x20c: {  	v10 =	vadd.f32 v10, v12;
	v13 =	vperm.xlane v6, v17;
	v7 =	vadd.f32 v16, v7  }
0x20d: {  	v12 =	vperm.xlane v11, v17;
	v14 =	vperm.xlane v2, v60;
	v3 =	vadd.f32 v3, v4;
	v16 =	vld [tilespmem:$0x1FFD0]  }
0x20e: {  	v4 =	vadd.f32 v13, v6;
	v13 =	vperm.xlane v10, v17;
	v6 =	vperm.xlane v7, v15  }
0x20f: {  	v11 =	vadd.f32 v11, v12;
	v2 =	vadd.f32 v14, v2;
	v12 =	vperm.xlane v3, v17  }
0x210: {  	v14 =	vperm.xlane v4, v15;
	v6 =	vadd.f32 v7, v6;
	v7 =	vadd.f32 v13, v10  }
0x211: {  	v3 =	vadd.f32 v3, v12;
	v10 =	vperm.xlane v11, v15;
	v13 =	vperm.xlane v2, v17  }
0x212: {  	v4 =	vadd.f32 v14, v4;
	v12 =	vperm.xlane v6, v16;
	v14 =	vperm.xlane v7, v15  }
0x213: {  	v10 =	vadd.f32 v11, v10;
	v2 =	vadd.f32 v13, v2;
	v11 =	vperm.xlane v3, v15  }
0x214: {  	v6 =	vadd.f32 v6, v12;
	v12 =	vperm.xlane v4, v16;
	v7 =	vadd.f32 v14, v7  }
0x215: {  	v13 =	vperm.xlane v10, v16;
	v14 =	vperm.xlane v2, v15;
	v3 =	vadd.f32 v3, v11  }
0x216: {  	v6 =	vmul.f32 $3.906250000e-03, v6;
	v4 =	vadd.f32 v12, v4;
	v11 =	vperm.xlane v7, v16  }
0x217: {  	v10 =	vadd.f32 v10, v13;
	v2 =	vadd.f32 v14, v2;
	v12 =	vperm.xlane v3, v16  }
0x218: {  	v13 =	vmul.f32 v6, v6;
	v4 =	vmul.f32 $3.906250000e-03, v4;
	v7 =	vadd.f32 v11, v7  }
0x219: {  	v10 =	vmul.f32 $3.906250000e-03, v10;
	v3 =	vadd.f32 v3, v12;
	v11 =	vperm.xlane v2, v16  }
0x21a: {  	v12 =	vsub.s32 $0x5F3759DF, v19;
	v4 =	vsub.f32 v4, v13;
	v7 =	vmul.f32 $3.906250000e-03, v7  }
0x21b: {  	v13 =	vmul.f32 v10, v10;
	v3 =	vmul.f32 $3.906250000e-03, v3;
	v2 =	vadd.f32 v11, v2  }
0x21c: {  	v11 =	vmul.f32 v12, v9;
	v4 =	vadd.f32 $9.999999740e-06, v4  }
0x21d: {  	v7 =	vsub.f32 v7, v13;
	v13 =	vmul.f32 v3, v3;
	v2 =	vmul.f32 $3.906250000e-03, v2  }
0x21e: {  	v11 =	vmul.f32 v12, v11;
	v14 =	vshra.s32 v4, $0x1;
	v4 =	vmul.f32 $5.000000000e-01, v4  }
0x21f: {  	v7 =	vadd.f32 $9.999999740e-06, v7;
	v2 =	vsub.f32 v2, v13;
	v14 =	vsub.s32 $0x5F3759DF, v14  }
0x220: {  	v11 =	vsub.f32 $1.500000000e+00, v11;
	v13 =	vmul.f32 v14, v4  }
0x221: {  	v15 =	vshra.s32 v7, $0x1;
	v7 =	vmul.f32 $5.000000000e-01, v7;
	v2 =	vadd.f32 $9.999999740e-06, v2  }
0x222: {  	v11 =	vmul.f32 v12, v11;
	v12 =	vmul.f32 v14, v13;
	v13 =	vsub.s32 $0x5F3759DF, v15  }
0x223: {  	v16 =	vshra.s32 v2, $0x1;
	v2 =	vmul.f32 $5.000000000e-01, v2;
	v15 =	vmul.f32 v13, v7  }
0x224: {  	v17 =	vmul.f32 v11, v9;
	v16 =	vsub.s32 $0x5F3759DF, v16;
	v12 =	vsub.f32 $1.500000000e+00, v12  }
0x225: {  	v18 =	vmul.f32 v16, v2;
	v15 =	vmul.f32 v13, v15  }
0x226: {  	v17 =	vmul.f32 v17, v11;
	v12 =	vmul.f32 v14, v12  }
0x227: {  	v14 =	vsub.f32 $1.500000000e+00, v15;
	v15 =	vmul.f32 v16, v18  }
0x228: {  	v17 =	vsub.f32 $1.500000000e+00, v17;
	v18 =	vmul.f32 v12, v4  }
0x229: {  	v13 =	vmul.f32 v13, v14;
	v14 =	vsub.f32 $1.500000000e+00, v15  }
0x22a: {  	v11 =	vmul.f32 v17, v11;
	v15 =	vmul.f32 v18, v12  }
0x22b: {  	v17 =	vmul.f32 v13, v7;
	v14 =	vmul.f32 v16, v14  }
0x22c: {  	v16 =	vmul.f32 v51, v1;
	v15 =	vsub.f32 $1.500000000e+00, v15  }
0x22d: {  	v17 =	vmul.f32 v17, v13;
	v18 =	vmul.f32 v14, v2  }
0x22e: {  	v12 =	vmul.f32 v15, v12  }
0x22f: {  	v15 =	vsub.f32 $1.500000000e+00, v16;
	v16 =	vsub.f32 $1.500000000e+00, v17;
	v17 =	vmul.f32 v18, v14;
	_ =	sdelay $0x1  }
0x230: {  	v1 =	vmul.f32 v15, v1;
	v13 =	vmul.f32 v16, v13;
	v15 =	vsub.f32 $1.500000000e+00, v17  }
0x231: {  	v9 =	vmul.f32 v11, v9;
	v4 =	vmul.f32 v12, v4  }
0x232: {  	[tilespmem:s12+$0xFFFFFF80] =	vst v1;
	v1 =	vmul.f32 v13, v7;
	v7 =	vmul.f32 v15, v14  }
0x233: {  	[tilespmem:s1+$0x470] =	vst v5;
	v9 =	vmul.f32 v9, v11  }
0x234: {  	[tilespmem:s5+$0x470] =	vst v8;
	v4 =	vmul.f32 v4, v12;
	v2 =	vmul.f32 v7, v2  }
0x235: {  	[tilespmem:s3+$0x470] =	vst v0;
	v9 =	vsub.f32 $1.500000000e+00, v9;
	v1 =	vmul.f32 v1, v13  }
0x236: {  	s0 =	sadd.s32 $0x100, s18;
	[tilespmem:s18+$0xFFFFFF80] =	vst v6;
	v4 =	vsub.f32 $1.500000000e+00, v4;
	v2 =	vmul.f32 v2, v7  }
0x237: {  	[tilespmem:s0+$0x0] =	vst v10;
	v9 =	vmul.f32 v9, v11;
	v1 =	vsub.f32 $1.500000000e+00, v1  }
0x238: {  	[tilespmem:s0+$0xFFFFFF80] =	vst v3;
	v4 =	vmul.f32 v4, v12;
	v2 =	vsub.f32 $1.500000000e+00, v2  }
0x239: {  	[tilespmem:s20+$0x0] =	vst v9;
	v1 =	vmul.f32 v1, v13  }
0x23a: {  	s6 =	sadd.s32 $0x100, s20;
	[tilespmem:s20+$0xFFFFFF80] =	vst v4;
	v0 =	vmul.f32 v2, v7  }
0x23b: {  	[tilespmem:s6+$0x0] =	vst v1  }
0x23c: {  	p0 =	seq.s32 s31, $0x0;
	[tilespmem:s6+$0xFFFFFF80] =	vst v0  }
0x23d: {  	s0 =	simm.s32 @!p0 $0x4;
	[dreg:$0xf] =	wrdreg s31  }
0x23e: {  	s7 =	sshllo.u32 s31, $0x1;
	_ =	swait.ge @!p0 [sflag:s0], $0x5000  }
0x23f: {  	s1 =	sshll.u32 s7, $0x7;
	[sflag:s0] =	ssyncset.done @!p0 $0x0  }
0x240: {  	s1 =	sand.u32 $0x3FFFFF80, s1;
	[sflag:s0] =	ssyncadd.s32 @!p0 $0xFFFFB000  }
0x241: {  	v0 =	vld [tilespmem:s1+$0x0];
	_ =	sdelay $0x2  }
0x242: {  	v2 =	vld [tilespmem:$0x1FF90]  }
0x243: {  	v3 =	vld [tilespmem:$0x1FFA0]  }
0x244: {  	v4 =	vld [tilespmem:$0x1FFB0];
	v1 =	vshll.u32 v0, $0x1  }
0x245: {  	v0 =	vand.u32 $0x7, v0;
	v1 =	vand.u32 $0xFFFFFFF0, v1  }
0x246: {  	v0 =	vor.u32 v0, v1  }
0x247: {  	v1 =	vperm.xlane v0, v2;
	_ =	sdelay $0x1  }
0x248: {  	v0 =	vperm.xlane v0, v4;
	v1 =	vadd.s32 v3, v1;
	_ =	sdelay $0x1  }
0x249: {  	v0 =	vadd.s32 v3, v0;
	_ =	sdelay $0x1  }
0x24a: {  	s8 =	simm.s32 $0x0;
	s10 =	rddreg [dreg:$0x1]  }
0x24b: {  	[tilespmem:s15], [sflag:$0x2] =	stream.indirect_vreg.gather [hbm4b:s10+s8], $0x80, v1, vm0, $0xb8;
	[tilespmem:$0x1E200] =	vst v63  }
0x24c: {  	s11 =	simm.s32 $0x19A00  }
0x24d: {  	[tilespmem:s11], [sflag:$0x2] =	stream.indirect_vreg.gather [hbm4b:s10+s8], $0x80, v0, vm0, $0xb8;
	[tilespmem:$0x1E200] =	vst v63  }
0x24e: {  	v0 =	vld [tilespmem:s1+$0x10];
	_ =	sdelay $0x4  }
0x24f: {  	v1 =	vshll.u32 v0, $0x1  }
0x250: {  	v0 =	vand.u32 $0x7, v0;
	v1 =	vand.u32 $0xFFFFFFF0, v1  }
0x251: {  	v0 =	vor.u32 v0, v1  }
0x252: {  	v1 =	vperm.xlane v0, v2;
	_ =	sdelay $0x1  }
0x253: {  	v0 =	vperm.xlane v0, v4;
	v1 =	vadd.s32 v3, v1;
	_ =	sdelay $0x1  }
0x254: {  	v0 =	vadd.s32 v3, v0;
	_ =	sdelay $0x1  }
0x255: {  	s12 =	simm.s32 $0x1A200  }
0x256: {  	[tilespmem:s12], [sflag:$0x2] =	stream.indirect_vreg.gather [hbm4b:s10+s8], $0x80, v1, vm0, $0xb8;
	[tilespmem:$0x1E200] =	vst v63  }
0x257: {  	s14 =	simm.s32 $0x1AA00  }
0x258: {  	[tilespmem:s14], [sflag:$0x2] =	stream.indirect_vreg.gather [hbm4b:s10+s8], $0x80, v0, vm0, $0xb8;
	[tilespmem:$0x1E200] =	vst v63  }
0x259: {  	v0 =	vld [tilespmem:s1+$0x20];
	_ =	sdelay $0x4  }
0x25a: {  	v1 =	vshll.u32 v0, $0x1  }
0x25b: {  	v0 =	vand.u32 $0x7, v0;
	v1 =	vand.u32 $0xFFFFFFF0, v1  }
0x25c: {  	v0 =	vor.u32 v0, v1  }
0x25d: {  	v1 =	vperm.xlane v0, v2;
	_ =	sdelay $0x1  }
0x25e: {  	v0 =	vperm.xlane v0, v4;
	v1 =	vadd.s32 v3, v1;
	_ =	sdelay $0x1  }
0x25f: {  	v0 =	vadd.s32 v3, v0;
	_ =	sdelay $0x1  }
0x260: {  	s15 =	simm.s32 $0x1B200  }
0x261: {  	[tilespmem:s15], [sflag:$0x2] =	stream.indirect_vreg.gather [hbm4b:s10+s8], $0x80, v1, vm0, $0xb8;
	[tilespmem:$0x1E200] =	vst v63  }
0x262: {  	s17 =	simm.s32 $0x1BA00  }
0x263: {  	[tilespmem:s17], [sflag:$0x2] =	stream.indirect_vreg.gather [hbm4b:s10+s8], $0x80, v0, vm0, $0xb8;
	[tilespmem:$0x1E200] =	vst v63  }
0x264: {  	v0 =	vld [tilespmem:s1+$0x30];
	_ =	sdelay $0x4  }
0x265: {  	v1 =	vshll.u32 v0, $0x1  }
0x266: {  	v0 =	vand.u32 $0x7, v0;
	v1 =	vand.u32 $0xFFFFFFF0, v1  }
0x267: {  	v0 =	vor.u32 v0, v1  }
0x268: {  	v1 =	vperm.xlane v0, v2;
	_ =	sdelay $0x1  }
0x269: {  	v0 =	vperm.xlane v0, v4;
	v1 =	vadd.s32 v3, v1;
	_ =	sdelay $0x1  }
0x26a: {  	v0 =	vadd.s32 v3, v0;
	_ =	sdelay $0x1  }
0x26b: {  	s18 =	simm.s32 $0x1C200  }
0x26c: {  	[tilespmem:s18], [sflag:$0x2] =	stream.indirect_vreg.gather [hbm4b:s10+s8], $0x80, v1, vm0, $0xb8;
	[tilespmem:$0x1E200] =	vst v63  }
0x26d: {  	s20 =	simm.s32 $0x1CA00  }
0x26e: {  	[tilespmem:s20], [sflag:$0x2] =	stream.indirect_vreg.gather [hbm4b:s10+s8], $0x80, v0, vm0, $0xb8;
	[tilespmem:$0x1E200] =	vst v63  }
0x26f: {  	v0 =	vld [tilespmem:s1+$0x40];
	_ =	sdelay $0x4  }
0x270: {  	v1 =	vshll.u32 v0, $0x1  }
0x271: {  	v0 =	vand.u32 $0x7, v0;
	v1 =	vand.u32 $0xFFFFFFF0, v1  }
0x272: {  	v0 =	vor.u32 v0, v1  }
0x273: {  	v1 =	vperm.xlane v0, v2;
	_ =	sdelay $0x1  }
0x274: {  	v0 =	vperm.xlane v0, v4;
	v1 =	vadd.s32 v3, v1;
	_ =	sdelay $0x1  }
0x275: {  	v0 =	vadd.s32 v3, v0;
	_ =	sdelay $0x1  }
0x276: {  	s21 =	simm.s32 $0x1D200  }
0x277: {  	[tilespmem:s21], [sflag:$0x2] =	stream.indirect_vreg.gather [hbm4b:s10+s8], $0x80, v1, vm0, $0xb8;
	[tilespmem:$0x1E200] =	vst v63  }
0x278: {  	s22 =	simm.s32 $0x1DA00  }
0x279: {  	[tilespmem:s22], [sflag:$0x2] =	stream.indirect_vreg.gather [hbm4b:s10+s8], $0x80, v0, vm0, $0xb8;
	[tilespmem:$0x1E200] =	vst v63  }
0x27a: {  	v0 =	vld [tilespmem:$0xF000]  }
0x27b: {  	v27 =	vld [tilespmem:$0xF010]  }
0x27c: {  	v23 =	vld [tilespmem:$0xF020]  }
0x27d: {  	v11 =	vld [tilespmem:$0xF030]  }
0x27e: {  	v9 =	vld [tilespmem:$0xF040]  }
0x27f: {  	v8 =	vld [tilespmem:$0xF050]  }
0x280: {  	v21 =	vld [tilespmem:$0xF060]  }
0x281: {  	v28 =	vld [tilespmem:$0xF070]  }
0x282: {  	v26 =	vld [tilespmem:$0xF080]  }
0x283: {  	v19 =	vld [tilespmem:$0xF090]  }
0x284: {  	v17 =	vld [tilespmem:$0xF0A0]  }
0x285: {  	v30 =	vld [tilespmem:$0xF0B0]  }
0x286: {  	v10 =	vld [tilespmem:$0xF0C0]  }
0x287: {  	v31 =	vld [tilespmem:$0xF0D0]  }
0x288: {  	v32 =	vld [tilespmem:$0xF0E0]  }
0x289: {  	v33 =	vld [tilespmem:$0xF0F0]  }
0x28a: {  	v2 =	vld [tilespmem:$0xF100]  }
0x28b: {  	v34 =	vld [tilespmem:$0xF110]  }
0x28c: {  	v24 =	vld [tilespmem:$0xF120]  }
0x28d: {  	v16 =	vld [tilespmem:$0xF130]  }
0x28e: {  	v14 =	vld [tilespmem:$0xF140]  }
0x28f: {  	v12 =	vld [tilespmem:$0xF150]  }
0x290: {  	v22 =	vld [tilespmem:$0xF160]  }
0x291: {  	v13 =	vld [tilespmem:$0xF170]  }
0x292: {  	v29 =	vld [tilespmem:$0xF180]  }
0x293: {  	v18 =	vld [tilespmem:$0xF190]  }
0x294: {  	v20 =	vld [tilespmem:$0xF1A0]  }
0x295: {  	v25 =	vld [tilespmem:$0xF1B0]  }
0x296: {  	s23 =	simm.s32 $0xF280;
	[dreg:$0x11] =	wrdreg s7;
	v15 =	vld [tilespmem:$0xF1C0]  }
0x297: {  	s25 =	simm.s32 $0x0;
	s0 =	sand.u32 $0x7800, s8;
	v35 =	vld [tilespmem:s23+$0x0]  }
0x298: {  	s24 =	simm.s32 $0x11A80;
	s26 =	sand.u32 $0x300, s25;
	s28 =	sadd.s32 $0x14200, s0;
	v6 =	vld [tilespmem:s23+$0xFFFFFF80]  }
0x299: {  	s0 =	sadd.s32 s26, s28;
	v5 =	vld [tilespmem:s24+$0xFFFFFF80]  }
0x29a: {  	v53 =	vld [tilespmem:s0+$0x460]  }
0x29b: {  	v54 =	vld [tilespmem:s0+$0x450]  }
0x29c: {  	v55 =	vld [tilespmem:s0+$0x470]  }
0x29d: {  	v56 =	vld [tilespmem:s0+$0x10]  }
0x29e: {  	v57 =	vld [tilespmem:s0+$0x0]  }
0x29f: {  	v58 =	vld [tilespmem:s0+$0x400]  }
0x2a0: {  	v59 =	vld [tilespmem:s0+$0x30]  }
0x2a1: {  	v60 =	vld [tilespmem:s0+$0x40]  }
0x2a2: {  	s31 =	simm.s32 $0x80;
	v62 =	vld [tilespmem:s0+$0x70]  }
0x2a3: {  	s3 =	sand.u32 $0x380, s31;
	v61 =	vld [tilespmem:s0+$0x430];
	v37 =	vsub.f32 v54, v6;
	v38 =	vsub.f32 v55, v6  }
0x2a4: {  	s3 =	sadd.s32 s3, s28;
	v63 =	vld [tilespmem:s0+$0x410];
	v39 =	vsub.f32 v56, v6;
	v40 =	vsub.f32 v57, v6  }
0x2a5: {  	v43 =	vld [tilespmem:s3+$0x470];
	v41 =	vsub.f32 v58, v6;
	v42 =	vsub.f32 v59, v6  }
0x2a6: {  	v3 =	vld [tilespmem:$0xF1D0];
	v36 =	vsub.f32 v53, v6;
	v58 =	vsub.f32 v60, v6  }
0x2a7: {  	v7 =	vld [tilespmem:s24+$0x0];
	v46 =	vsub.f32 v62, v6;
	v37 =	vmul.f32 v37, v5;
	v38 =	vmul.f32 v38, v5  }
0x2a8: {  	v51 =	vld [tilespmem:s0+$0x420];
	v61 =	vsub.f32 v61, v6;
	v39 =	vmul.f32 v39, v5;
	v40 =	vmul.f32 v40, v5  }
0x2a9: {  	v45 =	vld [tilespmem:s3+$0x430];
	v62 =	vsub.f32 v63, v6;
	v41 =	vmul.f32 v41, v5;
	v57 =	vmul.f32 v42, v5  }
0x2aa: {  	v59 =	vld [tilespmem:s0+$0x50];
	v43 =	vsub.f32 v43, v35;
	v42 =	vmul.f32 v58, v5;
	v36 =	vmul.f32 v36, v5  }
0x2ab: {  	v60 =	vld [tilespmem:s0+$0x20];
	v46 =	vmul.f32 v46, v5;
	v56 =	vmul.f32 v61, v5  }
0x2ac: {  	v53 =	vld [tilespmem:s3+$0x450];
	v61 =	vmul.f32 v62, v5;
	v43 =	vmul.f32 v43, v7  }
0x2ad: {  	v4 =	vld [tilespmem:$0xF1E0];
	v37 =	vmul.f32 v37, v31;
	v39 =	vmul.f32 v39, v27  }
0x2ae: {  	v47 =	vld [tilespmem:s0+$0x440];
	v45 =	vsub.f32 v45, v35;
	v40 =	vmul.f32 v40, v0;
	v41 =	vmul.f32 v41, v26  }
0x2af: {  	v63 =	vld [tilespmem:s3+$0x460];
	v54 =	vmul.f32 v42, v9;
	v55 =	vmul.f32 v36, v32;
	v36 =	vsub.f32 v51, v6  }
0x2b0: {  	v1 =	vld [tilespmem:$0xF1F0];
	v56 =	vmul.f32 v56, v30;
	v44 =	vsub.f32 v59, v6;
	v60 =	vsub.f32 v60, v6  }
0x2b1: {  	v58 =	vld [tilespmem:s3+$0x60];
	v43 =	vmul.f32 v43, v33;
	v53 =	vsub.f32 v53, v35;
	v49 =	vadd.f32 v37, v3  }
0x2b2: {  	v42 =	vld [tilespmem:s0+$0x60];
	v50 =	vadd.f32 v39, v34;
	v37 =	vmul.f32 v57, v11;
	v52 =	vadd.f32 v41, v29  }
0x2b3: {  	v59 =	vld [tilespmem:s3+$0x440];
	v40 =	vadd.f32 v40, v2;
	v41 =	vmul.f32 v38, v33;
	v38 =	vsub.f32 v47, v6  }
0x2b4: {  	v39 =	vmul.f32 v46, v28;
	v46 =	vld [tilespmem:s3+$0x10];
	v57 =	vsub.f32 v63, v35;
	v54 =	vadd.f32 v54, v14  }
0x2b5: {  	v43 =	vadd.f32 v43, v1;
	v47 =	vmul.f32 v60, v5;
	v60 =	vld [tilespmem:s3+$0x50];
	v53 =	vmul.f32 v53, v7  }
0x2b6: {  	v58 =	vsub.f32 v58, v35;
	v48 =	vadd.f32 v37, v16;
	v37 =	vmul.f32 v44, v5;
	v44 =	vld [tilespmem:s3+$0x70]  }
0x2b7: {  	[tilespmem:s0+$0x0] =	vst v40;
	v57 =	vmul.f32 v57, v7;
	v62 =	vsub.f32 v42, v6;
	v6 =	vmul.f32 v61, v19;
	v61 =	vld [tilespmem:s3+$0x0]  }
0x2b8: {  	v55 =	vadd.f32 v55, v4;
	[tilespmem:s0+$0x400] =	vst v52;
	v52 =	vld [tilespmem:s3+$0x40];
	v42 =	vmul.f32 v47, v23;
	v53 =	vmul.f32 v53, v31  }
0x2b9: {  	[tilespmem:s0+$0x450] =	vst v49;
	v49 =	vmul.f32 v58, v7;
	v59 =	vsub.f32 v59, v35;
	v63 =	vsub.f32 v46, v35;
	v46 =	vld [tilespmem:s3+$0x30]  }
0x2ba: {  	v51 =	vld [tilespmem:s3+$0x420];
	[tilespmem:s0+$0x10] =	vst v50;
	v50 =	vadd.f32 v56, v25;
	v57 =	vmul.f32 v57, v32;
	v47 =	vmul.f32 v62, v5  }
0x2bb: {  	[tilespmem:s3+$0x470] =	vst v43;
	v53 =	vadd.f32 v53, v3;
	v40 =	vmul.f32 v59, v7;
	v56 =	vsub.f32 v60, v35  }
0x2bc: {  	[tilespmem:s0+$0x30] =	vst v48;
	v59 =	vld [tilespmem:s3+$0x400];
	v43 =	vadd.f32 v57, v4;
	v48 =	vmul.f32 v63, v7;
	v60 =	vsub.f32 v61, v35  }
0x2bd: {  	v62 =	vsub.f32 v44, v35;
	v44 =	vmul.f32 v45, v7;
	v52 =	vsub.f32 v52, v35  }
0x2be: {  	[tilespmem:s0+$0x40] =	vst v54;
	v61 =	vmul.f32 v48, v27;
	v58 =	vsub.f32 v46, v35;
	v63 =	vmul.f32 v60, v7;
	v46 =	vld [tilespmem:s3+$0x20]  }
0x2bf: {  	[tilespmem:s0+$0x460] =	vst v55;
	v45 =	vmul.f32 v44, v30;
	v44 =	vsub.f32 v51, v35;
	v48 =	vmul.f32 v47, v21  }
0x2c0: {  	[tilespmem:s0+$0x430] =	vst v50;
	v60 =	vadd.f32 v61, v34;
	v61 =	vmul.f32 v63, v0;
	v63 =	vmul.f32 v56, v7  }
0x2c1: {  	s4 =	simm.s32 $0x0;
	s5 =	simm.s32 $0x11B80;
	[tilespmem:s3+$0x450] =	vst v53;
	v51 =	vmul.f32 v52, v7;
	v52 =	vld [tilespmem:s3+$0x410];
	v55 =	vmul.f32 v62, v7;
	v47 =	vsub.f32 v59, v35  }
0x2c2: {  	s6 =	simm.s32 $0x200;
	s7 =	simm.s32 $0xF380;
	s8 =	simm.s32 $0x180;
	v50 =	vmul.f32 v58, v7;
	[tilespmem:s3+$0x10] =	vst v60;
	v53 =	vadd.f32 v61, v2;
	v54 =	vmul.f32 v63, v8  }
.LBB2_5:
0x2c3: {  	s10 =	sadd.s32 $0xFFFFFF80, s8;
	s11 =	sand.u32 $0x7800, s6;
	v56 =	vld [tilespmem:s7+$0x0];
	s4 =	sadd.s32 $0x2, s4;
	v41 =	vadd.f32 v41, v1;
	v57 =	vsub.f32 v46, v35;
	v58 =	vmul.f32 v44, v7  }
0x2c4: {  	v44 =	vld [tilespmem:s7+$0xFFFFFF80];
	s10 =	sand.u32 $0x300, s10;
	s11 =	sadd.s32 $0x14200, s11;
	p0 =	slt.u32 s4, $0x4E;
	[tilespmem:s3+$0x0] =	vst v53;
	v53 =	vadd.f32 v54, v12;
	v54 =	vmul.f32 v55, v28;
	v55 =	vmul.f32 v47, v7  }
0x2c5: {  	v39 =	vadd.f32 v39, v13;
	v46 =	vld [tilespmem:s5+$0xFFFFFF80];
	s10 =	sadd.s32 s10, s11;
	[tilespmem:s0+$0x470] =	vst v41;
	v41 =	vmul.f32 v57, v7;
	v57 =	vmul.f32 v58, v17  }
0x2c6: {  	v49 =	vmul.f32 v49, v21;
	v47 =	vld [tilespmem:s5+$0x0];
	[tilespmem:s3+$0x50] =	vst v53;
	v53 =	vmul.f32 v55, v26;
	v58 =	vsub.f32 v52, v35  }
0x2c7: {  	v54 =	vadd.f32 v54, v13;
	v52 =	vld [tilespmem:s10+$0x460];
	v41 =	vmul.f32 v41, v23;
	v55 =	vadd.f32 v57, v20  }
0x2c8: {  	v51 =	vmul.f32 v51, v9;
	v57 =	vld [tilespmem:s10+$0x450];
	v53 =	vadd.f32 v53, v29;
	v7 =	vmul.f32 v58, v7;
	v35 =	vmovc v56  }
0x2c9: {  	v42 =	vadd.f32 v42, v24;
	v50 =	vmul.f32 v50, v11;
	v56 =	vld [tilespmem:s10+$0x470];
	v41 =	vadd.f32 v41, v24;
	[tilespmem:s3+$0x70] =	vst v54  }
0x2ca: {  	v38 =	vmul.f32 v38, v5;
	v51 =	vadd.f32 v51, v14;
	v54 =	vld [tilespmem:s10+$0x400];
	[tilespmem:s3+$0x400] =	vst v53;
	v7 =	vmul.f32 v7, v19  }
0x2cb: {  	v37 =	vmul.f32 v37, v8;
	v45 =	vadd.f32 v45, v25;
	v53 =	vld [tilespmem:s10+$0x10];
	[tilespmem:s3+$0x20] =	vst v41;
	v41 =	vadd.f32 v50, v16  }
0x2cc: {  	s12 =	sand.u32 $0x380, s8;
	v48 =	vadd.f32 v48, v22;
	v38 =	vmul.f32 v38, v10;
	v49 =	vadd.f32 v49, v22;
	v50 =	vld [tilespmem:s10+$0x0];
	[tilespmem:s3+$0x420] =	vst v55  }
0x2cd: {  	v5 =	vmul.f32 v36, v5;
	s11 =	sadd.s32 s12, s11;
	v7 =	vadd.f32 v7, v18;
	v55 =	vld [tilespmem:s10+$0x30];
	v57 =	vsub.f32 v57, v44;
	[tilespmem:s0+$0x20] =	vst v42  }
0x2ce: {  	v40 =	vmul.f32 v40, v10;
	v38 =	vadd.f32 v38, v15;
	v36 =	vsub.f32 v56, v44;
	v56 =	vld [tilespmem:s11+$0x470];
	[tilespmem:s3+$0x60] =	vst v49  }
0x2cf: {  	v5 =	vmul.f32 v5, v17;
	v42 =	vld [tilespmem:s10+$0x40];
	v49 =	vsub.f32 v54, v44;
	v54 =	vmul.f32 v57, v46;
	[tilespmem:s3+$0x410] =	vst v7  }
0x2d0: {  	v6 =	vadd.f32 v6, v18;
	v7 =	vsub.f32 v53, v44;
	v36 =	vmul.f32 v36, v46;
	v53 =	vld [tilespmem:s11+$0x10];
	[tilespmem:s3+$0x430] =	vst v45  }
0x2d1: {  	v5 =	vadd.f32 v5, v20;
	v45 =	vsub.f32 v50, v44;
	v50 =	vld [tilespmem:s10+$0x430];
	v54 =	vmul.f32 v54, v31;
	[tilespmem:s0+$0x60] =	vst v48  }
0x2d2: {  	v52 =	vsub.f32 v52, v44;
	v7 =	vmul.f32 v7, v46;
	v48 =	vsub.f32 v55, v44;
	v55 =	vld [tilespmem:s10+$0x70];
	[tilespmem:s0+$0x440] =	vst v38  }
0x2d3: {  	v38 =	vmul.f32 v45, v46;
	v45 =	vmul.f32 v49, v46;
	v49 =	vld [tilespmem:s10+$0x440];
	v54 =	vadd.f32 v54, v3;
	[tilespmem:s0+$0x420] =	vst v5  }
0x2d4: {  	v5 =	vmul.f32 v7, v27;
	v7 =	vmul.f32 v48, v46;
	v42 =	vsub.f32 v42, v44;
	v48 =	vld [tilespmem:s10+$0x410];
	[tilespmem:s3+$0x460] =	vst v43  }
0x2d5: {  	v37 =	vadd.f32 v37, v12;
	v38 =	vmul.f32 v38, v0;
	v43 =	vld [tilespmem:s10+$0x50];
	v45 =	vmul.f32 v45, v26;
	[tilespmem:s0+$0x410] =	vst v6  }
0x2d6: {  	v52 =	vmul.f32 v52, v46;
	v6 =	vadd.f32 v5, v34;
	v5 =	vld [tilespmem:s10+$0x20];
	v42 =	vmul.f32 v42, v46;
	[tilespmem:s3+$0x30] =	vst v41  }
0x2d7: {  	v7 =	vmul.f32 v7, v11;
	v55 =	vsub.f32 v55, v44;
	v45 =	vadd.f32 v45, v29;
	v57 =	vld [tilespmem:s10+$0x420];
	[tilespmem:s3+$0x40] =	vst v51  }
0x2d8: {  	v41 =	vmul.f32 v36, v33;
	v36 =	vadd.f32 v40, v15;
	v38 =	vadd.f32 v38, v2;
	v51 =	vld [tilespmem:s11+$0x450];
	[tilespmem:s0+$0x50] =	vst v37  }
0x2d9: {  	v40 =	vmul.f32 v42, v9;
	v37 =	vsub.f32 v50, v44;
	v50 =	vmul.f32 v52, v32;
	v42 =	vld [tilespmem:s10+$0x60];
	[tilespmem:s0+$0x70] =	vst v39;
	s0 =	smov.u32 s10  }
0x2da: {  	v48 =	vsub.f32 v48, v44;
	v39 =	vsub.f32 v43, v44;
	v43 =	vmul.f32 v55, v46;
	v52 =	vld [tilespmem:s11+$0x430];
	[tilespmem:s3+$0x440] =	vst v36;
	s3 =	smov.u32 s11  }
0x2db: {  	v59 =	vadd.f32 v7, v16;
	v55 =	vmul.f32 v37, v46;
	[tilespmem:s0+$0x0] =	vst v38;
	v38 =	vsub.f32 v49, v44;
	v49 =	vld [tilespmem:s3+$0x460]  }
0x2dc: {  	v58 =	vsub.f32 v5, v44;
	[tilespmem:s0+$0x400] =	vst v45;
	v45 =	vmul.f32 v48, v46;
	v36 =	vsub.f32 v57, v44;
	v48 =	vld [tilespmem:s3+$0x440]  }
0x2dd: {  	v7 =	vmovc v47;
	v5 =	vmov v46;
	v37 =	vmul.f32 v39, v46;
	v39 =	vmul.f32 v43, v28;
	[tilespmem:s0+$0x30] =	vst v59;
	v43 =	vld [tilespmem:s3+$0x70]  }
0x2de: {  	v46 =	vmul.f32 v58, v5;
	[tilespmem:s0+$0x10] =	vst v6;
	v44 =	vsub.f32 v42, v44;
	v6 =	vmul.f32 v45, v19;
	v45 =	vld [tilespmem:s3+$0x60]  }
0x2df: {  	v47 =	vmul.f32 v55, v30;
	v51 =	vsub.f32 v51, v35;
	[tilespmem:s0+$0x450] =	vst v54;
	v52 =	vsub.f32 v52, v35  }
0x2e0: {  	v42 =	vmul.f32 v46, v23;
	v54 =	vmul.f32 v44, v5;
	v44 =	vld [tilespmem:s3+$0x420];
	v46 =	vsub.f32 v49, v35  }
0x2e1: {  	v40 =	vadd.f32 v40, v14;
	v51 =	vmul.f32 v51, v7;
	v49 =	vld [tilespmem:s3+$0x50];
	v48 =	vsub.f32 v48, v35  }
0x2e2: {  	v55 =	vld [tilespmem:s3+$0x0];
	v57 =	vsub.f32 v43, v35;
	v43 =	vmul.f32 v52, v7;
	v52 =	vsub.f32 v56, v35  }
0x2e3: {  	v53 =	vsub.f32 v53, v35;
	v51 =	vmul.f32 v51, v31;
	v46 =	vmul.f32 v46, v7;
	[tilespmem:s0+$0x40] =	vst v40;
	v56 =	vld [tilespmem:s3+$0x30]  }
0x2e4: {  	v45 =	vsub.f32 v45, v35;
	v40 =	vmul.f32 v48, v7;
	v58 =	vld [tilespmem:s3+$0x40];
	v48 =	vmul.f32 v52, v7  }
0x2e5: {  	v51 =	vadd.f32 v51, v3;
	v52 =	vmul.f32 v53, v7;
	v53 =	vmul.f32 v46, v32  }
0x2e6: {  	v46 =	vadd.f32 v47, v25;
	v47 =	vsub.f32 v49, v35;
	v59 =	vld [tilespmem:s3+$0x400];
	v48 =	vmul.f32 v48, v33  }
0x2e7: {  	v49 =	vmul.f32 v45, v7;
	v45 =	vmul.f32 v43, v30;
	v55 =	vsub.f32 v55, v35  }
0x2e8: {  	v43 =	vmul.f32 v52, v27;
	[tilespmem:s0+$0x430] =	vst v46;
	v52 =	vsub.f32 v56, v35;
	v56 =	vadd.f32 v48, v1  }
.Ltmp1:
0x2e9: {  	v44 =	vsub.f32 v44, v35;
	v55 =	vmul.f32 v55, v7;
	v46 =	vld [tilespmem:s3+$0x20];
	v58 =	vsub.f32 v58, v35;
	(pc) =	sbr.rel @p0 .LBB2_5-.Ltmp1, $4  }
0x2ea: {  	v48 =	vmul.f32 v54, v21;
	v54 =	vadd.f32 v50, v4;
	v43 =	vadd.f32 v43, v34;
	[tilespmem:s3+$0x470] =	vst v56  }
0x2eb: {  	v56 =	vmul.f32 v47, v7;
	v55 =	vmul.f32 v55, v0;
	v47 =	vsub.f32 v59, v35;
	[tilespmem:s3+$0x450] =	vst v51  }
0x2ec: {  	s5 =	sadd.s32 $0x100, s5;
	v50 =	vmul.f32 v52, v7;
	v51 =	vmul.f32 v58, v7;
	[tilespmem:s3+$0x10] =	vst v43;
	v52 =	vld [tilespmem:s3+$0x410];
	v43 =	vadd.f32 v53, v4  }
0x2ed: {  	s6 =	sadd.s32 $0x200, s6;
	s8 =	sadd.s32 $0x100, s8;
	s7 =	sadd.s32 $0x100, s7;
	[tilespmem:s0+$0x460] =	vst v54;
	v53 =	vadd.f32 v55, v2;
	v54 =	vmul.f32 v56, v8;
	v55 =	vmul.f32 v57, v7  }
0x2ee: {  	v0 =	vsub.f32 v46, v35;
	v2 =	vmul.f32 v47, v7  }
0x2ef: {  	v1 =	vadd.f32 v41, v1;
	v4 =	vmul.f32 v44, v7;
	[tilespmem:s3+$0x460] =	vst v43;
	v3 =	vmul.f32 v55, v28  }
0x2f0: {  	[tilespmem:s3+$0x0] =	vst v53;
	v27 =	vadd.f32 v54, v12;
	v0 =	vmul.f32 v0, v7;
	v2 =	vmul.f32 v2, v26  }
0x2f1: {  	[tilespmem:s0+$0x470] =	vst v1;
	v4 =	vmul.f32 v4, v17;
	v3 =	vadd.f32 v3, v13  }
0x2f2: {  	v1 =	vsub.f32 v52, v35;
	[tilespmem:s3+$0x50] =	vst v27;
	v0 =	vmul.f32 v0, v23;
	v2 =	vadd.f32 v2, v29  }
0x2f3: {  	v4 =	vadd.f32 v4, v20;
	[tilespmem:s3+$0x70] =	vst v3  }
0x2f4: {  	v1 =	vmul.f32 v1, v7;
	v0 =	vadd.f32 v0, v24;
	[tilespmem:s3+$0x400] =	vst v2  }
0x2f5: {  	v3 =	vmul.f32 v49, v21;
	v2 =	vadd.f32 v42, v24;
	[tilespmem:s3+$0x420] =	vst v4  }
0x2f6: {  	v4 =	vadd.f32 v45, v25;
	v1 =	vmul.f32 v1, v19;
	[tilespmem:s3+$0x20] =	vst v0;
	v0 =	vmul.f32 v38, v5  }
0x2f7: {  	v3 =	vadd.f32 v3, v22;
	[tilespmem:s0+$0x20] =	vst v2;
	v2 =	vmul.f32 v36, v5  }
0x2f8: {  	[tilespmem:s3+$0x430] =	vst v4;
	v1 =	vadd.f32 v1, v18;
	v0 =	vmul.f32 v0, v10  }
0x2f9: {  	[tilespmem:s3+$0x60] =	vst v3;
	v3 =	vadd.f32 v48, v22;
	v2 =	vmul.f32 v2, v17  }
0x2fa: {  	[tilespmem:s3+$0x410] =	vst v1;
	v0 =	vadd.f32 v0, v15  }
0x2fb: {  	[tilespmem:s0+$0x60] =	vst v3;
	v1 =	vadd.f32 v2, v20;
	v2 =	vmul.f32 v50, v11  }
0x2fc: {  	v3 =	vadd.f32 v6, v18;
	[tilespmem:s0+$0x440] =	vst v0;
	v0 =	vmul.f32 v51, v9  }
0x2fd: {  	[tilespmem:s0+$0x420] =	vst v1;
	v1 =	vmul.f32 v37, v8;
	v2 =	vadd.f32 v2, v16  }
0x2fe: {  	[tilespmem:s0+$0x410] =	vst v3;
	v0 =	vadd.f32 v0, v14  }
0x2ff: {  	v3 =	vmul.f32 v40, v10;
	v1 =	vadd.f32 v1, v12;
	[tilespmem:s3+$0x30] =	vst v2  }
0x300: {  	v2 =	vadd.f32 v39, v13;
	[tilespmem:s3+$0x40] =	vst v0  }
0x301: {  	s2 =	sadd.s32 s13, s2;
	[tilespmem:s0+$0x50] =	vst v1;
	v0 =	vadd.f32 v3, v15  }
0x302: {  	s23 =	simm.s32 $0x0;
	s24 =	simm.s32 $0x14200;
	s22 =	sshll.u32 s2, $0x5;
	[tilespmem:s0+$0x70] =	vst v2  }
0x303: {  	s25 =	smulhi.u32 $0x51EB851F, s16;
	s26 =	simm.s32 $0x2;
	v11 =	vmov s1;
	s0 =	sadd.s32 s9, s22;
	[tilespmem:s3+$0x440] =	vst v0  }
0x304: {  	[hbm4b:s0+s23] =	stream.linear.scatter [tilespmem:s24], [sflag:$0x3], $0x5000, $0x38;
	[tilespmem:$0x1E200] =	vst v63  }
0x305: {  	s31 =	simm.s32 $0x0;
	_ =	swait.ge [sflag:s26], $0x5000  }
0x306: {  	s5 =	simm.s32 $0x1;
	s0 =	sshrl.u32 s25, $0x6;
	[sflag:s26] =	ssyncset.done $0x0  }
0x307: {  	s8 =	sand.u32 $0x70, s31;
	s4 =	smul.u32 $0x6400, s0;
	[sflag:s26] =	ssyncadd.s32 $0xFFFFB000  }
0x308: {  	s10 =	simm.s32 $0x80;
	s9 =	sand.u32 $0x7800, s23;
	s0 =	smul.u32 $0xC800, s0;
	v1 =	vld.idx.msk [tilespmem:v11+s8+$0x0 ss:$0x1], $0xffff  }
0x309: {  	s1 =	sand.u32 $0x380, s10;
	s6 =	sadd.s32 $0x19200, s9;
	s4 =	ssub.s32 s30, s4  }
0x30a: {  	s20 =	sadd.s32 s1, s6;
	s0 =	ssub.s32 s29, s0;
	s4 =	sadd.s32 $0x0, s4  }
0x30b: {  	[dreg:$0xd] =	wrdreg s29;
	s11 =	sadd.s32 $0x5100, s0;
	s7 =	sadd.s32 $0x2880, s4  }
0x30c: {  	v0 =	vmov s5;
	v2 =	vld [tilespmem:s20+$0x0];
	s1 =	sand.u32 $0xF800, s11;
	s12 =	sand.u32 $0x380, s7  }
0x30d: {  	s1 =	sor.u32 s12, s1;
	v0 =	vperm.xlane v1, v0  }
0x30e: {  	v3 =	vld [tilespmem:s1+$0x2800]  }
0x30f: {  	vm1 =	veq.s32 v0, $0x0;
	v0 =	vimm.f32 $1.000000000e+00  }
0x310: {  	v5 =	vsel vm1, $0x0, v0  }
0x311: {  	v2 =	vmul.f32 v5, v2;
	_ =	sdelay $0x1  }
0x312: {  	v13 =	vadd.f32 v2, v3  }
0x313: {  	v2 =	vld [tilespmem:s20+$0x10]  }
0x314: {  	[tilespmem:s20+$0x0] =	vst v13  }
0x315: {  	v3 =	vld [tilespmem:s1+$0x2810];
	_ =	sdelay $0x1  }
0x316: {  	s2 =	sand.u32 $0x300, s23  }
0x317: {  	s21 =	sadd.s32 s2, s6;
	v2 =	vmul.f32 v2, v5  }
0x318: {  	s3 =	sand.u32 $0xE, s31;
	s0 =	sadd.s32 $0x5000, s0;
	s4 =	sadd.s32 $0x2800, s4;
	v4 =	vld [tilespmem:s21+$0x0]  }
0x319: {  	s0 =	sand.u32 $0xF800, s0;
	s13 =	sand.u32 $0x300, s4;
	v9 =	vadd.f32 v3, v2;
	v2 =	vld [tilespmem:s20+$0x20];
	v3 =	vmov s3  }
0x31a: {  	s5 =	sor.u32 s13, s0;
	v1 =	vperm.xlane v1, v3  }
0x31b: {  	v6 =	vld [tilespmem:s5+$0x2800];
	[tilespmem:s20+$0x10] =	vst v9  }
0x31c: {  	v0 =	vimm.f32 $1.000000000e+00;
	v3 =	vld [tilespmem:s1+$0x2820];
	vm1 =	veq.s32 v1, $0x0  }
0x31d: {  	v19 =	vsel vm1, $0x0, v0  }
0x31e: {  	v1 =	vmul.f32 v2, v5;
	v2 =	vmul.f32 v19, v4;
	_ =	sdelay $0x1  }
0x31f: {  	v41 =	vadd.f32 v2, v6  }
0x320: {  	v2 =	vld [tilespmem:s21+$0x10];
	v16 =	vadd.f32 v3, v1  }
0x321: {  	v1 =	vld [tilespmem:s20+$0x30];
	[tilespmem:s21+$0x0] =	vst v41  }
0x322: {  	[tilespmem:s20+$0x20] =	vst v16;
	v4 =	vld [tilespmem:s5+$0x2810]  }
0x323: {  	v3 =	vld [tilespmem:s1+$0x2830];
	_ =	sdelay $0x1  }
0x324: {  	v2 =	vmul.f32 v2, v19  }
0x325: {  	v1 =	vmul.f32 v1, v5  }
0x326: {  	v42 =	vadd.f32 v4, v2  }
0x327: {  	v2 =	vld [tilespmem:s21+$0x20];
	v18 =	vadd.f32 v3, v1  }
0x328: {  	v1 =	vld [tilespmem:s20+$0x40];
	[tilespmem:s21+$0x10] =	vst v42  }
0x329: {  	[tilespmem:s20+$0x30] =	vst v18;
	v4 =	vld [tilespmem:s5+$0x2820]  }
0x32a: {  	v3 =	vld [tilespmem:s1+$0x2840];
	_ =	sdelay $0x1  }
0x32b: {  	v2 =	vmul.f32 v2, v19  }
0x32c: {  	v1 =	vmul.f32 v1, v5  }
0x32d: {  	v29 =	vadd.f32 v4, v2  }
0x32e: {  	v2 =	vld [tilespmem:s21+$0x30];
	v30 =	vadd.f32 v3, v1  }
0x32f: {  	v1 =	vld [tilespmem:s20+$0x50];
	[tilespmem:s21+$0x20] =	vst v29  }
0x330: {  	[tilespmem:s20+$0x40] =	vst v30;
	v4 =	vld [tilespmem:s5+$0x2830]  }
0x331: {  	v3 =	vld [tilespmem:s1+$0x2850];
	_ =	sdelay $0x1  }
0x332: {  	v2 =	vmul.f32 v2, v19  }
0x333: {  	v1 =	vmul.f32 v1, v5  }
0x334: {  	v25 =	vadd.f32 v4, v2  }
0x335: {  	v2 =	vld [tilespmem:s21+$0x40];
	v34 =	vadd.f32 v3, v1  }
0x336: {  	v1 =	vld [tilespmem:s20+$0x60];
	[tilespmem:s21+$0x30] =	vst v25  }
0x337: {  	[tilespmem:s20+$0x50] =	vst v34;
	v4 =	vld [tilespmem:s5+$0x2840]  }
0x338: {  	v3 =	vld [tilespmem:s1+$0x2860]  }
0x339: {  	v7 =	vld [tilespmem:s21+$0x60]  }
0x33a: {  	v10 =	vld [tilespmem:s21+$0x70];
	v2 =	vmul.f32 v2, v19  }
0x33b: {  	v22 =	vld [tilespmem:s21+$0x400];
	v1 =	vmul.f32 v1, v5  }
0x33c: {  	v20 =	vld [tilespmem:s21+$0x410];
	v44 =	vadd.f32 v4, v2  }
0x33d: {  	v6 =	vld [tilespmem:s21+$0x50];
	v35 =	vadd.f32 v3, v1  }
0x33e: {  	v1 =	vld [tilespmem:s20+$0x70];
	[tilespmem:s21+$0x40] =	vst v44  }
0x33f: {  	[tilespmem:s20+$0x60] =	vst v35;
	v8 =	vld [tilespmem:s5+$0x2850]  }
0x340: {  	v2 =	vld [tilespmem:s1+$0x2870];
	[dreg:$0xc] =	wrdreg s16  }
0x341: {  	v0 =	vld [tilespmem:s21+$0x430];
	_ =	sdelay $0x4  }
0x342: {  	v21 =	vld [tilespmem:s21+$0x420];
	[tilespmem:$0x1F7F0] =	vst v0  }
0x343: {  	v0 =	vld [tilespmem:s21+$0x440];
	_ =	sdelay $0x4  }
0x344: {  	v1 =	vmul.f32 v1, v5;
	[tilespmem:$0x1F820] =	vst v0  }
0x345: {  	v6 =	vmul.f32 v6, v19;
	v0 =	vld [tilespmem:s21+$0x450]  }
0x346: {  	s14 =	sadd.s32 $0x2, s16;
	s16 =	simm.s32 $0x2;
	v39 =	vadd.f32 v2, v1  }
0x347: {  	s17 =	sand.u32 $0x70, s16;
	v45 =	vadd.f32 v8, v6;
	v1 =	vld [tilespmem:s20+$0x400]  }
0x348: {  	v8 =	vld.idx.msk [tilespmem:v11+s17+$0x0 ss:$0x1], $0xffff;
	[tilespmem:s20+$0x70] =	vst v39  }
0x349: {  	[tilespmem:s21+$0x50] =	vst v45;
	v2 =	vld [tilespmem:s1+$0x2C00]  }
0x34a: {  	v6 =	vld [tilespmem:s5+$0x2860];
	[tilespmem:$0x1F830] =	vst v0  }
0x34b: {  	s15 =	smulhi.u32 $0x51EB851F, s14;
	v0 =	vld [tilespmem:s21+$0x460]  }
0x34c: {  	s22 =	simm.s32 $0x200  }
0x34d: {  	s23 =	sand.u32 $0x7800, s22;
	s8 =	simm.s32 $0x180;
	s0 =	sshrl.u32 s15, $0x6  }
0x34e: {  	s25 =	sand.u32 $0x380, s8;
	s4 =	sadd.s32 $0x19200, s23;
	s18 =	smul.u32 $0x6400, s0  }
0x34f: {  	s23 =	sadd.s32 s25, s4;
	s0 =	smul.u32 $0xC800, s0  }
0x350: {  	s6 =	ssub.s32 s30, s18;
	v12 =	vld [tilespmem:s23+$0x0];
	[tilespmem:$0x1F850] =	vst v0  }
0x351: {  	s10 =	ssub.s32 s19, s0;
	s6 =	sadd.s32 $0x100, s6;
	v0 =	vld [tilespmem:s21+$0x470]  }
0x352: {  	s24 =	simm.s32 $0x3;
	s26 =	sadd.s32 $0x5100, s10;
	s31 =	sadd.s32 $0x2880, s6  }
0x353: {  	s0 =	sand.u32 $0xF800, s26;
	s8 =	sand.u32 $0x380, s31;
	v4 =	vmov v11;
	v11 =	vmov s24;
	v1 =	vmul.f32 v1, v5  }
0x354: {  	s9 =	simm.s32 $0x100;
	s0 =	sor.u32 s8, s0;
	v7 =	vmul.f32 v7, v19;
	v11 =	vperm.xlane v8, v11  }
0x355: {  	s7 =	sand.u32 $0x300, s9;
	v43 =	vadd.f32 v2, v1;
	v1 =	vld [tilespmem:s0+$0x2800]  }
0x356: {  	s22 =	sadd.s32 s7, s4;
	s10 =	sadd.s32 $0x5000, s10;
	s6 =	sadd.s32 $0x2800, s6;
	v50 =	vadd.f32 v6, v7;
	vm1 =	veq.s32 v11, $0x0;
	v7 =	vld [tilespmem:s20+$0x410];
	[tilespmem:$0x1F860] =	vst v0;
	v0 =	vimm.f32 $1.000000000e+00  }
0x357: {  	s11 =	sand.u32 $0xF800, s10;
	s12 =	sand.u32 $0x300, s6;
	[tilespmem:s20+$0x400] =	vst v43;
	v15 =	vsel vm1, $0x0, v0;
	v14 =	vld [tilespmem:s22+$0x0]  }
0x358: {  	s4 =	sor.u32 s12, s11;
	v11 =	vld [tilespmem:s1+$0x2C10];
	v6 =	vmul.f32 v15, v12  }
0x359: {  	s3 =	sand.u32 $0xE, s16;
	v24 =	vld [tilespmem:s4+$0x2800]  }
0x35a: {  	v26 =	vld [tilespmem:s22+$0x10];
	v12 =	vmov s3;
	v17 =	vadd.f32 v6, v1  }
0x35b: {  	v7 =	vmul.f32 v7, v5;
	v1 =	vperm.xlane v8, v12;
	v8 =	vld [tilespmem:s23+$0x10]  }
0x35c: {  	v27 =	vld [tilespmem:s22+$0x20];
	[tilespmem:s23+$0x0] =	vst v17  }
0x35d: {  	vm1 =	veq.s32 v1, $0x0;
	v47 =	vadd.f32 v11, v7;
	v1 =	vld [tilespmem:s0+$0x2810]  }
0x35e: {  	v12 =	vsel vm1, $0x0, v0;
	v11 =	vld [tilespmem:s20+$0x420]  }
0x35f: {  	v33 =	vld [tilespmem:s22+$0x40];
	v7 =	vmul.f32 v12, v14;
	[tilespmem:s20+$0x410] =	vst v47  }
0x360: {  	v8 =	vmul.f32 v8, v15;
	v14 =	vld [tilespmem:s1+$0x2C20]  }
0x361: {  	v46 =	vld [tilespmem:s22+$0x50];
	v38 =	vadd.f32 v7, v24  }
0x362: {  	v40 =	vld [tilespmem:s22+$0x60];
	v7 =	vadd.f32 v1, v8  }
0x363: {  	[tilespmem:s22+$0x0] =	vst v38;
	v1 =	vmul.f32 v11, v5;
	v8 =	vld [tilespmem:s23+$0x20]  }
0x364: {  	v11 =	vld [tilespmem:s4+$0x2810];
	[tilespmem:s23+$0x10] =	vst v7  }
0x365: {  	v48 =	vadd.f32 v14, v1;
	v1 =	vld [tilespmem:s0+$0x2820]  }
0x366: {  	[tilespmem:s21+$0x60] =	vst v50;
	v14 =	vld [tilespmem:s20+$0x430]  }
0x367: {  	v23 =	vld [tilespmem:s5+$0x2870];
	v26 =	vmul.f32 v26, v12;
	[tilespmem:s20+$0x420] =	vst v48  }
0x368: {  	v8 =	vmul.f32 v8, v15;
	v28 =	vld [tilespmem:s1+$0x2C30]  }
0x369: {  	v37 =	vld [tilespmem:s22+$0x70];
	v36 =	vadd.f32 v11, v26  }
0x36a: {  	v10 =	vmul.f32 v10, v19;
	v0 =	vld [tilespmem:s22+$0x400];
	v8 =	vadd.f32 v1, v8  }
0x36b: {  	v11 =	vld [tilespmem:s23+$0x30];
	[tilespmem:s22+$0x10] =	vst v36;
	v1 =	vmul.f32 v14, v5  }
0x36c: {  	v51 =	vadd.f32 v23, v10;
	v31 =	vld [tilespmem:s4+$0x2820];
	[tilespmem:s23+$0x20] =	vst v8  }
0x36d: {  	v14 =	vadd.f32 v28, v1;
	v1 =	vld [tilespmem:s0+$0x2830]  }
0x36e: {  	[tilespmem:s21+$0x70] =	vst v51;
	v28 =	vld [tilespmem:s20+$0x440]  }
0x36f: {  	v24 =	vld [tilespmem:s22+$0x30];
	[tilespmem:s20+$0x430] =	vst v14  }
0x370: {  	v10 =	vmul.f32 v27, v12;
	v23 =	vld [tilespmem:s1+$0x2C40];
	[tilespmem:$0x1F800] =	vst v0  }
0x371: {  	v11 =	vmul.f32 v11, v15;
	v0 =	vld [tilespmem:s22+$0x410]  }
0x372: {  	v10 =	vadd.f32 v31, v10;
	v27 =	vld [tilespmem:s23+$0x40]  }
0x373: {  	v31 =	vld [tilespmem:s5+$0x2C00];
	v11 =	vadd.f32 v1, v11;
	v1 =	vmul.f32 v28, v5  }
0x374: {  	v61 =	vld [tilespmem:s20+$0x450];
	[tilespmem:s22+$0x20] =	vst v10  }
0x375: {  	v32 =	vld [tilespmem:s4+$0x2830];
	[tilespmem:s23+$0x30] =	vst v11;
	v55 =	vadd.f32 v23, v1  }
0x376: {  	v23 =	vld [tilespmem:s0+$0x2840];
	[tilespmem:$0x1F810] =	vst v0  }
0x377: {  	v22 =	vmul.f32 v22, v19;
	v28 =	vmul.f32 v27, v15;
	[tilespmem:s20+$0x440] =	vst v55;
	v27 =	vld [tilespmem:s22+$0x420]  }
0x378: {  	v62 =	vld [tilespmem:s1+$0x2C50]  }
0x379: {  	v24 =	vmul.f32 v24, v12;
	v54 =	vadd.f32 v31, v22;
	v56 =	vld [tilespmem:s20+$0x470]  }
0x37a: {  	v22 =	vld [tilespmem:s20+$0x460]  }
0x37b: {  	v0 =	vld [tilespmem:s22+$0x430];
	v32 =	vadd.f32 v32, v24;
	v24 =	vmul.f32 v61, v5;
	[tilespmem:s21+$0x400] =	vst v54  }
0x37c: {  	v52 =	vld [tilespmem:s5+$0x2C10];
	v28 =	vadd.f32 v23, v28  }
0x37d: {  	v23 =	vld [tilespmem:s23+$0x50];
	[tilespmem:s22+$0x30] =	vst v32;
	v59 =	vadd.f32 v62, v24  }
0x37e: {  	v49 =	vld [tilespmem:s4+$0x2840];
	[tilespmem:s23+$0x40] =	vst v28  }
0x37f: {  	v31 =	vld [tilespmem:s0+$0x2850];
	[tilespmem:s20+$0x450] =	vst v59  }
0x380: {  	v57 =	vld [tilespmem:s1+$0x2C60];
	[tilespmem:$0x1F840] =	vst v0  }
0x381: {  	v0 =	vld [tilespmem:s22+$0x440];
	_ =	sdelay $0x4  }
0x382: {  	[tilespmem:$0x1F870] =	vst v0  }
0x383: {  	v0 =	vld [tilespmem:s22+$0x450];
	_ =	sdelay $0x4  }
0x384: {  	v58 =	vld [tilespmem:s23+$0x60];
	[tilespmem:$0x1F880] =	vst v0  }
0x385: {  	v63 =	vmul.f32 v23, v15;
	v0 =	vld [tilespmem:s22+$0x460];
	_ =	sdelay $0x1  }
0x386: {  	v31 =	vadd.f32 v31, v63  }
0x387: {  	v53 =	vmul.f32 v22, v5  }
0x388: {  	[tilespmem:s23+$0x50] =	vst v31  }
0x389: {  	v61 =	vadd.f32 v57, v53;
	v57 =	vld [tilespmem:s0+$0x2860];
	[tilespmem:$0x1F8A0] =	vst v0  }
0x38a: {  	v0 =	vld [tilespmem:s22+$0x470];
	_ =	sdelay $0x2  }
0x38b: {  	v33 =	vmul.f32 v33, v12  }
0x38c: {  	v60 =	vmul.f32 v20, v19  }
0x38d: {  	s2 =	sadd.s32 $0x2, s14;
	s3 =	simm.s32 $0x4;
	v53 =	vadd.f32 v49, v33;
	v49 =	vmul.f32 v58, v15;
	v58 =	vadd.f32 $0.0e+00, v41;
	[tilespmem:$0x1F930] =	vst v0  }
0x38e: {  	s13 =	smulhi.u32 $0x51EB851F, s2;
	s14 =	sand.u32 $0x70, s3;
	v52 =	vadd.f32 v52, v60;
	v41 =	vmul.f32 v41, v41;
	v3 =	vld [tilespmem:s23+$0x70]  }
0x38f: {  	v60 =	vadd.f32 v44, v58;
	v44 =	vmul.f32 v44, v44;
	[tilespmem:s20+$0x460] =	vst v61;
	v6 =	vld.idx.msk [tilespmem:v4+s14+$0x0 ss:$0x1], $0xffff  }
0x390: {  	s15 =	sshrl.u32 s13, $0x6;
	[tilespmem:s22+$0x40] =	vst v53;
	v63 =	vld [tilespmem:s1+$0x2C70]  }
0x391: {  	s7 =	smul.u32 $0xC800, s15;
	v1 =	vmul.f32 v29, v29;
	v58 =	vadd.f32 v44, v41;
	v33 =	vadd.f32 v57, v49;
	[tilespmem:s21+$0x410] =	vst v52;
	v62 =	vld [tilespmem:s4+$0x2850]  }
0x392: {  	s9 =	smov.u32 s30;
	s12 =	simm.s32 $0x280;
	s16 =	smul.u32 $0x6400, s15;
	v44 =	vadd.f32 $0.0e+00, v29;
	v29 =	vmul.f32 v50, v50;
	v57 =	vadd.f32 $0.0e+00, v42;
	v49 =	vld [tilespmem:s5+$0x2C20];
	[tilespmem:$0x1FA60] =	vst v4  }
0x393: {  	s11 =	simm.s32 $0x5;
	s25 =	sand.u32 $0x380, s12;
	s17 =	simm.s32 $0x400;
	v42 =	vmul.f32 v42, v42;
	v0 =	vmul.f32 v45, v45;
	[tilespmem:s23+$0x60] =	vst v33  }
0x394: {  	s18 =	sand.u32 $0x7800, s17;
	v57 =	vadd.f32 v45, v57;
	s1 =	sadd.s32 $0x200, s19;
	s19 =	ssub.s32 s30, s16;
	v45 =	vld [tilespmem:s0+$0x2870]  }
0x395: {  	s6 =	sadd.s32 $0x19200, s18;
	v20 =	vadd.f32 v29, v1;
	v1 =	vmul.f32 v13, v13;
	v41 =	vadd.f32 v0, v42;
	s24 =	ssub.s32 s1, s7;
	s10 =	sadd.s32 $0x200, s19  }
0x396: {  	v42 =	vadd.f32 v50, v44;
	v44 =	vadd.f32 $0.0e+00, v25;
	v25 =	vmul.f32 v25, v25;
	s30 =	sadd.s32 s25, s6;
	s26 =	sadd.s32 $0x5100, s24;
	s31 =	sadd.s32 $0x2880, s10  }
0x397: {  	v23 =	vmovc v4;
	v0 =	vmul.f32 v51, v51;
	v50 =	vmov s11;
	v4 =	vld [tilespmem:s30+$0x0];
	s7 =	sand.u32 $0xF800, s26;
	s13 =	sand.u32 $0x380, s31;
	v3 =	vmul.f32 v3, v15  }
0x398: {  	v13 =	vadd.f32 $0.0e+00, v13;
	v2 =	vld [tilespmem:s23+$0x400];
	v29 =	vadd.f32 v51, v44;
	v50 =	vperm.xlane v6, v50;
	s7 =	sor.u32 s13, s7  }
0x399: {  	v24 =	vimm.f32 $1.000000000e+00;
	v44 =	vadd.f32 v0, v25;
	v45 =	vadd.f32 v45, v3;
	v3 =	vld [tilespmem:s7+$0x2800]  }
0x39a: {  	v51 =	vmul.f32 v30, v30;
	v0 =	vmul.f32 v34, v34;
	vm1 =	veq.s32 v50, $0x0  }
0x39b: {  	v50 =	vadd.f32 $0.0e+00, v9;
	v9 =	vmul.f32 v9, v9;
	v25 =	vsel vm1, $0x0, v24  }
0x39c: {  	v13 =	vadd.f32 v30, v13;
	v1 =	vadd.f32 v51, v1;
	v4 =	vmul.f32 v25, v4;
	[tilespmem:s23+$0x70] =	vst v45  }
0x39d: {  	v34 =	vadd.f32 v34, v50;
	v0 =	vadd.f32 v0, v9;
	v9 =	vld [tilespmem:s0+$0x2C00]  }
0x39e: {  	v2 =	vmul.f32 v2, v15;
	v30 =	vadd.f32 v4, v3;
	v3 =	vadd.f32 $0.0e+00, v16  }
0x39f: {  	v51 =	vld [tilespmem:s30+$0x10];
	v50 =	vmul.f32 v35, v35;
	v4 =	vmul.f32 v16, v16;
	v16 =	vadd.f32 $0.0e+00, v18  }
0x3a0: {  	v18 =	vmul.f32 v18, v18;
	v3 =	vadd.f32 v35, v3;
	v35 =	vmul.f32 v39, v39  }
0x3a1: {  	v13 =	vadd.f32 v43, v13;
	v4 =	vadd.f32 v50, v4;
	[tilespmem:s30+$0x0] =	vst v30;
	v50 =	vmul.f32 v43, v43  }
0x3a2: {  	v2 =	vadd.f32 v9, v2;
	v18 =	vadd.f32 v35, v18;
	v35 =	vld [tilespmem:s7+$0x2810]  }
0x3a3: {  	v5 =	vmul.f32 v56, v5;
	v9 =	vmul.f32 v47, v47;
	v1 =	vadd.f32 v50, v1;
	v50 =	vld [tilespmem:s23+$0x410]  }
0x3a4: {  	v13 =	vadd.f32 v55, v13;
	v51 =	vmul.f32 v51, v25;
	v16 =	vadd.f32 v39, v16;
	[tilespmem:s23+$0x400] =	vst v2  }
0x3a5: {  	v39 =	vmul.f32 v48, v48;
	v3 =	vadd.f32 v48, v3;
	v0 =	vadd.f32 v9, v0;
	v48 =	vld [tilespmem:s0+$0x2C10]  }
0x3a6: {  	v9 =	vmul.f32 v14, v14;
	v14 =	vadd.f32 v14, v16;
	v16 =	vmul.f32 v55, v55  }
0x3a7: {  	v22 =	vadd.f32 v63, v5;
	v47 =	vadd.f32 v47, v34  }
0x3a8: {  	v1 =	vadd.f32 v16, v1;
	v34 =	vadd.f32 v35, v51;
	v16 =	vmul.f32 v50, v15  }
0x3a9: {  	s14 =	simm.s32 $0x200;
	v4 =	vadd.f32 v39, v4;
	v9 =	vadd.f32 v9, v18;
	v18 =	vmul.f32 v59, v59;
	v50 =	vld [tilespmem:s30+$0x20]  }
0x3aa: {  	s11 =	sand.u32 $0x300, s14;
	v63 =	vld [tilespmem:s23+$0x420];
	v5 =	vadd.f32 v59, v47;
	[tilespmem:s30+$0x10] =	vst v34;
	v56 =	vadd.f32 v48, v16  }
0x3ab: {  	s31 =	sadd.s32 s11, s6;
	v3 =	vadd.f32 v61, v3;
	v51 =	vmul.f32 v61, v61;
	v18 =	vadd.f32 v18, v0;
	v0 =	vld [tilespmem:s7+$0x2820];
	[tilespmem:$0x1FCA0] =	vst v22  }
0x3ac: {  	s3 =	sand.u32 $0xE, s3;
	s15 =	sadd.s32 $0x5000, s24;
	s16 =	sadd.s32 $0x2800, s10;
	v14 =	vadd.f32 v22, v14;
	v5 =	vadd.f32 v5, v13;
	v13 =	vld [tilespmem:s31+$0x0];
	[tilespmem:s23+$0x410] =	vst v56  }
0x3ad: {  	s17 =	sand.u32 $0xF800, s15;
	s18 =	sand.u32 $0x300, s16;
	v16 =	vmul.f32 v46, v12;
	v4 =	vadd.f32 v51, v4;
	v48 =	vmov s3;
	v51 =	vld [tilespmem:s0+$0x2C20]  }
0x3ae: {  	s3 =	sor.u32 s18, s17;
	v6 =	vperm.xlane v6, v48;
	v50 =	vmul.f32 v50, v25  }
0x3af: {  	v3 =	vadd.f32 v14, v3;
	v14 =	vmul.f32 v22, v22;
	v16 =	vadd.f32 v62, v16;
	v43 =	vld [tilespmem:s3+$0x2800]  }
0x3b0: {  	v59 =	vld [tilespmem:s30+$0x30];
	vm1 =	veq.s32 v6, $0x0;
	v6 =	vmul.f32 v63, v15;
	v22 =	vadd.f32 v0, v50  }
0x3b1: {  	v9 =	vadd.f32 v14, v9;
	v62 =	vld [tilespmem:s23+$0x430];
	[tilespmem:s22+$0x50] =	vst v16;
	v63 =	vsel vm1, $0x0, v24  }
0x3b2: {  	v1 =	vadd.f32 v18, v1;
	v18 =	vld [tilespmem:s4+$0x2860];
	v13 =	vmul.f32 v63, v13;
	[tilespmem:s30+$0x20] =	vst v22;
	v14 =	vadd.f32 v51, v6  }
0x3b3: {  	v6 =	vld [tilespmem:s7+$0x2830]  }
0x3b4: {  	v46 =	vld [tilespmem:s31+$0x10];
	v48 =	vadd.f32 v13, v43;
	[tilespmem:s23+$0x420] =	vst v14  }
0x3b5: {  	v55 =	vmul.f32 v54, v54;
	v61 =	vadd.f32 $0.0e+00, v38;
	v38 =	vmul.f32 v38, v38;
	v26 =	vld [tilespmem:$0x1FFE0]  }
0x3b6: {  	v4 =	vadd.f32 v9, v4;
	v9 =	vmul.f32 v40, v12;
	v39 =	vmul.f32 v59, v25;
	v13 =	vld [tilespmem:s0+$0x2C30];
	[tilespmem:s31+$0x0] =	vst v48  }
0x3b7: {  	v3 =	vadd.f32 v3, v5;
	v5 =	vadd.f32 v55, v58;
	v58 =	vmul.f32 v53, v53;
	v43 =	vld [tilespmem:s3+$0x2810]  }
0x3b8: {  	v18 =	vadd.f32 v18, v9;
	v9 =	vadd.f32 v6, v39;
	v6 =	vmul.f32 v52, v52  }
0x3b9: {  	v35 =	vadd.f32 v54, v60;
	v59 =	vmul.f32 v62, v15  }
0x3ba: {  	v55 =	vadd.f32 v58, v38;
	[tilespmem:s22+$0x60] =	vst v18;
	v38 =	vadd.f32 v6, v41;
	v6 =	vmul.f32 v46, v63  }
0x3bb: {  	v40 =	vadd.f32 v52, v57;
	v60 =	vld [tilespmem:$0x1FFF0];
	v57 =	vadd.f32 v13, v59  }
0x3bc: {  	v1 =	vadd.f32 v4, v1;
	v4 =	vperm.xlane v3, v26;
	[tilespmem:s30+$0x30] =	vst v9;
	v47 =	vadd.f32 v43, v6  }
0x3bd: {  	[tilespmem:s23+$0x430] =	vst v57  }
0x3be: {  	v54 =	vadd.f32 v53, v61;
	v53 =	vld [tilespmem:s30+$0x40];
	v3 =	vadd.f32 v3, v4;
	[tilespmem:s31+$0x10] =	vst v47  }
0x3bf: {  	v61 =	vld [tilespmem:$0x1FFC0]  }
0x3c0: {  	v13 =	vld [tilespmem:s7+$0x2840];
	v62 =	vperm.xlane v3, v60  }
0x3c1: {  	v46 =	vld [tilespmem:s23+$0x440];
	v4 =	vperm.xlane v1, v26  }
0x3c2: {  	v21 =	vmul.f32 v21, v19;
	v39 =	vld [tilespmem:s0+$0x2C40];
	v3 =	vadd.f32 v3, v62  }
0x3c3: {  	v53 =	vmul.f32 v53, v25;
	v52 =	vadd.f32 $0.0e+00, v36;
	v1 =	vadd.f32 v4, v1;
	v4 =	vld [tilespmem:s4+$0x2870]  }
0x3c4: {  	v21 =	vadd.f32 v49, v21;
	v36 =	vmul.f32 v36, v36;
	v58 =	vperm.xlane v3, v61  }
0x3c5: {  	v49 =	vadd.f32 v16, v52;
	v16 =	vmul.f32 v16, v16;
	v41 =	vadd.f32 v13, v53  }
0x3c6: {  	[tilespmem:s21+$0x420] =	vst v21;
	v13 =	vmul.f32 v37, v12;
	v50 =	vadd.f32 v3, v58;
	v3 =	vmul.f32 v46, v15  }
0x3c7: {  	v37 =	vadd.f32 v16, v36;
	[tilespmem:s30+$0x40] =	vst v41  }
0x3c8: {  	v51 =	vperm.xlane v1, v60;
	v4 =	vadd.f32 v4, v13;
	v36 =	vadd.f32 v39, v3;
	v3 =	vld [tilespmem:$0x1FFD0]  }
0x3c9: {  	v6 =	vld [tilespmem:s31+$0x20]  }
0x3ca: {  	v62 =	vld [tilespmem:s3+$0x2820];
	v1 =	vadd.f32 v51, v1;
	[tilespmem:s22+$0x70] =	vst v4  }
0x3cb: {  	v16 =	vld [tilespmem:s30+$0x50];
	[tilespmem:s23+$0x440] =	vst v36  }
0x3cc: {  	v59 =	vperm.xlane v1, v61;
	v0 =	vld [tilespmem:$0x1F7F0]  }
0x3cd: {  	v52 =	vperm.xlane v50, v3  }
0x3ce: {  	v24 =	vadd.f32 v21, v42;
	v21 =	vmul.f32 v21, v21;
	v1 =	vadd.f32 v59, v1;
	v46 =	vld [tilespmem:s7+$0x2850]  }
0x3cf: {  	v6 =	vmul.f32 v6, v63;
	v50 =	vadd.f32 v50, v52  }
0x3d0: {  	v43 =	vadd.f32 v21, v20;
	v13 =	vld [tilespmem:s5+$0x2C30];
	v16 =	vmul.f32 v16, v25;
	v53 =	vperm.xlane v1, v3  }
0x3d1: {  	v58 =	vld [tilespmem:s31+$0x30];
	v39 =	vadd.f32 v62, v6;
	v21 =	vmul.f32 v0, v19;
	v0 =	vmul.f32 $3.906250000e-03, v50  }
0x3d2: {  	v6 =	vld [tilespmem:s23+$0x450];
	v1 =	vadd.f32 v53, v1;
	v50 =	vadd.f32 $0.0e+00, v10  }
0x3d3: {  	v20 =	vld [tilespmem:s4+$0x2C00];
	v42 =	vadd.f32 v46, v16;
	v16 =	vmul.f32 v18, v18;
	v10 =	vmul.f32 v10, v10;
	[tilespmem:$0x1FCC0] =	vst v0  }
0x3d4: {  	v1 =	vmul.f32 $3.906250000e-03, v1;
	v53 =	vadd.f32 v18, v50;
	v18 =	vmul.f32 v0, v0;
	v62 =	vld [tilespmem:s0+$0x2C50]  }
0x3d5: {  	v50 =	vld [tilespmem:s30+$0x60]  }
0x3d6: {  	v52 =	vadd.f32 v16, v10;
	[tilespmem:s31+$0x20] =	vst v39;
	v16 =	vld [tilespmem:s23+$0x460];
	v0 =	vsub.f32 v1, v18  }
0x3d7: {  	[tilespmem:s30+$0x50] =	vst v42;
	v59 =	vld [tilespmem:s3+$0x2830]  }
0x3d8: {  	[tilespmem:$0x1F9A0] =	vst v0;
	v0 =	vld [tilespmem:$0x1F800]  }
0x3d9: {  	v6 =	vmul.f32 v6, v15;
	v13 =	vadd.f32 v13, v21;
	_ =	sdelay $0x1  }
0x3da: {  	v1 =	vadd.f32 $0.0e+00, v32;
	v51 =	vadd.f32 v62, v6;
	v6 =	vmul.f32 v13, v13  }
0x3db: {  	v21 =	vmul.f32 v32, v32  }
0x3dc: {  	v10 =	vadd.f32 v4, v1;
	v32 =	vld [tilespmem:s7+$0x2860];
	v1 =	vmul.f32 v0, v12;
	v0 =	vadd.f32 v6, v44  }
0x3dd: {  	v62 =	vmul.f32 v4, v4  }
0x3de: {  	v4 =	vmul.f32 v58, v63;
	[tilespmem:$0x1F890] =	vst v0  }
0x3df: {  	v46 =	vadd.f32 v62, v21;
	v6 =	vmul.f32 v50, v25;
	[tilespmem:s23+$0x450] =	vst v51;
	v21 =	vld [tilespmem:s23+$0x470]  }
0x3e0: {  	v62 =	vmul.f32 v28, v28;
	v50 =	vadd.f32 v59, v4;
	v4 =	vld [tilespmem:s0+$0x2C60]  }
0x3e1: {  	v44 =	vadd.f32 v32, v6;
	v6 =	vmul.f32 v16, v15;
	v16 =	vadd.f32 $0.0e+00, v17  }
0x3e2: {  	v1 =	vadd.f32 v20, v1;
	v17 =	vmul.f32 v17, v17;
	v20 =	vadd.f32 $0.0e+00, v7  }
0x3e3: {  	v7 =	vmul.f32 v7, v7;
	v58 =	vld [tilespmem:s30+$0x70];
	v16 =	vadd.f32 v28, v16;
	v28 =	vmul.f32 v31, v31  }
0x3e4: {  	v17 =	vadd.f32 v62, v17;
	[tilespmem:s30+$0x60] =	vst v44  }
0x3e5: {  	v15 =	vmul.f32 v21, v15;
	v4 =	vadd.f32 v4, v6;
	v6 =	vadd.f32 v28, v7;
	v7 =	vld [tilespmem:s7+$0x2870]  }
0x3e6: {  	v21 =	vadd.f32 $0.0e+00, v8;
	v8 =	vmul.f32 v8, v8;
	v28 =	vmul.f32 v33, v33  }
0x3e7: {  	v59 =	vmul.f32 v2, v2;
	v20 =	vadd.f32 v31, v20;
	v31 =	vadd.f32 $0.0e+00, v11  }
0x3e8: {  	v11 =	vmul.f32 v11, v11;
	v8 =	vadd.f32 v28, v8;
	v28 =	vmul.f32 v58, v25  }
0x3e9: {  	v32 =	vld [tilespmem:s31+$0x40];
	v62 =	vmul.f32 v45, v45;
	v31 =	vadd.f32 v45, v31;
	v2 =	vadd.f32 v2, v16;
	[tilespmem:s23+$0x460] =	vst v4  }
0x3ea: {  	v21 =	vadd.f32 v33, v21;
	v16 =	vld [tilespmem:s0+$0x2C70];
	v45 =	vadd.f32 v7, v28;
	v7 =	vmul.f32 v56, v56  }
0x3eb: {  	v11 =	vadd.f32 v62, v11;
	v33 =	vld [tilespmem:s30+$0x400];
	s0 =	simm.s32 $0x6;
	v28 =	vmul.f32 v14, v14  }
0x3ec: {  	s19 =	sand.u32 $0x70, s0;
	v14 =	vadd.f32 v14, v21;
	v21 =	vld [tilespmem:s31+$0x50];
	v7 =	vadd.f32 v7, v6;
	[tilespmem:s30+$0x70] =	vst v45  }
0x3ed: {  	v6 =	vmul.f32 v57, v57;
	v8 =	vadd.f32 v28, v8;
	v28 =	vadd.f32 v57, v31;
	v57 =	vld.idx.msk [tilespmem:v23+s19+$0x0 ss:$0x1], $0xffff  }
0x3ee: {  	s25 =	simm.s32 $0x600;
	v17 =	vadd.f32 v59, v17;
	v20 =	vadd.f32 v56, v20;
	v31 =	vmul.f32 v36, v36;
	v56 =	vld [tilespmem:s7+$0x2C00]  }
0x3ef: {  	s11 =	sadd.s32 $0x200, s1;
	s1 =	sand.u32 $0x7800, s25;
	s13 =	simm.s32 $0x380;
	[tilespmem:s31+$0x30] =	vst v50;
	v0 =	vadd.f32 v16, v15;
	v15 =	vmul.f32 v4, v4;
	v11 =	vadd.f32 v6, v11;
	v6 =	vld [tilespmem:s31+$0x60]  }
0x3f0: {  	s10 =	sadd.s32 $0x19200, s1;
	s1 =	sand.u32 $0x380, s13;
	[tilespmem:s22+$0x400] =	vst v1;
	v17 =	vadd.f32 v31, v17;
	v31 =	vld [tilespmem:s3+$0x2840]  }
0x3f1: {  	s1 =	sadd.s32 s1, s10;
	v4 =	vadd.f32 v4, v14;
	v14 =	vadd.f32 v15, v8;
	v15 =	vld [tilespmem:s4+$0x2C10]  }
0x3f2: {  	s8 =	sadd.s32 $0x2, s2;
	v8 =	vadd.f32 v13, v29;
	v29 =	vld [tilespmem:s1+$0x0];
	[tilespmem:$0x1FCB0] =	vst v0  }
0x3f3: {  	s2 =	smulhi.u32 $0x51EB851F, s8;
	[tilespmem:s21+$0x430] =	vst v13  }
0x3f4: {  	v13 =	vld [tilespmem:$0x1F810]  }
0x3f5: {  	s2 =	sshrl.u32 s2, $0x6;
	v16 =	vadd.f32 v51, v20;
	v20 =	vmul.f32 v33, v25  }
0x3f6: {  	s24 =	smul.u32 $0x6400, s2;
	v32 =	vmul.f32 v32, v63  }
0x3f7: {  	s26 =	smul.u32 $0xC800, s2;
	v56 =	vadd.f32 v56, v20  }
0x3f8: {  	s2 =	ssub.s32 s9, s24;
	v31 =	vadd.f32 v31, v32  }
0x3f9: {  	s15 =	ssub.s32 s11, s26;
	s16 =	sadd.s32 $0x300, s2;
	[tilespmem:s30+$0x400] =	vst v56;
	v13 =	vmul.f32 v13, v12  }
0x3fa: {  	s14 =	simm.s32 $0x7;
	s18 =	sadd.s32 $0x5100, s15;
	s17 =	sadd.s32 $0x2880, s16;
	v62 =	vmul.f32 v51, v51;
	v2 =	vadd.f32 v36, v2;
	[tilespmem:s31+$0x40] =	vst v31  }
0x3fb: {  	s6 =	sand.u32 $0xF800, s18;
	s17 =	sand.u32 $0x380, s17;
	v28 =	vadd.f32 v0, v28;
	v20 =	vmov s14;
	v13 =	vadd.f32 v15, v13;
	v15 =	vld [tilespmem:$0x1F820]  }
0x3fc: {  	s6 =	sor.u32 s17, s6;
	v7 =	vadd.f32 v62, v7;
	v20 =	vperm.xlane v57, v20  }
0x3fd: {  	v2 =	vadd.f32 v16, v2;
	v51 =	vld [tilespmem:s6+$0x2800];
	v4 =	vadd.f32 v28, v4  }
0x3fe: {  	v16 =	vmul.f32 v0, v0;
	v0 =	vimm.f32 $1.000000000e+00;
	vm1 =	veq.s32 v20, $0x0  }
0x3ff: {  	v33 =	vld [tilespmem:s30+$0x410];
	v7 =	vadd.f32 v7, v17;
	v2 =	vadd.f32 v4, v2;
	v28 =	vsel vm1, $0x0, v0  }
0x400: {  	v58 =	vld [tilespmem:s31+$0x70];
	v4 =	vmul.f32 v28, v29;
	v17 =	vmul.f32 v15, v19;
	v15 =	vadd.f32 v1, v54  }
0x401: {  	v20 =	vld [tilespmem:s5+$0x2C40];
	v1 =	vmul.f32 v1, v1  }
0x402: {  	v11 =	vadd.f32 v16, v11;
	v16 =	vld [tilespmem:s7+$0x2C10];
	[tilespmem:$0x1F8E0] =	vst v15;
	v15 =	vadd.f32 v4, v51  }
0x403: {  	v1 =	vadd.f32 v1, v55;
	[tilespmem:s22+$0x410] =	vst v13  }
0x404: {  	v11 =	vadd.f32 v11, v14;
	v62 =	vld [tilespmem:s3+$0x2850];
	[tilespmem:$0x1F900] =	vst v15  }
0x405: {  	v4 =	vmul.f32 v33, v25;
	v54 =	vld [tilespmem:s4+$0x2C20];
	[tilespmem:$0x1F8F0] =	vst v1  }
0x406: {  	s0 =	sand.u32 $0xE, s0;
	s19 =	simm.s32 $0x300;
	v7 =	vadd.f32 v11, v7;
	v14 =	vadd.f32 v20, v17;
	v1 =	vperm.xlane v2, v26;
	v17 =	vld [tilespmem:s1+$0x10]  }
0x407: {  	s24 =	sand.u32 $0x300, s19;
	v20 =	vadd.f32 $0.0e+00, v48;
	v59 =	vadd.f32 v16, v4;
	v4 =	vmov s0;
	[tilespmem:s1+$0x0] =	vst v15;
	v11 =	vld [tilespmem:s30+$0x420]  }
0x408: {  	s2 =	sadd.s32 s24, s10;
	v4 =	vperm.xlane v57, v4;
	v1 =	vadd.f32 v2, v1;
	v2 =	vmul.f32 v21, v63;
	v16 =	vld [tilespmem:s6+$0x2810]  }
0x409: {  	s25 =	sadd.s32 $0x5000, s15;
	s26 =	sadd.s32 $0x2800, s16;
	v55 =	vmul.f32 v31, v31;
	v51 =	vadd.f32 v31, v20;
	[tilespmem:s21+$0x440] =	vst v14;
	v21 =	vmul.f32 v48, v48;
	v48 =	vld [tilespmem:s2+$0x0]  }
0x40a: {  	s10 =	sand.u32 $0x300, s26;
	s0 =	sand.u32 $0xF800, s25;
	[tilespmem:s30+$0x410] =	vst v59;
	v20 =	vld [tilespmem:s5+$0x2C50];
	vm1 =	veq.s32 v4, $0x0;
	v32 =	vadd.f32 v62, v2;
	v2 =	vperm.xlane v7, v26  }
0x40b: {  	v33 =	vmovc v60;
	s14 =	sor.u32 s10, s0;
	v4 =	vadd.f32 v13, v49;
	v57 =	vperm.xlane v1, v60;
	v60 =	vld [tilespmem:s7+$0x2C20];
	v17 =	vmul.f32 v17, v28  }
0x40c: {  	v13 =	vmul.f32 v13, v13;
	v55 =	vadd.f32 v55, v21;
	v21 =	vld [tilespmem:s14+$0x2800];
	[tilespmem:s31+$0x50] =	vst v32  }
0x40d: {  	v7 =	vadd.f32 v2, v7;
	v2 =	vmul.f32 v11, v25;
	v11 =	vld [tilespmem:s3+$0x2860];
	[tilespmem:$0x1F8B0] =	vst v4;
	v36 =	vadd.f32 v16, v17  }
0x40e: {  	v16 =	vmul.f32 v27, v12;
	v17 =	vsel vm1, $0x0, v0;
	v27 =	vld [tilespmem:s1+$0x20];
	v0 =	vadd.f32 v13, v37  }
0x40f: {  	v1 =	vadd.f32 v1, v57;
	v57 =	vld [tilespmem:s30+$0x430];
	[tilespmem:s1+$0x10] =	vst v36  }
0x410: {  	[tilespmem:$0x1F8C0] =	vst v0;
	v0 =	vld [tilespmem:$0x1F830]  }
0x411: {  	v13 =	vadd.f32 v54, v16;
	v54 =	vld [tilespmem:s6+$0x2820];
	_ =	sdelay $0x1  }
0x412: {  	v60 =	vadd.f32 v60, v2;
	v31 =	vmul.f32 v17, v48  }
0x413: {  	v27 =	vmul.f32 v27, v28  }
0x414: {  	v49 =	vadd.f32 v31, v21;
	[tilespmem:s30+$0x420] =	vst v60;
	v16 =	vmul.f32 v0, v19  }
0x415: {  	v62 =	vperm.xlane v7, v33;
	v31 =	vld [tilespmem:s2+$0x10];
	[tilespmem:s22+$0x420] =	vst v13;
	v37 =	vadd.f32 v54, v27  }
0x416: {  	v18 =	vmov v61;
	v21 =	vperm.xlane v1, v61;
	v61 =	vld [tilespmem:s7+$0x2C30];
	[tilespmem:s2+$0x0] =	vst v49;
	v20 =	vadd.f32 v20, v16  }
0x417: {  	v7 =	vadd.f32 v62, v7;
	v62 =	vld [tilespmem:s14+$0x2810];
	v16 =	vadd.f32 $0.0e+00, v47;
	[tilespmem:s1+$0x20] =	vst v37  }
0x418: {  	v1 =	vadd.f32 v1, v21;
	v21 =	vmul.f32 v47, v47;
	v47 =	vld [tilespmem:s4+$0x2C30];
	[tilespmem:s21+$0x450] =	vst v20  }
0x419: {  	v27 =	vmul.f32 v57, v25;
	v48 =	vadd.f32 v32, v16;
	v16 =	vmul.f32 v32, v32;
	v2 =	vld [tilespmem:$0x1F840]  }
0x41a: {  	v6 =	vmul.f32 v6, v63;
	v0 =	vadd.f32 v13, v53;
	v57 =	vld [tilespmem:s5+$0x2C60]  }
0x41b: {  	v13 =	vmul.f32 v13, v13;
	v54 =	vadd.f32 v16, v21;
	v16 =	vld [tilespmem:s1+$0x30];
	v21 =	vadd.f32 v61, v27  }
0x41c: {  	v11 =	vadd.f32 v11, v6;
	v6 =	vmul.f32 v31, v17;
	v31 =	vperm.xlane v1, v3;
	v27 =	vld [tilespmem:s30+$0x440];
	[tilespmem:$0x1F920] =	vst v0  }
0x41d: {  	v32 =	vperm.xlane v7, v18;
	v0 =	vld [tilespmem:s6+$0x2830];
	[tilespmem:s30+$0x430] =	vst v21  }
0x41e: {  	v23 =	vmul.f32 v2, v12;
	v2 =	vadd.f32 v13, v52;
	v13 =	vadd.f32 v1, v31;
	v1 =	vld [tilespmem:$0x1F850];
	_ =	sdelay $0x1  }
0x41f: {  	v7 =	vadd.f32 v32, v7  }
0x420: {  	v53 =	vadd.f32 v62, v6;
	v62 =	vld [tilespmem:s2+$0x20];
	v16 =	vmul.f32 v16, v28;
	[tilespmem:$0x1F8D0] =	vst v2  }
0x421: {  	v61 =	vperm.xlane v7, v3;
	[tilespmem:s31+$0x60] =	vst v11;
	v31 =	vld [tilespmem:s7+$0x2C40]  }
0x422: {  	v52 =	vadd.f32 v47, v23;
	v2 =	vadd.f32 v0, v16;
	v23 =	vld [tilespmem:s3+$0x2870];
	v1 =	vmul.f32 v1, v19  }
0x423: {  	v7 =	vadd.f32 v61, v7;
	[tilespmem:s2+$0x10] =	vst v53  }
0x424: {  	v0 =	vmul.f32 v58, v63;
	v16 =	vmul.f32 v27, v25;
	v61 =	vadd.f32 v57, v1;
	v57 =	vld [tilespmem:s14+$0x2820];
	[tilespmem:$0x1F910] =	vst v2  }
0x425: {  	v32 =	vadd.f32 $0.0e+00, v39;
	v27 =	vmul.f32 v39, v39;
	v1 =	vmul.f32 $3.906250000e-03, v13;
	v39 =	vld [tilespmem:s1+$0x40]  }
0x426: {  	v29 =	vmov v3;
	v7 =	vmul.f32 $3.906250000e-03, v7  }
0x427: {  	v47 =	vadd.f32 v31, v16;
	[tilespmem:$0x1FD50] =	vst v1;
	v0 =	vadd.f32 v23, v0;
	v16 =	vmul.f32 v1, v1  }
0x428: {  	v58 =	vadd.f32 v11, v32;
	v11 =	vmul.f32 v11, v11;
	v13 =	vmul.f32 v62, v17;
	[tilespmem:s1+$0x30] =	vst v2;
	v62 =	vld [tilespmem:s30+$0x450]  }
0x429: {  	v32 =	vmul.f32 v50, v50;
	[tilespmem:s30+$0x440] =	vst v47;
	v23 =	vld [tilespmem:s6+$0x2840];
	v1 =	vmul.f32 v0, v0;
	v3 =	vsub.f32 v7, v16  }
0x42a: {  	v31 =	vadd.f32 v11, v27;
	v2 =	vld [tilespmem:s7+$0x2C50];
	v7 =	vmul.f32 v39, v28;
	v39 =	vmul.f32 v52, v52  }
0x42b: {  	v27 =	vadd.f32 $0.0e+00, v50;
	v11 =	vadd.f32 v57, v13;
	v13 =	vld [tilespmem:s31+$0x400];
	[tilespmem:$0x1F9D0] =	vst v3  }
0x42c: {  	v32 =	vadd.f32 v1, v32;
	[tilespmem:s31+$0x70] =	vst v0;
	v1 =	vadd.f32 v39, v46  }
0x42d: {  	v3 =	vld [tilespmem:s2+$0x30];
	[tilespmem:s2+$0x20] =	vst v11  }
0x42e: {  	v50 =	vadd.f32 v0, v27;
	v0 =	vld [tilespmem:s3+$0x2C00];
	[tilespmem:$0x1F940] =	vst v1  }
0x42f: {  	v16 =	vadd.f32 v23, v7;
	v1 =	vmul.f32 v62, v25;
	v23 =	vld [tilespmem:s14+$0x2830]  }
0x430: {  	v39 =	vadd.f32 v20, v40;
	v20 =	vmul.f32 v20, v20;
	v62 =	vmul.f32 v61, v61;
	v46 =	vld [tilespmem:s1+$0x50]  }
0x431: {  	[tilespmem:s1+$0x40] =	vst v16;
	v57 =	vld [tilespmem:s30+$0x460];
	v1 =	vadd.f32 v2, v1;
	v2 =	vadd.f32 v14, v35  }
0x432: {  	v20 =	vadd.f32 v20, v38;
	v35 =	vadd.f32 v62, v43;
	v62 =	vld [tilespmem:s6+$0x2850]  }
0x433: {  	v3 =	vmul.f32 v3, v17;
	v38 =	vadd.f32 v39, v2;
	v2 =	vmul.f32 v13, v63;
	[tilespmem:s30+$0x450] =	vst v1  }
0x434: {  	v14 =	vmul.f32 v14, v14;
	v13 =	vld [tilespmem:s7+$0x2C60]  }
0x435: {  	v0 =	vadd.f32 v0, v2;
	v23 =	vadd.f32 v23, v3;
	v2 =	vmul.f32 v46, v28;
	v3 =	vld [tilespmem:s30+$0x470]  }
0x436: {  	v14 =	vadd.f32 v14, v5;
	v5 =	vadd.f32 $0.0e+00, v30  }
0x437: {  	v15 =	vadd.f32 v62, v2;
	v2 =	vmul.f32 v57, v25  }
0x438: {  	v39 =	vadd.f32 v41, v5  }
0x439: {  	v30 =	vmul.f32 v30, v30;
	v46 =	vadd.f32 $0.0e+00, v34;
	v2 =	vadd.f32 v13, v2  }
0x43a: {  	v41 =	vmul.f32 v41, v41;
	v3 =	vmul.f32 v3, v25;
	v25 =	vadd.f32 $0.0e+00, v22  }
0x43b: {  	v34 =	vmul.f32 v34, v34;
	v57 =	vmul.f32 v42, v42;
	v40 =	vadd.f32 v42, v46;
	[tilespmem:s30+$0x460] =	vst v2  }
0x43c: {  	v62 =	vadd.f32 $0.0e+00, v9;
	v46 =	vmul.f32 v44, v44;
	v25 =	vadd.f32 v44, v25;
	v44 =	vld [tilespmem:s7+$0x2C70]  }
0x43d: {  	v30 =	vadd.f32 v41, v30;
	v9 =	vmul.f32 v9, v9;
	v13 =	vadd.f32 v57, v34  }
0x43e: {  	v43 =	vld [tilespmem:s1+$0x60];
	v57 =	vmul.f32 v45, v45;
	v34 =	vadd.f32 v45, v62;
	v62 =	vmul.f32 v56, v56  }
0x43f: {  	[tilespmem:s1+$0x50] =	vst v15;
	v22 =	vmul.f32 v22, v22  }
0x440: {  	v9 =	vadd.f32 v57, v9;
	v57 =	vmul.f32 v59, v59;
	v30 =	vadd.f32 v62, v30;
	v62 =	vld [tilespmem:s6+$0x2860]  }
0x441: {  	v22 =	vadd.f32 v46, v22;
	v46 =	vmul.f32 v21, v21;
	v4 =	vadd.f32 v44, v3  }
0x442: {  	v40 =	vadd.f32 v59, v40;
	v59 =	vmul.f32 v60, v60;
	v21 =	vadd.f32 v21, v34;
	v34 =	vld [tilespmem:s31+$0x410]  }
0x443: {  	v13 =	vadd.f32 v57, v13;
	v57 =	vld [tilespmem:s2+$0x40];
	v42 =	vadd.f32 v46, v9;
	v9 =	vmul.f32 v43, v28;
	[tilespmem:$0x1FD70] =	vst v4  }
0x444: {  	v39 =	vadd.f32 v56, v39;
	v25 =	vadd.f32 v60, v25;
	v3 =	vmul.f32 v1, v1;
	[tilespmem:s2+$0x30] =	vst v23  }
0x445: {  	v22 =	vadd.f32 v59, v22;
	v60 =	vmul.f32 v2, v2;
	v9 =	vadd.f32 v62, v9;
	v59 =	vld [tilespmem:s14+$0x2840]  }
0x446: {  	v2 =	vadd.f32 v2, v25;
	v62 =	vadd.f32 v3, v13;
	v3 =	vmul.f32 v4, v4;
	v41 =	vld [tilespmem:s31+$0x420];
	[tilespmem:s31+$0x400] =	vst v0  }
0x447: {  	v13 =	vadd.f32 v4, v21;
	v4 =	vadd.f32 v52, v10;
	v25 =	vld [tilespmem:s1+$0x70];
	[tilespmem:s1+$0x60] =	vst v9  }
0x448: {  	v21 =	vld [tilespmem:s3+$0x2C10];
	v46 =	vadd.f32 v3, v42;
	v3 =	vmul.f32 v57, v17  }
0x449: {  	v56 =	vmul.f32 v47, v47;
	v39 =	vadd.f32 v47, v39;
	v47 =	vld [tilespmem:s6+$0x2870];
	[tilespmem:$0x1F950] =	vst v4  }
0x44a: {  	[tilespmem:s22+$0x430] =	vst v52;
	v43 =	vadd.f32 v59, v3  }
0x44b: {  	[tilespmem:s21+$0x460] =	vst v61  }
0x44c: {  	[tilespmem:s2+$0x40] =	vst v43  }
0x44d: {  	v4 =	vld [tilespmem:$0x1F860]  }
0x44e: {  	v25 =	vmul.f32 v25, v28;
	_ =	sdelay $0x1  }
0x44f: {  	v1 =	vadd.f32 v1, v40;
	v25 =	vadd.f32 v47, v25;
	_ =	sdelay $0x1  }
0x450: {  	v1 =	vadd.f32 v1, v39;
	v39 =	vmul.f32 v4, v19;
	v4 =	vld [tilespmem:$0x1F870];
	[tilespmem:s1+$0x70] =	vst v25  }
0x451: {  	v30 =	vadd.f32 v56, v30;
	v3 =	vadd.f32 v61, v24;
	v61 =	vld [tilespmem:$0x1FA60]  }
0x452: {  	v22 =	vadd.f32 v60, v22;
	v2 =	vadd.f32 v13, v2;
	v13 =	vld [tilespmem:s31+$0x430]  }
0x453: {  	v10 =	vadd.f32 v62, v30;
	v52 =	vld [tilespmem:s4+$0x2C40]  }
0x454: {  	v30 =	vmul.f32 v34, v63;
	v1 =	vadd.f32 v2, v1;
	v2 =	vadd.f32 v46, v22;
	v22 =	vld [tilespmem:s5+$0x2C70]  }
0x455: {  	v24 =	vld [tilespmem:s2+$0x50]  }
0x456: {  	v21 =	vadd.f32 v21, v30;
	v59 =	vld [tilespmem:s1+$0x400];
	v56 =	vmul.f32 v4, v12  }
0x457: {  	s0 =	sadd.s32 $0x2, s8;
	s8 =	simm.s32 $0x8;
	v30 =	vld [tilespmem:s14+$0x2850];
	v19 =	vadd.f32 v20, v14;
	v14 =	vmul.f32 v0, v0;
	v0 =	vadd.f32 v0, v51  }
0x458: {  	s12 =	sand.u32 $0x70, s8;
	v2 =	vadd.f32 v2, v10;
	[tilespmem:s31+$0x410] =	vst v21;
	v10 =	vadd.f32 v52, v56;
	v52 =	vld [tilespmem:s6+$0x2C00]  }
0x459: {  	v20 =	vld.idx.msk [tilespmem:v61+s12+$0x0 ss:$0x1], $0xffff;
	[tilespmem:$0x1F9B0] =	vst v0;
	v0 =	vadd.f32 v14, v55  }
0x45a: {  	s10 =	smulhi.u32 $0x51EB851F, s0;
	v57 =	vperm.xlane v1, v26  }
0x45b: {  	[tilespmem:$0x1F9C0] =	vst v0  }
0x45c: {  	s16 =	simm.s32 $0x800;
	s13 =	sshrl.u32 s10, $0x6;
	v1 =	vadd.f32 v1, v57;
	v14 =	vld [tilespmem:s3+$0x2C20];
	[tilespmem:s22+$0x440] =	vst v10  }
0x45d: {  	s18 =	sand.u32 $0x7800, s16;
	s24 =	simm.s32 $0x480;
	s15 =	smul.u32 $0x6400, s13;
	v0 =	vmul.f32 v24, v17;
	v5 =	vld [tilespmem:$0x1F880]  }
0x45e: {  	s19 =	simm.s32 $0x9;
	s26 =	sand.u32 $0x380, s24;
	s17 =	smul.u32 $0xC800, s13;
	v4 =	vadd.f32 v22, v39;
	v22 =	vperm.xlane v1, v33  }
0x45f: {  	s10 =	sadd.s32 $0x19200, s18;
	s7 =	sadd.s32 $0x200, s11;
	s12 =	ssub.s32 s9, s15;
	v30 =	vadd.f32 v30, v0;
	v0 =	vmul.f32 v59, v28;
	v55 =	vld [tilespmem:s4+$0x2C50]  }
0x460: {  	s26 =	sadd.s32 s26, s10;
	s25 =	ssub.s32 s7, s17;
	v56 =	vmov s19;
	v1 =	vadd.f32 v1, v22;
	v22 =	vmul.f32 v41, v63;
	s12 =	sadd.s32 $0x400, s12;
	v24 =	vld [tilespmem:s2+$0x60]  }
0x461: {  	s13 =	sadd.s32 $0x5100, s25;
	s15 =	sadd.s32 $0x2880, s12;
	v57 =	vld [tilespmem:s26+$0x0];
	v39 =	vperm.xlane v20, v56;
	v40 =	vadd.f32 v52, v0;
	v0 =	vadd.f32 $0.0e+00, v49  }
0x462: {  	s5 =	sand.u32 $0xF800, s13;
	s16 =	sand.u32 $0x380, s15;
	v51 =	vld [tilespmem:s2+$0x70];
	v44 =	vadd.f32 v14, v22;
	v14 =	vmul.f32 v5, v12  }
0x463: {  	s5 =	sor.u32 s16, s5;
	v59 =	vld [tilespmem:s1+$0x410];
	[tilespmem:s2+$0x50] =	vst v30;
	vm1 =	veq.s32 v39, $0x0;
	v27 =	vadd.f32 v43, v0  }
0x464: {  	v62 =	vld [tilespmem:s5+$0x2800];
	[tilespmem:s1+$0x400] =	vst v40;
	v0 =	vadd.f32 v21, v48;
	v39 =	vadd.f32 v55, v14;
	v14 =	vmul.f32 v21, v21  }
0x465: {  	v34 =	vld [tilespmem:s6+$0x2C10];
	[tilespmem:s31+$0x420] =	vst v44  }
0x466: {  	v47 =	vperm.xlane v2, v26;
	v5 =	vimm.f32 $1.000000000e+00;
	v55 =	vld [tilespmem:s14+$0x2860];
	[tilespmem:$0x1F960] =	vst v0;
	v0 =	vadd.f32 v14, v54  }
0x467: {  	v49 =	vmul.f32 v49, v49;
	v43 =	vmul.f32 v43, v43;
	v22 =	vsel vm1, $0x0, v5  }
0x468: {  	v2 =	vadd.f32 v47, v2;
	v41 =	vmul.f32 v22, v57;
	v21 =	vperm.xlane v1, v18;
	[tilespmem:$0x1F980] =	vst v0  }
0x469: {  	v8 =	vadd.f32 v4, v8;
	v43 =	vadd.f32 v43, v49;
	v48 =	vld [tilespmem:s3+$0x2C30]  }
0x46a: {  	v59 =	vmul.f32 v59, v28;
	v62 =	vadd.f32 v41, v62;
	v1 =	vadd.f32 v1, v21;
	v49 =	vld [tilespmem:s26+$0x10]  }
0x46b: {  	s17 =	simm.s32 $0x400;
	v21 =	vadd.f32 $0.0e+00, v53;
	v0 =	vadd.f32 v44, v58;
	[tilespmem:s22+$0x450] =	vst v39;
	v41 =	vld [tilespmem:s1+$0x420]  }
0x46c: {  	s11 =	sand.u32 $0x300, s17;
	v57 =	vperm.xlane v2, v33;
	v42 =	vadd.f32 v34, v59;
	v44 =	vmul.f32 v44, v44;
	[tilespmem:s26+$0x0] =	vst v62;
	v45 =	vld [tilespmem:s4+$0x2C60]  }
0x46d: {  	s19 =	sadd.s32 s11, s10;
	v34 =	vmul.f32 v53, v53;
	v21 =	vadd.f32 v30, v21;
	v30 =	vmul.f32 v30, v30;
	v60 =	vld [tilespmem:s5+$0x2810];
	[tilespmem:$0x1FA20] =	vst v0  }
0x46e: {  	s8 =	sand.u32 $0xE, s8;
	s18 =	sadd.s32 $0x5000, s25;
	v13 =	vmul.f32 v13, v63;
	s12 =	sadd.s32 $0x2800, s12;
	v2 =	vadd.f32 v57, v2;
	v0 =	vadd.f32 v44, v31;
	[tilespmem:s1+$0x410] =	vst v42;
	v59 =	vld [tilespmem:s19+$0x0]  }
0x46f: {  	s24 =	sand.u32 $0xF800, s18;
	s25 =	sand.u32 $0x300, s12;
	v52 =	vmov s8;
	v24 =	vmul.f32 v24, v17;
	v30 =	vadd.f32 v30, v34;
	v34 =	vld [tilespmem:s6+$0x2C20]  }
0x470: {  	s24 =	sor.u32 s25, s24;
	v20 =	vperm.xlane v20, v52;
	v53 =	vperm.xlane v2, v18;
	[tilespmem:$0x1F990] =	vst v0;
	v0 =	vld [tilespmem:$0x1F890]  }
0x471: {  	v3 =	vadd.f32 v8, v3;
	v55 =	vadd.f32 v55, v24;
	v31 =	vld [tilespmem:s24+$0x2800];
	[tilespmem:$0x1FCD0] =	vst v4;
	v24 =	vmul.f32 v49, v22  }
0x472: {  	vm1 =	veq.s32 v20, $0x0;
	v20 =	vperm.xlane v1, v29;
	v2 =	vadd.f32 v53, v2;
	v57 =	vld [tilespmem:s19+$0x10]  }
0x473: {  	v53 =	vmul.f32 v4, v4;
	v41 =	vmul.f32 v41, v28;
	v8 =	vld [tilespmem:s26+$0x20];
	v58 =	vadd.f32 v60, v24  }
0x474: {  	v1 =	vadd.f32 v1, v20;
	v13 =	vadd.f32 v48, v13;
	v48 =	vld [tilespmem:s19+$0x40]  }
0x475: {  	v24 =	vsel vm1, $0x0, v5;
	v20 =	vadd.f32 v53, v0;
	v49 =	vadd.f32 v34, v41;
	v34 =	vld [tilespmem:s1+$0x430];
	[tilespmem:s26+$0x10] =	vst v58  }
0x476: {  	v46 =	vmov v26;
	v3 =	vadd.f32 v3, v38;
	v26 =	vmul.f32 v24, v59;
	v0 =	vld [tilespmem:$0x1F8A0]  }
0x477: {  	v52 =	vld [tilespmem:s5+$0x2820];
	v20 =	vadd.f32 v20, v35;
	[tilespmem:s1+$0x420] =	vst v49  }
0x478: {  	v41 =	vadd.f32 v26, v31;
	[tilespmem:s2+$0x60] =	vst v55;
	v31 =	vperm.xlane v3, v46;
	v53 =	vld [tilespmem:s6+$0x2C30]  }
0x479: {  	v54 =	vperm.xlane v2, v29;
	v19 =	vadd.f32 v20, v19;
	v20 =	vld [tilespmem:s14+$0x2870]  }
0x47a: {  	v44 =	vld [tilespmem:s19+$0x50];
	v8 =	vmul.f32 v8, v22;
	[tilespmem:s19+$0x0] =	vst v41;
	v3 =	vadd.f32 v3, v31;
	v31 =	vmul.f32 v34, v28  }
0x47b: {  	v34 =	vld [tilespmem:s24+$0x2810];
	v26 =	vmul.f32 v0, v12;
	v0 =	vmul.f32 $3.906250000e-03, v1  }
0x47c: {  	v60 =	vld [tilespmem:s19+$0x20];
	v56 =	vadd.f32 v52, v8;
	v8 =	vmul.f32 v51, v17  }
0x47d: {  	v2 =	vadd.f32 v54, v2;
	v59 =	vld [tilespmem:s19+$0x30];
	[tilespmem:$0x1FE20] =	vst v0  }
0x47e: {  	v31 =	vadd.f32 v53, v31;
	v20 =	vadd.f32 v20, v8;
	v8 =	vmul.f32 v57, v24;
	v51 =	vld [tilespmem:s26+$0x30]  }
0x47f: {  	v2 =	vmul.f32 $3.906250000e-03, v2;
	[tilespmem:s26+$0x20] =	vst v56;
	v47 =	vld [tilespmem:s1+$0x440]  }
0x480: {  	v54 =	vperm.xlane v3, v33;
	[tilespmem:s1+$0x430] =	vst v31;
	v4 =	vld [tilespmem:s5+$0x2830];
	v34 =	vadd.f32 v34, v8;
	v8 =	vmul.f32 v0, v0  }
0x481: {  	v53 =	vmul.f32 v23, v23;
	v38 =	vadd.f32 v45, v26;
	v0 =	vmul.f32 v20, v20;
	v5 =	vld [tilespmem:s6+$0x2C40]  }
0x482: {  	v1 =	vperm.xlane v19, v46;
	v26 =	vadd.f32 $0.0e+00, v11;
	v2 =	vsub.f32 v2, v8  }
0x483: {  	v3 =	vadd.f32 v3, v54;
	v52 =	vadd.f32 v0, v53;
	v0 =	vmul.f32 v51, v22  }
0x484: {  	v11 =	vmul.f32 v11, v11;
	v35 =	vld [tilespmem:s19+$0x60];
	v45 =	vadd.f32 v55, v26;
	[tilespmem:$0x1FA00] =	vst v2;
	v8 =	vmul.f32 v47, v28  }
0x485: {  	v26 =	vmul.f32 v55, v55;
	[tilespmem:s19+$0x10] =	vst v34;
	v6 =	vld [tilespmem:s2+$0x400];
	v57 =	vadd.f32 v4, v0;
	v0 =	vadd.f32 $0.0e+00, v23  }
0x486: {  	v1 =	vadd.f32 v1, v19;
	v7 =	vadd.f32 v5, v8;
	v5 =	vld [tilespmem:$0x1F8B0]  }
0x487: {  	v19 =	vadd.f32 v26, v11;
	v26 =	vld [tilespmem:s19+$0x70];
	v0 =	vadd.f32 v20, v0  }
0x488: {  	v55 =	vld [tilespmem:s26+$0x40];
	v8 =	vmul.f32 v13, v13  }
0x489: {  	v14 =	vmov v33;
	v11 =	vperm.xlane v1, v33;
	v33 =	vperm.xlane v3, v18;
	v4 =	vld [tilespmem:s24+$0x2820];
	[tilespmem:$0x1FA10] =	vst v0  }
0x48a: {  	v0 =	vadd.f32 v8, v32;
	[tilespmem:s26+$0x30] =	vst v57  }
0x48b: {  	v3 =	vadd.f32 v3, v33;
	v33 =	vadd.f32 v39, v5;
	v5 =	vld [tilespmem:s1+$0x450];
	[tilespmem:s2+$0x70] =	vst v20  }
0x48c: {  	[tilespmem:$0x1FAA0] =	vst v0;
	v0 =	vld [tilespmem:$0x1F8C0];
	_ =	sdelay $0x2  }
0x48d: {  	v23 =	vmul.f32 v39, v39;
	v8 =	vmul.f32 v60, v24  }
0x48e: {  	[tilespmem:s1+$0x440] =	vst v7  }
0x48f: {  	v20 =	vadd.f32 v23, v0;
	v23 =	vadd.f32 v4, v8;
	v8 =	vld [tilespmem:$0x1F8D0];
	_ =	sdelay $0x2  }
0x490: {  	v47 =	vmul.f32 v38, v38;
	_ =	sdelay $0x1  }
0x491: {  	v47 =	vadd.f32 v47, v8;
	v8 =	vld [tilespmem:s19+$0x400];
	_ =	sdelay $0x1  }
0x492: {  	v2 =	vmov v18;
	v60 =	vld [tilespmem:s5+$0x2840]  }
0x493: {  	v51 =	vmov v2;
	v2 =	vld [tilespmem:s14+$0x2C00]  }
0x494: {  	v4 =	vld [tilespmem:s6+$0x2C50]  }
0x495: {  	[tilespmem:$0x1F9E0] =	vst v8;
	v8 =	vld [tilespmem:$0x1F8E0];
	_ =	sdelay $0x3  }
0x496: {  	[tilespmem:s19+$0x20] =	vst v23  }
0x497: {  	v32 =	vadd.f32 v10, v8;
	v8 =	vld [tilespmem:$0x1F8F0]  }
0x498: {  	v0 =	vperm.xlane v3, v29  }
0x499: {  	v1 =	vadd.f32 v11, v1  }
0x49a: {  	v0 =	vadd.f32 v3, v0;
	v10 =	vmul.f32 v10, v10  }
0x49b: {  	v18 =	vperm.xlane v1, v18;
	v3 =	vmul.f32 v55, v22  }
0x49c: {  	v5 =	vmul.f32 v5, v28;
	v10 =	vadd.f32 v10, v8;
	v8 =	vmul.f32 $3.906250000e-03, v0  }
0x49d: {  	v1 =	vadd.f32 v18, v1;
	v54 =	vadd.f32 v60, v3;
	v60 =	vld [tilespmem:s26+$0x50]  }
0x49e: {  	v3 =	vmul.f32 v6, v17;
	v4 =	vadd.f32 v4, v5;
	v6 =	vld [tilespmem:s24+$0x2830];
	[tilespmem:$0x1FE10] =	vst v8  }
0x49f: {  	v55 =	vperm.xlane v1, v29;
	[tilespmem:s26+$0x40] =	vst v54  }
0x4a0: {  	[tilespmem:s1+$0x450] =	vst v4  }
0x4a1: {  	v1 =	vadd.f32 v55, v1;
	v11 =	vld [tilespmem:$0x1F900]  }
0x4a2: {  	v2 =	vadd.f32 v2, v3;
	v3 =	vmul.f32 v59, v24  }
0x4a3: {  	v1 =	vmul.f32 $3.906250000e-03, v1;
	v59 =	vmul.f32 v8, v8  }
0x4a4: {  	v5 =	vld [tilespmem:s5+$0x2850]  }
0x4a5: {  	v20 =	vadd.f32 v20, v10;
	v1 =	vsub.f32 v1, v59  }
0x4a6: {  	v53 =	vmul.f32 v2, v2;
	v10 =	vadd.f32 v6, v3;
	v0 =	vld [tilespmem:s1+$0x460];
	v3 =	vadd.f32 $0.0e+00, v11  }
0x4a7: {  	v55 =	vadd.f32 v33, v32;
	v6 =	vld [tilespmem:s6+$0x2C60];
	[tilespmem:$0x1FB90] =	vst v1;
	v1 =	vmul.f32 v60, v22  }
0x4a8: {  	v8 =	vadd.f32 v53, v43;
	v33 =	vadd.f32 v16, v3;
	v3 =	vld [tilespmem:$0x1F910]  }
0x4a9: {  	v53 =	vadd.f32 v5, v1;
	v1 =	vadd.f32 $0.0e+00, v36  }
0x4aa: {  	v43 =	vmul.f32 v11, v11;
	v16 =	vmul.f32 v16, v16  }
0x4ab: {  	v59 =	vmul.f32 v15, v15;
	v1 =	vadd.f32 v15, v1;
	v15 =	vadd.f32 $0.0e+00, v37  }
0x4ac: {  	[tilespmem:$0x1FC20] =	vst v8;
	v0 =	vmul.f32 v0, v28;
	v5 =	vadd.f32 v16, v43;
	v43 =	vmul.f32 v9, v9  }
0x4ad: {  	v9 =	vadd.f32 v9, v15;
	v60 =	vadd.f32 $0.0e+00, v3;
	v15 =	vmul.f32 v3, v3;
	v3 =	vld [tilespmem:s19+$0x420];
	_ =	sdelay $0x1  }
0x4ae: {  	v0 =	vadd.f32 v6, v0  }
0x4af: {  	v32 =	vld [tilespmem:s1+$0x470];
	v16 =	vmul.f32 v36, v36  }
0x4b0: {  	[tilespmem:s1+$0x460] =	vst v0;
	v36 =	vld [tilespmem:s31+$0x440]  }
0x4b1: {  	v6 =	vadd.f32 v59, v16;
	v59 =	vld [tilespmem:s19+$0x410];
	[tilespmem:$0x1FA40] =	vst v3  }
0x4b2: {  	v16 =	vmul.f32 v37, v37;
	v3 =	vadd.f32 v2, v27;
	v37 =	vld [tilespmem:s6+$0x2C70]  }
0x4b3: {  	v39 =	vmovc v29;
	v29 =	vmul.f32 v25, v25;
	v25 =	vadd.f32 v25, v60;
	v60 =	vmul.f32 v40, v40  }
0x4b4: {  	v28 =	vmul.f32 v32, v28;
	v16 =	vadd.f32 v43, v16;
	[tilespmem:$0x1FBE0] =	vst v3  }
0x4b5: {  	v15 =	vadd.f32 v29, v15;
	v5 =	vadd.f32 v60, v5;
	v60 =	vmul.f32 v49, v49;
	[tilespmem:s19+$0x30] =	vst v10  }
0x4b6: {  	v29 =	vadd.f32 v40, v33;
	v27 =	vld [tilespmem:s2+$0x410];
	[tilespmem:s2+$0x400] =	vst v2;
	v2 =	vadd.f32 v49, v9  }
0x4b7: {  	v9 =	vadd.f32 v60, v16;
	v49 =	vmul.f32 v7, v7;
	v16 =	vld [tilespmem:s24+$0x2840];
	v3 =	vadd.f32 v37, v28  }
0x4b8: {  	v1 =	vadd.f32 v42, v1;
	v60 =	vld [tilespmem:s14+$0x2C10]  }
0x4b9: {  	v7 =	vadd.f32 v7, v29;
	v29 =	vadd.f32 v49, v5;
	v49 =	vld [tilespmem:s26+$0x60];
	[tilespmem:$0x1FE50] =	vst v3  }
0x4ba: {  	v1 =	vadd.f32 v4, v1;
	v33 =	vmul.f32 v42, v42;
	v5 =	vmul.f32 v4, v4;
	v4 =	vld [tilespmem:s19+$0x430];
	_ =	sdelay $0x1  }
0x4bb: {  	v6 =	vadd.f32 v33, v6;
	_ =	sdelay $0x1  }
0x4bc: {  	v6 =	vadd.f32 v5, v6;
	v5 =	vadd.f32 v13, v50;
	[tilespmem:s26+$0x50] =	vst v53  }
0x4bd: {  	[tilespmem:$0x1FAB0] =	vst v4;
	v4 =	vmul.f32 v0, v0  }
0x4be: {  	[tilespmem:$0x1FB30] =	vst v5  }
0x4bf: {  	v0 =	vadd.f32 v0, v2;
	v2 =	vadd.f32 v4, v9;
	v4 =	vld [tilespmem:s19+$0x440];
	_ =	sdelay $0x2  }
0x4c0: {  	v25 =	vadd.f32 v31, v25  }
0x4c1: {  	v28 =	vld [tilespmem:s5+$0x2860];
	[tilespmem:s31+$0x430] =	vst v13  }
0x4c2: {  	v9 =	vmul.f32 v3, v3;
	[tilespmem:$0x1FAD0] =	vst v4;
	v4 =	vadd.f32 v3, v25;
	v3 =	vld [tilespmem:$0x1F920];
	_ =	sdelay $0x4  }
0x4c3: {  	v11 =	vadd.f32 v38, v3;
	v3 =	vld [tilespmem:s19+$0x450];
	_ =	sdelay $0x4  }
0x4c4: {  	v1 =	vadd.f32 v1, v7;
	v7 =	vld [tilespmem:s3+$0x2C40];
	[tilespmem:$0x1FAE0] =	vst v3  }
0x4c5: {  	v33 =	vmul.f32 v31, v31;
	v3 =	vld [tilespmem:s19+$0x460];
	_ =	sdelay $0x1  }
0x4c6: {  	v40 =	vadd.f32 v33, v15;
	_ =	sdelay $0x1  }
0x4c7: {  	v9 =	vadd.f32 v9, v40;
	v0 =	vadd.f32 v4, v0;
	[tilespmem:s22+$0x460] =	vst v38  }
0x4c8: {  	[tilespmem:$0x1FAF0] =	vst v3  }
0x4c9: {  	v25 =	vmul.f32 v49, v22;
	v0 =	vadd.f32 v0, v1;
	v1 =	vadd.f32 v9, v2;
	v2 =	vld [tilespmem:s19+$0x470]  }
0x4ca: {  	v13 =	vmul.f32 v48, v24  }
0x4cb: {  	v31 =	vadd.f32 v28, v25  }
0x4cc: {  	v13 =	vadd.f32 v16, v13;
	v16 =	vld [tilespmem:s4+$0x2C70]  }
0x4cd: {  	v4 =	vmul.f32 v36, v63;
	v28 =	vld [tilespmem:s26+$0x70];
	[tilespmem:s26+$0x60] =	vst v31  }
0x4ce: {  	v6 =	vadd.f32 v6, v29;
	[tilespmem:$0x1FB10] =	vst v2;
	v2 =	vld [tilespmem:$0x1F930]  }
0x4cf: {  	v4 =	vadd.f32 v7, v4  }
0x4d0: {  	v1 =	vadd.f32 v1, v6;
	v6 =	vadd.f32 $0.0e+00, v41;
	v7 =	vld [tilespmem:s5+$0x2870]  }
0x4d1: {  	v27 =	vmul.f32 v27, v17  }
0x4d2: {  	v37 =	vadd.f32 v13, v6;
	v6 =	vmul.f32 v13, v13;
	[tilespmem:s19+$0x40] =	vst v13;
	v29 =	vld [tilespmem:s31+$0x450]  }
0x4d3: {  	v13 =	vmul.f32 v28, v22;
	v2 =	vmul.f32 v2, v12;
	v12 =	vadd.f32 v60, v27;
	v27 =	vld [tilespmem:s24+$0x2850]  }
0x4d4: {  	v50 =	vperm.xlane v1, v46;
	v28 =	vld [tilespmem:s2+$0x420]  }
0x4d5: {  	v25 =	vadd.f32 v7, v13;
	v7 =	vld [tilespmem:s26+$0x400];
	v15 =	vadd.f32 v16, v2;
	v2 =	vmul.f32 v41, v41;
	[tilespmem:s2+$0x410] =	vst v12  }
0x4d6: {  	s0 =	sadd.s32 $0x2, s0;
	v9 =	vperm.xlane v0, v46;
	s4 =	simm.s32 $0xA;
	[tilespmem:s31+$0x440] =	vst v4;
	v60 =	vmul.f32 v44, v24;
	v3 =	vadd.f32 v12, v21;
	v36 =	vld [tilespmem:s14+$0x2C20]  }
0x4d7: {  	s10 =	smulhi.u32 $0x51EB851F, s0;
	v1 =	vadd.f32 v50, v1;
	s11 =	sand.u32 $0x70, s4;
	v13 =	vmul.f32 v12, v12;
	[tilespmem:s26+$0x70] =	vst v25;
	v33 =	vadd.f32 v6, v2;
	v2 =	vld [tilespmem:s3+$0x2C50]  }
0x4d8: {  	v0 =	vadd.f32 v0, v9;
	v6 =	vadd.f32 v27, v60;
	v60 =	vld.idx.msk [tilespmem:v61+s11+$0x0 ss:$0x1], $0xffff;
	[tilespmem:$0x1FBB0] =	vst v3  }
0x4d9: {  	s12 =	sshrl.u32 s10, $0x6;
	v12 =	vmul.f32 v28, v17;
	v21 =	vperm.xlane v1, v14;
	v3 =	vadd.f32 v13, v30;
	v28 =	vld [tilespmem:s5+$0x2C00]  }
0x4da: {  	s17 =	simm.s32 $0x580;
	s15 =	simm.s32 $0xA00;
	s13 =	smul.u32 $0x6400, s12;
	v27 =	vperm.xlane v0, v14;
	[tilespmem:s19+$0x50] =	vst v6  }
0x4db: {  	s10 =	smul.u32 $0xC800, s12;
	s16 =	simm.s32 $0xB;
	s12 =	sand.u32 $0x380, s17;
	v1 =	vadd.f32 v21, v1;
	v21 =	vmul.f32 v29, v63;
	[tilespmem:$0x1FBC0] =	vst v3  }
0x4dc: {  	s8 =	ssub.s32 s9, s13;
	s6 =	sadd.s32 $0x200, s7;
	s7 =	sand.u32 $0x7800, s15;
	v30 =	vmov s16;
	v7 =	vmul.f32 v7, v22;
	v0 =	vadd.f32 v0, v27;
	v13 =	vld [tilespmem:s24+$0x2860]  }
0x4dd: {  	s8 =	sadd.s32 $0x500, s8;
	s7 =	sadd.s32 $0x19200, s7;
	s10 =	ssub.s32 s6, s10;
	v27 =	vmul.f32 v35, v24;
	v12 =	vadd.f32 v36, v12;
	v29 =	vld [tilespmem:s31+$0x460];
	v35 =	vadd.f32 v2, v21  }
0x4de: {  	s25 =	sadd.s32 $0x2880, s8;
	s29 =	sadd.s32 s12, s7;
	s18 =	sadd.s32 $0x5100, s10;
	v61 =	vld [tilespmem:s2+$0x430];
	v21 =	vperm.xlane v0, v51;
	v2 =	vperm.xlane v60, v30;
	v30 =	vadd.f32 v28, v7  }
0x4df: {  	s12 =	sand.u32 $0x380, s25;
	s11 =	sand.u32 $0xF800, s18;
	[tilespmem:s2+$0x420] =	vst v12;
	v3 =	vadd.f32 v12, v45;
	v12 =	vmul.f32 v12, v12;
	v7 =	vadd.f32 $0.0e+00, v34;
	v28 =	vld [tilespmem:s29+$0x0]  }
0x4e0: {  	s17 =	sor.u32 s12, s11;
	v0 =	vadd.f32 v0, v21;
	v21 =	vmul.f32 v34, v34;
	vm1 =	veq.s32 v2, $0x0;
	v2 =	vld [tilespmem:s26+$0x410];
	[tilespmem:s26+$0x400] =	vst v30  }
0x4e1: {  	v42 =	vadd.f32 v6, v7;
	v6 =	vmul.f32 v6, v6;
	v7 =	vld [tilespmem:s17+$0x2800];
	[tilespmem:$0x1FCF0] =	vst v3;
	v3 =	vadd.f32 v12, v19  }
0x4e2: {  	v50 =	vadd.f32 v13, v27;
	v36 =	vld [tilespmem:s5+$0x2C10];
	[tilespmem:s31+$0x450] =	vst v35  }
0x4e3: {  	v5 =	vimm.f32 $1.000000000e+00;
	v38 =	vperm.xlane v0, v39;
	v40 =	vadd.f32 v6, v21;
	v6 =	vld [tilespmem:s14+$0x2C30];
	[tilespmem:$0x1FBF0] =	vst v3  }
0x4e4: {  	v44 =	vsel vm1, $0x0, v5;
	[tilespmem:s19+$0x60] =	vst v50  }
0x4e5: {  	v27 =	vperm.xlane v1, v51;
	v12 =	vmul.f32 v44, v28;
	v3 =	vadd.f32 v0, v38;
	v0 =	vld [tilespmem:$0x1F940]  }
0x4e6: {  	s4 =	sand.u32 $0xE, s4  }
0x4e7: {  	s13 =	simm.s32 $0x500;
	v1 =	vadd.f32 v27, v1;
	v27 =	vmov s4;
	v19 =	vld [tilespmem:s3+$0x2C60];
	v13 =	vadd.f32 v12, v7  }
0x4e8: {  	s11 =	sand.u32 $0x300, s13;
	v48 =	vperm.xlane v60, v27;
	v27 =	vadd.f32 $0.0e+00, v23;
	v28 =	vld [tilespmem:s24+$0x2870];
	[tilespmem:$0x1FE30] =	vst v15;
	v7 =	vmul.f32 v15, v15  }
0x4e9: {  	s28 =	sadd.s32 s11, s7;
	v2 =	vmul.f32 v2, v22;
	[tilespmem:$0x1FC60] =	vst v13  }
0x4ea: {  	v12 =	vld [tilespmem:s28+$0x0];
	v7 =	vadd.f32 v7, v0;
	v0 =	vadd.f32 v50, v27  }
0x4eb: {  	v45 =	vadd.f32 v36, v2;
	v2 =	vmul.f32 v29, v63;
	v29 =	vld [tilespmem:s29+$0x10];
	[tilespmem:s29+$0x0] =	vst v13  }
0x4ec: {  	v9 =	vmov v46;
	v46 =	vmul.f32 v61, v17;
	v36 =	vperm.xlane v1, v39;
	v38 =	vld [tilespmem:s26+$0x420];
	[tilespmem:$0x1FA70] =	vst v0  }
0x4ed: {  	v8 =	vmov v14;
	v14 =	vmul.f32 v26, v24;
	v23 =	vmul.f32 v23, v23;
	[tilespmem:s26+$0x410] =	vst v45;
	v0 =	vld [tilespmem:s17+$0x2810]  }
0x4ee: {  	v21 =	vmovc v15;
	v15 =	vadd.f32 v6, v46;
	v1 =	vadd.f32 v36, v1;
	v50 =	vmul.f32 v50, v50;
	v46 =	vld [tilespmem:s5+$0x2C20]  }
0x4ef: {  	s15 =	sadd.s32 $0x5000, s10;
	s16 =	sadd.s32 $0x2800, s8;
	v18 =	vadd.f32 v19, v2;
	v2 =	vmul.f32 $3.906250000e-03, v3  }
0x4f0: {  	s7 =	sand.u32 $0x300, s16;
	s4 =	sand.u32 $0xF800, s15;
	v43 =	vadd.f32 v50, v23;
	v50 =	vadd.f32 v28, v14;
	v28 =	vmul.f32 $3.906250000e-03, v1  }
0x4f1: {  	s4 =	sor.u32 s7, s4;
	vm1 =	veq.s32 v48, $0x0;
	v3 =	vmul.f32 v29, v44;
	v1 =	vmul.f32 v38, v22  }
0x4f2: {  	v48 =	vsel vm1, $0x0, v5;
	v19 =	vld [tilespmem:s4+$0x2800]  }
0x4f3: {  	[tilespmem:$0x1FE60] =	vst v2;
	v5 =	vadd.f32 v0, v3;
	v3 =	vmul.f32 v48, v12;
	v13 =	vadd.f32 v46, v1;
	v1 =	vld [tilespmem:$0x1F950]  }
0x4f4: {  	v14 =	vld [tilespmem:s28+$0x10];
	v12 =	vmul.f32 v10, v10;
	v0 =	vmul.f32 v50, v50  }
0x4f5: {  	v60 =	vld [tilespmem:s28+$0x20];
	[tilespmem:$0x1FC70] =	vst v5  }
0x4f6: {  	v0 =	vadd.f32 v0, v12;
	v29 =	vld [tilespmem:s28+$0x30]  }
0x4f7: {  	v61 =	vld [tilespmem:s29+$0x20];
	[tilespmem:s29+$0x10] =	vst v5  }
0x4f8: {  	v16 =	vadd.f32 v3, v19;
	v19 =	vadd.f32 v21, v1;
	v1 =	vld [tilespmem:s26+$0x430];
	[tilespmem:$0x1FB70] =	vst v0  }
0x4f9: {  	[tilespmem:s26+$0x420] =	vst v13  }
0x4fa: {  	v49 =	vmul.f32 v2, v2;
	v2 =	vld [tilespmem:$0x1F960];
	_ =	sdelay $0x3  }
0x4fb: {  	[tilespmem:s28+$0x0] =	vst v16  }
0x4fc: {  	v34 =	vadd.f32 v35, v2;
	v2 =	vld [tilespmem:$0x1F980];
	_ =	sdelay $0x2  }
0x4fd: {  	v11 =	vadd.f32 v19, v11;
	v19 =	vmul.f32 v35, v35  }
0x4fe: {  	v0 =	vmul.f32 v15, v15  }
0x4ff: {  	v46 =	vadd.f32 v19, v2;
	v2 =	vld [tilespmem:$0x1F990]  }
0x500: {  	v0 =	vadd.f32 v0, v52  }
0x501: {  	v12 =	vld [tilespmem:s17+$0x2820]  }
0x502: {  	v36 =	vld [tilespmem:s5+$0x2C30];
	[tilespmem:$0x1F970] =	vst v0;
	v0 =	vadd.f32 v7, v47;
	v7 =	vmul.f32 v18, v18;
	_ =	sdelay $0x1  }
0x503: {  	v32 =	vmul.f32 v61, v44;
	v2 =	vadd.f32 v7, v2  }
0x504: {  	v20 =	vadd.f32 v0, v20;
	v0 =	vld [tilespmem:$0x1F9A0]  }
0x505: {  	v26 =	vld [tilespmem:s4+$0x2810];
	[tilespmem:$0x1FB50] =	vst v2;
	v2 =	vadd.f32 v12, v32;
	_ =	sdelay $0x1  }
0x506: {  	v21 =	vld [tilespmem:s28+$0x40];
	[tilespmem:$0x1FC80] =	vst v2  }
0x507: {  	v38 =	vsub.f32 v28, v49;
	v27 =	vld [tilespmem:s28+$0x50];
	[tilespmem:s29+$0x20] =	vst v2  }
0x508: {  	v1 =	vmul.f32 v1, v22;
	v41 =	vadd.f32 $9.999999740e-06, v0;
	v12 =	vmul.f32 v14, v48;
	v0 =	vld [tilespmem:$0x1F9B0]  }
0x509: {  	v10 =	vadd.f32 $0.0e+00, v10;
	v11 =	vadd.f32 v11, v55;
	v49 =	vld [tilespmem:s29+$0x30]  }
0x50a: {  	v47 =	vadd.f32 v36, v1;
	v19 =	vadd.f32 v26, v12;
	v26 =	vld [tilespmem:s26+$0x440]  }
0x50b: {  	v1 =	vadd.f32 v50, v10;
	v52 =	vld [tilespmem:s28+$0x60]  }
0x50c: {  	v14 =	vperm.xlane v11, v9;
	[tilespmem:s26+$0x430] =	vst v47;
	v55 =	vld [tilespmem:s17+$0x2830]  }
0x50d: {  	v12 =	vperm.xlane v20, v9;
	v61 =	vadd.f32 v4, v0;
	v0 =	vld [tilespmem:s5+$0x2C40];
	[tilespmem:$0x1FD20] =	vst v1  }
0x50e: {  	v11 =	vadd.f32 v11, v14;
	[tilespmem:s28+$0x10] =	vst v19  }
0x50f: {  	v32 =	vmul.f32 $5.000000000e-01, v41;
	v14 =	vshra.s32 v41, $0x1;
	v12 =	vadd.f32 v12, v20;
	[tilespmem:s19+$0x70] =	vst v50  }
0x510: {  	v20 =	vsub.s32 $0x5F3759DF, v14;
	v10 =	vperm.xlane v11, v8;
	v1 =	vld [tilespmem:$0x1F9C0]  }
0x511: {  	v36 =	vmul.f32 v20, v32;
	v41 =	vperm.xlane v12, v8  }
0x512: {  	v35 =	vmul.f32 v49, v44;
	v26 =	vmul.f32 v26, v22  }
0x513: {  	v10 =	vadd.f32 v11, v10;
	v4 =	vmul.f32 v4, v4;
	v14 =	vadd.f32 v34, v61  }
0x514: {  	v28 =	vmovc v8;
	v11 =	vmul.f32 v20, v36;
	v61 =	vadd.f32 v55, v35;
	v8 =	vadd.f32 v0, v26;
	v0 =	vld [tilespmem:$0x1F9D0]  }
0x515: {  	v23 =	vmovc v9;
	v55 =	vmul.f32 v60, v48;
	v60 =	vperm.xlane v10, v51;
	v9 =	vadd.f32 v4, v1;
	v1 =	vld [tilespmem:$0x1F9E0]  }
0x516: {  	v50 =	vld [tilespmem:s4+$0x2820]  }
0x517: {  	v2 =	vld [tilespmem:s28+$0x400];
	v35 =	vsub.f32 $1.500000000e+00, v11;
	v10 =	vadd.f32 v10, v60  }
0x518: {  	v12 =	vadd.f32 v41, v12;
	v34 =	vld [tilespmem:s24+$0x2C00]  }
0x519: {  	v41 =	vmovc v51;
	v20 =	vmul.f32 v20, v35;
	v26 =	vld [tilespmem:s29+$0x40];
	v60 =	vperm.xlane v10, v39;
	v0 =	vadd.f32 $9.999999740e-06, v0  }
0x51a: {  	[tilespmem:s29+$0x30] =	vst v61;
	v4 =	vld [tilespmem:s26+$0x450];
	v36 =	vmul.f32 v1, v24;
	v1 =	vperm.xlane v12, v41  }
0x51b: {  	v55 =	vadd.f32 v50, v55;
	v50 =	vld [tilespmem:s17+$0x2840];
	v51 =	vmul.f32 $5.000000000e-01, v0;
	v0 =	vshra.s32 v0, $0x1  }
0x51c: {  	[tilespmem:s26+$0x440] =	vst v8;
	v0 =	vsub.s32 $0x5F3759DF, v0;
	v1 =	vadd.f32 v1, v12  }
0x51d: {  	v5 =	vmul.f32 v20, v32;
	v60 =	vadd.f32 v10, v60;
	v12 =	vld [tilespmem:s5+$0x2C50];
	v3 =	vmul.f32 v0, v51  }
0x51e: {  	v11 =	vld [tilespmem:s28+$0x70];
	v26 =	vmul.f32 v26, v44;
	[tilespmem:$0x1FC30] =	vst v2;
	v2 =	vperm.xlane v1, v39  }
0x51f: {  	v10 =	vmul.f32 $3.906250000e-03, v60;
	v34 =	vadd.f32 v34, v36;
	[tilespmem:s28+$0x20] =	vst v55;
	v3 =	vmul.f32 v0, v3  }
0x520: {  	v4 =	vmul.f32 v4, v22;
	v49 =	vadd.f32 v50, v26;
	v6 =	vld [tilespmem:s4+$0x2830];
	v1 =	vadd.f32 v2, v1  }
0x521: {  	v26 =	vmul.f32 v29, v48;
	v60 =	vmul.f32 v34, v34;
	v3 =	vsub.f32 $1.500000000e+00, v3  }
0x522: {  	[tilespmem:$0x1FE70] =	vst v10;
	v7 =	vadd.f32 v12, v4;
	v4 =	vmul.f32 $3.906250000e-03, v1;
	v1 =	vmul.f32 v10, v10  }
0x523: {  	v29 =	vld [tilespmem:s29+$0x50];
	v2 =	vmul.f32 v5, v20;
	v0 =	vmul.f32 v0, v3;
	v3 =	vadd.f32 v60, v33  }
0x524: {  	[tilespmem:s29+$0x40] =	vst v49;
	v5 =	vld [tilespmem:s26+$0x460];
	v1 =	vsub.f32 v4, v1  }
0x525: {  	v2 =	vsub.f32 $1.500000000e+00, v2;
	v35 =	vadd.f32 v6, v26;
	v6 =	vld [tilespmem:s17+$0x2850];
	[tilespmem:$0x1F9F0] =	vst v3  }
0x526: {  	[tilespmem:$0x1FC90] =	vst v1  }
0x527: {  	v2 =	vmul.f32 v2, v20;
	[tilespmem:s26+$0x450] =	vst v7  }
0x528: {  	v4 =	vld [tilespmem:s5+$0x2C60]  }
0x529: {  	v1 =	vmul.f32 v2, v32  }
0x52a: {  	v12 =	vadd.f32 v46, v9;
	v26 =	vmul.f32 v62, v62;
	v9 =	vmul.f32 v29, v44  }
0x52b: {  	v3 =	vmul.f32 v5, v22;
	v5 =	vadd.f32 $0.0e+00, v62;
	v1 =	vmul.f32 v1, v2  }
0x52c: {  	v62 =	vmul.f32 v58, v58;
	v46 =	vadd.f32 v6, v9;
	v9 =	vmul.f32 v53, v53  }
0x52d: {  	v1 =	vsub.f32 $1.500000000e+00, v1;
	v3 =	vadd.f32 v4, v3  }
0x52e: {  	v6 =	vmul.f32 v0, v51;
	v4 =	vadd.f32 v9, v62;
	v9 =	vadd.f32 $0.0e+00, v56  }
0x52f: {  	v36 =	vmov v39;
	v39 =	vmul.f32 v54, v54;
	v29 =	vadd.f32 $0.0e+00, v58;
	v33 =	vld [tilespmem:s31+$0x470]  }
0x530: {  	v6 =	vmul.f32 v6, v0;
	v58 =	vmul.f32 v1, v2;
	v1 =	vadd.f32 v31, v9;
	v9 =	vld [tilespmem:$0x1FA00]  }
0x531: {  	v50 =	vmul.f32 v56, v56;
	v26 =	vadd.f32 v39, v26;
	v5 =	vadd.f32 v54, v5;
	v10 =	vld [tilespmem:s28+$0x410]  }
0x532: {  	v29 =	vadd.f32 v53, v29;
	v39 =	vld [tilespmem:s26+$0x470];
	v53 =	vmul.f32 v31, v31;
	v6 =	vsub.f32 $1.500000000e+00, v6  }
0x533: {  	v5 =	vadd.f32 v30, v5;
	v56 =	vmul.f32 v30, v30;
	v30 =	vld [tilespmem:s2+$0x450]  }
0x534: {  	v2 =	vadd.f32 $0.0e+00, v57;
	v0 =	vmul.f32 v6, v0;
	v6 =	vadd.f32 v53, v50;
	v53 =	vld [tilespmem:s2+$0x440]  }
0x535: {  	v50 =	vld [tilespmem:s2+$0x460];
	[tilespmem:s26+$0x460] =	vst v3;
	v9 =	vadd.f32 $9.999999740e-06, v9  }
0x536: {  	v2 =	vadd.f32 v25, v2;
	v25 =	vmul.f32 v25, v25;
	v31 =	vmul.f32 v57, v57;
	v32 =	vld [tilespmem:s5+$0x2C70];
	[tilespmem:$0x1FCE0] =	vst v10  }
0x537: {  	v10 =	vld [tilespmem:s28+$0x420];
	v54 =	vshra.s32 v9, $0x1;
	v9 =	vmul.f32 $5.000000000e-01, v9  }
0x538: {  	v25 =	vadd.f32 v25, v31;
	v31 =	vsub.s32 $0x5F3759DF, v54  }
0x539: {  	v60 =	vmul.f32 v31, v9  }
0x53a: {  	v5 =	vadd.f32 v8, v5;
	v62 =	vmul.f32 v13, v13;
	v1 =	vadd.f32 v13, v1  }
0x53b: {  	v13 =	vmul.f32 v31, v60;
	v60 =	vmul.f32 v8, v8;
	v8 =	vadd.f32 v34, v37  }
0x53c: {  	[tilespmem:$0x1FD00] =	vst v10  }
0x53d: {  	[tilespmem:$0x1FEC0] =	vst v8  }
0x53e: {  	v29 =	vadd.f32 v45, v29;
	[tilespmem:s28+$0x30] =	vst v35  }
0x53f: {  	v1 =	vadd.f32 v3, v1;
	[tilespmem:s19+$0x400] =	vst v34  }
0x540: {  	v8 =	vmul.f32 v7, v7;
	v7 =	vadd.f32 v7, v29;
	v29 =	vmul.f32 v3, v3;
	v3 =	vld [tilespmem:$0x1FA10];
	_ =	sdelay $0x1  }
0x541: {  	v57 =	vmul.f32 v45, v45;
	_ =	sdelay $0x1  }
0x542: {  	v22 =	vmul.f32 v39, v22;
	v4 =	vadd.f32 v57, v4;
	v57 =	vmul.f32 v47, v47  }
0x543: {  	v6 =	vadd.f32 v62, v6;
	v62 =	vld [tilespmem:s2+$0x470];
	v3 =	vadd.f32 v15, v3  }
0x544: {  	v25 =	vadd.f32 v57, v25;
	v57 =	vadd.f32 v32, v22;
	v22 =	vld [tilespmem:s4+$0x2840]  }
0x545: {  	v4 =	vadd.f32 v8, v4;
	v8 =	vld [tilespmem:s24+$0x2C10];
	[tilespmem:$0x1FEB0] =	vst v3  }
0x546: {  	v3 =	vld [tilespmem:s28+$0x430];
	_ =	sdelay $0x4  }
0x547: {  	[tilespmem:$0x1FD60] =	vst v3  }
0x548: {  	v10 =	vld [tilespmem:s28+$0x440];
	_ =	sdelay $0x3  }
0x549: {  	v2 =	vadd.f32 v47, v2;
	[tilespmem:s2+$0x430] =	vst v15  }
0x54a: {  	v13 =	vsub.f32 $1.500000000e+00, v13;
	[tilespmem:$0x1FD80] =	vst v10  }
0x54b: {  	v2 =	vadd.f32 v57, v2;
	v10 =	vld [tilespmem:s28+$0x450]  }
0x54c: {  	v13 =	vmul.f32 v31, v13;
	v15 =	vadd.f32 v29, v6;
	v6 =	vmul.f32 v0, v51  }
0x54d: {  	v5 =	vadd.f32 v7, v5;
	v7 =	vmul.f32 v21, v48;
	v3 =	vmul.f32 v57, v57  }
0x54e: {  	v1 =	vadd.f32 v2, v1;
	v2 =	vmul.f32 v6, v0;
	v6 =	vmul.f32 v13, v9;
	v21 =	vld [tilespmem:s14+$0x2C40]  }
0x54f: {  	v3 =	vadd.f32 v3, v25;
	v25 =	vld [tilespmem:s29+$0x60];
	[tilespmem:s29+$0x50] =	vst v46  }
0x550: {  	v7 =	vadd.f32 v22, v7;
	v22 =	vmul.f32 v6, v13;
	v6 =	vld [tilespmem:$0x1FA20];
	[tilespmem:$0x1FDA0] =	vst v10  }
0x551: {  	v26 =	vadd.f32 v56, v26;
	v2 =	vsub.f32 $1.500000000e+00, v2;
	v10 =	vld [tilespmem:s28+$0x460];
	_ =	sdelay $0x1  }
0x552: {  	v26 =	vadd.f32 v60, v26;
	v0 =	vmul.f32 v2, v0  }
0x553: {  	[tilespmem:s31+$0x460] =	vst v18  }
0x554: {  	v4 =	vadd.f32 v4, v26;
	v6 =	vadd.f32 v18, v6;
	v26 =	vld [tilespmem:s17+$0x2860];
	v18 =	vmul.f32 v59, v24;
	[tilespmem:$0x1FDE0] =	vst v0  }
0x555: {  	[tilespmem:$0x1FDC0] =	vst v10  }
0x556: {  	v0 =	vadd.f32 v3, v15;
	v15 =	vadd.f32 v8, v18;
	v8 =	vld [tilespmem:s28+$0x470];
	_ =	sdelay $0x1  }
0x557: {  	v1 =	vadd.f32 v1, v5;
	v5 =	vmul.f32 v53, v17;
	_ =	sdelay $0x1  }
0x558: {  	v54 =	vadd.f32 v21, v5;
	v5 =	vmul.f32 v25, v44;
	v3 =	vld [tilespmem:s3+$0x2C70]  }
0x559: {  	v2 =	vsub.f32 $1.500000000e+00, v22;
	v0 =	vadd.f32 v0, v4;
	[tilespmem:$0x1FDF0] =	vst v8  }
0x55a: {  	v29 =	vmul.f32 v33, v63;
	v4 =	vadd.f32 $0.0e+00, v16;
	v32 =	vadd.f32 v26, v5;
	[tilespmem:s28+$0x40] =	vst v7  }
0x55b: {  	v2 =	vmul.f32 v2, v13;
	v10 =	vmul.f32 v62, v17;
	[tilespmem:s19+$0x410] =	vst v15;
	v18 =	vld [tilespmem:s29+$0x70]  }
0x55c: {  	v13 =	vmul.f32 v16, v16;
	v47 =	vadd.f32 v7, v4;
	v4 =	vmul.f32 v7, v7;
	[tilespmem:s29+$0x60] =	vst v32;
	v16 =	vld [tilespmem:s4+$0x2850]  }
0x55d: {  	v59 =	vadd.f32 v3, v29;
	v3 =	vld [tilespmem:s24+$0x2C20];
	[tilespmem:$0x1FE40] =	vst v10;
	v10 =	vadd.f32 v15, v42  }
0x55e: {  	v39 =	vadd.f32 v4, v13;
	v4 =	vld [tilespmem:s17+$0x2870];
	[tilespmem:s2+$0x440] =	vst v54  }
0x55f: {  	[tilespmem:$0x1FA30] =	vst v10;
	v10 =	vld [tilespmem:$0x1FA40]  }
0x560: {  	v7 =	vperm.xlane v1, v23  }
0x561: {  	v13 =	vmul.f32 v15, v15  }
0x562: {  	v1 =	vadd.f32 v1, v7;
	v7 =	vmul.f32 v2, v9;
	v9 =	vmul.f32 v27, v48;
	_ =	sdelay $0x1  }
0x563: {  	v9 =	vadd.f32 v16, v9;
	v16 =	vmul.f32 v10, v24;
	v10 =	vadd.f32 v13, v40  }
0x564: {  	v25 =	vmul.f32 v50, v17;
	v5 =	vmul.f32 v30, v17  }
0x565: {  	v21 =	vperm.xlane v0, v23;
	v17 =	vld [tilespmem:s14+$0x2C50];
	v18 =	vmul.f32 v18, v44;
	[tilespmem:$0x1FA50] =	vst v10  }
0x566: {  	v15 =	vperm.xlane v1, v28;
	[tilespmem:s28+$0x50] =	vst v9  }
0x567: {  	v0 =	vadd.f32 v21, v0;
	v31 =	vadd.f32 v4, v18;
	v4 =	vld [tilespmem:$0x1FA60]  }
0x568: {  	v1 =	vadd.f32 v1, v15  }
0x569: {  	v7 =	vmul.f32 v7, v2;
	v13 =	vperm.xlane v0, v28  }
0x56a: {  	v18 =	vperm.xlane v1, v41  }
0x56b: {  	v15 =	vsub.f32 $1.500000000e+00, v7;
	v0 =	vadd.f32 v13, v0  }
0x56c: {  	v13 =	vadd.f32 v1, v18;
	v1 =	vadd.f32 $0.0e+00, v19  }
0x56d: {  	s11 =	simm.s32 $0xC;
	v21 =	vld [tilespmem:s29+$0x400]  }
0x56e: {  	s0 =	sadd.s32 $0x2, s0;
	s10 =	sand.u32 $0x70, s11;
	v53 =	vmul.f32 v15, v2;
	[tilespmem:s29+$0x70] =	vst v31;
	v15 =	vld [tilespmem:s4+$0x2860];
	v1 =	vadd.f32 v9, v1  }
0x56f: {  	s18 =	smulhi.u32 $0x51EB851F, s0;
	v7 =	vadd.f32 v17, v5;
	v3 =	vadd.f32 v3, v16;
	v5 =	vld.idx.msk [tilespmem:v4+s10+$0x0 ss:$0x1], $0xffff;
	[dreg:$0x7] =	wrdreg s9  }
0x570: {  	v19 =	vmul.f32 v19, v19;
	v18 =	vld [tilespmem:s17+$0x2C00];
	[tilespmem:$0x1FE80] =	vst v1;
	v1 =	vmul.f32 v9, v9  }
0x571: {  	s3 =	sshrl.u32 s18, $0x6;
	[tilespmem:s19+$0x420] =	vst v3  }
0x572: {  	s8 =	simm.s32 $0xC00;
	s12 =	sadd.s32 $0x200, s6;
	s13 =	smul.u32 $0x6400, s3;
	v60 =	vadd.f32 v1, v19;
	v1 =	vld [tilespmem:$0x1FA70]  }
0x573: {  	s16 =	simm.s32 $0xD;
	s15 =	sand.u32 $0x7800, s8;
	s3 =	smul.u32 $0xC800, s3;
	v16 =	vadd.f32 $9.999999740e-06, v38  }
0x574: {  	s25 =	sand.u32 $0xE, s11;
	s6 =	sadd.s32 $0x19200, s15;
	s10 =	ssub.s32 s9, s13  }
0x575: {  	s18 =	ssub.s32 s12, s3;
	v17 =	vshra.s32 v16, $0x1;
	v10 =	vmul.f32 $5.000000000e-01, v16;
	v16 =	vmov s25;
	s25 =	simm.s32 $0x680;
	s10 =	sadd.s32 $0x600, s10  }
0x576: {  	s7 =	sadd.s32 $0x5100, s18;
	s5 =	sand.u32 $0x380, s25;
	v17 =	vsub.s32 $0x5F3759DF, v17;
	v9 =	vmov s16;
	s9 =	sadd.s32 $0x2880, s10  }
0x577: {  	s3 =	sadd.s32 s5, s6;
	s5 =	sand.u32 $0xF800, s7;
	s7 =	sand.u32 $0x380, s9;
	v9 =	vperm.xlane v5, v9;
	v1 =	vadd.f32 v3, v1;
	v3 =	vmul.f32 v3, v3  }
0x578: {  	v21 =	vmul.f32 v21, v44;
	v30 =	vld [tilespmem:s3+$0x0];
	v19 =	vmul.f32 v17, v10;
	s25 =	sor.u32 s7, s5  }
0x579: {  	vm1 =	veq.s32 v9, $0x0;
	v9 =	vld [tilespmem:s25+$0x2800];
	[tilespmem:$0x1FA80] =	vst v1;
	v1 =	vadd.f32 v3, v43  }
0x57a: {  	v20 =	vadd.f32 v18, v21;
	v18 =	vmul.f32 v17, v19;
	v19 =	vld [tilespmem:s24+$0x2C30];
	[tilespmem:s2+$0x450] =	vst v7  }
0x57b: {  	v63 =	vld [tilespmem:s29+$0x410];
	[tilespmem:$0x1FA90] =	vst v1  }
0x57c: {  	[tilespmem:s29+$0x400] =	vst v20  }
0x57d: {  	v1 =	vld [tilespmem:$0x1FAA0]  }
0x57e: {  	v8 =	vmov v23;
	v23 =	vmul.f32 v52, v48;
	_ =	sdelay $0x1  }
0x57f: {  	v15 =	vadd.f32 v15, v23;
	v23 =	vmul.f32 v59, v59;
	_ =	sdelay $0x1  }
0x580: {  	v2 =	vimm.f32 $1.000000000e+00;
	v38 =	vadd.f32 v23, v1;
	v1 =	vld [tilespmem:$0x1FAB0]  }
0x581: {  	v27 =	vperm.xlane v0, v41;
	v21 =	vsel vm1, $0x0, v2  }
0x582: {  	v3 =	vsub.f32 $1.500000000e+00, v18;
	v18 =	vmul.f32 v21, v30  }
0x583: {  	v0 =	vadd.f32 v27, v0  }
0x584: {  	v27 =	vperm.xlane v13, v36;
	v34 =	vadd.f32 v18, v9;
	v9 =	vadd.f32 $0.0e+00, v55  }
0x585: {  	v30 =	vld [tilespmem:s14+$0x2C60];
	v23 =	vmul.f32 v1, v24  }
0x586: {  	v13 =	vadd.f32 v13, v27;
	s7 =	simm.s32 $0x600;
	v40 =	vld [tilespmem:s3+$0x10];
	v1 =	vadd.f32 v15, v9;
	v9 =	vmul.f32 v15, v15  }
0x587: {  	s13 =	sand.u32 $0x300, s7;
	v27 =	vld [tilespmem:s17+$0x2C10];
	[tilespmem:s28+$0x60] =	vst v15;
	v26 =	vadd.f32 v19, v23;
	v19 =	vmul.f32 v55, v55;
	v23 =	vperm.xlane v0, v36  }
0x588: {  	s5 =	sadd.s32 s13, s6;
	v18 =	vld [tilespmem:s4+$0x2870];
	[tilespmem:$0x1FED0] =	vst v1  }
0x589: {  	[tilespmem:s3+$0x0] =	vst v34;
	v37 =	vld [tilespmem:s5+$0x0];
	v50 =	vadd.f32 v23, v0;
	v0 =	vadd.f32 v9, v19  }
0x58a: {  	v5 =	vperm.xlane v5, v16;
	v16 =	vld [tilespmem:s25+$0x2810]  }
0x58b: {  	[tilespmem:$0x1FAC0] =	vst v0;
	v0 =	vld [tilespmem:$0x1FAD0];
	_ =	sdelay $0x4  }
0x58c: {  	v15 =	vmul.f32 v63, v44;
	v52 =	vmul.f32 v0, v24;
	v0 =	vld [tilespmem:$0x1FAE0];
	_ =	sdelay $0x1  }
0x58d: {  	v15 =	vadd.f32 v27, v15;
	_ =	sdelay $0x1  }
0x58e: {  	[tilespmem:s29+$0x410] =	vst v15  }
0x58f: {  	v63 =	vmul.f32 v0, v24;
	v0 =	vld [tilespmem:$0x1FAF0]  }
0x590: {  	s15 =	sadd.s32 $0x5000, s18;
	s10 =	sadd.s32 $0x2800, s10  }
0x591: {  	s10 =	sand.u32 $0x300, s10;
	s6 =	sand.u32 $0xF800, s15  }
0x592: {  	s6 =	sor.u32 s10, s6  }
0x593: {  	v9 =	vld [tilespmem:s6+$0x2800]  }
0x594: {  	vm1 =	veq.s32 v5, $0x0;
	v5 =	vmul.f32 v11, v48;
	v11 =	vld [tilespmem:s29+$0x420];
	v0 =	vmul.f32 v0, v24  }
0x595: {  	v19 =	vld [tilespmem:s5+$0x10]  }
0x596: {  	[tilespmem:$0x1FB00] =	vst v0;
	v0 =	vld [tilespmem:$0x1FB10];
	_ =	sdelay $0x3  }
0x597: {  	v45 =	vmul.f32 $3.906250000e-03, v13  }
0x598: {  	v13 =	vmul.f32 v40, v21;
	v4 =	vadd.f32 v18, v5;
	v18 =	vld [tilespmem:s17+$0x2C20];
	v0 =	vmul.f32 v0, v24  }
0x599: {  	v23 =	vsel vm1, $0x0, v2;
	v33 =	vld [tilespmem:s5+$0x20]  }
0x59a: {  	v5 =	vmul.f32 v23, v37;
	v1 =	vadd.f32 v16, v13;
	[tilespmem:$0x1FB20] =	vst v0;
	v0 =	vld [tilespmem:$0x1FB30];
	_ =	sdelay $0x1  }
0x59b: {  	v29 =	vadd.f32 v5, v9;
	v24 =	vld [tilespmem:s3+$0x20];
	[tilespmem:$0x1FB40] =	vst v1  }
0x59c: {  	[tilespmem:s3+$0x10] =	vst v1  }
0x59d: {  	[tilespmem:s5+$0x0] =	vst v29  }
0x59e: {  	v9 =	vadd.f32 v59, v0;
	v0 =	vld [tilespmem:$0x1FB50];
	_ =	sdelay $0x1  }
0x59f: {  	v55 =	vadd.f32 v30, v25;
	v11 =	vmul.f32 v11, v44  }
0x5a0: {  	v25 =	vmul.f32 v4, v4;
	v6 =	vadd.f32 v9, v6;
	v9 =	vmul.f32 v35, v35  }
0x5a1: {  	v62 =	vadd.f32 v18, v11;
	v42 =	vld [tilespmem:s5+$0x30]  }
0x5a2: {  	v51 =	vld [tilespmem:s25+$0x2820];
	v11 =	vadd.f32 v38, v0;
	v0 =	vadd.f32 v25, v9  }
0x5a3: {  	v38 =	vld [tilespmem:s6+$0x2810]  }
0x5a4: {  	[tilespmem:$0x1FB60] =	vst v0;
	v0 =	vld [tilespmem:$0x1FB70]  }
0x5a5: {  	v17 =	vmul.f32 v17, v3  }
0x5a6: {  	v13 =	vmul.f32 $3.906250000e-03, v50;
	v16 =	vmul.f32 v45, v45  }
0x5a7: {  	v18 =	vmul.f32 v26, v26  }
0x5a8: {  	v16 =	vsub.f32 v13, v16;
	v13 =	vmul.f32 v17, v10  }
0x5a9: {  	v0 =	vadd.f32 v18, v0  }
0x5aa: {  	v9 =	vmul.f32 v13, v17  }
0x5ab: {  	v11 =	vadd.f32 v11, v12;
	v12 =	vmul.f32 v24, v21;
	v40 =	vld [tilespmem:s29+$0x430];
	[tilespmem:$0x1FB80] =	vst v0  }
0x5ac: {  	v9 =	vsub.f32 $1.500000000e+00, v9;
	v13 =	vld [tilespmem:s5+$0x40]  }
0x5ad: {  	v0 =	vadd.f32 v51, v12;
	v50 =	vld [tilespmem:s5+$0x50]  }
0x5ae: {  	v9 =	vmul.f32 v9, v17;
	[tilespmem:s29+$0x420] =	vst v62;
	v17 =	vld [tilespmem:s3+$0x30]  }
0x5af: {  	v6 =	vadd.f32 v6, v14;
	v14 =	vmul.f32 v19, v23;
	v19 =	vld [tilespmem:s17+$0x2C30];
	[tilespmem:$0x1FBA0] =	vst v0  }
0x5b0: {  	v1 =	vld [tilespmem:$0x1FB90];
	[tilespmem:s3+$0x20] =	vst v0  }
0x5b1: {  	v0 =	vld [tilespmem:$0x1FBB0]  }
0x5b2: {  	v14 =	vadd.f32 v38, v14;
	v18 =	vperm.xlane v6, v8;
	_ =	sdelay $0x1  }
0x5b3: {  	v24 =	vperm.xlane v11, v8;
	v6 =	vadd.f32 v6, v18;
	[tilespmem:s5+$0x10] =	vst v14  }
0x5b4: {  	v12 =	vadd.f32 $9.999999740e-06, v1;
	v1 =	vld [tilespmem:$0x1FBC0]  }
0x5b5: {  	v11 =	vadd.f32 v24, v11;
	v56 =	vadd.f32 v7, v0;
	v0 =	vperm.xlane v6, v28  }
0x5b6: {  	v38 =	vmul.f32 v40, v44;
	v37 =	vshra.s32 v12, $0x1;
	v24 =	vmul.f32 $5.000000000e-01, v12;
	v12 =	vld [tilespmem:s25+$0x2830]  }
0x5b7: {  	v51 =	vld [tilespmem:s5+$0x60];
	v7 =	vmul.f32 v7, v7;
	v0 =	vadd.f32 v6, v0;
	v6 =	vadd.f32 $0.0e+00, v35  }
0x5b8: {  	v3 =	vld [tilespmem:s29+$0x440];
	v19 =	vadd.f32 v19, v38;
	v38 =	vsub.s32 $0x5F3759DF, v37;
	v37 =	vmul.f32 v17, v21  }
0x5b9: {  	v27 =	vmovc v8;
	v18 =	vld [tilespmem:s5+$0x70];
	v8 =	vadd.f32 v7, v1;
	v1 =	vperm.xlane v11, v28;
	v5 =	vadd.f32 v4, v6  }
0x5ba: {  	v43 =	vld [tilespmem:s6+$0x2820];
	[tilespmem:s29+$0x430] =	vst v19  }
0x5bb: {  	v40 =	vld [tilespmem:s17+$0x2C40];
	v1 =	vadd.f32 v1, v11;
	v11 =	vmul.f32 v33, v23;
	v33 =	vadd.f32 v12, v37;
	[tilespmem:$0x1FBD0] =	vst v5  }
0x5bc: {  	[tilespmem:s28+$0x70] =	vst v4  }
0x5bd: {  	[tilespmem:s3+$0x30] =	vst v33  }
0x5be: {  	v4 =	vld [tilespmem:$0x1FBE0]  }
0x5bf: {  	v5 =	vld [tilespmem:$0x1FBF0]  }
0x5c0: {  	v37 =	vperm.xlane v0, v41  }
0x5c1: {  	v22 =	vadd.f32 v43, v11;
	v11 =	vperm.xlane v1, v41  }
0x5c2: {  	v0 =	vadd.f32 v0, v37;
	v37 =	vmul.f32 v55, v55  }
0x5c3: {  	v3 =	vmul.f32 v3, v44;
	v17 =	vld [tilespmem:s5+$0x400];
	v1 =	vadd.f32 v11, v1;
	v11 =	vadd.f32 v54, v4  }
0x5c4: {  	v43 =	vld [tilespmem:s3+$0x40];
	v5 =	vadd.f32 v37, v5  }
0x5c5: {  	v7 =	vadd.f32 v40, v3;
	v6 =	vld [tilespmem:s4+$0x2C00];
	v3 =	vadd.f32 v56, v11  }
0x5c6: {  	v2 =	vmul.f32 v38, v24;
	v4 =	vld [tilespmem:s25+$0x2840];
	[tilespmem:$0x1FC00] =	vst v5  }
0x5c7: {  	v5 =	vld [tilespmem:s29+$0x450];
	[tilespmem:$0x1FC10] =	vst v3  }
0x5c8: {  	v2 =	vmul.f32 v38, v2;
	[tilespmem:s5+$0x20] =	vst v22  }
0x5c9: {  	v3 =	vld [tilespmem:$0x1FC20]  }
0x5ca: {  	v2 =	vsub.f32 $1.500000000e+00, v2;
	_ =	sdelay $0x1  }
0x5cb: {  	v2 =	vmul.f32 v38, v2;
	v38 =	vmul.f32 v54, v54  }
0x5cc: {  	[tilespmem:s29+$0x440] =	vst v7  }
0x5cd: {  	v35 =	vadd.f32 v38, v3;
	v3 =	vld [tilespmem:$0x1FC30];
	_ =	sdelay $0x2  }
0x5ce: {  	v11 =	vperm.xlane v0, v36  }
0x5cf: {  	v10 =	vmul.f32 v9, v10;
	v43 =	vmul.f32 v43, v21  }
0x5d0: {  	v0 =	vadd.f32 v0, v11;
	v11 =	vmul.f32 v3, v48  }
0x5d1: {  	v54 =	vadd.f32 v4, v43;
	v4 =	vmul.f32 v10, v9;
	v3 =	vld [tilespmem:s17+$0x2C50]  }
0x5d2: {  	v37 =	vld [tilespmem:s6+$0x2830];
	v11 =	vadd.f32 v6, v11  }
0x5d3: {  	v25 =	vmul.f32 $3.906250000e-03, v0;
	v4 =	vsub.f32 $1.500000000e+00, v4  }
0x5d4: {  	v5 =	vmul.f32 v5, v44;
	v0 =	vadd.f32 v8, v35;
	v30 =	vmul.f32 v11, v11  }
0x5d5: {  	v10 =	vmul.f32 v42, v23  }
0x5d6: {  	v38 =	vld [tilespmem:s3+$0x50];
	[tilespmem:$0x1FC40] =	vst v0;
	v5 =	vadd.f32 v3, v5;
	v3 =	vmul.f32 v4, v9;
	v4 =	vadd.f32 v30, v39  }
0x5d7: {  	v12 =	vadd.f32 v37, v10;
	[tilespmem:s3+$0x40] =	vst v54;
	v10 =	vld [tilespmem:s29+$0x470]  }
0x5d8: {  	v40 =	vmov v36;
	v36 =	vperm.xlane v1, v36;
	v6 =	vld [tilespmem:s25+$0x2850];
	[tilespmem:$0x1FC50] =	vst v4  }
0x5d9: {  	[tilespmem:s29+$0x450] =	vst v5  }
0x5da: {  	v1 =	vadd.f32 v36, v1;
	v43 =	vld [tilespmem:$0x1FC60]  }
0x5db: {  	v8 =	vmul.f32 v2, v24  }
0x5dc: {  	v1 =	vmul.f32 $3.906250000e-03, v1;
	v0 =	vmul.f32 v25, v25  }
0x5dd: {  	v8 =	vmul.f32 v8, v2  }
0x5de: {  	v9 =	vadd.f32 $9.999999740e-06, v16;
	v30 =	vsub.f32 v1, v0;
	v4 =	vmul.f32 v38, v21  }
0x5df: {  	v1 =	vsub.f32 $1.500000000e+00, v8;
	v38 =	vmul.f32 v49, v49;
	v16 =	vmul.f32 v43, v43  }
0x5e0: {  	v0 =	vld [tilespmem:s29+$0x460]  }
0x5e1: {  	v42 =	vmul.f32 v1, v2;
	v2 =	vadd.f32 v38, v16;
	v16 =	vld [tilespmem:$0x1FC70]  }
0x5e2: {  	v56 =	vld [tilespmem:s17+$0x2C60]  }
0x5e3: {  	v35 =	vmovc v41;
	v41 =	vadd.f32 v6, v4;
	v4 =	vshra.s32 v9, $0x1;
	v8 =	vadd.f32 $0.0e+00, v43;
	v43 =	vld [tilespmem:$0x1FC80]  }
0x5e4: {  	v4 =	vsub.s32 $0x5F3759DF, v4  }
0x5e5: {  	v0 =	vmul.f32 v0, v44;
	v1 =	vadd.f32 v49, v8;
	v8 =	vmul.f32 $5.000000000e-01, v9  }
0x5e6: {  	v6 =	vadd.f32 $0.0e+00, v16;
	v9 =	vmul.f32 v16, v16;
	v16 =	vmul.f32 v46, v46  }
0x5e7: {  	v0 =	vadd.f32 v56, v0;
	v56 =	vmul.f32 v4, v8  }
0x5e8: {  	v49 =	vmul.f32 v32, v32;
	v9 =	vadd.f32 v16, v9;
	v16 =	vmul.f32 v43, v43  }
0x5e9: {  	v36 =	vmul.f32 v4, v56;
	v56 =	vadd.f32 $0.0e+00, v61  }
0x5ea: {  	v61 =	vmul.f32 v61, v61;
	v16 =	vadd.f32 v49, v16;
	v49 =	vmul.f32 v31, v31  }
0x5eb: {  	v6 =	vadd.f32 v46, v6  }
0x5ec: {  	v46 =	vadd.f32 $0.0e+00, v43;
	v43 =	vadd.f32 v49, v61;
	v61 =	vld [tilespmem:$0x1FC90];
	_ =	sdelay $0x2  }
0x5ed: {  	v1 =	vadd.f32 v20, v1;
	v36 =	vsub.f32 $1.500000000e+00, v36  }
0x5ee: {  	v31 =	vadd.f32 v31, v56;
	v56 =	vmul.f32 v20, v20;
	v20 =	vmul.f32 v15, v15;
	[tilespmem:s29+$0x460] =	vst v0  }
0x5ef: {  	v4 =	vmul.f32 v4, v36;
	v36 =	vadd.f32 $9.999999740e-06, v61;
	v61 =	vld [tilespmem:$0x1FCA0]  }
0x5f0: {  	v6 =	vadd.f32 v15, v6;
	v9 =	vadd.f32 v20, v9  }
0x5f1: {  	v20 =	vmul.f32 v62, v62;
	v15 =	vshra.s32 v36, $0x1;
	v38 =	vmul.f32 $5.000000000e-01, v36  }
0x5f2: {  	v15 =	vsub.s32 $0x5F3759DF, v15  }
0x5f3: {  	v16 =	vadd.f32 v20, v16;
	v20 =	vmul.f32 v15, v38  }
0x5f4: {  	v1 =	vadd.f32 v7, v1;
	[tilespmem:s20+$0x470] =	vst v61  }
0x5f5: {  	v2 =	vadd.f32 v56, v2;
	v56 =	vmul.f32 v7, v7;
	v7 =	vmul.f32 v15, v20;
	v20 =	vld [tilespmem:$0x1FCB0];
	_ =	sdelay $0x4  }
0x5f6: {  	[tilespmem:s23+$0x470] =	vst v20  }
0x5f7: {  	v37 =	vld [tilespmem:$0x1FCC0];
	_ =	sdelay $0x3  }
0x5f8: {  	s16 =	simm.s32 $0xF280  }
0x5f9: {  	[tilespmem:s16+$0x0] =	vst v37  }
0x5fa: {  	v37 =	vld [tilespmem:$0x1FCD0]  }
0x5fb: {  	v32 =	vadd.f32 v32, v46;
	_ =	sdelay $0x1  }
0x5fc: {  	v32 =	vadd.f32 v62, v32;
	s20 =	simm.s32 $0x11A80;
	[tilespmem:s5+$0x30] =	vst v12  }
0x5fd: {  	v62 =	vmul.f32 v4, v8;
	v20 =	vmul.f32 v5, v5;
	v5 =	vadd.f32 v5, v6;
	[tilespmem:s20+$0x0] =	vst v58  }
0x5fe: {  	v49 =	vmul.f32 v19, v19;
	v31 =	vadd.f32 v19, v31;
	v36 =	vld [tilespmem:s17+$0x2C70];
	v7 =	vsub.f32 $1.500000000e+00, v7;
	[tilespmem:s21+$0x470] =	vst v37  }
0x5ff: {  	v19 =	vmul.f32 v62, v4;
	v62 =	vmul.f32 v0, v0;
	v1 =	vadd.f32 v5, v1;
	v5 =	vld [tilespmem:$0x1FCE0]  }
0x600: {  	v7 =	vmul.f32 v15, v7;
	v15 =	vld [tilespmem:$0x1FCF0];
	[tilespmem:s2+$0x460] =	vst v55  }
0x601: {  	v6 =	vadd.f32 v20, v9;
	v9 =	vadd.f32 v62, v16;
	v16 =	vld [tilespmem:$0x1FD00];
	_ =	sdelay $0x2  }
0x602: {  	v10 =	vmul.f32 v10, v44  }
0x603: {  	v0 =	vadd.f32 v0, v32  }
0x604: {  	v10 =	vadd.f32 v36, v10;
	v36 =	vld [tilespmem:s5+$0x410];
	v32 =	vmul.f32 v16, v48;
	v16 =	vadd.f32 v11, v47  }
0x605: {  	v20 =	vld [tilespmem:s5+$0x420]  }
0x606: {  	v46 =	vadd.f32 v55, v15;
	v15 =	vld [tilespmem:s6+$0x2840];
	[tilespmem:$0x1FD10] =	vst v16  }
0x607: {  	[tilespmem:s28+$0x400] =	vst v11  }
0x608: {  	v11 =	vld [tilespmem:$0x1FD20];
	_ =	sdelay $0x4  }
0x609: {  	v11 =	vadd.f32 v26, v11;
	_ =	sdelay $0x1  }
0x60a: {  	v19 =	vsub.f32 $1.500000000e+00, v19;
	[tilespmem:$0x1FD30] =	vst v11  }
0x60b: {  	[tilespmem:s19+$0x430] =	vst v26  }
0x60c: {  	v4 =	vmul.f32 v19, v4;
	v19 =	vld [tilespmem:$0x1FD50];
	_ =	sdelay $0x3  }
0x60d: {  	s18 =	simm.s32 $0xF380;
	v11 =	vadd.f32 v10, v31;
	v31 =	vld [tilespmem:s14+$0x2C70];
	[tilespmem:$0x1FD40] =	vst v38  }
0x60e: {  	[tilespmem:s18+$0x0] =	vst v19  }
0x60f: {  	v19 =	vld [tilespmem:$0x1FD70];
	_ =	sdelay $0x3  }
0x610: {  	v13 =	vmul.f32 v13, v23  }
0x611: {  	v0 =	vadd.f32 v11, v0;
	v11 =	vld [tilespmem:$0x1FD60];
	[tilespmem:s30+$0x470] =	vst v19  }
0x612: {  	v15 =	vadd.f32 v15, v13;
	v13 =	vld [tilespmem:$0x1FD80];
	_ =	sdelay $0x4  }
0x613: {  	v37 =	vld [tilespmem:s4+$0x2C10];
	v13 =	vmul.f32 v13, v48  }
0x614: {  	v47 =	vmul.f32 v11, v48;
	v11 =	vld [tilespmem:s24+$0x2C40]  }
0x615: {  	[tilespmem:$0x1FD90] =	vst v13;
	v13 =	vld [tilespmem:$0x1FDA0];
	_ =	sdelay $0x4  }
0x616: {  	v13 =	vmul.f32 v13, v48  }
0x617: {  	v39 =	vld [tilespmem:s3+$0x60]  }
0x618: {  	[tilespmem:$0x1FDB0] =	vst v13;
	v13 =	vld [tilespmem:$0x1FDC0];
	_ =	sdelay $0x4  }
0x619: {  	v13 =	vmul.f32 v13, v48;
	_ =	sdelay $0x1  }
0x61a: {  	[tilespmem:$0x1FDD0] =	vst v13  }
0x61b: {  	[tilespmem:s3+$0x50] =	vst v41  }
0x61c: {  	v13 =	vld [tilespmem:$0x1FDE0];
	_ =	sdelay $0x3  }
0x61d: {  	s14 =	simm.s32 $0x11B80  }
0x61e: {  	[tilespmem:s14+$0x0] =	vst v13  }
0x61f: {  	v13 =	vld [tilespmem:$0x1FDF0];
	_ =	sdelay $0x4  }
0x620: {  	v13 =	vmul.f32 v13, v48  }
0x621: {  	v58 =	vld [tilespmem:s5+$0x430]  }
0x622: {  	v8 =	vmul.f32 v4, v8;
	[tilespmem:$0x1FE00] =	vst v13;
	v13 =	vld [tilespmem:$0x1FE10];
	_ =	sdelay $0x1  }
0x623: {  	v8 =	vmul.f32 v8, v4;
	_ =	sdelay $0x1  }
0x624: {  	v43 =	vadd.f32 v49, v43;
	v8 =	vsub.f32 $1.500000000e+00, v8;
	v16 =	vmul.f32 v10, v10  }
0x625: {  	[tilespmem:s16+$0xFFFFFF80] =	vst v13  }
0x626: {  	v4 =	vmul.f32 v8, v4;
	v26 =	vadd.f32 v16, v43;
	v16 =	vmul.f32 v7, v38;
	v8 =	vld [tilespmem:$0x1FE20];
	_ =	sdelay $0x1  }
0x627: {  	v2 =	vadd.f32 v56, v2;
	v38 =	vmul.f32 v16, v7;
	_ =	sdelay $0x1  }
0x628: {  	s23 =	simm.s32 $0xF480;
	v2 =	vadd.f32 v6, v2;
	v6 =	vsub.f32 $1.500000000e+00, v38  }
0x629: {  	[tilespmem:s23+$0x0] =	vst v8  }
0x62a: {  	v0 =	vadd.f32 v0, v1;
	v1 =	vadd.f32 v26, v9;
	v9 =	vmul.f32 v6, v7;
	v6 =	vld [tilespmem:$0x1FE30];
	_ =	sdelay $0x4  }
0x62b: {  	s21 =	simm.s32 $0x11C80;
	[tilespmem:s22+$0x470] =	vst v6  }
0x62c: {  	v1 =	vadd.f32 v1, v2;
	v2 =	vld [tilespmem:$0x1FE40];
	[tilespmem:s21+$0x0] =	vst v53  }
0x62d: {  	v5 =	vmul.f32 v5, v48;
	[tilespmem:s5+$0x40] =	vst v15  }
0x62e: {  	v13 =	vld [tilespmem:$0x1FE50]  }
0x62f: {  	v5 =	vadd.f32 v37, v5  }
0x630: {  	v11 =	vadd.f32 v11, v52;
	v6 =	vadd.f32 $0.0e+00, v29  }
0x631: {  	v44 =	vld [tilespmem:s25+$0x2860];
	v8 =	vmul.f32 v51, v23;
	[tilespmem:s28+$0x410] =	vst v5  }
0x632: {  	v29 =	vmul.f32 v29, v29;
	v51 =	vadd.f32 v15, v6;
	v6 =	vmul.f32 v15, v15;
	[tilespmem:s19+$0x440] =	vst v11  }
0x633: {  	[tilespmem:s1+$0x470] =	vst v13  }
0x634: {  	v49 =	vadd.f32 v6, v29;
	v61 =	vadd.f32 v31, v2;
	v2 =	vmul.f32 v39, v21;
	v6 =	vld [tilespmem:$0x1FE60];
	_ =	sdelay $0x1  }
0x635: {  	v53 =	vmul.f32 v50, v23;
	v50 =	vadd.f32 v44, v2;
	v2 =	vperm.xlane v0, v27;
	_ =	sdelay $0x1  }
0x636: {  	s22 =	simm.s32 $0xF580;
	v0 =	vadd.f32 v0, v2;
	v2 =	vperm.xlane v1, v27  }
0x637: {  	[tilespmem:s22+$0x0] =	vst v6  }
0x638: {  	v2 =	vadd.f32 v2, v1;
	v1 =	vld [tilespmem:$0x1FE70];
	_ =	sdelay $0x2  }
0x639: {  	v26 =	vld [tilespmem:s5+$0x440];
	_ =	sdelay $0x1  }
0x63a: {  	v7 =	vld [tilespmem:s5+$0x450];
	[tilespmem:s18+$0xFFFFFF80] =	vst v1  }
0x63b: {  	v1 =	vld [tilespmem:$0x1FE80]  }
0x63c: {  	v56 =	vmul.f32 v18, v23;
	v43 =	vmul.f32 v36, v23  }
0x63d: {  	v18 =	vmul.f32 v26, v23;
	v26 =	vmul.f32 v5, v5;
	s1 =	simm.s32 $0x11D80  }
0x63e: {  	v48 =	vmul.f32 v17, v23;
	v17 =	vmul.f32 v42, v24;
	v62 =	vld [tilespmem:s5+$0x470];
	[tilespmem:s1+$0x0] =	vst v3  }
0x63f: {  	v15 =	vld [tilespmem:s6+$0x2850];
	v3 =	vperm.xlane v0, v28;
	[tilespmem:s31+$0x470] =	vst v59;
	v59 =	vadd.f32 v26, v60;
	v26 =	vperm.xlane v2, v28  }
0x640: {  	v36 =	vmul.f32 v20, v23;
	v24 =	vld [tilespmem:s4+$0x2C20];
	[tilespmem:s26+$0x470] =	vst v57;
	s26 =	simm.s32 $0xF680;
	v1 =	vadd.f32 v5, v1;
	v5 =	vmul.f32 v7, v23  }
0x641: {  	v20 =	vld [tilespmem:s24+$0x2C50];
	[tilespmem:s26+$0x0] =	vst v45;
	v7 =	vadd.f32 v0, v3;
	v3 =	vadd.f32 v26, v2;
	v2 =	vmul.f32 v17, v42  }
0x642: {  	s30 =	simm.s32 $0x11E80;
	v31 =	vld [tilespmem:s5+$0x460];
	[tilespmem:$0x1FE90] =	vst v42  }
0x643: {  	[tilespmem:s30+$0x0] =	vst v4;
	v2 =	vsub.f32 $1.500000000e+00, v2  }
0x644: {  	[tilespmem:s23+$0xFFFFFF80] =	vst v25  }
0x645: {  	v26 =	vld [tilespmem:s3+$0x70];
	[tilespmem:$0x1FEA0] =	vst v2  }
0x646: {  	[tilespmem:s2+$0x470] =	vst v61  }
0x647: {  	v4 =	vadd.f32 $0.0e+00, v12;
	v2 =	vmul.f32 v12, v12;
	v12 =	vld [tilespmem:$0x1FEB0];
	_ =	sdelay $0x2  }
0x648: {  	[tilespmem:s3+$0x60] =	vst v50  }
0x649: {  	s2 =	rddreg [dreg:$0x11]  }
0x64a: {  	s2 =	smul.u32 $0x50, s2;
	v55 =	vadd.f32 v61, v12;
	v12 =	vld [tilespmem:$0x1FEC0]  }
0x64b: {  	v15 =	vadd.f32 v15, v53;
	v6 =	vmul.f32 v58, v23  }
0x64c: {  	v58 =	vmul.f32 v31, v23;
	v60 =	vmul.f32 v62, v23;
	v23 =	vadd.f32 v24, v32;
	[dreg:$0x12] =	wrdreg s2  }
0x64d: {  	[tilespmem:s5+$0x50] =	vst v15  }
0x64e: {  	[tilespmem:s28+$0x420] =	vst v23  }
0x64f: {  	v31 =	vadd.f32 v20, v63;
	v20 =	vadd.f32 v11, v12;
	v12 =	vld [tilespmem:$0x1FED0]  }
0x650: {  	v29 =	vadd.f32 $0.0e+00, v14  }
0x651: {  	v57 =	vadd.f32 $9.999999740e-06, v30;
	v62 =	vmul.f32 v61, v61;
	v17 =	vmul.f32 v14, v14  }
0x652: {  	v30 =	vadd.f32 v15, v29;
	v0 =	vmul.f32 v22, v22;
	v24 =	vmul.f32 v11, v11  }
0x653: {  	v52 =	vmovc v54;
	v53 =	vmovc v34;
	v14 =	vadd.f32 $0.0e+00, v22;
	v32 =	vperm.xlane v7, v35;
	v61 =	vmul.f32 v15, v15;
	v15 =	vld [tilespmem:s25+$0x2870]  }
0x654: {  	s17 =	sadd.s32 $0x2, s0;
	v45 =	vmovc v41;
	s23 =	simm.s32 $0xF680;
	s2 =	simm.s32 $0x11E80;
	v63 =	vld [tilespmem:s6+$0x2860];
	v11 =	vmul.f32 v26, v21;
	v26 =	vmul.f32 v23, v23;
	v12 =	vadd.f32 v23, v12  }
.LBB2_7:
0x655: {  	v13 =	vld [tilespmem:$0x1FD90];
	_ =	sdelay $0x4  }
0x656: {  	v16 =	vmov v13;
	v13 =	vadd.f32 v61, v17;
	_ =	sdelay $0x1  }
0x657: {  	[tilespmem:$0x1F7C0] =	vst v13;
	v13 =	vld [tilespmem:$0x1FA30];
	_ =	sdelay $0x4  }
0x658: {  	v17 =	vadd.f32 v31, v13;
	v13 =	vld [tilespmem:$0x1FA60]  }
0x659: {  	v42 =	vperm.xlane v3, v35;
	_ =	sdelay $0x1  }
0x65a: {  	v3 =	vadd.f32 v42, v3;
	_ =	sdelay $0x1  }
0x65b: {  	v19 =	vperm.xlane v3, v40  }
0x65c: {  	s10 =	smov.u32 s11;
	s11 =	sadd.s32 $0x2, s11;
	v15 =	vadd.f32 v15, v11;
	v11 =	vld [tilespmem:s4+$0x2C30]  }
0x65d: {  	s31 =	sand.u32 $0x70, s11;
	[tilespmem:s19+$0x450] =	vst v31;
	v38 =	vadd.f32 v19, v3;
	v3 =	vld [tilespmem:$0x1FB20]  }
0x65e: {  	v29 =	vmul.f32 v31, v31;
	v31 =	vld.idx.msk [tilespmem:v13+s31+$0x0 ss:$0x1], $0xffff;
	v13 =	vmov v18  }
0x65f: {  	[tilespmem:$0x1FD90] =	vst v13;
	v13 =	vld [tilespmem:$0x1FDB0]  }
0x660: {  	v7 =	vadd.f32 v7, v32;
	_ =	sdelay $0x1  }
0x661: {  	v39 =	vperm.xlane v7, v40  }
0x662: {  	v18 =	vadd.f32 v63, v8;
	v8 =	vld [tilespmem:$0x1FAC0]  }
0x663: {  	[tilespmem:$0x1F7A0] =	vst v16;
	v16 =	vmovc v13;
	v13 =	vmov v5;
	v5 =	vadd.f32 v7, v39;
	v7 =	vmov v3;
	v3 =	vld [tilespmem:$0x1FBD0]  }
0x664: {  	[tilespmem:$0x1FDB0] =	vst v13;
	v13 =	vld [tilespmem:$0x1F970]  }
0x665: {  	[tilespmem:$0x1F7E0] =	vst v16;
	v16 =	vld [tilespmem:$0x1FB80];
	_ =	sdelay $0x1  }
0x666: {  	v11 =	vadd.f32 v11, v47;
	_ =	sdelay $0x1  }
0x667: {  	v37 =	vld [tilespmem:s24+$0x2C60];
	[tilespmem:s5+$0x60] =	vst v18;
	v63 =	vadd.f32 v26, v8;
	v19 =	vadd.f32 v11, v3;
	v3 =	vmov v1  }
0x668: {  	v26 =	vadd.f32 v62, v13;
	v13 =	vmovc v16;
	v16 =	vadd.f32 v18, v14;
	v14 =	vmul.f32 v18, v18;
	v18 =	vld [tilespmem:s6+$0x2870]  }
0x669: {  	s10 =	sadd.s32 $0x3, s10;
	[tilespmem:$0x1FA30] =	vst v3;
	v3 =	vld [tilespmem:$0x1FB00]  }
0x66a: {  	v47 =	vmov v6;
	v6 =	vmov s10  }
0x66b: {  	s18 =	sand.u32 $0xE, s11;
	v6 =	vperm.xlane v31, v6  }
0x66c: {  	v61 =	vmov s18;
	[tilespmem:s3+$0x70] =	vst v15  }
0x66d: {  	v22 =	vmovc v54;
	v44 =	vld [tilespmem:s3+$0x400];
	vm2 =	veq.s32 v6, $0x0;
	v1 =	vperm.xlane v31, v61;
	[tilespmem:$0x1F970] =	vst v13;
	v13 =	vmov v60  }
0x66e: {  	v54 =	vmul.f32 $3.906250000e-03, v5;
	v5 =	vld [tilespmem:$0x1FE00];
	[tilespmem:$0x1FE00] =	vst v13;
	v61 =	vadd.f32 v37, v3;
	v3 =	vmovc v58;
	v6 =	vadd.f32 v18, v56  }
0x66f: {  	vm1 =	veq.s32 v1, $0x0;
	v13 =	vld [tilespmem:$0x1FDD0];
	[tilespmem:$0x1FDD0] =	vst v3;
	v3 =	vimm.f32 $1.000000000e+00  }
0x670: {  	v42 =	vld [tilespmem:s25+$0x2C00];
	v1 =	vsel vm1, $0x0, v3;
	v18 =	vsel vm2, $0x0, v3;
	v3 =	vadd.f32 v6, v4;
	_ =	sdelay $0x1  }
0x671: {  	[tilespmem:$0x1FBD0] =	vst v3;
	v3 =	vld [tilespmem:$0x1FA80]  }
0x672: {  	v23 =	vmov v34;
	v34 =	vmul.f32 v44, v21  }
0x673: {  	v44 =	vmul.f32 v54, v54  }
0x674: {  	[tilespmem:$0x1F7D0] =	vst v16;
	v0 =	vadd.f32 v14, v0;
	v16 =	vmovc v5;
	v5 =	vadd.f32 v42, v34;
	v42 =	vmul.f32 $3.906250000e-03, v38;
	_ =	sdelay $0x1  }
0x675: {  	[tilespmem:$0x1FAC0] =	vst v0;
	v0 =	vsub.f32 v42, v44;
	v44 =	vadd.f32 v61, v3;
	v3 =	vmov v12  }
0x676: {  	s0 =	smulhi.u32 $0x51EB851F, s17;
	[tilespmem:$0x1FA80] =	vst v3;
	v3 =	vld [tilespmem:$0x1FB60];
	_ =	sdelay $0x1  }
0x677: {  	s0 =	sshrl.u32 s0, $0x6  }
0x678: {  	s7 =	sadd.s32 $0x100, s7;
	s12 =	sadd.s32 $0x200, s12;
	s16 =	smul.u32 $0x6400, s0;
	[tilespmem:s28+$0x430] =	vst v11;
	v11 =	vmul.f32 v11, v11  }
0x679: {  	s8 =	sadd.s32 $0x200, s8;
	s9 =	rddreg [dreg:$0x7];
	s0 =	smul.u32 $0xC800, s0  }
0x67a: {  	s13 =	sand.u32 $0x7800, s8;
	s15 =	sadd.s32 $0x80, s7;
	s18 =	ssub.s32 s9, s16;
	v3 =	vadd.f32 v11, v3  }
0x67b: {  	s16 =	sadd.s32 $0x19200, s13;
	s0 =	ssub.s32 s12, s0;
	s18 =	sadd.s32 s18, s7  }
0x67c: {  	s9 =	sadd.s32 $0x5100, s0;
	s13 =	sadd.s32 $0x2880, s18;
	s31 =	sand.u32 $0x380, s15;
	[tilespmem:$0x1FB80] =	vst v3;
	v3 =	vld [tilespmem:$0x1FA50]  }
0x67d: {  	s13 =	sand.u32 $0x380, s13;
	s10 =	sadd.s32 s31, s16;
	s31 =	sand.u32 $0xF800, s9  }
0x67e: {  	s31 =	sor.u32 s13, s31;
	v31 =	vld [tilespmem:s3+$0x410]  }
0x67f: {  	v37 =	vld [tilespmem:s31+$0x2800];
	[tilespmem:s3+$0x400] =	vst v5  }
0x680: {  	s0 =	sadd.s32 $0x5000, s0;
	s18 =	sadd.s32 $0x2800, s18;
	v14 =	vld [tilespmem:s25+$0x2C10]  }
0x681: {  	s18 =	sand.u32 $0x300, s18;
	s9 =	sand.u32 $0xF800, s0;
	v4 =	vmul.f32 v6, v6;
	v29 =	vadd.f32 v29, v3;
	v3 =	vld [tilespmem:$0x1FA90]  }
0x682: {  	s18 =	sor.u32 s18, s9;
	v39 =	vld [tilespmem:s10+$0x0];
	[tilespmem:s19+$0x460] =	vst v61;
	v0 =	vadd.f32 $9.999999740e-06, v0  }
0x683: {  	s15 =	sand.u32 $0x300, s7;
	v56 =	vld [tilespmem:s18+$0x2800];
	[tilespmem:s5+$0x70] =	vst v6;
	v6 =	vmul.f32 v31, v21;
	v2 =	vadd.f32 v4, v2  }
0x684: {  	s16 =	sadd.s32 s15, s16;
	v31 =	vshra.s32 v0, $0x1;
	v0 =	vmul.f32 $5.000000000e-01, v0;
	v11 =	vmul.f32 v61, v61  }
0x685: {  	v38 =	vld [tilespmem:s16+$0x0];
	[tilespmem:$0x1FB20] =	vst v16;
	v4 =	vsub.s32 $0x5F3759DF, v31;
	v16 =	vmov v2;
	v6 =	vadd.f32 v14, v6  }
0x686: {  	v14 =	vmul.f32 v4, v0;
	[tilespmem:$0x1FB60] =	vst v16;
	v16 =	vld [tilespmem:$0x1FC50];
	v11 =	vadd.f32 v11, v3;
	v3 =	vmov v59  }
0x687: {  	v39 =	vmul.f32 v18, v39;
	[tilespmem:$0x1FA50] =	vst v3;
	v3 =	vld [tilespmem:$0x1F9F0]  }
0x688: {  	v14 =	vmul.f32 v4, v14  }
0x689: {  	v34 =	vadd.f32 v39, v37  }
0x68a: {  	v60 =	vld [tilespmem:s16+$0x20];
	v14 =	vsub.f32 $1.500000000e+00, v14  }
0x68b: {  	v31 =	vld [tilespmem:s10+$0x10];
	[tilespmem:s10+$0x0] =	vst v34  }
0x68c: {  	v12 =	vmul.f32 v1, v38;
	v38 =	vld [tilespmem:s31+$0x2810];
	v4 =	vmul.f32 v4, v14;
	v14 =	vadd.f32 v24, v3;
	v3 =	vmovc v16  }
0x68d: {  	[tilespmem:$0x1F9F0] =	vst v3;
	v3 =	vld [tilespmem:$0x1FC10];
	_ =	sdelay $0x1  }
0x68e: {  	v27 =	vld [tilespmem:$0x1FFE0]  }
0x68f: {  	v55 =	vadd.f32 v55, v46;
	v17 =	vadd.f32 v17, v20;
	v42 =	vld [tilespmem:s16+$0x10];
	v31 =	vmul.f32 v31, v18  }
0x690: {  	v28 =	vld [tilespmem:$0x1FFF0];
	[tilespmem:$0x1F7B0] =	vst v19;
	v19 =	vmov v63  }
0x691: {  	v63 =	vmul.f32 v60, v1;
	v37 =	vld [tilespmem:s3+$0x420];
	v60 =	vadd.f32 v38, v31;
	v31 =	vadd.f32 v55, v3;
	v3 =	vmovc v17  }
0x692: {  	[tilespmem:$0x1FC10] =	vst v3;
	v3 =	vld [tilespmem:$0x1FC00]  }
0x693: {  	v13 =	vmov v13;
	v2 =	vld [tilespmem:s16+$0x40];
	[tilespmem:s3+$0x410] =	vst v6;
	v12 =	vadd.f32 v12, v56  }
0x694: {  	[tilespmem:$0x1FB00] =	vst v13;
	v39 =	vmul.f32 v42, v1;
	v42 =	vld [tilespmem:s25+$0x2C20]  }
0x695: {  	v13 =	vld [tilespmem:s16+$0x30];
	[tilespmem:s16+$0x0] =	vst v12  }
0x696: {  	v8 =	vshra.s32 v57, $0x1;
	v46 =	vmov v44;
	v44 =	vld [tilespmem:s18+$0x2810];
	v17 =	vmul.f32 v4, v0  }
0x697: {  	v35 =	vsub.s32 $0x5F3759DF, v8;
	v8 =	vld [tilespmem:s10+$0x20];
	v32 =	vmul.f32 v37, v21;
	[tilespmem:s10+$0x10] =	vst v60;
	v26 =	vadd.f32 v26, v3;
	v3 =	vmovc v11  }
0x698: {  	v14 =	vadd.f32 v29, v14;
	v29 =	vperm.xlane v31, v27;
	v17 =	vmul.f32 v17, v4;
	[tilespmem:$0x1FC00] =	vst v3;
	v3 =	vld [tilespmem:$0x1FC40]  }
0x699: {  	v57 =	vmul.f32 $5.000000000e-01, v57;
	v58 =	vadd.f32 v42, v32;
	v55 =	vmul.f32 v2, v1;
	v2 =	vld [tilespmem:s31+$0x2820]  }
0x69a: {  	v42 =	vld [tilespmem:s16+$0x70];
	v29 =	vadd.f32 v31, v29;
	v31 =	vsub.f32 $1.500000000e+00, v17  }
0x69b: {  	v38 =	vmul.f32 v35, v57;
	v56 =	vadd.f32 v44, v39;
	v11 =	vmul.f32 v13, v1;
	v13 =	vld [tilespmem:s3+$0x430]  }
0x69c: {  	v8 =	vmul.f32 v8, v18;
	v16 =	vld [tilespmem:$0x1FFC0];
	[tilespmem:s3+$0x420] =	vst v58;
	v4 =	vmul.f32 v31, v4  }
0x69d: {  	v61 =	vmul.f32 v35, v38;
	[tilespmem:s16+$0x10] =	vst v56;
	v59 =	vld [tilespmem:s25+$0x2C30];
	v37 =	vadd.f32 v26, v3  }
0x69e: {  	v31 =	vadd.f32 v2, v8;
	v2 =	vperm.xlane v29, v28;
	v0 =	vmul.f32 v4, v0;
	v3 =	vmovc v14;
	v14 =	vld [tilespmem:s16+$0x60]  }
0x69f: {  	[tilespmem:$0x1FA90] =	vst v19;
	v19 =	vld [tilespmem:s18+$0x2820];
	v17 =	vmul.f32 v56, v56;
	v39 =	vperm.xlane v37, v27  }
0x6a0: {  	v44 =	vld [tilespmem:s16+$0x400];
	v2 =	vadd.f32 v29, v2;
	v0 =	vmul.f32 v0, v4;
	v13 =	vmul.f32 v13, v21  }
0x6a1: {  	v26 =	vadd.f32 $0.0e+00, v56;
	v56 =	vmul.f32 v42, v1;
	v32 =	vadd.f32 v39, v37;
	v37 =	vld [tilespmem:s10+$0x30]  }
0x6a2: {  	[tilespmem:s10+$0x20] =	vst v31;
	v42 =	vperm.xlane v2, v16;
	v16 =	vsub.f32 $1.500000000e+00, v0;
	v0 =	vld [tilespmem:$0x1FFC0];
	v59 =	vadd.f32 v59, v13  }
0x6a3: {  	[tilespmem:$0x1FC40] =	vst v3;
	v3 =	vld [tilespmem:s3+$0x440];
	v8 =	vmul.f32 v14, v1;
	v14 =	vsub.f32 $1.500000000e+00, v61;
	v13 =	vperm.xlane v32, v28  }
0x6a4: {  	v19 =	vadd.f32 v19, v63;
	v29 =	vld [tilespmem:s31+$0x2830];
	[tilespmem:s3+$0x430] =	vst v59  }
0x6a5: {  	v63 =	vmul.f32 v35, v14;
	v13 =	vadd.f32 v13, v32;
	v32 =	vld [tilespmem:s25+$0x2C40]  }
0x6a6: {  	v35 =	vmul.f32 v44, v1;
	v44 =	vld [tilespmem:s6+$0x2C00];
	[tilespmem:s16+$0x20] =	vst v19;
	v37 =	vmul.f32 v37, v18  }
0x6a7: {  	s26 =	sadd.s32 $0x100, s26;
	v14 =	vadd.f32 $0.0e+00, v19;
	[tilespmem:s29+$0x470] =	vst v10;
	v38 =	vperm.xlane v13, v0;
	v0 =	vmul.f32 v19, v19;
	v19 =	vld [tilespmem:s16+$0x410]  }
0x6a8: {  	v4 =	vmul.f32 v16, v4;
	v2 =	vadd.f32 v2, v42;
	v3 =	vmul.f32 v3, v21;
	v39 =	vld [tilespmem:s18+$0x2830];
	s29 =	smov.u32 s3;
	s3 =	smov.u32 s10;
	[tilespmem:s26+$0x0] =	vst v54  }
0x6a9: {  	s30 =	sadd.s32 $0x100, s30;
	v37 =	vadd.f32 v29, v37;
	v13 =	vadd.f32 v38, v13;
	v38 =	vld [tilespmem:s3+$0x40]  }
0x6aa: {  	[tilespmem:s30+$0x0] =	vst v4;
	v4 =	vld [tilespmem:$0x1FD40];
	v10 =	vadd.f32 v32, v3  }
0x6ab: {  	v48 =	vadd.f32 v44, v48;
	v3 =	vperm.xlane v2, v40;
	[tilespmem:s3+$0x30] =	vst v37;
	v54 =	vld [tilespmem:s29+$0x450]  }
0x6ac: {  	v62 =	vmul.f32 v19, v1;
	v19 =	vld [tilespmem:s31+$0x2840];
	[tilespmem:s29+$0x440] =	vst v10  }
0x6ad: {  	v11 =	vadd.f32 v39, v11;
	v32 =	vmul.f32 v48, v48;
	v25 =	vadd.f32 v2, v3;
	v39 =	vld [tilespmem:s25+$0x2C50];
	_ =	sdelay $0x1  }
0x6ae: {  	v61 =	vadd.f32 v48, v51;
	v51 =	vmul.f32 $3.906250000e-03, v25;
	v25 =	vadd.f32 v32, v49  }
0x6af: {  	v16 =	vld [tilespmem:s16+$0x420];
	v44 =	vmul.f32 v54, v21  }
0x6b0: {  	[tilespmem:$0x1FC50] =	vst v25;
	v25 =	vld [tilespmem:$0x1FE90]  }
0x6b1: {  	v2 =	vmov v57;
	v4 =	vmul.f32 v9, v4;
	v32 =	vadd.f32 v39, v44;
	v44 =	vld [tilespmem:$0x1FEA0]  }
0x6b2: {  	v29 =	vmul.f32 v63, v57;
	[tilespmem:$0x1FD40] =	vst v2;
	v2 =	vmul.f32 v11, v11  }
0x6b3: {  	[tilespmem:s16+$0x30] =	vst v11;
	v3 =	vmul.f32 v4, v9;
	v4 =	vadd.f32 $0.0e+00, v11;
	v11 =	vmul.f32 v38, v18  }
0x6b4: {  	v24 =	vld [tilespmem:s16+$0x50];
	v42 =	vperm.xlane v13, v40  }
0x6b5: {  	v40 =	vmul.f32 v29, v63;
	[tilespmem:s5+$0x400] =	vst v48;
	v29 =	vmul.f32 v16, v1;
	v16 =	vld [tilespmem:s29+$0x470];
	v54 =	vadd.f32 v19, v11  }
0x6b6: {  	v57 =	vld [tilespmem:s3+$0x50];
	[tilespmem:s22+$0xFFFFFF80] =	vst v51;
	v11 =	vmul.f32 v51, v51;
	v51 =	vmul.f32 v44, v25;
	v25 =	vsub.f32 $1.500000000e+00, v3  }
0x6b7: {  	v13 =	vadd.f32 v42, v13;
	v38 =	vld [tilespmem:s29+$0x460]  }
0x6b8: {  	[tilespmem:$0x1FEA0] =	vst v25;
	v25 =	vld [tilespmem:$0x1FB40]  }
0x6b9: {  	v13 =	vmul.f32 $3.906250000e-03, v13;
	v49 =	vld [tilespmem:s18+$0x2840]  }
0x6ba: {  	v19 =	vsub.f32 $1.500000000e+00, v40;
	v40 =	vld [tilespmem:s6+$0x2C10];
	[tilespmem:s3+$0x40] =	vst v54  }
0x6bb: {  	v11 =	vsub.f32 v13, v11;
	v13 =	vld [tilespmem:s31+$0x2850];
	[tilespmem:s29+$0x450] =	vst v32;
	v3 =	vmov v9  }
0x6bc: {  	v9 =	vmul.f32 v19, v63;
	v19 =	vmul.f32 v38, v21;
	v38 =	vld [tilespmem:s25+$0x2C60];
	[tilespmem:$0x1FE90] =	vst v3  }
0x6bd: {  	v3 =	vld [tilespmem:s16+$0x430];
	[tilespmem:s20+$0xFFFFFF80] =	vst v51;
	v51 =	vadd.f32 $0.0e+00, v25;
	v63 =	vmul.f32 v25, v25;
	v25 =	vmov v60  }
0x6be: {  	v23 =	vmul.f32 v23, v53;
	v22 =	vmul.f32 v22, v52;
	[tilespmem:$0x1FB40] =	vst v25;
	v25 =	vld [tilespmem:$0x1FBA0]  }
0x6bf: {  	v16 =	vmul.f32 v16, v21;
	v39 =	vadd.f32 $0.0e+00, v53;
	v21 =	vmov v18  }
0x6c0: {  	v22 =	vadd.f32 v22, v23;
	v20 =	vadd.f32 $0.0e+00, v12;
	v18 =	vmul.f32 v57, v21  }
0x6c1: {  	v39 =	vadd.f32 v52, v39;
	v57 =	vadd.f32 $9.999999740e-06, v11  }
0x6c2: {  	v23 =	vmul.f32 v45, v41;
	v45 =	vadd.f32 v13, v18;
	v19 =	vadd.f32 v38, v19  }
0x6c3: {  	v48 =	vmovc v35;
	v44 =	vmul.f32 v33, v33;
	v18 =	vadd.f32 v41, v51;
	v60 =	vadd.f32 $0.0e+00, v25  }
0x6c4: {  	v51 =	vmul.f32 v50, v50;
	v23 =	vadd.f32 v23, v63;
	v35 =	vmul.f32 v25, v25;
	v25 =	vmovc v31  }
0x6c5: {  	[tilespmem:$0x1FBA0] =	vst v25;
	v25 =	vadd.f32 $0.0e+00, v33;
	v38 =	vadd.f32 v50, v60;
	v50 =	vmul.f32 v15, v15  }
0x6c6: {  	[tilespmem:s29+$0x460] =	vst v19;
	v18 =	vadd.f32 v6, v18;
	v35 =	vadd.f32 v51, v35;
	v60 =	vmul.f32 v6, v6  }
0x6c7: {  	v15 =	vadd.f32 v15, v25;
	v25 =	vmul.f32 v5, v5;
	v44 =	vadd.f32 v50, v44;
	v50 =	vld [tilespmem:s25+$0x2C70]  }
0x6c8: {  	v5 =	vadd.f32 v5, v39;
	v23 =	vadd.f32 v60, v23  }
0x6c9: {  	v6 =	vmul.f32 v58, v58;
	v22 =	vadd.f32 v25, v22;
	v25 =	vadd.f32 v58, v38  }
0x6ca: {  	v11 =	vld [tilespmem:s16+$0x440];
	v58 =	vmul.f32 v59, v59;
	v15 =	vadd.f32 v59, v15;
	v59 =	vmul.f32 v10, v10  }
0x6cb: {  	v13 =	vld [tilespmem:s16+$0x470];
	v35 =	vadd.f32 v6, v35;
	v60 =	vmul.f32 v32, v32;
	v5 =	vadd.f32 v10, v5  }
0x6cc: {  	v33 =	vmovc v37;
	v37 =	vld [tilespmem:s16+$0x460];
	v6 =	vmul.f32 v3, v1;
	v3 =	vadd.f32 v59, v22;
	v10 =	vadd.f32 v50, v16  }
0x6cd: {  	v12 =	vmul.f32 v12, v12;
	v31 =	vld [tilespmem:s16+$0x450];
	v22 =	vadd.f32 v60, v23;
	v16 =	vadd.f32 v32, v18  }
0x6ce: {  	v23 =	vmul.f32 v19, v19;
	v19 =	vadd.f32 v19, v25;
	v15 =	vadd.f32 v10, v15  }
0x6cf: {  	v24 =	vmul.f32 v24, v1;
	v42 =	vld [tilespmem:s4+$0x2C40];
	v38 =	vadd.f32 v58, v44;
	v16 =	vadd.f32 v16, v5  }
0x6d0: {  	v18 =	vmul.f32 v11, v1;
	v11 =	vld [tilespmem:s3+$0x60];
	v15 =	vadd.f32 v15, v19;
	v19 =	vadd.f32 v49, v55  }
0x6d1: {  	v41 =	vmovc v45;
	v58 =	vmul.f32 v37, v1;
	v60 =	vmul.f32 v13, v1;
	v3 =	vadd.f32 v22, v3;
	v22 =	vld [tilespmem:$0x1F7A0]  }
0x6d2: {  	v63 =	vld [tilespmem:s24+$0x2C70];
	s25 =	smov.u32 s31;
	[tilespmem:s3+$0x50] =	vst v41;
	v5 =	vmul.f32 v31, v1;
	v1 =	vadd.f32 v15, v16;
	v15 =	vmul.f32 v19, v19  }
0x6d3: {  	v25 =	vmul.f32 v10, v10;
	v31 =	vld [tilespmem:s25+$0x2860]  }
0x6d4: {  	v23 =	vadd.f32 v23, v35;
	v49 =	vadd.f32 v15, v12;
	v15 =	vld [tilespmem:$0x1FD30]  }
0x6d5: {  	v25 =	vadd.f32 v25, v38;
	v16 =	vadd.f32 v40, v43  }
0x6d6: {  	s24 =	smov.u32 s4;
	s4 =	smov.u32 s6;
	s6 =	smov.u32 s18;
	v22 =	vadd.f32 v42, v22;
	v11 =	vmul.f32 v11, v21;
	[tilespmem:s16+$0x40] =	vst v19  }
0x6d7: {  	v7 =	vadd.f32 v63, v7;
	v13 =	vadd.f32 v25, v23;
	v23 =	vld [tilespmem:s6+$0x2850];
	[tilespmem:s5+$0x410] =	vst v16  }
0x6d8: {  	v43 =	vmov v62;
	v50 =	vadd.f32 v31, v11;
	v11 =	vld [tilespmem:s4+$0x2C20];
	[tilespmem:s28+$0x440] =	vst v22  }
0x6d9: {  	v62 =	vmul.f32 v7, v7;
	v3 =	vadd.f32 v13, v3;
	[tilespmem:s19+$0x470] =	vst v7;
	v55 =	vadd.f32 v7, v15;
	v7 =	vld [tilespmem:$0x1FD10];
	_ =	sdelay $0x1  }
0x6da: {  	v51 =	vadd.f32 v19, v20;
	v20 =	vperm.xlane v3, v27;
	_ =	sdelay $0x1  }
0x6db: {  	v3 =	vadd.f32 v20, v3  }
0x6dc: {  	v23 =	vadd.f32 v23, v24;
	v24 =	vmul.f32 v22, v22;
	v20 =	vadd.f32 v22, v7;
	v22 =	vld [tilespmem:$0x1F7B0];
	_ =	sdelay $0x4  }
0x6dd: {  	v13 =	vperm.xlane v1, v27;
	v7 =	vmov v22  }
0x6de: {  	[tilespmem:$0x1FD30] =	vst v7;
	v7 =	vld [tilespmem:$0x1F7C0]  }
0x6df: {  	v12 =	vld [tilespmem:s3+$0x70];
	v13 =	vadd.f32 v1, v13;
	_ =	sdelay $0x1  }
0x6e0: {  	v19 =	vmul.f32 v16, v16;
	v27 =	vperm.xlane v13, v28  }
0x6e1: {  	v35 =	vld [tilespmem:$0x1FFC0];
	v1 =	vadd.f32 v16, v30  }
0x6e2: {  	v16 =	vmovc v61;
	v25 =	vld [tilespmem:s24+$0x2C50];
	v59 =	vadd.f32 v19, v7;
	v7 =	vadd.f32 v13, v27;
	v13 =	vperm.xlane v3, v28  }
0x6e3: {  	[tilespmem:$0x1FD10] =	vst v16;
	v16 =	vadd.f32 v11, v36;
	v11 =	vmul.f32 v12, v21;
	v12 =	vld [tilespmem:$0x1F7D0]  }
0x6e4: {  	p0 =	slt.u32 s11, $0x4E;
	v3 =	vadd.f32 v13, v3;
	v13 =	vld [tilespmem:$0x1F7E0]  }
.Ltmp2:
0x6e5: {  	_ = 	snop;
	(pc) =	sbr.rel @p0 .LBB2_7-.Ltmp2, $4  }
0x6e6: {  	[tilespmem:s3+$0x60] =	vst v50;
	s19 =	smov.u32 s28;
	s28 =	smov.u32 s5;
	s5 =	smov.u32 s16  }
0x6e7: {  	s17 =	sadd.s32 $0x2, s17;
	s22 =	smov.u32 s23;
	v53 =	vmov v34;
	v52 =	vmov v54;
	v40 =	vld [tilespmem:$0x1FFD0];
	[tilespmem:s5+$0x50] =	vst v23  }
0x6e8: {  	s23 =	smov.u32 s26;
	s20 =	smov.u32 s14;
	s14 =	smov.u32 s21;
	v15 =	vld [tilespmem:s25+$0x2870];
	v30 =	vadd.f32 v23, v26;
	v61 =	vmul.f32 v23, v23;
	v36 =	vmovc v29;
	v26 =	vmul.f32 v16, v16  }
0x6e9: {  	s21 =	smov.u32 s1;
	s1 =	smov.u32 s2;
	s2 =	smov.u32 s30;
	v63 =	vld [tilespmem:s6+$0x2860];
	[tilespmem:s28+$0x420] =	vst v16;
	v12 =	vadd.f32 v16, v12;
	v32 =	vperm.xlane v7, v35;
	v31 =	vadd.f32 v25, v13  }
0x6ea: {  	_ =	sdelay $0x2  }
0x6eb: {  	v11 =	vadd.f32 v15, v11  }
0x6ec: {  	v13 =	vld [tilespmem:s3+$0x400]  }
0x6ed: {  	s7 =	rddreg [dreg:$0x7];
	[tilespmem:s3+$0x70] =	vst v11  }
0x6ee: {  	v27 =	vld [tilespmem:s25+$0x2C00];
	_ =	sdelay $0x2  }
0x6ef: {  	v13 =	vmul.f32 v13, v21;
	_ =	sdelay $0x1  }
0x6f0: {  	v13 =	vadd.f32 v27, v13  }
0x6f1: {  	v28 =	vld [tilespmem:s3+$0x410]  }
0x6f2: {  	[tilespmem:s3+$0x400] =	vst v13  }
0x6f3: {  	v16 =	vld [tilespmem:s25+$0x2C10];
	_ =	sdelay $0x2  }
0x6f4: {  	v15 =	vmul.f32 v28, v21;
	_ =	sdelay $0x1  }
0x6f5: {  	v16 =	vadd.f32 v16, v15  }
0x6f6: {  	v29 =	vld [tilespmem:s3+$0x420]  }
0x6f7: {  	[tilespmem:s3+$0x410] =	vst v16  }
0x6f8: {  	v19 =	vld [tilespmem:s25+$0x2C20];
	_ =	sdelay $0x2  }
0x6f9: {  	v15 =	vmul.f32 v29, v21;
	_ =	sdelay $0x1  }
0x6fa: {  	v19 =	vadd.f32 v19, v15  }
0x6fb: {  	v37 =	vld [tilespmem:s3+$0x430]  }
0x6fc: {  	[tilespmem:s3+$0x420] =	vst v19  }
0x6fd: {  	v22 =	vld [tilespmem:s25+$0x2C30];
	_ =	sdelay $0x2  }
0x6fe: {  	v8 =	vadd.f32 v63, v8;
	v15 =	vmul.f32 v37, v21;
	_ =	sdelay $0x1  }
0x6ff: {  	v23 =	vld [tilespmem:s3+$0x440];
	[tilespmem:s5+$0x60] =	vst v8;
	v25 =	vadd.f32 v22, v15  }
0x700: {  	v29 =	vadd.f32 v7, v32;
	v32 =	vld [tilespmem:s6+$0x2870]  }
0x701: {  	v22 =	vld [tilespmem:s4+$0x2C30];
	[tilespmem:s3+$0x430] =	vst v25  }
0x702: {  	v38 =	vperm.xlane v3, v35;
	v63 =	vmov v35;
	v35 =	vld [tilespmem:s25+$0x2C40];
	_ =	sdelay $0x2  }
0x703: {  	v23 =	vmul.f32 v23, v21  }
0x704: {  	[tilespmem:s19+$0x450] =	vst v31;
	v3 =	vadd.f32 v38, v3;
	v38 =	vadd.f32 v22, v47  }
0x705: {  	v39 =	vld [tilespmem:$0x1FAC0];
	v22 =	vadd.f32 v32, v56;
	v32 =	vadd.f32 v35, v23  }
0x706: {  	v42 =	vperm.xlane v3, v40;
	v27 =	vld [tilespmem:$0x1F970]  }
0x707: {  	v15 =	vadd.f32 v61, v17;
	v61 =	vld [tilespmem:$0x1FB00];
	[tilespmem:s3+$0x440] =	vst v32  }
0x708: {  	v37 =	vperm.xlane v29, v40;
	v17 =	vadd.f32 v42, v3;
	v42 =	vld [tilespmem:$0x1FC10]  }
0x709: {  	v44 =	vld [tilespmem:s24+$0x2C60]  }
0x70a: {  	v29 =	vadd.f32 v29, v37  }
0x70b: {  	v56 =	vadd.f32 v55, v46;
	v23 =	vadd.f32 v8, v14;
	v8 =	vmul.f32 v8, v8  }
0x70c: {  	v46 =	vld [tilespmem:$0x1FC00]  }
0x70d: {  	v3 =	vmul.f32 $3.906250000e-03, v29;
	v29 =	vadd.f32 v8, v0;
	v0 =	vadd.f32 v56, v42;
	v56 =	vld [tilespmem:$0x1FFE0];
	[tilespmem:s5+$0x70] =	vst v22  }
0x70e: {  	v14 =	vadd.f32 v44, v61;
	v61 =	vld [tilespmem:$0x1FC40]  }
0x70f: {  	v17 =	vmul.f32 $3.906250000e-03, v17;
	v7 =	vadd.f32 v26, v39;
	v37 =	vadd.f32 v62, v27;
	v39 =	vld [tilespmem:s3+$0x450]  }
0x710: {  	v62 =	vmul.f32 v3, v3;
	v44 =	vmul.f32 v22, v22  }
0x711: {  	v35 =	vld [tilespmem:s25+$0x2C50];
	v37 =	vadd.f32 v37, v46  }
0x712: {  	v55 =	vmov v40;
	v40 =	vsub.f32 v17, v62;
	v17 =	vadd.f32 v44, v2;
	v44 =	vld [tilespmem:$0x1FA30]  }
0x713: {  	v26 =	vadd.f32 v22, v4;
	v47 =	vperm.xlane v0, v56;
	v4 =	vadd.f32 v37, v61;
	v61 =	vld [tilespmem:$0x1FA50]  }
0x714: {  	v62 =	vmul.f32 v39, v21;
	v37 =	vld [tilespmem:s6+$0x2C00]  }
0x715: {  	v0 =	vadd.f32 v0, v47;
	v47 =	vld [tilespmem:$0x1FB60]  }
0x716: {  	v46 =	vmul.f32 v31, v31;
	v35 =	vadd.f32 v35, v62;
	v62 =	vld [tilespmem:$0x1FA90];
	_ =	sdelay $0x1  }
0x717: {  	v42 =	vmul.f32 v38, v38;
	v2 =	vadd.f32 v31, v44;
	v31 =	vadd.f32 v46, v61;
	v61 =	vld [tilespmem:$0x1FFF0]  }
0x718: {  	v39 =	vld [tilespmem:s3+$0x460];
	v22 =	vmul.f32 v14, v14  }
0x719: {  	v37 =	vadd.f32 v37, v48;
	v8 =	vadd.f32 v42, v47;
	v47 =	vld [tilespmem:$0x1F9F0];
	[tilespmem:s3+$0x450] =	vst v35  }
0x71a: {  	v22 =	vadd.f32 v22, v62;
	v62 =	vld [tilespmem:$0x1FB40]  }
0x71b: {  	v34 =	vmul.f32 v34, v53;
	v54 =	vmul.f32 v54, v52;
	v28 =	vld [tilespmem:$0x1FBA0];
	[tilespmem:s5+$0x400] =	vst v37  }
0x71c: {  	v42 =	vperm.xlane v4, v56;
	v48 =	vld [tilespmem:s6+$0x2C10];
	v44 =	vperm.xlane v0, v61  }
0x71d: {  	v34 =	vadd.f32 v54, v34  }
0x71e: {  	v45 =	vmul.f32 v45, v41;
	v4 =	vadd.f32 v42, v4;
	v42 =	vadd.f32 v0, v44;
	v0 =	vld [tilespmem:s25+$0x2C60]  }
0x71f: {  	v54 =	vmul.f32 v50, v50;
	v20 =	vadd.f32 v2, v20;
	v24 =	vadd.f32 v24, v47  }
0x720: {  	v39 =	vmul.f32 v39, v21;
	v44 =	vadd.f32 $0.0e+00, v53;
	v53 =	vadd.f32 $0.0e+00, v62  }
0x721: {  	v27 =	vmul.f32 v62, v62;
	v62 =	vadd.f32 $0.0e+00, v33;
	v43 =	vadd.f32 v48, v43  }
0x722: {  	v44 =	vadd.f32 v52, v44;
	v41 =	vadd.f32 v41, v53;
	v52 =	vmul.f32 v33, v33  }
0x723: {  	v53 =	vmul.f32 v11, v11;
	v11 =	vadd.f32 v11, v62;
	v39 =	vadd.f32 v0, v39  }
0x724: {  	v0 =	vadd.f32 v45, v27;
	v27 =	vadd.f32 $0.0e+00, v28;
	v28 =	vmul.f32 v28, v28  }
0x725: {  	v46 =	vld [tilespmem:s3+$0x470];
	v62 =	vmul.f32 v16, v16;
	v33 =	vadd.f32 v53, v52;
	v52 =	vadd.f32 $9.999999740e-06, v40  }
0x726: {  	v16 =	vadd.f32 v16, v41;
	v28 =	vadd.f32 v54, v28;
	v54 =	vmul.f32 v13, v13;
	[tilespmem:s3+$0x460] =	vst v39  }
0x727: {  	v11 =	vadd.f32 v25, v11;
	v47 =	vshra.s32 v52, $0x1;
	v27 =	vadd.f32 v50, v27;
	v53 =	vld [tilespmem:s25+$0x2C70]  }
0x728: {  	v41 =	vadd.f32 v62, v0;
	v34 =	vadd.f32 v54, v34;
	v54 =	vmul.f32 v25, v25  }
0x729: {  	v50 =	vmul.f32 v19, v19;
	v19 =	vadd.f32 v19, v27;
	v27 =	vmul.f32 $5.000000000e-01, v52  }
0x72a: {  	v62 =	vmul.f32 v46, v21;
	v25 =	vadd.f32 v54, v33;
	v33 =	vsub.s32 $0x5F3759DF, v47  }
0x72b: {  	[tilespmem:s5+$0x410] =	vst v43;
	v13 =	vadd.f32 v13, v44;
	v28 =	vadd.f32 v50, v28;
	v50 =	vmul.f32 v33, v27  }
0x72c: {  	v48 =	vmul.f32 v32, v32;
	v24 =	vadd.f32 v31, v24;
	v0 =	vadd.f32 v53, v62;
	v62 =	vld [tilespmem:s6+$0x2C20]  }
0x72d: {  	v13 =	vadd.f32 v32, v13;
	v52 =	vmul.f32 v35, v35;
	v32 =	vmul.f32 v33, v50  }
0x72e: {  	v16 =	vadd.f32 v35, v16;
	v34 =	vadd.f32 v48, v34  }
0x72f: {  	v54 =	vadd.f32 v52, v41;
	v32 =	vsub.f32 $1.500000000e+00, v32  }
0x730: {  	v19 =	vadd.f32 v39, v19;
	v53 =	vmul.f32 v39, v39;
	v39 =	vmul.f32 v0, v0  }
0x731: {  	v11 =	vadd.f32 v0, v11;
	v44 =	vmul.f32 v33, v32;
	v32 =	vadd.f32 v62, v36  }
0x732: {  	v45 =	vld [tilespmem:$0x1FBD0];
	[tilespmem:s28+$0x430] =	vst v38;
	v13 =	vadd.f32 v16, v13;
	v48 =	vperm.xlane v4, v61;
	v21 =	vadd.f32 v53, v28  }
0x733: {  	v47 =	vld [tilespmem:s4+$0x2C40];
	v41 =	vadd.f32 v39, v25;
	v11 =	vadd.f32 v11, v19;
	[tilespmem:s5+$0x420] =	vst v32  }
0x734: {  	v46 =	vadd.f32 v54, v34;
	v2 =	vadd.f32 v48, v4;
	v39 =	vld [tilespmem:$0x1FD90]  }
0x735: {  	v11 =	vadd.f32 v11, v13;
	v16 =	vadd.f32 v41, v21;
	v53 =	vld [tilespmem:s6+$0x2C30]  }
0x736: {  	v30 =	vadd.f32 v43, v30;
	v50 =	vperm.xlane v42, v63;
	v33 =	vmul.f32 v44, v27  }
0x737: {  	v40 =	vperm.xlane v2, v63;
	v16 =	vadd.f32 v16, v46;
	v52 =	vperm.xlane v11, v56  }
0x738: {  	v54 =	vadd.f32 v42, v50;
	v19 =	vadd.f32 v38, v45;
	v62 =	vmul.f32 v33, v44  }
0x739: {  	v11 =	vadd.f32 v11, v52;
	v36 =	vperm.xlane v16, v56;
	v13 =	vadd.f32 v47, v39  }
0x73a: {  	v38 =	vld [tilespmem:$0x1FA80];
	[tilespmem:s19+$0x460] =	vst v14;
	v21 =	vsub.f32 $1.500000000e+00, v62;
	v31 =	vadd.f32 v53, v6  }
0x73b: {  	v2 =	vadd.f32 v40, v2;
	v16 =	vadd.f32 v36, v16;
	v41 =	vperm.xlane v11, v61;
	[tilespmem:s28+$0x440] =	vst v13  }
0x73c: {  	v42 =	vperm.xlane v54, v55;
	v52 =	vshra.s32 v57, $0x1;
	v21 =	vmul.f32 v21, v44;
	[tilespmem:s5+$0x430] =	vst v31;
	v44 =	vld [tilespmem:s4+$0x2C50]  }
0x73d: {  	v6 =	vmul.f32 $5.000000000e-01, v57;
	v11 =	vadd.f32 v11, v41;
	v45 =	vperm.xlane v16, v61;
	v57 =	vld [tilespmem:$0x1FDB0]  }
0x73e: {  	v34 =	vadd.f32 v37, v51;
	v4 =	vadd.f32 v54, v42;
	v46 =	vperm.xlane v2, v55  }
0x73f: {  	v23 =	vadd.f32 v32, v23;
	v48 =	vperm.xlane v11, v63;
	v16 =	vadd.f32 v45, v16;
	v50 =	vld [tilespmem:s6+$0x2C40]  }
0x740: {  	v51 =	vadd.f32 v46, v2;
	v2 =	vmul.f32 $3.906250000e-03, v4;
	v46 =	vmul.f32 v43, v43  }
0x741: {  	v33 =	vadd.f32 v14, v38;
	v11 =	vadd.f32 v11, v48;
	v54 =	vperm.xlane v16, v63  }
0x742: {  	v47 =	vmul.f32 v37, v37;
	v38 =	vsub.s32 $0x5F3759DF, v52;
	v25 =	vadd.f32 v44, v57  }
0x743: {  	v14 =	vmul.f32 $3.906250000e-03, v51;
	v16 =	vadd.f32 v54, v16;
	v42 =	vperm.xlane v11, v55  }
0x744: {  	v53 =	vld [tilespmem:s24+$0x2C70];
	v51 =	vmul.f32 v32, v32;
	v28 =	vadd.f32 v47, v49;
	v18 =	vadd.f32 v50, v18;
	[tilespmem:s28+$0x450] =	vst v25  }
0x745: {  	v62 =	vmul.f32 v38, v6;
	v4 =	vadd.f32 v11, v42;
	v45 =	vperm.xlane v16, v55;
	v47 =	vld [tilespmem:$0x1FB20]  }
0x746: {  	v15 =	vadd.f32 v46, v15;
	v27 =	vmul.f32 v21, v27;
	v29 =	vadd.f32 v51, v29;
	v48 =	vld [tilespmem:s4+$0x2C60];
	[tilespmem:s5+$0x440] =	vst v18  }
0x747: {  	v39 =	vmul.f32 v38, v62;
	v4 =	vmul.f32 $3.906250000e-03, v4;
	v11 =	vadd.f32 v45, v16;
	v54 =	vld [tilespmem:$0x1FDD0]  }
0x748: {  	v26 =	vadd.f32 v31, v26;
	v44 =	vmul.f32 v2, v2;
	v42 =	vmul.f32 v31, v31;
	v49 =	vld [tilespmem:s6+$0x2C50]  }
0x749: {  	v62 =	vsub.f32 $1.500000000e+00, v39;
	v11 =	vmul.f32 $3.906250000e-03, v11;
	v52 =	vmul.f32 v4, v4  }
0x74a: {  	v57 =	vmul.f32 v27, v21;
	v36 =	vsub.f32 v14, v44;
	v39 =	vadd.f32 v25, v1;
	v43 =	vld [tilespmem:$0x1FD30]  }
0x74b: {  	v17 =	vadd.f32 v42, v17;
	v32 =	vsub.f32 v11, v52  }
0x74c: {  	v44 =	vmul.f32 v25, v25;
	v11 =	vsub.f32 $1.500000000e+00, v57;
	v35 =	vadd.f32 v48, v54  }
0x74d: {  	v14 =	vadd.f32 v53, v47;
	v53 =	vld [tilespmem:$0x1FB80];
	v5 =	vadd.f32 v49, v5  }
0x74e: {  	v48 =	vadd.f32 v44, v59;
	v11 =	vmul.f32 v11, v21;
	v52 =	vadd.f32 $9.999999740e-06, v32;
	[tilespmem:s28+$0x460] =	vst v35  }
0x74f: {  	v50 =	vmul.f32 v14, v14;
	v31 =	vadd.f32 v14, v43;
	v12 =	vadd.f32 v35, v12;
	[tilespmem:s5+$0x450] =	vst v5;
	v46 =	vld [tilespmem:s4+$0x2C70]  }
0x750: {  	v45 =	vmul.f32 v35, v35;
	v57 =	vshra.s32 v52, $0x1;
	v21 =	vmul.f32 $5.000000000e-01, v52;
	v47 =	vld [tilespmem:$0x1FD10]  }
0x751: {  	v30 =	vadd.f32 v5, v30;
	v52 =	vadd.f32 v18, v34;
	v18 =	vmul.f32 v18, v18;
	v49 =	vld [tilespmem:s6+$0x2C60]  }
0x752: {  	v16 =	vmul.f32 v38, v62;
	v59 =	vld [tilespmem:$0x1FE00];
	v37 =	vadd.f32 v50, v53;
	v50 =	vadd.f32 v31, v33  }
0x753: {  	v54 =	vld [tilespmem:$0x1FEA0];
	v25 =	vadd.f32 v45, v7;
	v45 =	vmul.f32 v5, v5;
	v18 =	vadd.f32 v18, v28  }
0x754: {  	v53 =	vld [tilespmem:$0x1FE90];
	v31 =	vsub.s32 $0x5F3759DF, v57;
	v57 =	vadd.f32 $9.999999740e-06, v36;
	v20 =	vadd.f32 v50, v20  }
0x755: {  	v62 =	vmul.f32 v16, v6;
	v51 =	vld [tilespmem:$0x1FC50];
	v22 =	vadd.f32 v37, v22;
	v15 =	vadd.f32 v45, v15  }
0x756: {  	v42 =	vmul.f32 v31, v21;
	v35 =	vadd.f32 v13, v47;
	v41 =	vadd.f32 v49, v58  }
0x757: {  	v13 =	vmul.f32 v13, v13;
	v1 =	vadd.f32 v46, v59;
	v43 =	vperm.xlane v20, v56  }
0x758: {  	v22 =	vadd.f32 v22, v24;
	v47 =	vmul.f32 v62, v16;
	v62 =	vshra.s32 v57, $0x1;
	[tilespmem:s5+$0x460] =	vst v41  }
0x759: {  	v15 =	vadd.f32 v15, v18;
	v7 =	vmul.f32 v54, v53;
	v54 =	vadd.f32 v30, v52;
	v46 =	vld [tilespmem:s6+$0x2C70]  }
0x75a: {  	v28 =	vsub.s32 $0x5F3759DF, v62;
	v13 =	vadd.f32 v13, v51;
	v35 =	vadd.f32 v39, v35  }
0x75b: {  	v44 =	vmul.f32 v1, v1;
	v20 =	vadd.f32 v20, v43;
	v19 =	vadd.f32 v1, v19  }
0x75c: {  	v5 =	vsub.f32 $1.500000000e+00, v47;
	v49 =	vadd.f32 v41, v23;
	v50 =	vmul.f32 v41, v41  }
0x75d: {  	v13 =	vadd.f32 v48, v13;
	v24 =	vadd.f32 v44, v8;
	v48 =	vmul.f32 v31, v42  }
0x75e: {  	v12 =	vadd.f32 v19, v12;
	v8 =	vmul.f32 v5, v16;
	v5 =	vadd.f32 v46, v60  }
0x75f: {  	v53 =	vadd.f32 v50, v29;
	v34 =	vperm.xlane v20, v61;
	v51 =	vsub.f32 $1.500000000e+00, v48  }
0x760: {  	v58 =	vadd.f32 v12, v35;
	v59 =	vmul.f32 v5, v5;
	v26 =	vadd.f32 v5, v26  }
0x761: {  	v24 =	vadd.f32 v24, v25;
	v12 =	vmul.f32 $5.000000000e-01, v57;
	v20 =	vadd.f32 v20, v34  }
0x762: {  	v23 =	vmul.f32 v31, v51;
	v17 =	vadd.f32 v59, v17;
	v19 =	vadd.f32 v26, v49  }
0x763: {  	v31 =	vperm.xlane v22, v56;
	v13 =	vadd.f32 v24, v13;
	v32 =	vperm.xlane v58, v56  }
0x764: {  	v39 =	vperm.xlane v20, v63;
	v19 =	vadd.f32 v19, v54;
	v16 =	vadd.f32 v17, v53  }
0x765: {  	v60 =	vmul.f32 v23, v21;
	v24 =	vperm.xlane v13, v56;
	v18 =	vadd.f32 v58, v32  }
0x766: {  	v33 =	vadd.f32 v31, v22;
	v35 =	vperm.xlane v19, v56;
	v15 =	vadd.f32 v16, v15  }
0x767: {  	v58 =	vmul.f32 v28, v12;
	v13 =	vadd.f32 v24, v13;
	v37 =	vperm.xlane v18, v61  }
0x768: {  	v36 =	vperm.xlane v33, v61;
	v19 =	vadd.f32 v19, v35;
	v38 =	vperm.xlane v15, v56  }
0x769: {  	v40 =	vperm.xlane v13, v61;
	v18 =	vadd.f32 v18, v37;
	v17 =	vadd.f32 v20, v39  }
0x76a: {  	v20 =	vmul.f32 v28, v58;
	v15 =	vadd.f32 v38, v15;
	v41 =	vperm.xlane v19, v61  }
0x76b: {  	v16 =	vadd.f32 v36, v33;
	v13 =	vadd.f32 v40, v13;
	v43 =	vperm.xlane v18, v63  }
0x76c: {  	v45 =	vperm.xlane v17, v55;
	v44 =	vperm.xlane v15, v61;
	v19 =	vadd.f32 v19, v41  }
0x76d: {  	v42 =	vperm.xlane v16, v63;
	v46 =	vperm.xlane v13, v63;
	v18 =	vadd.f32 v18, v43  }
0x76e: {  	v17 =	vadd.f32 v17, v45;
	v15 =	vadd.f32 v44, v15;
	v47 =	vperm.xlane v19, v63  }
0x76f: {  	v16 =	vadd.f32 v42, v16;
	v13 =	vadd.f32 v46, v13;
	v49 =	vperm.xlane v18, v55  }
0x770: {  	v17 =	vmul.f32 $3.906250000e-03, v17;
	v50 =	vperm.xlane v15, v63;
	v19 =	vadd.f32 v19, v47  }
0x771: {  	v48 =	vperm.xlane v16, v55;
	v51 =	vperm.xlane v13, v55  }
0x772: {  	v18 =	vadd.f32 v18, v49;
	v15 =	vadd.f32 v50, v15;
	v52 =	vperm.xlane v19, v55  }
0x773: {  	v53 =	vmul.f32 v17, v17;
	v16 =	vadd.f32 v48, v16;
	v13 =	vadd.f32 v51, v13  }
0x774: {  	v18 =	vmul.f32 $3.906250000e-03, v18;
	v54 =	vperm.xlane v15, v55;
	v19 =	vadd.f32 v19, v52  }
0x775: {  	v16 =	vmul.f32 $3.906250000e-03, v16;
	v13 =	vmul.f32 $3.906250000e-03, v13  }
0x776: {  	v57 =	vmul.f32 v18, v18;
	v19 =	vmul.f32 $3.906250000e-03, v19;
	v15 =	vadd.f32 v54, v15  }
0x777: {  	v25 =	vmul.f32 v60, v23;
	v20 =	vsub.f32 $1.500000000e+00, v20;
	v16 =	vsub.f32 v16, v53  }
0x778: {  	v13 =	vsub.f32 v13, v57;
	v15 =	vmul.f32 $3.906250000e-03, v15;
	v59 =	vmul.f32 v19, v19  }
0x779: {  	v55 =	vsub.f32 $1.500000000e+00, v25;
	v16 =	vadd.f32 $9.999999740e-06, v16  }
0x77a: {  	v20 =	vmul.f32 v28, v20;
	v13 =	vadd.f32 $9.999999740e-06, v13;
	v15 =	vsub.f32 v15, v59  }
0x77b: {  	v22 =	vmul.f32 v55, v23;
	v60 =	vshra.s32 v16, $0x1;
	v16 =	vmul.f32 $5.000000000e-01, v16  }
0x77c: {  	v62 =	vshra.s32 v13, $0x1;
	v13 =	vmul.f32 $5.000000000e-01, v13;
	v15 =	vadd.f32 $9.999999740e-06, v15  }
0x77d: {  	v61 =	vsub.s32 $0x5F3759DF, v60;
	v24 =	vsub.s32 $0x5F3759DF, v62;
	v21 =	vmul.f32 v22, v21  }
0x77e: {  	v63 =	vmul.f32 v61, v16;
	v31 =	vshra.s32 v15, $0x1;
	v15 =	vmul.f32 $5.000000000e-01, v15  }
0x77f: {  	v30 =	vmul.f32 v24, v13;
	v21 =	vmul.f32 v21, v22;
	v27 =	vsub.s32 $0x5F3759DF, v31  }
0x780: {  	v25 =	vmul.f32 v61, v63;
	v32 =	vmul.f32 v27, v15  }
0x781: {  	v36 =	vmul.f32 v20, v12;
	v26 =	vmul.f32 v24, v30  }
0x782: {  	v21 =	vsub.f32 $1.500000000e+00, v21;
	v33 =	vsub.f32 $1.500000000e+00, v25;
	v35 =	vmul.f32 v27, v32  }
0x783: {  	v6 =	vmul.f32 v8, v6;
	v38 =	vmul.f32 v36, v20;
	v26 =	vsub.f32 $1.500000000e+00, v26  }
0x784: {  	v21 =	vmul.f32 v21, v22;
	v22 =	vmul.f32 v61, v33;
	v37 =	vsub.f32 $1.500000000e+00, v35  }
0x785: {  	v34 =	vld [tilespmem:$0x1FD40];
	[tilespmem:s29+$0x470] =	vst v10;
	v6 =	vmul.f32 v6, v8;
	v10 =	vsub.f32 $1.500000000e+00, v38;
	v24 =	vmul.f32 v24, v26  }
0x786: {  	[tilespmem:s22+$0xFFFFFF80] =	vst v2;
	v40 =	vmul.f32 v22, v16;
	v39 =	vmul.f32 v27, v37  }
0x787: {  	s0 =	sadd.s32 $0x100, s26;
	[tilespmem:s20+$0xFFFFFF80] =	vst v7;
	v47 =	vmul.f32 v10, v20;
	v41 =	vmul.f32 v24, v13  }
0x788: {  	s25 =	sadd.s32 $0x100, s30;
	[tilespmem:s0+$0x0] =	vst v3;
	v42 =	vmul.f32 v40, v22;
	v43 =	vmul.f32 v39, v15  }
0x789: {  	[tilespmem:s25+$0x0] =	vst v11;
	v52 =	vmul.f32 v47, v12;
	v11 =	vmul.f32 v41, v24  }
0x78a: {  	[tilespmem:s19+$0x470] =	vst v14;
	v6 =	vsub.f32 $1.500000000e+00, v6;
	v2 =	vsub.f32 $1.500000000e+00, v42;
	v45 =	vmul.f32 v43, v39  }
0x78b: {  	[tilespmem:s3+$0x470] =	vst v0;
	v54 =	vmul.f32 v52, v47;
	v25 =	vmul.f32 v9, v34;
	v48 =	vsub.f32 $1.500000000e+00, v11  }
0x78c: {  	s26 =	sadd.s32 $0x100, s0;
	[tilespmem:s28+$0x470] =	vst v1;
	v49 =	vmul.f32 v6, v8;
	v2 =	vmul.f32 v2, v22;
	v50 =	vsub.f32 $1.500000000e+00, v45  }
0x78d: {  	[tilespmem:s26+$0x0] =	vst v4;
	v0 =	vsub.f32 $1.500000000e+00, v54;
	v25 =	vmul.f32 v25, v9;
	v51 =	vmul.f32 v48, v24  }
0x78e: {  	[tilespmem:s5+$0x470] =	vst v5;
	v53 =	vmul.f32 v2, v16;
	v3 =	vmul.f32 v50, v39  }
0x78f: {  	[tilespmem:s23+$0xFFFFFF80] =	vst v17;
	v0 =	vmul.f32 v0, v47;
	v44 =	vsub.f32 $1.500000000e+00, v25;
	v55 =	vmul.f32 v51, v13  }
0x790: {  	[tilespmem:s21+$0xFFFFFF80] =	vst v49;
	v57 =	vmul.f32 v53, v2;
	v58 =	vmul.f32 v3, v15  }
0x791: {  	[tilespmem:s0+$0xFFFFFF80] =	vst v18;
	v46 =	vmul.f32 v44, v9;
	v9 =	vmul.f32 v55, v51  }
0x792: {  	[tilespmem:s26+$0xFFFFFF80] =	vst v19;
	v1 =	vsub.f32 $1.500000000e+00, v57;
	v59 =	vmul.f32 v58, v3  }
0x793: {  	s29 =	sadd.s32 $0x100, s25;
	[tilespmem:s1+$0xFFFFFF80] =	vst v0;
	v60 =	vsub.f32 $1.500000000e+00, v9  }
0x794: {  	[tilespmem:s29+$0x0] =	vst v21;
	v1 =	vmul.f32 v1, v2;
	v61 =	vsub.f32 $1.500000000e+00, v59  }
0x795: {  	[tilespmem:s14+$0xFFFFFF80] =	vst v46;
	v62 =	vmul.f32 v60, v51  }
0x796: {  	[tilespmem:s2+$0xFFFFFF80] =	vst v1;
	v63 =	vmul.f32 v61, v3  }
0x797: {  	[tilespmem:s25+$0xFFFFFF80] =	vst v62  }
0x798: {  	s30 =	simm.s32 $0x3;
	[tilespmem:s29+$0xFFFFFF80] =	vst v63  }
0x799: {  	_ =	swait.ge [sflag:s30], $0x5000  }
0x79a: {  	s31 =	rddreg [dreg:$0xf]  }
0x79b: {  	p0 =	seq.s32 s31, $0x27  }
.Ltmp3:
0x79c: {  	_ = 	snop;
	(pc) =	sbr.rel @p0 .LBB2_10-.Ltmp3, $3  }
0x79d: {  	_ =	sdelay $0x1  }
0x79e: {  	[sflag:s30] =	ssyncset.done $0x0  }
0x79f: {  	v63 =	vmov v56;
	[sflag:s30] =	ssyncadd.s32 $0xFFFFB000  }
0x7a0: {  	s3 =	rddreg [dreg:$0x10]  }
0x7a1: {  	v0 =	vld [tilespmem:s3+$0x100];
	_ =	sdelay $0x2  }
0x7a2: {  	v2 =	vld [tilespmem:$0x1FF90]  }
0x7a3: {  	v3 =	vld [tilespmem:$0x1FFA0]  }
0x7a4: {  	v4 =	vld [tilespmem:$0x1FFB0];
	v1 =	vshll.u32 v0, $0x1  }
0x7a5: {  	v0 =	vand.u32 $0x7, v0;
	v1 =	vand.u32 $0xFFFFFFF0, v1  }
0x7a6: {  	v0 =	vor.u32 v0, v1  }
0x7a7: {  	v1 =	vperm.xlane v0, v2;
	_ =	sdelay $0x1  }
0x7a8: {  	v0 =	vperm.xlane v0, v4;
	v1 =	vadd.s32 v3, v1;
	_ =	sdelay $0x1  }
0x7a9: {  	v0 =	vadd.s32 v3, v0;
	_ =	sdelay $0x1  }
0x7aa: {  	s0 =	rddreg [dreg:$0x1];
	s1 =	simm.s32 $0x0;
	s2 =	simm.s32 $0x14200  }
0x7ab: {  	[tilespmem:s2], [sflag:$0x1] =	stream.indirect_vreg.gather [hbm4b:s0+s1], $0x80, v1, vm0, $0xb8;
	[tilespmem:$0x1E200] =	vst v63  }
0x7ac: {  	s21 =	simm.s32 $0x14A00  }
0x7ad: {  	[tilespmem:s21], [sflag:$0x1] =	stream.indirect_vreg.gather [hbm4b:s0+s1], $0x80, v0, vm0, $0xb8;
	[tilespmem:$0x1E200] =	vst v63  }
0x7ae: {  	v0 =	vld [tilespmem:s3+$0x110];
	_ =	sdelay $0x4  }
0x7af: {  	v59 =	vshll.u32 v0, $0x1  }
0x7b0: {  	v0 =	vand.u32 $0x7, v0;
	v1 =	vand.u32 $0xFFFFFFF0, v59  }
0x7b1: {  	v0 =	vor.u32 v0, v1  }
0x7b2: {  	v1 =	vperm.xlane v0, v2;
	_ =	sdelay $0x1  }
0x7b3: {  	v0 =	vperm.xlane v0, v4;
	v1 =	vadd.s32 v3, v1;
	_ =	sdelay $0x1  }
0x7b4: {  	v0 =	vadd.s32 v3, v0;
	_ =	sdelay $0x1  }
0x7b5: {  	s22 =	simm.s32 $0x15200  }
0x7b6: {  	[tilespmem:s22], [sflag:$0x1] =	stream.indirect_vreg.gather [hbm4b:s0+s1], $0x80, v1, vm0, $0xb8;
	[tilespmem:$0x1E200] =	vst v63  }
0x7b7: {  	s23 =	simm.s32 $0x15A00  }
0x7b8: {  	[tilespmem:s23], [sflag:$0x1] =	stream.indirect_vreg.gather [hbm4b:s0+s1], $0x80, v0, vm0, $0xb8;
	[tilespmem:$0x1E200] =	vst v63  }
0x7b9: {  	v0 =	vld [tilespmem:s3+$0x120];
	_ =	sdelay $0x4  }
0x7ba: {  	v60 =	vshll.u32 v0, $0x1  }
0x7bb: {  	v0 =	vand.u32 $0x7, v0;
	v1 =	vand.u32 $0xFFFFFFF0, v60  }
0x7bc: {  	v0 =	vor.u32 v0, v1  }
0x7bd: {  	v1 =	vperm.xlane v0, v2;
	_ =	sdelay $0x1  }
0x7be: {  	v0 =	vperm.xlane v0, v4;
	v1 =	vadd.s32 v3, v1;
	_ =	sdelay $0x1  }
0x7bf: {  	v0 =	vadd.s32 v3, v0;
	_ =	sdelay $0x1  }
0x7c0: {  	s24 =	simm.s32 $0x16200  }
0x7c1: {  	[tilespmem:s24], [sflag:$0x1] =	stream.indirect_vreg.gather [hbm4b:s0+s1], $0x80, v1, vm0, $0xb8;
	[tilespmem:$0x1E200] =	vst v63  }
0x7c2: {  	s25 =	simm.s32 $0x16A00  }
0x7c3: {  	[tilespmem:s25], [sflag:$0x1] =	stream.indirect_vreg.gather [hbm4b:s0+s1], $0x80, v0, vm0, $0xb8;
	[tilespmem:$0x1E200] =	vst v63  }
0x7c4: {  	v0 =	vld [tilespmem:s3+$0x130];
	_ =	sdelay $0x4  }
0x7c5: {  	v61 =	vshll.u32 v0, $0x1  }
0x7c6: {  	v0 =	vand.u32 $0x7, v0;
	v1 =	vand.u32 $0xFFFFFFF0, v61  }
0x7c7: {  	v0 =	vor.u32 v0, v1  }
0x7c8: {  	v1 =	vperm.xlane v0, v2;
	_ =	sdelay $0x1  }
0x7c9: {  	v0 =	vperm.xlane v0, v4;
	v1 =	vadd.s32 v3, v1;
	_ =	sdelay $0x1  }
0x7ca: {  	v0 =	vadd.s32 v3, v0;
	_ =	sdelay $0x1  }
0x7cb: {  	s26 =	simm.s32 $0x17200  }
0x7cc: {  	[tilespmem:s26], [sflag:$0x1] =	stream.indirect_vreg.gather [hbm4b:s0+s1], $0x80, v1, vm0, $0xb8;
	[tilespmem:$0x1E200] =	vst v63  }
0x7cd: {  	s28 =	simm.s32 $0x17A00  }
0x7ce: {  	[tilespmem:s28], [sflag:$0x1] =	stream.indirect_vreg.gather [hbm4b:s0+s1], $0x80, v0, vm0, $0xb8;
	[tilespmem:$0x1E200] =	vst v63  }
0x7cf: {  	v0 =	vld [tilespmem:s3+$0x140];
	_ =	sdelay $0x4  }
0x7d0: {  	v62 =	vshll.u32 v0, $0x1  }
0x7d1: {  	v0 =	vand.u32 $0x7, v0;
	v1 =	vand.u32 $0xFFFFFFF0, v62  }
0x7d2: {  	v0 =	vor.u32 v0, v1  }
0x7d3: {  	v1 =	vperm.xlane v0, v2;
	_ =	sdelay $0x1  }
0x7d4: {  	v0 =	vperm.xlane v0, v4;
	v1 =	vadd.s32 v3, v1;
	_ =	sdelay $0x1  }
0x7d5: {  	v0 =	vadd.s32 v3, v0;
	_ =	sdelay $0x1  }
0x7d6: {  	s29 =	simm.s32 $0x18200  }
0x7d7: {  	[tilespmem:s29], [sflag:$0x1] =	stream.indirect_vreg.gather [hbm4b:s0+s1], $0x80, v1, vm0, $0xb8;
	[tilespmem:$0x1E200] =	vst v63  }
0x7d8: {  	s30 =	simm.s32 $0x18A00  }
0x7d9: {  	[tilespmem:s30], [sflag:$0x1] =	stream.indirect_vreg.gather [hbm4b:s0+s1], $0x80, v0, vm0, $0xb8;
	[tilespmem:$0x1E200] =	vst v63  }
.LBB2_10:
0x7da: {  	v27 =	vld [tilespmem:$0xF000]  }
0x7db: {  	v0 =	vld [tilespmem:$0xF010]  }
0x7dc: {  	v23 =	vld [tilespmem:$0xF020]  }
0x7dd: {  	v11 =	vld [tilespmem:$0xF030]  }
0x7de: {  	v9 =	vld [tilespmem:$0xF040]  }
0x7df: {  	v8 =	vld [tilespmem:$0xF050]  }
0x7e0: {  	v21 =	vld [tilespmem:$0xF060]  }
0x7e1: {  	v28 =	vld [tilespmem:$0xF070]  }
0x7e2: {  	v26 =	vld [tilespmem:$0xF080]  }
0x7e3: {  	v19 =	vld [tilespmem:$0xF090]  }
0x7e4: {  	v17 =	vld [tilespmem:$0xF0A0]  }
0x7e5: {  	v30 =	vld [tilespmem:$0xF0B0]  }
0x7e6: {  	v10 =	vld [tilespmem:$0xF0C0]  }
0x7e7: {  	v31 =	vld [tilespmem:$0xF0D0]  }
0x7e8: {  	v32 =	vld [tilespmem:$0xF0E0]  }
0x7e9: {  	v33 =	vld [tilespmem:$0xF0F0]  }
0x7ea: {  	v34 =	vld [tilespmem:$0xF100]  }
0x7eb: {  	v2 =	vld [tilespmem:$0xF110]  }
0x7ec: {  	v24 =	vld [tilespmem:$0xF120]  }
0x7ed: {  	v16 =	vld [tilespmem:$0xF130]  }
0x7ee: {  	v14 =	vld [tilespmem:$0xF140]  }
0x7ef: {  	v12 =	vld [tilespmem:$0xF150]  }
0x7f0: {  	v22 =	vld [tilespmem:$0xF160]  }
0x7f1: {  	v13 =	vld [tilespmem:$0xF170]  }
0x7f2: {  	v29 =	vld [tilespmem:$0xF180]  }
0x7f3: {  	v18 =	vld [tilespmem:$0xF190]  }
0x7f4: {  	v20 =	vld [tilespmem:$0xF1A0]  }
0x7f5: {  	v25 =	vld [tilespmem:$0xF1B0];
	s0 =	simm.s32 $0xF280  }
0x7f6: {  	s1 =	simm.s32 $0x0;
	v35 =	vld [tilespmem:s0+$0x0]  }
0x7f7: {  	s2 =	simm.s32 $0x11A80;
	s3 =	simm.s32 $0x0;
	s1 =	sand.u32 $0x7800, s1;
	v6 =	vld [tilespmem:s0+$0xFFFFFF80]  }
0x7f8: {  	s26 =	sand.u32 $0x300, s3;
	v5 =	vld [tilespmem:s2+$0xFFFFFF80];
	s1 =	sadd.s32 $0x19200, s1  }
0x7f9: {  	v7 =	vld [tilespmem:s2+$0x0];
	s0 =	sadd.s32 s26, s1  }
0x7fa: {  	v36 =	vld [tilespmem:s0+$0x460]  }
0x7fb: {  	v37 =	vld [tilespmem:s0+$0x450]  }
0x7fc: {  	v38 =	vld [tilespmem:s0+$0x470]  }
0x7fd: {  	v39 =	vld [tilespmem:s0+$0x10]  }
0x7fe: {  	v40 =	vld [tilespmem:s0+$0x0]  }
0x7ff: {  	v41 =	vld [tilespmem:s0+$0x400]  }
0x800: {  	s28 =	simm.s32 $0x80;
	v42 =	vld [tilespmem:s0+$0x30]  }
0x801: {  	s2 =	sand.u32 $0x380, s28;
	v44 =	vld [tilespmem:s0+$0x40]  }
0x802: {  	s1 =	sadd.s32 s2, s1;
	v46 =	vld [tilespmem:s0+$0x70]  }
0x803: {  	v53 =	vld [tilespmem:s1+$0x450];
	v37 =	vsub.f32 v37, v6;
	v38 =	vsub.f32 v38, v6  }
0x804: {  	v43 =	vld [tilespmem:s1+$0x470];
	v39 =	vsub.f32 v39, v6;
	v40 =	vsub.f32 v40, v6  }
0x805: {  	v15 =	vld [tilespmem:$0xF1C0];
	v41 =	vsub.f32 v41, v6;
	v42 =	vsub.f32 v42, v6  }
0x806: {  	v3 =	vld [tilespmem:$0xF1D0];
	v36 =	vsub.f32 v36, v6;
	v60 =	vsub.f32 v44, v6;
	v37 =	vmul.f32 v37, v5  }
0x807: {  	v4 =	vld [tilespmem:$0xF1E0];
	v46 =	vsub.f32 v46, v6;
	v38 =	vmul.f32 v38, v5;
	v39 =	vmul.f32 v39, v5  }
0x808: {  	v48 =	vld [tilespmem:s0+$0x410];
	v53 =	vsub.f32 v53, v35;
	v40 =	vmul.f32 v40, v5;
	v41 =	vmul.f32 v41, v5  }
0x809: {  	v61 =	vld [tilespmem:s0+$0x50];
	v43 =	vsub.f32 v43, v35;
	v59 =	vmul.f32 v42, v5;
	v42 =	vmul.f32 v60, v5  }
0x80a: {  	v62 =	vld [tilespmem:s0+$0x20];
	v36 =	vmul.f32 v36, v5;
	v46 =	vmul.f32 v46, v5  }
0x80b: {  	v45 =	vld [tilespmem:s0+$0x430];
	v53 =	vmul.f32 v53, v7;
	v43 =	vmul.f32 v43, v7  }
0x80c: {  	v47 =	vld [tilespmem:s0+$0x440];
	v37 =	vmul.f32 v37, v31;
	v39 =	vmul.f32 v39, v0  }
0x80d: {  	v51 =	vld [tilespmem:s0+$0x420];
	v60 =	vsub.f32 v48, v6;
	v40 =	vmul.f32 v40, v27;
	v41 =	vmul.f32 v41, v26  }
0x80e: {  	v44 =	vsub.f32 v61, v6;
	v61 =	vld [tilespmem:s1+$0x430];
	v54 =	vmul.f32 v42, v9;
	v55 =	vmul.f32 v36, v32  }
0x80f: {  	v62 =	vsub.f32 v62, v6;
	v42 =	vld [tilespmem:s0+$0x60];
	v58 =	vmul.f32 v60, v5;
	v53 =	vmul.f32 v53, v31  }
0x810: {  	v57 =	vld [tilespmem:s1+$0x460];
	v43 =	vmul.f32 v43, v33;
	v49 =	vadd.f32 v37, v3;
	v37 =	vmul.f32 v59, v11  }
0x811: {  	v50 =	vadd.f32 v39, v2;
	v52 =	vadd.f32 v41, v29;
	v39 =	vmul.f32 v46, v28;
	v46 =	vld [tilespmem:s1+$0x10]  }
0x812: {  	v40 =	vadd.f32 v40, v34;
	v48 =	vadd.f32 v37, v16;
	v37 =	vmul.f32 v44, v5;
	v44 =	vld [tilespmem:s1+$0x70]  }
0x813: {  	v1 =	vld [tilespmem:$0xF1F0];
	v41 =	vmul.f32 v38, v33;
	v59 =	vsub.f32 v45, v6;
	v38 =	vsub.f32 v47, v6  }
0x814: {  	v47 =	vmul.f32 v62, v5;
	v45 =	vsub.f32 v61, v35;
	v61 =	vld [tilespmem:s1+$0x0];
	v60 =	vsub.f32 v42, v6  }
0x815: {  	v36 =	vsub.f32 v51, v6;
	v56 =	vmul.f32 v59, v5;
	v59 =	vld [tilespmem:s1+$0x440];
	[tilespmem:s0+$0x0] =	vst v40;
	v6 =	vmul.f32 v58, v19  }
0x816: {  	v57 =	vsub.f32 v57, v35;
	[tilespmem:s0+$0x400] =	vst v52;
	v42 =	vmul.f32 v47, v23;
	v47 =	vmul.f32 v60, v5;
	v60 =	vld [tilespmem:s1+$0x50]  }
0x817: {  	[tilespmem:s0+$0x10] =	vst v50;
	v58 =	vld [tilespmem:s1+$0x60];
	v62 =	vsub.f32 v44, v35;
	v44 =	vmul.f32 v45, v7;
	v45 =	vsub.f32 v46, v35  }
0x818: {  	v54 =	vadd.f32 v54, v14;
	v53 =	vadd.f32 v53, v3;
	v52 =	vld [tilespmem:s1+$0x40];
	[tilespmem:s0+$0x450] =	vst v49;
	v56 =	vmul.f32 v56, v30  }
0x819: {  	v43 =	vadd.f32 v43, v1;
	v55 =	vadd.f32 v55, v4;
	[tilespmem:s0+$0x30] =	vst v48;
	v46 =	vld [tilespmem:s1+$0x30];
	v48 =	vmul.f32 v45, v7  }
0x81a: {  	v51 =	vld [tilespmem:s1+$0x420];
	[tilespmem:s0+$0x40] =	vst v54;
	v50 =	vadd.f32 v56, v25;
	v59 =	vsub.f32 v59, v35  }
0x81b: {  	[tilespmem:s1+$0x470] =	vst v43;
	v56 =	vsub.f32 v60, v35;
	v60 =	vsub.f32 v61, v35;
	v54 =	vmul.f32 v48, v0  }
0x81c: {  	v57 =	vmul.f32 v57, v7;
	[tilespmem:s1+$0x450] =	vst v53;
	v58 =	vsub.f32 v58, v35;
	v40 =	vmul.f32 v59, v7;
	v59 =	vld [tilespmem:s1+$0x400]  }
0x81d: {  	[tilespmem:s0+$0x460] =	vst v55;
	v52 =	vsub.f32 v52, v35;
	v61 =	vmul.f32 v60, v7;
	v60 =	vadd.f32 v54, v2  }
0x81e: {  	v57 =	vmul.f32 v57, v32;
	[tilespmem:s0+$0x430] =	vst v50;
	v49 =	vmul.f32 v58, v7;
	v58 =	vsub.f32 v46, v35;
	v46 =	vld [tilespmem:s1+$0x20]  }
0x81f: {  	s4 =	simm.s32 $0x200;
	v45 =	vmul.f32 v44, v30;
	v44 =	vsub.f32 v51, v35;
	v51 =	vmul.f32 v52, v7;
	[tilespmem:s1+$0x10] =	vst v60  }
0x820: {  	s5 =	simm.s32 $0xF380;
	s6 =	simm.s32 $0x180;
	v43 =	vadd.f32 v57, v4;
	v56 =	vmul.f32 v56, v7;
	v61 =	vmul.f32 v61, v27;
	s13 =	rddreg [dreg:$0x8]  }
0x821: {  	s15 =	simm.s32 $0x19200;
	s30 =	smov.u32 s7;
	v52 =	vld [tilespmem:s1+$0x410];
	v55 =	vmul.f32 v62, v7;
	v48 =	vmul.f32 v47, v21;
	v47 =	vsub.f32 v59, v35;
	s16 =	rddreg [dreg:$0xc]  }
0x822: {  	s3 =	simm.s32 $0x11B80;
	s2 =	simm.s32 $0x0;
	v50 =	vmul.f32 v58, v7;
	v54 =	vmul.f32 v56, v8;
	v53 =	vadd.f32 v61, v34;
	s29 =	rddreg [dreg:$0xd]  }
.LBB2_11:
0x823: {  	s7 =	sadd.s32 $0xFFFFFF80, s6;
	s8 =	sand.u32 $0x7800, s4;
	v56 =	vld [tilespmem:s5+$0x0];
	s2 =	sadd.s32 $0x2, s2;
	v41 =	vadd.f32 v41, v1;
	v57 =	vsub.f32 v46, v35;
	v58 =	vmul.f32 v44, v7  }
0x824: {  	v44 =	vld [tilespmem:s5+$0xFFFFFF80];
	s7 =	sand.u32 $0x300, s7;
	s8 =	sadd.s32 $0x19200, s8;
	p0 =	slt.u32 s2, $0x4E;
	[tilespmem:s1+$0x0] =	vst v53;
	v53 =	vadd.f32 v54, v12;
	v54 =	vmul.f32 v55, v28;
	v55 =	vmul.f32 v47, v7  }
0x825: {  	v39 =	vadd.f32 v39, v13;
	v46 =	vld [tilespmem:s3+$0xFFFFFF80];
	s7 =	sadd.s32 s7, s8;
	[tilespmem:s0+$0x470] =	vst v41;
	v41 =	vmul.f32 v57, v7;
	v57 =	vmul.f32 v58, v17  }
0x826: {  	v49 =	vmul.f32 v49, v21;
	v47 =	vld [tilespmem:s3+$0x0];
	[tilespmem:s1+$0x50] =	vst v53;
	v53 =	vmul.f32 v55, v26;
	v58 =	vsub.f32 v52, v35  }
0x827: {  	v54 =	vadd.f32 v54, v13;
	v52 =	vld [tilespmem:s7+$0x460];
	v41 =	vmul.f32 v41, v23;
	v55 =	vadd.f32 v57, v20  }
0x828: {  	v51 =	vmul.f32 v51, v9;
	v57 =	vld [tilespmem:s7+$0x450];
	v53 =	vadd.f32 v53, v29;
	v7 =	vmul.f32 v58, v7;
	v35 =	vmovc v56  }
0x829: {  	v42 =	vadd.f32 v42, v24;
	v50 =	vmul.f32 v50, v11;
	v56 =	vld [tilespmem:s7+$0x470];
	v41 =	vadd.f32 v41, v24;
	[tilespmem:s1+$0x70] =	vst v54  }
0x82a: {  	v38 =	vmul.f32 v38, v5;
	v51 =	vadd.f32 v51, v14;
	v54 =	vld [tilespmem:s7+$0x400];
	[tilespmem:s1+$0x400] =	vst v53;
	v7 =	vmul.f32 v7, v19  }
0x82b: {  	v37 =	vmul.f32 v37, v8;
	v45 =	vadd.f32 v45, v25;
	v53 =	vld [tilespmem:s7+$0x10];
	[tilespmem:s1+$0x20] =	vst v41;
	v41 =	vadd.f32 v50, v16  }
0x82c: {  	s9 =	sand.u32 $0x380, s6;
	v48 =	vadd.f32 v48, v22;
	v38 =	vmul.f32 v38, v10;
	v49 =	vadd.f32 v49, v22;
	v50 =	vld [tilespmem:s7+$0x0];
	[tilespmem:s1+$0x420] =	vst v55  }
0x82d: {  	v5 =	vmul.f32 v36, v5;
	s8 =	sadd.s32 s9, s8;
	v7 =	vadd.f32 v7, v18;
	v55 =	vld [tilespmem:s7+$0x30];
	v57 =	vsub.f32 v57, v44;
	[tilespmem:s0+$0x20] =	vst v42  }
0x82e: {  	v40 =	vmul.f32 v40, v10;
	v38 =	vadd.f32 v38, v15;
	v36 =	vsub.f32 v56, v44;
	v56 =	vld [tilespmem:s8+$0x470];
	[tilespmem:s1+$0x60] =	vst v49  }
0x82f: {  	v5 =	vmul.f32 v5, v17;
	v42 =	vld [tilespmem:s7+$0x40];
	v49 =	vsub.f32 v54, v44;
	v54 =	vmul.f32 v57, v46;
	[tilespmem:s1+$0x410] =	vst v7  }
0x830: {  	v6 =	vadd.f32 v6, v18;
	v7 =	vsub.f32 v53, v44;
	v36 =	vmul.f32 v36, v46;
	v53 =	vld [tilespmem:s8+$0x10];
	[tilespmem:s1+$0x430] =	vst v45  }
0x831: {  	v5 =	vadd.f32 v5, v20;
	v45 =	vsub.f32 v50, v44;
	v50 =	vld [tilespmem:s7+$0x430];
	v54 =	vmul.f32 v54, v31;
	[tilespmem:s0+$0x60] =	vst v48  }
0x832: {  	v52 =	vsub.f32 v52, v44;
	v7 =	vmul.f32 v7, v46;
	v48 =	vsub.f32 v55, v44;
	v55 =	vld [tilespmem:s7+$0x70];
	[tilespmem:s0+$0x440] =	vst v38  }
0x833: {  	v38 =	vmul.f32 v45, v46;
	v45 =	vmul.f32 v49, v46;
	v49 =	vld [tilespmem:s7+$0x440];
	v54 =	vadd.f32 v54, v3;
	[tilespmem:s0+$0x420] =	vst v5  }
0x834: {  	v5 =	vmul.f32 v7, v0;
	v7 =	vmul.f32 v48, v46;
	v42 =	vsub.f32 v42, v44;
	v48 =	vld [tilespmem:s7+$0x410];
	[tilespmem:s1+$0x460] =	vst v43  }
0x835: {  	v37 =	vadd.f32 v37, v12;
	v38 =	vmul.f32 v38, v27;
	v43 =	vld [tilespmem:s7+$0x50];
	v45 =	vmul.f32 v45, v26;
	[tilespmem:s0+$0x410] =	vst v6  }
0x836: {  	v52 =	vmul.f32 v52, v46;
	v6 =	vadd.f32 v5, v2;
	v5 =	vld [tilespmem:s7+$0x20];
	v42 =	vmul.f32 v42, v46;
	[tilespmem:s1+$0x30] =	vst v41  }
0x837: {  	v7 =	vmul.f32 v7, v11;
	v55 =	vsub.f32 v55, v44;
	v45 =	vadd.f32 v45, v29;
	v57 =	vld [tilespmem:s7+$0x420];
	[tilespmem:s1+$0x40] =	vst v51  }
0x838: {  	v41 =	vmul.f32 v36, v33;
	v36 =	vadd.f32 v40, v15;
	v38 =	vadd.f32 v38, v34;
	v51 =	vld [tilespmem:s8+$0x450];
	[tilespmem:s0+$0x50] =	vst v37  }
0x839: {  	v40 =	vmul.f32 v42, v9;
	v37 =	vsub.f32 v50, v44;
	v50 =	vmul.f32 v52, v32;
	v42 =	vld [tilespmem:s7+$0x60];
	[tilespmem:s0+$0x70] =	vst v39;
	s0 =	smov.u32 s7  }
0x83a: {  	v48 =	vsub.f32 v48, v44;
	v39 =	vsub.f32 v43, v44;
	v43 =	vmul.f32 v55, v46;
	v52 =	vld [tilespmem:s8+$0x430];
	[tilespmem:s1+$0x440] =	vst v36;
	s1 =	smov.u32 s8  }
0x83b: {  	v59 =	vadd.f32 v7, v16;
	v55 =	vmul.f32 v37, v46;
	[tilespmem:s0+$0x0] =	vst v38;
	v38 =	vsub.f32 v49, v44;
	v49 =	vld [tilespmem:s1+$0x460]  }
0x83c: {  	v58 =	vsub.f32 v5, v44;
	[tilespmem:s0+$0x400] =	vst v45;
	v45 =	vmul.f32 v48, v46;
	v36 =	vsub.f32 v57, v44;
	v48 =	vld [tilespmem:s1+$0x440]  }
0x83d: {  	v7 =	vmovc v47;
	v5 =	vmov v46;
	v37 =	vmul.f32 v39, v46;
	v39 =	vmul.f32 v43, v28;
	[tilespmem:s0+$0x30] =	vst v59;
	v43 =	vld [tilespmem:s1+$0x70]  }
0x83e: {  	v46 =	vmul.f32 v58, v5;
	[tilespmem:s0+$0x10] =	vst v6;
	v44 =	vsub.f32 v42, v44;
	v6 =	vmul.f32 v45, v19;
	v45 =	vld [tilespmem:s1+$0x60]  }
0x83f: {  	v47 =	vmul.f32 v55, v30;
	v51 =	vsub.f32 v51, v35;
	[tilespmem:s0+$0x450] =	vst v54;
	v52 =	vsub.f32 v52, v35  }
0x840: {  	v42 =	vmul.f32 v46, v23;
	v54 =	vmul.f32 v44, v5;
	v44 =	vld [tilespmem:s1+$0x420];
	v46 =	vsub.f32 v49, v35  }
0x841: {  	v40 =	vadd.f32 v40, v14;
	v51 =	vmul.f32 v51, v7;
	v49 =	vld [tilespmem:s1+$0x50];
	v48 =	vsub.f32 v48, v35  }
0x842: {  	v55 =	vld [tilespmem:s1+$0x0];
	v57 =	vsub.f32 v43, v35;
	v43 =	vmul.f32 v52, v7;
	v52 =	vsub.f32 v56, v35  }
0x843: {  	v53 =	vsub.f32 v53, v35;
	v51 =	vmul.f32 v51, v31;
	v46 =	vmul.f32 v46, v7;
	[tilespmem:s0+$0x40] =	vst v40;
	v56 =	vld [tilespmem:s1+$0x30]  }
0x844: {  	v45 =	vsub.f32 v45, v35;
	v40 =	vmul.f32 v48, v7;
	v58 =	vld [tilespmem:s1+$0x40];
	v48 =	vmul.f32 v52, v7  }
0x845: {  	v51 =	vadd.f32 v51, v3;
	v52 =	vmul.f32 v53, v7;
	v53 =	vmul.f32 v46, v32  }
0x846: {  	v46 =	vadd.f32 v47, v25;
	v47 =	vsub.f32 v49, v35;
	v59 =	vld [tilespmem:s1+$0x400];
	v48 =	vmul.f32 v48, v33  }
0x847: {  	v49 =	vmul.f32 v45, v7;
	v45 =	vmul.f32 v43, v30;
	v55 =	vsub.f32 v55, v35  }
0x848: {  	v43 =	vmul.f32 v52, v0;
	[tilespmem:s0+$0x430] =	vst v46;
	v52 =	vsub.f32 v56, v35;
	v56 =	vadd.f32 v48, v1  }
.Ltmp4:
0x849: {  	v44 =	vsub.f32 v44, v35;
	v55 =	vmul.f32 v55, v7;
	v46 =	vld [tilespmem:s1+$0x20];
	v58 =	vsub.f32 v58, v35;
	(pc) =	sbr.rel @p0 .LBB2_11-.Ltmp4, $4  }
0x84a: {  	v48 =	vmul.f32 v54, v21;
	v54 =	vadd.f32 v50, v4;
	v43 =	vadd.f32 v43, v2;
	[tilespmem:s1+$0x470] =	vst v56  }
0x84b: {  	v56 =	vmul.f32 v47, v7;
	v55 =	vmul.f32 v55, v27;
	v47 =	vsub.f32 v59, v35;
	[tilespmem:s1+$0x450] =	vst v51  }
0x84c: {  	s3 =	sadd.s32 $0x100, s3;
	v50 =	vmul.f32 v52, v7;
	v51 =	vmul.f32 v58, v7;
	[tilespmem:s1+$0x10] =	vst v43;
	v52 =	vld [tilespmem:s1+$0x410];
	v43 =	vadd.f32 v53, v4  }
0x84d: {  	s4 =	sadd.s32 $0x200, s4;
	s6 =	sadd.s32 $0x100, s6;
	s5 =	sadd.s32 $0x100, s5;
	[tilespmem:s0+$0x460] =	vst v54;
	v53 =	vadd.f32 v55, v34;
	v54 =	vmul.f32 v56, v8;
	v55 =	vmul.f32 v57, v7  }
0x84e: {  	v1 =	vadd.f32 v41, v1;
	[tilespmem:s1+$0x460] =	vst v43  }
0x84f: {  	v2 =	vmul.f32 v47, v7;
	v47 =	vadd.f32 v42, v24;
	[tilespmem:s1+$0x0] =	vst v53  }
0x850: {  	v58 =	vadd.f32 v6, v18;
	[tilespmem:s0+$0x470] =	vst v1  }
0x851: {  	v0 =	vsub.f32 v46, v35;
	v27 =	vadd.f32 v54, v12;
	[tilespmem:s0+$0x20] =	vst v47  }
0x852: {  	v4 =	vmul.f32 v44, v7;
	v3 =	vmul.f32 v55, v28;
	v53 =	vadd.f32 v45, v25;
	[tilespmem:s0+$0x410] =	vst v58  }
0x853: {  	v46 =	vmul.f32 v49, v21;
	v54 =	vadd.f32 v48, v22;
	v2 =	vmul.f32 v2, v26;
	[tilespmem:s1+$0x50] =	vst v27  }
0x854: {  	v0 =	vmul.f32 v0, v7;
	v4 =	vmul.f32 v4, v17;
	v3 =	vadd.f32 v3, v13;
	[tilespmem:s1+$0x430] =	vst v53  }
0x855: {  	v44 =	vsub.f32 v52, v35;
	v52 =	vmul.f32 v36, v5;
	[tilespmem:s0+$0x60] =	vst v54;
	v2 =	vadd.f32 v2, v29  }
0x856: {  	v0 =	vmul.f32 v0, v23;
	v4 =	vadd.f32 v4, v20;
	[tilespmem:s1+$0x70] =	vst v3  }
0x857: {  	v1 =	vmul.f32 v44, v7;
	v3 =	vadd.f32 v46, v22;
	[tilespmem:s1+$0x400] =	vst v2;
	v2 =	vmul.f32 v52, v17  }
0x858: {  	v49 =	vmul.f32 v38, v5;
	v56 =	vmul.f32 v50, v11;
	v0 =	vadd.f32 v0, v24;
	[tilespmem:s1+$0x420] =	vst v4  }
0x859: {  	v1 =	vmul.f32 v1, v19;
	[tilespmem:s1+$0x60] =	vst v3;
	v55 =	vadd.f32 v2, v20  }
0x85a: {  	[tilespmem:s1+$0x20] =	vst v0;
	v0 =	vmul.f32 v49, v10;
	v2 =	vadd.f32 v56, v16  }
0x85b: {  	v59 =	vmul.f32 v37, v8;
	v1 =	vadd.f32 v1, v18;
	[tilespmem:s0+$0x420] =	vst v55  }
0x85c: {  	v57 =	vmul.f32 v51, v9;
	v0 =	vadd.f32 v0, v15;
	[tilespmem:s1+$0x30] =	vst v2  }
0x85d: {  	[tilespmem:s1+$0x410] =	vst v1;
	v1 =	vadd.f32 v59, v12  }
0x85e: {  	v60 =	vmul.f32 v40, v10;
	[tilespmem:s0+$0x440] =	vst v0;
	v0 =	vadd.f32 v57, v14  }
0x85f: {  	v61 =	vadd.f32 v39, v13;
	s31 =	sadd.s32 $0x1, s31;
	[tilespmem:s0+$0x50] =	vst v1  }
0x860: {  	s9 =	rddreg [dreg:$0x5];
	p0 =	sne.s32 s31, $0x28;
	v62 =	vadd.f32 v60, v15;
	[tilespmem:s1+$0x40] =	vst v0  }
.Ltmp5:
0x861: {  	s2 =	rddreg [dreg:$0x12];
	[tilespmem:s0+$0x70] =	vst v61;
	(pc) =	sbr.rel @p0 .LBB2_2-.Ltmp5, $4  }
0x862: {  	s28 =	simm.s32 $0x0;
	s30 =	sadd.s32 $0x5000, s30;
	[tilespmem:s1+$0x440] =	vst v62;
	s2 =	sadd.s32 s13, s2  }
0x863: {  	s29 =	sadd.s32 $0xA000, s29;
	s7 =	rddreg [dreg:$0xe];
	s26 =	sshll.u32 s2, $0x5  }
0x864: {  	s16 =	sadd.s32 $0xA0, s16;
	s7 =	sadd.s32 $0xA0, s7;
	s0 =	sadd.s32 s9, s26  }
0x865: {  	v8 =	vimm.f32 $1.000000000e+00;
	v55 =	vld [tilespmem:$0x1FFF0];
	[hbm4b:s0+s28] =	stream.linear.scatter [tilespmem:s15], [sflag:$0x4], $0x5000, $0x38  }
0x866: {  	s1 =	simm.s32 $0x4  }
0x867: {  	_ =	swait.ge [sflag:s1], $0x5000  }
0x868: {  	s2 =	rddreg [dreg:$0xb]  }
0x869: {  	s0 =	rddreg [dreg:$0xa];
	s2 =	sadd.s32 $0x1, s2  }
0x86a: {  	p0 =	sne.s32 s2, s0  }
.Ltmp6:
0x86b: {  	_ = 	snop;
	(pc) =	sbr.rel @p0 .LBB2_1-.Ltmp6, $3  }
0x86c: {  	_ =	sdelay $0x1  }
0x86d: {  	[sflag:s1] =	ssyncset.done $0x0  }
0x86e: {  	[sflag:s1] =	ssyncadd.s32 $0xFFFFB000  }
0x86f: {  	_ =	sfence.sel $0x180000  }
0x870: {  	[bflag:$0x0] =	sbarrier.arrive $0xFFFF  }
0x871: {  	_ =	strace $0x90000047  }
0x872: {  	s0 =	stileid.u32;
	[bflag:$0x2] =	sbarrier.arrive $0xFFFF  }
0x873: {  	p0 =	sne.s32 s0, $0x0;
	s0 =	rddreg [dreg:$0x6]  }
0x874: {  	s0 =	sadd.s32 @!p0 $0x100000, s0  }
0x875: {  	[sflag:s0] =	ssyncadd.tile.s32 @!p0 $0x1;
	_ =	shalt  }
.Lfunc_end2:
_tile_overlayer_lowered:
.L_overlay_start_2:
0x876: {  	(tag) =	ssettag $0x2  }
0x877: {  	s0 =	rddreg [dreg:$0x0];
	s2 =	stileid.u32  }
0x878: {  	s1 =	rddreg [dreg:$0x1];
	p0 =	sne.s32 s2, $0x0  }
0x879: {  	s3 =	rddreg [dreg:$0x2];
	[bflag:$0x3] =	sbarrier.arrive $0xFFFF;
	s2 =	simm.s32 @!p0 $0x1C05  }
0x87a: {  	[timem:s3], [sflag:s2] =	dma.local @!p0 [hbm:s0], s1  }
0x87b: {  	s0 =	simm.s32 @!p0 $0x5  }
0x87c: {  	_ =	swait.ge @!p0 [sflag:s0], s1  }
0x87d: {  	s1 =	ssub.s32 @!p0 $0x0, s1;
	[sflag:s0] =	ssyncset.done @!p0 $0x0  }
0x87e: {  	[sflag:s0] =	ssyncadd.s32 @!p0 s1  }
0x87f: {  	[bflag:$0x3] =	sbarrier.arrive $0xFFFF  }
0x880: {  	_ =	shalt  }

</sc_bundles>
